<compile_context>
chip_gen: v7x
topology: tpu7x:2x2x1
jax: 0.10.2.dev20260603
libtpu: 0.0.44.dev20260713+nightly
codegen_flags: <defaults>
</compile_context>

<pallas_src>
import jax
import jax.numpy as jnp
from jax import lax
from jax.experimental import pallas as pl
from jax.experimental.pallas import tpu as pltpu
from jax.experimental.pallas import tpu_sc as plsc

N = 10000
C = 128
E = 320000
NC = 2
NS = 16
NW = NC * NS
K = 128
NCHT = E // K
NITER = (NCHT + NW - 1) // NW
NB = 3
NBE = 6
RPT = 624
ZR = 104


def _deg_body(ei_hbm, out0_hbm, out1_hbm, acc, ebuf, ones_v, zbd, esem, ssem):
    c = lax.axis_index("c")
    s = lax.axis_index("s")
    w = c * NS + s

    @pl.loop(0, K, step=16)
    def _(i):
        ones_v.at[pl.ds(i, 16)][...] = jnp.ones((16,), jnp.float32)

    @pl.loop(0, 2000, step=16)
    def _(i):
        zbd.at[pl.ds(i, 16)][...] = jnp.zeros((16,), jnp.float32)

    @pl.when(s < 5)
    def _():
        pltpu.sync_copy(zbd, acc.at[pl.ds(s * 2000, 2000)])

    plsc.subcore_barrier()

    def _fire_e(j):
        cid = j * NW + w
        pltpu.async_copy(ei_hbm.at[:, pl.ds(cid * K, K)],
                         ebuf.at[lax.rem(j, NBE)], esem)

    def _wait_e(j):
        cid = j * NW + w
        pltpu.make_async_copy(ei_hbm.at[:, pl.ds(cid * K, K)],
                              ebuf.at[lax.rem(j, NBE)], esem).wait()

    def _fire_s(j):
        pltpu.async_copy(ones_v, acc.at[ebuf.at[lax.rem(j, NBE), 1]], ssem,
                         add=True)

    def _wait_s(j):
        pltpu.make_async_copy(ones_v, acc.at[ebuf.at[lax.rem(j, NBE), 1]],
                              ssem).wait()

    _fire_e(0)
    _fire_e(1)
    _fire_e(2)

    @pl.loop(0, NITER)
    def _(j):
        @pl.when(j * NW + w < NCHT)
        def _():
            _wait_e(j)
            _fire_s(j)

            @pl.when(j >= 3)
            def _():
                _wait_s(j - 3)

        @pl.when((j + 3) * NW + w < NCHT)
        def _():
            _fire_e(j + 3)

    for t in range(NITER - 4, NITER):
        @pl.when(jnp.logical_and(t * NW + w < NCHT,
                                 (t + 3) * NW + w >= NCHT))
        def _():
            _wait_s(t)

    plsc.subcore_barrier()

    @pl.when(jnp.logical_and(c == 0, s < 10))
    def _():
        pltpu.sync_copy(acc.at[pl.ds(s * 1000, 1000)], zbd.at[pl.ds(0, 1000)])
        pltpu.sync_copy(zbd.at[pl.ds(0, 1000)], out0_hbm.at[pl.ds(s * 1000, 1000)])

    @pl.when(jnp.logical_and(c == 1, s < 10))
    def _():
        pltpu.sync_copy(acc.at[pl.ds(s * 1000, 1000)], zbd.at[pl.ds(0, 1000)])
        pltpu.sync_copy(zbd.at[pl.ds(0, 1000)], out1_hbm.at[pl.ds(s * 1000, 1000)])


def _agg_body(u_hbm, ei_hbm, out_hbm, acc, ebuf, rows, esem, gsem, ssem, osem):
    c = lax.axis_index("c")
    s = lax.axis_index("s")
    w = c * NS + s

    @pl.loop(0, ZR)
    def _(i):
        @pl.loop(0, C, step=16)
        def _(k):
            rows.at[2, pl.ds(i, 1), pl.ds(k, 16)][...] = jnp.zeros(
                (1, 16), jnp.float32)

    for r in range(0, RPT, ZR):
        pltpu.async_copy(rows.at[2, pl.ds(0, ZR)],
                         acc.at[pl.ds(s * RPT + r, ZR)], osem)

    @pl.when(s == NS - 1)
    def _():
        pltpu.async_copy(rows.at[2, pl.ds(0, 16)], acc.at[pl.ds(NS * RPT, 16)],
                         osem)

    def _fire_e(j):
        cid = j * NW + w
        pltpu.async_copy(ei_hbm.at[:, pl.ds(cid * K, K)],
                         ebuf.at[lax.rem(j, NBE)], esem)

    def _wait_e(j):
        cid = j * NW + w
        pltpu.make_async_copy(ei_hbm.at[:, pl.ds(cid * K, K)],
                              ebuf.at[lax.rem(j, NBE)], esem).wait()

    def _fire_g(j):
        be = lax.rem(j, NBE)
        pltpu.async_copy(u_hbm.at[ebuf.at[be, 0]], rows.at[lax.rem(j, NB)], gsem)

    def _wait_g(j):
        be = lax.rem(j, NBE)
        pltpu.make_async_copy(u_hbm.at[ebuf.at[be, 0]], rows.at[lax.rem(j, NB)],
                              gsem).wait()

    def _fire_s(j):
        be = lax.rem(j, NBE)
        pltpu.async_copy(rows.at[lax.rem(j, NB)], acc.at[ebuf.at[be, 1]], ssem,
                         add=True)

    def _wait_s(j):
        be = lax.rem(j, NBE)
        pltpu.make_async_copy(rows.at[lax.rem(j, NB)], acc.at[ebuf.at[be, 1]],
                              ssem).wait()

    _fire_e(0)
    _fire_e(1)
    _fire_e(2)
    _wait_e(0)
    _fire_g(0)
    _wait_e(1)
    _fire_g(1)

    for r in range(0, RPT, ZR):
        pltpu.make_async_copy(rows.at[2, pl.ds(0, ZR)],
                              acc.at[pl.ds(s * RPT + r, ZR)], osem).wait()

    @pl.when(s == NS - 1)
    def _():
        pltpu.make_async_copy(rows.at[2, pl.ds(0, 16)],
                              acc.at[pl.ds(NS * RPT, 16)], osem).wait()

    plsc.subcore_barrier()

    @pl.loop(0, NITER)
    def _(j):
        @pl.when(j * NW + w < NCHT)
        def _():
            _wait_g(j)
            _fire_s(j)

            @pl.when(j >= 1)
            def _():
                _wait_s(j - 1)

        @pl.when((j + 2) * NW + w < NCHT)
        def _():
            _wait_e(j + 2)
            _fire_g(j + 2)

        @pl.when((j + 3) * NW + w < NCHT)
        def _():
            _fire_e(j + 3)

    @pl.when((NITER - 1) * NW + w < NCHT)
    def _():
        _wait_s(NITER - 1)

    @pl.when((NITER - 1) * NW + w >= NCHT)
    def _():
        _wait_s(NITER - 2)

    plsc.subcore_barrier()

    nch_out = RPT // ZR
    for r_i in range(nch_out):
        b = r_i % 2
        lo = s * RPT + r_i * ZR
        if r_i >= 2:
            plo = s * RPT + (r_i - 2) * ZR
            pltpu.make_async_copy(rows.at[b, pl.ds(0, ZR)],
                                  out_hbm.at[c, pl.ds(plo, ZR)], osem).wait()
        pltpu.sync_copy(acc.at[pl.ds(lo, ZR)], rows.at[b, pl.ds(0, ZR)])
        pltpu.async_copy(rows.at[b, pl.ds(0, ZR)],
                         out_hbm.at[c, pl.ds(lo, ZR)], osem)
    for r_i in range(nch_out - 2, nch_out):
        b = r_i % 2
        lo = s * RPT + r_i * ZR
        pltpu.make_async_copy(rows.at[b, pl.ds(0, ZR)],
                              out_hbm.at[c, pl.ds(lo, ZR)], osem).wait()

    @pl.when(s == NS - 1)
    def _():
        pltpu.sync_copy(acc.at[pl.ds(NS * RPT, 16)], rows.at[2, pl.ds(0, 16)])
        pltpu.sync_copy(rows.at[2, pl.ds(0, 16)],
                        out_hbm.at[c, pl.ds(NS * RPT, 16)])


_sc_calls = {}


def _get_sc_calls():
    if not _sc_calls:
        mesh = plsc.VectorSubcoreMesh(core_axis_name="c", subcore_axis_name="s",
                                      num_cores=NC, num_subcores=NS)
        _sc_calls["deg"] = pl.kernel(
            _deg_body,
            out_type=(jax.ShapeDtypeStruct((N,), jnp.float32),
                      jax.ShapeDtypeStruct((N,), jnp.float32)),
            mesh=mesh,
            scratch_types=[
                pltpu.VMEM_SHARED((N,), jnp.float32),
                pltpu.VMEM((NBE, 2, K), jnp.int32),
                pltpu.VMEM((K,), jnp.float32),
                pltpu.VMEM((2000,), jnp.float32),
                pltpu.SemaphoreType.DMA,
                pltpu.SemaphoreType.DMA,
            ],
        )
        _sc_calls["agg"] = pl.kernel(
            _agg_body,
            out_type=jax.ShapeDtypeStruct((NC, N, C), jnp.float32),
            mesh=mesh,
            scratch_types=[
                pltpu.VMEM_SHARED((N, C), jnp.float32),
                pltpu.VMEM((NBE, 2, K), jnp.int32),
                pltpu.VMEM((NB, K, C), jnp.float32),
                pltpu.SemaphoreType.DMA,
                pltpu.SemaphoreType.DMA,
                pltpu.SemaphoreType.DMA,
                pltpu.SemaphoreType.DMA,
            ],
        )
    return _sc_calls["deg"], _sc_calls["agg"]


def _tc1a_body(x_ref, a1_ref, bnw_ref, bnb_ref, w1_ref, ht_ref):
    x = x_ref[...]
    h = jnp.where(x >= 0, x, a1_ref[...] * x)
    mean = jnp.mean(h, axis=0, keepdims=True)
    var = jnp.mean(jnp.square(h - mean), axis=0, keepdims=True)
    h = (h - mean) * lax.rsqrt(var + 1e-5) * bnw_ref[...] + bnb_ref[...]
    ht_ref[...] = jnp.dot(h, w1_ref[...], preferred_element_type=jnp.float32)


def _tc1b_body(ht_ref, p0_ref, p1_ref, u1_ref, dinv_ref):
    deg = p0_ref[...] + p1_ref[...] + 1.0
    dinv = lax.rsqrt(deg).reshape(1, N)
    dinv_col = jnp.transpose(dinv, (1, 0))
    u1_ref[...] = ht_ref[...] * dinv_col
    dinv_ref[...] = dinv


def _tc2_body(p_ref, u1_ref, dinv_ref, a2_ref, b1_ref, w2_ref, u2_ref):
    dinv = jnp.transpose(dinv_ref[...], (1, 0))
    agg = (p_ref[0] + p_ref[1] + u1_ref[...]) * dinv + b1_ref[...]
    h2 = jnp.where(agg >= 0, agg, a2_ref[...] * agg)
    u2_ref[...] = jnp.dot(h2, w2_ref[...], preferred_element_type=jnp.float32) * dinv


def _tc3_body(p_ref, u2_ref, dinv_ref, b2_ref, out_ref):
    dinv = jnp.transpose(dinv_ref[...], (1, 0))
    out_ref[...] = (p_ref[0] + p_ref[1] + u2_ref[...]) * dinv + b2_ref[...]


_tc1a = pl.pallas_call(
    _tc1a_body,
    out_shape=jax.ShapeDtypeStruct((N, C), jnp.float32),
)

_tc1b = pl.pallas_call(
    _tc1b_body,
    out_shape=(jax.ShapeDtypeStruct((N, C), jnp.float32),
               jax.ShapeDtypeStruct((1, N), jnp.float32)),
)

_tc2 = pl.pallas_call(
    _tc2_body,
    out_shape=jax.ShapeDtypeStruct((N, C), jnp.float32),
)

_tc3 = pl.pallas_call(
    _tc3_body,
    out_shape=jax.ShapeDtypeStruct((N, C), jnp.float32),
)


def kernel(x, edge_index, a1, bn_w, bn_b, W1, b1, a2, W2, b2):
    _deg_call, _agg_call = _get_sc_calls()
    p0, p1 = _deg_call(edge_index)
    ht = _tc1a(x, a1.reshape(1, 1), bn_w.reshape(1, C), bn_b.reshape(1, C), W1)
    u1, dinv = _tc1b(ht, p0, p1)
    pa1 = _agg_call(u1, edge_index)
    u2 = _tc2(pa1, u1, dinv, a2.reshape(1, 1), b1.reshape(1, C), W2)
    pa2 = _agg_call(u2, edge_index)
    out = _tc3(pa2, u2, dinv, b2.reshape(1, C))
    return out

# --- scband reference (transcript-rebuilt; emitter-appended) ---
"""Pipeline reference for scband-mein-block-5102421148166 (READ-ONLY COPY).

The authoritative reference and input builder live on the scoring server;
editing this copy changes nothing except your own understanding.
"""

import jax, jax.numpy as jnp
import numpy as np

N = 10000
E = 320000
IN_C = 128
HID = 128


def prelu(x, a):
    return jnp.where(x >= 0, x, a * x)


def gcn_conv(x, src, dst, W, b):
    # PyG GCNConv: h = x @ W; add self-loops; sym-normalize; scatter-add to dst; + bias
    h = x @ W
    n = x.shape[0]
    loop = jnp.arange(n, dtype=src.dtype)
    s = jnp.concatenate([src, loop])
    d = jnp.concatenate([dst, loop])
    deg = jnp.zeros((n,), x.dtype).at[d].add(1.0)
    dinv = jnp.where(deg > 0, 1.0 / jnp.sqrt(deg), 0.0)
    norm = dinv[s] * dinv[d]
    msg = h[s] * norm[:, None]
    out = jnp.zeros((n, h.shape[1]), x.dtype).at[d].add(msg)
    return out + b


def setup_inputs(seed: int = 0) -> dict:
    key = jax.random.key(seed)
    ks = jax.random.split(key, 6)
    x = jax.random.normal(ks[0], (N, IN_C), dtype=jnp.float32)
    edge_index = jax.random.randint(ks[1], (2, E), 0, N, dtype=jnp.int32)
    a1 = jnp.full((1,), 0.25, dtype=jnp.float32)
    bn_w = jnp.ones((IN_C,), dtype=jnp.float32)
    bn_b = jnp.zeros((IN_C,), dtype=jnp.float32)
    W1 = jax.random.normal(ks[2], (IN_C, HID), dtype=jnp.float32) * (1.0 / np.sqrt(IN_C))
    b1 = jnp.zeros((HID,), dtype=jnp.float32)
    a2 = jnp.full((1,), 0.25, dtype=jnp.float32)
    W2 = jax.random.normal(ks[3], (HID, IN_C), dtype=jnp.float32) * (1.0 / np.sqrt(HID))
    b2 = jnp.zeros((IN_C,), dtype=jnp.float32)
    return {"x": x, "edge_index": edge_index, "a1": a1, "bn_w": bn_w, "bn_b": bn_b,
            "W1": W1, "b1": b1, "a2": a2, "W2": W2, "b2": b2}


def reference(x, edge_index, a1, bn_w, bn_b, W1, b1, a2, W2, b2):
    h = prelu(x, a1)
    # BatchNorm1d in training mode: batch statistics, biased variance, eps=1e-5
    mean = h.mean(axis=0)
    var = jnp.mean((h - mean) ** 2, axis=0)
    h = (h - mean) / jnp.sqrt(var + 1e-5) * bn_w + bn_b
    src, dst = edge_index[0], edge_index[1]
    h = gcn_conv(h, src, dst, W1, b1)
    h = prelu(h, a2)
    h = gcn_conv(h, src, dst, W2, b2)
    return h

if __name__ == "__main__":
    import jax
    _d = setup_inputs()
    print(jax.jit(kernel)(*tuple(_d.values())))

</pallas_src>

<mosaic_0001>
#map = affine_map<(d0, d1) -> (0, 0)>
#map1 = affine_map<(d0, d1) -> (0, 0, 0)>
module attributes {stable_mosaic.version = 14 : i64} {
  func.func @_agg_body(%arg0: i32, %arg1: i32, %arg2: memref<10000x128xf32, #tpu.memory_space<hbm>>, %arg3: memref<2x320000xi32, #tpu.memory_space<hbm>>, %arg4: memref<2x10000x128xf32, #tpu.memory_space<hbm>>, %arg5: memref<10000x128xf32, #tpu.memory_space<vmem_shared>>, %arg6: memref<6x2x128xi32, #tpu.memory_space<vmem>>, %arg7: memref<3x128x128xf32, #tpu.memory_space<vmem>>, %arg8: memref<!tpu.dma_semaphore, #tpu.memory_space<semaphore_mem>>, %arg9: memref<!tpu.dma_semaphore, #tpu.memory_space<semaphore_mem>>, %arg10: memref<!tpu.dma_semaphore, #tpu.memory_space<semaphore_mem>>, %arg11: memref<!tpu.dma_semaphore, #tpu.memory_space<semaphore_mem>>) attributes {dimension_semantics = [#tpu.dimension_semantics<core_parallel>, #tpu.dimension_semantics<subcore_parallel>], iteration_bounds = array<i64: 2, 16>, scalar_prefetch = 0 : i64, scratch_operands = 7 : i64, tpu.core_type = #tpu.core_type<sc_vector_subcore>, window_params = [{transform_indices = #map}, {transform_indices = #map}, {transform_indices = #map1}]} {
    %mul3A = arith.constant 16 : i32
    %mul3A_0 = arith.muli %arg0, %mul3A : i32
    %add3A = arith.addi %mul3A_0, %arg1 : i32
    %scan3A = arith.constant 0 : i32
    %scan3A_1 = arith.constant 104 : i32
    %scan3A_2 = arith.addi %scan3A, %scan3A_1 : i32
    %scan3A_3 = arith.constant 1 : i32
    scf.for %scan3A_598 = %scan3A to %scan3A_2 step %scan3A_3  : i32 {
      %mul3A_599 = arith.constant 1 : i32
      %mul3A_600 = arith.muli %scan3A_598, %mul3A_599 : i32
      %add3A_601 = arith.constant 0 : i32
      %add3A_602 = arith.addi %add3A_601, %mul3A_600 : i32
      %scan3A_603 = arith.constant 0 : i32
      %scan3A_604 = arith.constant 8 : i32
      %scan3A_605 = arith.addi %scan3A_603, %scan3A_604 : i32
      %scan3A_606 = arith.constant 1 : i32
      scf.for %scan3A_608 = %scan3A_603 to %scan3A_605 step %scan3A_606  : i32 {
        %mul3A_609 = arith.constant 16 : i32
        %mul3A_610 = arith.muli %scan3A_608, %mul3A_609 : i32
        %add3A_611 = arith.constant 0 : i32
        %add3A_612 = arith.addi %add3A_611, %mul3A_610 : i32
        %broadcast_in_dim3A = arith.constant 0.000000e+00 : f32
        %broadcast_in_dim3A_613 = vector.broadcast %broadcast_in_dim3A : f32 to vector<1x16xf32>
        %swap3A = arith.constant 2 : i32
        %swap3A_614 = arith.index_cast %swap3A : i32 to index
        %swap3A_615 = arith.index_cast %add3A_602 : i32 to index
        %swap3A_616 = arith.index_cast %add3A_612 : i32 to index
        %swap3A_617 = tpu.vector_load %arg7[%swap3A_614, %swap3A_615, %swap3A_616] {strides = array<i32>} : memref<3x128x128xf32, #tpu.memory_space<vmem>>, vector<1x1x16xf32>,
        %swap3A_618 = vector.shape_cast %swap3A_617 : vector<1x1x16xf32> to vector<1x16xf32>
        %swap3A_619 = vector.shape_cast %broadcast_in_dim3A_613 : vector<1x16xf32> to vector<1x1x16xf32>
        tpu.vector_store %arg7[%swap3A_614, %swap3A_615, %swap3A_616], %swap3A_619 {strides = array<i32>} : memref<3x128x128xf32, #tpu.memory_space<vmem>>, vector<1x1x16xf32>,
      }
      %scan3A_607 = arith.constant 8 : i32
    }
    %scan3A_4 = arith.constant 104 : i32
    %mul3A_5 = arith.constant 624 : i32
    %mul3A_6 = arith.muli %arg1, %mul3A_5 : i32
    %add3A_7 = arith.constant 0 : i32
    %add3A_8 = arith.addi %mul3A_6, %add3A_7 : i32
    %dma_start3A = arith.constant 2 : i32
    %dma_start3A_9 = arith.constant 0 : i32
    %dma_start3A_10 = arith.constant 0 : i32
    %dma_start3A_11 = tpu.memref_slice %arg7[%dma_start3A, %dma_start3A_9, %dma_start3A_10] : memref<3x128x128xf32, #tpu.memory_space<vmem>> -> memref<1x104x128xf32, #tpu.memory_space<vmem>>
    %dma_start3A_12 = tpu.memref_squeeze %dma_start3A_11 : memref<1x104x128xf32, #tpu.memory_space<vmem>> -> memref<104x128xf32, #tpu.memory_space<vmem>>
    %dma_start3A_13 = arith.constant 0 : i32
    %dma_start3A_14 = tpu.memref_slice %arg5[%add3A_8, %dma_start3A_13] : memref<10000x128xf32, #tpu.memory_space<vmem_shared>> -> memref<104x128xf32, #tpu.memory_space<vmem_shared>>
    %dma_start3A_15 = arith.constant 0 : i32
    %dma_start3A_16 = tpu.memref_slice %arg5[%add3A_8, %dma_start3A_15] : memref<10000x128xf32, #tpu.memory_space<vmem_shared>> -> memref<104x128xf32, #tpu.memory_space<vmem_shared>>
    %dma_start3A_17 = arith.constant 0 : i32
    %dma_start3A_18 = arith.constant 0 : i32
    %dma_start3A_19 = tpu.memref_slice %arg7[%dma_start3A, %dma_start3A_17, %dma_start3A_18] : memref<3x128x128xf32, #tpu.memory_space<vmem>> -> memref<1x104x128xf32, #tpu.memory_space<vmem>>
    %dma_start3A_20 = tpu.memref_squeeze %dma_start3A_19 : memref<1x104x128xf32, #tpu.memory_space<vmem>> -> memref<104x128xf32, #tpu.memory_space<vmem>>
    tpu.enqueue_dma source(%dma_start3A_20 : memref<104x128xf32, #tpu.memory_space<vmem>>) target(%dma_start3A_16 : memref<104x128xf32, #tpu.memory_space<vmem_shared>>) target_semaphore(%arg11 : memref<!tpu.dma_semaphore, #tpu.memory_space<semaphore_mem>>)
    %mul3A_21 = arith.constant 624 : i32
    %mul3A_22 = arith.muli %arg1, %mul3A_21 : i32
    %add3A_23 = arith.constant 104 : i32
    %add3A_24 = arith.addi %mul3A_22, %add3A_23 : i32
    %dma_start3A_25 = arith.constant 2 : i32
    %dma_start3A_26 = arith.constant 0 : i32
    %dma_start3A_27 = arith.constant 0 : i32
    %dma_start3A_28 = tpu.memref_slice %arg7[%dma_start3A_25, %dma_start3A_26, %dma_start3A_27] : memref<3x128x128xf32, #tpu.memory_space<vmem>> -> memref<1x104x128xf32, #tpu.memory_space<vmem>>
    %dma_start3A_29 = tpu.memref_squeeze %dma_start3A_28 : memref<1x104x128xf32, #tpu.memory_space<vmem>> -> memref<104x128xf32, #tpu.memory_space<vmem>>
    %dma_start3A_30 = arith.constant 0 : i32
    %dma_start3A_31 = tpu.memref_slice %arg5[%add3A_24, %dma_start3A_30] : memref<10000x128xf32, #tpu.memory_space<vmem_shared>> -> memref<104x128xf32, #tpu.memory_space<vmem_shared>>
    %dma_start3A_32 = arith.constant 0 : i32
    %dma_start3A_33 = tpu.memref_slice %arg5[%add3A_24, %dma_start3A_32] : memref<10000x128xf32, #tpu.memory_space<vmem_shared>> -> memref<104x128xf32, #tpu.memory_space<vmem_shared>>
    %dma_start3A_34 = arith.constant 0 : i32
    %dma_start3A_35 = arith.constant 0 : i32
    %dma_start3A_36 = tpu.memref_slice %arg7[%dma_start3A_25, %dma_start3A_34, %dma_start3A_35] : memref<3x128x128xf32, #tpu.memory_space<vmem>> -> memref<1x104x128xf32, #tpu.memory_space<vmem>>
    %dma_start3A_37 = tpu.memref_squeeze %dma_start3A_36 : memref<1x104x128xf32, #tpu.memory_space<vmem>> -> memref<104x128xf32, #tpu.memory_space<vmem>>
    tpu.enqueue_dma source(%dma_start3A_37 : memref<104x128xf32, #tpu.memory_space<vmem>>) target(%dma_start3A_33 : memref<104x128xf32, #tpu.memory_space<vmem_shared>>) target_semaphore(%arg11 : memref<!tpu.dma_semaphore, #tpu.memory_space<semaphore_mem>>)
    %mul3A_38 = arith.constant 624 : i32
    %mul3A_39 = arith.muli %arg1, %mul3A_38 : i32
    %add3A_40 = arith.constant 208 : i32
    %add3A_41 = arith.addi %mul3A_39, %add3A_40 : i32
    %dma_start3A_42 = arith.constant 2 : i32
    %dma_start3A_43 = arith.constant 0 : i32
    %dma_start3A_44 = arith.constant 0 : i32
    %dma_start3A_45 = tpu.memref_slice %arg7[%dma_start3A_42, %dma_start3A_43, %dma_start3A_44] : memref<3x128x128xf32, #tpu.memory_space<vmem>> -> memref<1x104x128xf32, #tpu.memory_space<vmem>>
    %dma_start3A_46 = tpu.memref_squeeze %dma_start3A_45 : memref<1x104x128xf32, #tpu.memory_space<vmem>> -> memref<104x128xf32, #tpu.memory_space<vmem>>
    %dma_start3A_47 = arith.constant 0 : i32
    %dma_start3A_48 = tpu.memref_slice %arg5[%add3A_41, %dma_start3A_47] : memref<10000x128xf32, #tpu.memory_space<vmem_shared>> -> memref<104x128xf32, #tpu.memory_space<vmem_shared>>
    %dma_start3A_49 = arith.constant 0 : i32
    %dma_start3A_50 = tpu.memref_slice %arg5[%add3A_41, %dma_start3A_49] : memref<10000x128xf32, #tpu.memory_space<vmem_shared>> -> memref<104x128xf32, #tpu.memory_space<vmem_shared>>
    %dma_start3A_51 = arith.constant 0 : i32
    %dma_start3A_52 = arith.constant 0 : i32
    %dma_start3A_53 = tpu.memref_slice %arg7[%dma_start3A_42, %dma_start3A_51, %dma_start3A_52] : memref<3x128x128xf32, #tpu.memory_space<vmem>> -> memref<1x104x128xf32, #tpu.memory_space<vmem>>
    %dma_start3A_54 = tpu.memref_squeeze %dma_start3A_53 : memref<1x104x128xf32, #tpu.memory_space<vmem>> -> memref<104x128xf32, #tpu.memory_space<vmem>>
    tpu.enqueue_dma source(%dma_start3A_54 : memref<104x128xf32, #tpu.memory_space<vmem>>) target(%dma_start3A_50 : memref<104x128xf32, #tpu.memory_space<vmem_shared>>) target_semaphore(%arg11 : memref<!tpu.dma_semaphore, #tpu.memory_space<semaphore_mem>>)
    %mul3A_55 = arith.constant 624 : i32
    %mul3A_56 = arith.muli %arg1, %mul3A_55 : i32
    %add3A_57 = arith.constant 312 : i32
    %add3A_58 = arith.addi %mul3A_56, %add3A_57 : i32
    %dma_start3A_59 = arith.constant 2 : i32
    %dma_start3A_60 = arith.constant 0 : i32
    %dma_start3A_61 = arith.constant 0 : i32
    %dma_start3A_62 = tpu.memref_slice %arg7[%dma_start3A_59, %dma_start3A_60, %dma_start3A_61] : memref<3x128x128xf32, #tpu.memory_space<vmem>> -> memref<1x104x128xf32, #tpu.memory_space<vmem>>
    %dma_start3A_63 = tpu.memref_squeeze %dma_start3A_62 : memref<1x104x128xf32, #tpu.memory_space<vmem>> -> memref<104x128xf32, #tpu.memory_space<vmem>>
    %dma_start3A_64 = arith.constant 0 : i32
    %dma_start3A_65 = tpu.memref_slice %arg5[%add3A_58, %dma_start3A_64] : memref<10000x128xf32, #tpu.memory_space<vmem_shared>> -> memref<104x128xf32, #tpu.memory_space<vmem_shared>>
    %dma_start3A_66 = arith.constant 0 : i32
    %dma_start3A_67 = tpu.memref_slice %arg5[%add3A_58, %dma_start3A_66] : memref<10000x128xf32, #tpu.memory_space<vmem_shared>> -> memref<104x128xf32, #tpu.memory_space<vmem_shared>>
    %dma_start3A_68 = arith.constant 0 : i32
    %dma_start3A_69 = arith.constant 0 : i32
    %dma_start3A_70 = tpu.memref_slice %arg7[%dma_start3A_59, %dma_start3A_68, %dma_start3A_69] : memref<3x128x128xf32, #tpu.memory_space<vmem>> -> memref<1x104x128xf32, #tpu.memory_space<vmem>>
    %dma_start3A_71 = tpu.memref_squeeze %dma_start3A_70 : memref<1x104x128xf32, #tpu.memory_space<vmem>> -> memref<104x128xf32, #tpu.memory_space<vmem>>
    tpu.enqueue_dma source(%dma_start3A_71 : memref<104x128xf32, #tpu.memory_space<vmem>>) target(%dma_start3A_67 : memref<104x128xf32, #tpu.memory_space<vmem_shared>>) target_semaphore(%arg11 : memref<!tpu.dma_semaphore, #tpu.memory_space<semaphore_mem>>)
    %mul3A_72 = arith.constant 624 : i32
    %mul3A_73 = arith.muli %arg1, %mul3A_72 : i32
    %add3A_74 = arith.constant 416 : i32
    %add3A_75 = arith.addi %mul3A_73, %add3A_74 : i32
    %dma_start3A_76 = arith.constant 2 : i32
    %dma_start3A_77 = arith.constant 0 : i32
    %dma_start3A_78 = arith.constant 0 : i32
    %dma_start3A_79 = tpu.memref_slice %arg7[%dma_start3A_76, %dma_start3A_77, %dma_start3A_78] : memref<3x128x128xf32, #tpu.memory_space<vmem>> -> memref<1x104x128xf32, #tpu.memory_space<vmem>>
    %dma_start3A_80 = tpu.memref_squeeze %dma_start3A_79 : memref<1x104x128xf32, #tpu.memory_space<vmem>> -> memref<104x128xf32, #tpu.memory_space<vmem>>
    %dma_start3A_81 = arith.constant 0 : i32
    %dma_start3A_82 = tpu.memref_slice %arg5[%add3A_75, %dma_start3A_81] : memref<10000x128xf32, #tpu.memory_space<vmem_shared>> -> memref<104x128xf32, #tpu.memory_space<vmem_shared>>
    %dma_start3A_83 = arith.constant 0 : i32
    %dma_start3A_84 = tpu.memref_slice %arg5[%add3A_75, %dma_start3A_83] : memref<10000x128xf32, #tpu.memory_space<vmem_shared>> -> memref<104x128xf32, #tpu.memory_space<vmem_shared>>
    %dma_start3A_85 = arith.constant 0 : i32
    %dma_start3A_86 = arith.constant 0 : i32
    %dma_start3A_87 = tpu.memref_slice %arg7[%dma_start3A_76, %dma_start3A_85, %dma_start3A_86] : memref<3x128x128xf32, #tpu.memory_space<vmem>> -> memref<1x104x128xf32, #tpu.memory_space<vmem>>
    %dma_start3A_88 = tpu.memref_squeeze %dma_start3A_87 : memref<1x104x128xf32, #tpu.memory_space<vmem>> -> memref<104x128xf32, #tpu.memory_space<vmem>>
    tpu.enqueue_dma source(%dma_start3A_88 : memref<104x128xf32, #tpu.memory_space<vmem>>) target(%dma_start3A_84 : memref<104x128xf32, #tpu.memory_space<vmem_shared>>) target_semaphore(%arg11 : memref<!tpu.dma_semaphore, #tpu.memory_space<semaphore_mem>>)
    %mul3A_89 = arith.constant 624 : i32
    %mul3A_90 = arith.muli %arg1, %mul3A_89 : i32
    %add3A_91 = arith.constant 520 : i32
    %add3A_92 = arith.addi %mul3A_90, %add3A_91 : i32
    %dma_start3A_93 = arith.constant 2 : i32
    %dma_start3A_94 = arith.constant 0 : i32
    %dma_start3A_95 = arith.constant 0 : i32
    %dma_start3A_96 = tpu.memref_slice %arg7[%dma_start3A_93, %dma_start3A_94, %dma_start3A_95] : memref<3x128x128xf32, #tpu.memory_space<vmem>> -> memref<1x104x128xf32, #tpu.memory_space<vmem>>
    %dma_start3A_97 = tpu.memref_squeeze %dma_start3A_96 : memref<1x104x128xf32, #tpu.memory_space<vmem>> -> memref<104x128xf32, #tpu.memory_space<vmem>>
    %dma_start3A_98 = arith.constant 0 : i32
    %dma_start3A_99 = tpu.memref_slice %arg5[%add3A_92, %dma_start3A_98] : memref<10000x128xf32, #tpu.memory_space<vmem_shared>> -> memref<104x128xf32, #tpu.memory_space<vmem_shared>>
    %dma_start3A_100 = arith.constant 0 : i32
    %dma_start3A_101 = tpu.memref_slice %arg5[%add3A_92, %dma_start3A_100] : memref<10000x128xf32, #tpu.memory_space<vmem_shared>> -> memref<104x128xf32, #tpu.memory_space<vmem_shared>>
    %dma_start3A_102 = arith.constant 0 : i32
    %dma_start3A_103 = arith.constant 0 : i32
    %dma_start3A_104 = tpu.memref_slice %arg7[%dma_start3A_93, %dma_start3A_102, %dma_start3A_103] : memref<3x128x128xf32, #tpu.memory_space<vmem>> -> memref<1x104x128xf32, #tpu.memory_space<vmem>>
    %dma_start3A_105 = tpu.memref_squeeze %dma_start3A_104 : memref<1x104x128xf32, #tpu.memory_space<vmem>> -> memref<104x128xf32, #tpu.memory_space<vmem>>
    tpu.enqueue_dma source(%dma_start3A_105 : memref<104x128xf32, #tpu.memory_space<vmem>>) target(%dma_start3A_101 : memref<104x128xf32, #tpu.memory_space<vmem_shared>>) target_semaphore(%arg11 : memref<!tpu.dma_semaphore, #tpu.memory_space<semaphore_mem>>)
    %eq3A = arith.constant 15 : i32
    %eq3A_106 = arith.cmpi eq, %arg1, %eq3A : i32
    %convert_element_type3A = arith.extui %eq3A_106 : i1 to i32
    %cond3A = arith.constant 0 : i32
    %cond3A_107 = arith.cmpi ne, %convert_element_type3A, %cond3A : i32
    scf.if %cond3A_107 {
      %dma_start3A_598 = arith.constant 2 : i32
      %dma_start3A_599 = arith.constant 0 : i32
      %dma_start3A_600 = arith.constant 0 : i32
      %dma_start3A_601 = tpu.memref_slice %arg7[%dma_start3A_598, %dma_start3A_599, %dma_start3A_600] : memref<3x128x128xf32, #tpu.memory_space<vmem>> -> memref<1x16x128xf32, #tpu.memory_space<vmem>>
      %dma_start3A_602 = tpu.memref_squeeze %dma_start3A_601 : memref<1x16x128xf32, #tpu.memory_space<vmem>> -> memref<16x128xf32, #tpu.memory_space<vmem>>
      %dma_start3A_603 = arith.constant 9984 : i32
      %dma_start3A_604 = arith.constant 0 : i32
      %dma_start3A_605 = tpu.memref_slice %arg5[%dma_start3A_603, %dma_start3A_604] : memref<10000x128xf32, #tpu.memory_space<vmem_shared>> -> memref<16x128xf32, #tpu.memory_space<vmem_shared>>
      %dma_start3A_606 = arith.constant 9984 : i32
      %dma_start3A_607 = arith.constant 0 : i32
      %dma_start3A_608 = tpu.memref_slice %arg5[%dma_start3A_606, %dma_start3A_607] : memref<10000x128xf32, #tpu.memory_space<vmem_shared>> -> memref<16x128xf32, #tpu.memory_space<vmem_shared>>
      %dma_start3A_609 = arith.constant 0 : i32
      %dma_start3A_610 = arith.constant 0 : i32
      %dma_start3A_611 = tpu.memref_slice %arg7[%dma_start3A_598, %dma_start3A_609, %dma_start3A_610] : memref<3x128x128xf32, #tpu.memory_space<vmem>> -> memref<1x16x128xf32, #tpu.memory_space<vmem>>
      %dma_start3A_612 = tpu.memref_squeeze %dma_start3A_611 : memref<1x16x128xf32, #tpu.memory_space<vmem>> -> memref<16x128xf32, #tpu.memory_space<vmem>>
      tpu.enqueue_dma source(%dma_start3A_612 : memref<16x128xf32, #tpu.memory_space<vmem>>) target(%dma_start3A_608 : memref<16x128xf32, #tpu.memory_space<vmem_shared>>) target_semaphore(%arg11 : memref<!tpu.dma_semaphore, #tpu.memory_space<semaphore_mem>>)
    } else {
    }
    %add3A_108 = arith.constant 0 : i32
    %add3A_109 = arith.addi %add3A_108, %add3A : i32
    %mul3A_110 = arith.constant 128 : i32
    %mul3A_111 = arith.muli %add3A_109, %mul3A_110 : i32
    %rem3A = arith.constant 0 : i32
    %rem3A_112 = arith.constant 6 : i32
    %rem3A_113 = arith.remsi %rem3A, %rem3A_112 : i32
    %dma_start3A_114 = arith.constant 0 : i32
    %dma_start3A_115 = arith.constant 0 : i32
    %dma_start3A_116 = tpu.memref_slice %arg6[%rem3A_113, %dma_start3A_114, %dma_start3A_115] : memref<6x2x128xi32, #tpu.memory_space<vmem>> -> memref<1x2x128xi32, #tpu.memory_space<vmem>>
    %dma_start3A_117 = tpu.memref_squeeze %dma_start3A_116 : memref<1x2x128xi32, #tpu.memory_space<vmem>> -> memref<2x128xi32, #tpu.memory_space<vmem>>
    %dma_start3A_118 = arith.constant 0 : i32
    %dma_start3A_119 = tpu.memref_slice %arg3[%dma_start3A_118, %mul3A_111] : memref<2x320000xi32, #tpu.memory_space<hbm>> -> memref<2x128xi32, #tpu.memory_space<hbm>>
    %dma_start3A_120 = arith.constant 0 : i32
    %dma_start3A_121 = arith.constant 0 : i32
    %dma_start3A_122 = tpu.memref_slice %arg6[%rem3A_113, %dma_start3A_120, %dma_start3A_121] : memref<6x2x128xi32, #tpu.memory_space<vmem>> -> memref<1x2x128xi32, #tpu.memory_space<vmem>>
    %dma_start3A_123 = tpu.memref_squeeze %dma_start3A_122 : memref<1x2x128xi32, #tpu.memory_space<vmem>> -> memref<2x128xi32, #tpu.memory_space<vmem>>
    %dma_start3A_124 = arith.constant 0 : i32
    %dma_start3A_125 = tpu.memref_slice %arg3[%dma_start3A_124, %mul3A_111] : memref<2x320000xi32, #tpu.memory_space<hbm>> -> memref<2x128xi32, #tpu.memory_space<hbm>>
    tpu.enqueue_dma source(%dma_start3A_125 : memref<2x128xi32, #tpu.memory_space<hbm>>) target(%dma_start3A_123 : memref<2x128xi32, #tpu.memory_space<vmem>>) target_semaphore(%arg8 : memref<!tpu.dma_semaphore, #tpu.memory_space<semaphore_mem>>)
    %add3A_126 = arith.constant 32 : i32
    %add3A_127 = arith.addi %add3A_126, %add3A : i32
    %mul3A_128 = arith.constant 128 : i32
    %mul3A_129 = arith.muli %add3A_127, %mul3A_128 : i32
    %rem3A_130 = arith.constant 1 : i32
    %rem3A_131 = arith.constant 6 : i32
    %rem3A_132 = arith.remsi %rem3A_130, %rem3A_131 : i32
    %dma_start3A_133 = arith.constant 0 : i32
    %dma_start3A_134 = arith.constant 0 : i32
    %dma_start3A_135 = tpu.memref_slice %arg6[%rem3A_132, %dma_start3A_133, %dma_start3A_134] : memref<6x2x128xi32, #tpu.memory_space<vmem>> -> memref<1x2x128xi32, #tpu.memory_space<vmem>>
    %dma_start3A_136 = tpu.memref_squeeze %dma_start3A_135 : memref<1x2x128xi32, #tpu.memory_space<vmem>> -> memref<2x128xi32, #tpu.memory_space<vmem>>
    %dma_start3A_137 = arith.constant 0 : i32
    %dma_start3A_138 = tpu.memref_slice %arg3[%dma_start3A_137, %mul3A_129] : memref<2x320000xi32, #tpu.memory_space<hbm>> -> memref<2x128xi32, #tpu.memory_space<hbm>>
    %dma_start3A_139 = arith.constant 0 : i32
    %dma_start3A_140 = arith.constant 0 : i32
    %dma_start3A_141 = tpu.memref_slice %arg6[%rem3A_132, %dma_start3A_139, %dma_start3A_140] : memref<6x2x128xi32, #tpu.memory_space<vmem>> -> memref<1x2x128xi32, #tpu.memory_space<vmem>>
    %dma_start3A_142 = tpu.memref_squeeze %dma_start3A_141 : memref<1x2x128xi32, #tpu.memory_space<vmem>> -> memref<2x128xi32, #tpu.memory_space<vmem>>
    %dma_start3A_143 = arith.constant 0 : i32
    %dma_start3A_144 = tpu.memref_slice %arg3[%dma_start3A_143, %mul3A_129] : memref<2x320000xi32, #tpu.memory_space<hbm>> -> memref<2x128xi32, #tpu.memory_space<hbm>>
    tpu.enqueue_dma source(%dma_start3A_144 : memref<2x128xi32, #tpu.memory_space<hbm>>) target(%dma_start3A_142 : memref<2x128xi32, #tpu.memory_space<vmem>>) target_semaphore(%arg8 : memref<!tpu.dma_semaphore, #tpu.memory_space<semaphore_mem>>)
    %add3A_145 = arith.constant 64 : i32
    %add3A_146 = arith.addi %add3A_145, %add3A : i32
    %mul3A_147 = arith.constant 128 : i32
    %mul3A_148 = arith.muli %add3A_146, %mul3A_147 : i32
    %rem3A_149 = arith.constant 2 : i32
    %rem3A_150 = arith.constant 6 : i32
    %rem3A_151 = arith.remsi %rem3A_149, %rem3A_150 : i32
    %dma_start3A_152 = arith.constant 0 : i32
    %dma_start3A_153 = arith.constant 0 : i32
    %dma_start3A_154 = tpu.memref_slice %arg6[%rem3A_151, %dma_start3A_152, %dma_start3A_153] : memref<6x2x128xi32, #tpu.memory_space<vmem>> -> memref<1x2x128xi32, #tpu.memory_space<vmem>>
    %dma_start3A_155 = tpu.memref_squeeze %dma_start3A_154 : memref<1x2x128xi32, #tpu.memory_space<vmem>> -> memref<2x128xi32, #tpu.memory_space<vmem>>
    %dma_start3A_156 = arith.constant 0 : i32
    %dma_start3A_157 = tpu.memref_slice %arg3[%dma_start3A_156, %mul3A_148] : memref<2x320000xi32, #tpu.memory_space<hbm>> -> memref<2x128xi32, #tpu.memory_space<hbm>>
    %dma_start3A_158 = arith.constant 0 : i32
    %dma_start3A_159 = arith.constant 0 : i32
    %dma_start3A_160 = tpu.memref_slice %arg6[%rem3A_151, %dma_start3A_158, %dma_start3A_159] : memref<6x2x128xi32, #tpu.memory_space<vmem>> -> memref<1x2x128xi32, #tpu.memory_space<vmem>>
    %dma_start3A_161 = tpu.memref_squeeze %dma_start3A_160 : memref<1x2x128xi32, #tpu.memory_space<vmem>> -> memref<2x128xi32, #tpu.memory_space<vmem>>
    %dma_start3A_162 = arith.constant 0 : i32
    %dma_start3A_163 = tpu.memref_slice %arg3[%dma_start3A_162, %mul3A_148] : memref<2x320000xi32, #tpu.memory_space<hbm>> -> memref<2x128xi32, #tpu.memory_space<hbm>>
    tpu.enqueue_dma source(%dma_start3A_163 : memref<2x128xi32, #tpu.memory_space<hbm>>) target(%dma_start3A_161 : memref<2x128xi32, #tpu.memory_space<vmem>>) target_semaphore(%arg8 : memref<!tpu.dma_semaphore, #tpu.memory_space<semaphore_mem>>)
    %add3A_164 = arith.constant 0 : i32
    %add3A_165 = arith.addi %add3A_164, %add3A : i32
    %mul3A_166 = arith.constant 128 : i32
    %mul3A_167 = arith.muli %add3A_165, %mul3A_166 : i32
    %rem3A_168 = arith.constant 0 : i32
    %rem3A_169 = arith.constant 6 : i32
    %rem3A_170 = arith.remsi %rem3A_168, %rem3A_169 : i32
    %dma_wait3A = arith.constant 0 : i32
    %dma_wait3A_171 = arith.constant 0 : i32
    %dma_wait3A_172 = tpu.memref_slice %arg6[%rem3A_170, %dma_wait3A, %dma_wait3A_171] : memref<6x2x128xi32, #tpu.memory_space<vmem>> -> memref<1x2x128xi32, #tpu.memory_space<vmem>>
    %dma_wait3A_173 = tpu.memref_squeeze %dma_wait3A_172 : memref<1x2x128xi32, #tpu.memory_space<vmem>> -> memref<2x128xi32, #tpu.memory_space<vmem>>
    %dma_wait3A_174 = arith.constant 0 : i32
    %dma_wait3A_175 = tpu.memref_slice %arg3[%dma_wait3A_174, %mul3A_167] : memref<2x320000xi32, #tpu.memory_space<hbm>> -> memref<2x128xi32, #tpu.memory_space<hbm>>
    %dma_wait3A_176 = arith.constant 0 : i32
    %dma_wait3A_177 = arith.constant 0 : i32
    %dma_wait3A_178 = tpu.memref_slice %arg6[%rem3A_170, %dma_wait3A_176, %dma_wait3A_177] : memref<6x2x128xi32, #tpu.memory_space<vmem>> -> memref<1x2x128xi32, #tpu.memory_space<vmem>>
    %dma_wait3A_179 = tpu.memref_squeeze %dma_wait3A_178 : memref<1x2x128xi32, #tpu.memory_space<vmem>> -> memref<2x128xi32, #tpu.memory_space<vmem>>
    %dma_wait3A_180 = arith.constant 0 : i32
    %dma_wait3A_181 = tpu.memref_slice %arg3[%dma_wait3A_180, %mul3A_167] : memref<2x320000xi32, #tpu.memory_space<hbm>> -> memref<2x128xi32, #tpu.memory_space<hbm>>
    tpu.wait_dma2 semaphore(%arg8 : memref<!tpu.dma_semaphore, #tpu.memory_space<semaphore_mem>>) src(%dma_wait3A_181 : memref<2x128xi32, #tpu.memory_space<hbm>>) dst(%dma_wait3A_179 : memref<2x128xi32, #tpu.memory_space<vmem>>)
    %rem3A_182 = arith.constant 0 : i32
    %rem3A_183 = arith.constant 6 : i32
    %rem3A_184 = arith.remsi %rem3A_182, %rem3A_183 : i32
    %rem3A_185 = arith.constant 0 : i32
    %rem3A_186 = arith.constant 3 : i32
    %rem3A_187 = arith.remsi %rem3A_185, %rem3A_186 : i32
    %dma_start3A_188 = arith.constant 0 : i32
    %dma_start3A_189 = arith.constant 0 : i32
    %dma_start3A_190 = arith.constant 0 : i32
    %dma_start3A_191 = tpu.memref_slice %arg7[%rem3A_187, %dma_start3A_189, %dma_start3A_190] : memref<3x128x128xf32, #tpu.memory_space<vmem>> -> memref<1x128x128xf32, #tpu.memory_space<vmem>>
    %dma_start3A_192 = tpu.memref_squeeze %dma_start3A_191 : memref<1x128x128xf32, #tpu.memory_space<vmem>> -> memref<128x128xf32, #tpu.memory_space<vmem>>
    %dma_start3A_193 = arith.constant 0 : i32
    %dma_start3A_194 = tpu.memref_slice %arg6[%rem3A_184, %dma_start3A_188, %dma_start3A_193] : memref<6x2x128xi32, #tpu.memory_space<vmem>> -> memref<1x1x128xi32, #tpu.memory_space<vmem>>
    %dma_start3A_195 = tpu.memref_squeeze %dma_start3A_194 : memref<1x1x128xi32, #tpu.memory_space<vmem>> -> memref<128xi32, #tpu.memory_space<vmem>>
    %dma_start3A_196 = arith.constant 0 : i32
    %dma_start3A_197 = arith.constant 0 : i32
    %dma_start3A_198 = tpu.memref_slice %arg2[%dma_start3A_196, %dma_start3A_197] : memref<10000x128xf32, #tpu.memory_space<hbm>> -> memref<10000x128xf32, #tpu.memory_space<hbm>>
    tpu.enqueue_indirect_dma source(%dma_start3A_198 : memref<10000x128xf32, #tpu.memory_space<hbm>>) target(%dma_start3A_192 : memref<128x128xf32, #tpu.memory_space<vmem>>) offsets(%dma_start3A_195 : memref<128xi32, #tpu.memory_space<vmem>>) semaphore(%arg9 : memref<!tpu.dma_semaphore, #tpu.memory_space<semaphore_mem>>)
    %add3A_199 = arith.constant 32 : i32
    %add3A_200 = arith.addi %add3A_199, %add3A : i32
    %mul3A_201 = arith.constant 128 : i32
    %mul3A_202 = arith.muli %add3A_200, %mul3A_201 : i32
    %rem3A_203 = arith.constant 1 : i32
    %rem3A_204 = arith.constant 6 : i32
    %rem3A_205 = arith.remsi %rem3A_203, %rem3A_204 : i32
    %dma_wait3A_206 = arith.constant 0 : i32
    %dma_wait3A_207 = arith.constant 0 : i32
    %dma_wait3A_208 = tpu.memref_slice %arg6[%rem3A_205, %dma_wait3A_206, %dma_wait3A_207] : memref<6x2x128xi32, #tpu.memory_space<vmem>> -> memref<1x2x128xi32, #tpu.memory_space<vmem>>
    %dma_wait3A_209 = tpu.memref_squeeze %dma_wait3A_208 : memref<1x2x128xi32, #tpu.memory_space<vmem>> -> memref<2x128xi32, #tpu.memory_space<vmem>>
    %dma_wait3A_210 = arith.constant 0 : i32
    %dma_wait3A_211 = tpu.memref_slice %arg3[%dma_wait3A_210, %mul3A_202] : memref<2x320000xi32, #tpu.memory_space<hbm>> -> memref<2x128xi32, #tpu.memory_space<hbm>>
    %dma_wait3A_212 = arith.constant 0 : i32
    %dma_wait3A_213 = arith.constant 0 : i32
    %dma_wait3A_214 = tpu.memref_slice %arg6[%rem3A_205, %dma_wait3A_212, %dma_wait3A_213] : memref<6x2x128xi32, #tpu.memory_space<vmem>> -> memref<1x2x128xi32, #tpu.memory_space<vmem>>
    %dma_wait3A_215 = tpu.memref_squeeze %dma_wait3A_214 : memref<1x2x128xi32, #tpu.memory_space<vmem>> -> memref<2x128xi32, #tpu.memory_space<vmem>>
    %dma_wait3A_216 = arith.constant 0 : i32
    %dma_wait3A_217 = tpu.memref_slice %arg3[%dma_wait3A_216, %mul3A_202] : memref<2x320000xi32, #tpu.memory_space<hbm>> -> memref<2x128xi32, #tpu.memory_space<hbm>>
    tpu.wait_dma2 semaphore(%arg8 : memref<!tpu.dma_semaphore, #tpu.memory_space<semaphore_mem>>) src(%dma_wait3A_217 : memref<2x128xi32, #tpu.memory_space<hbm>>) dst(%dma_wait3A_215 : memref<2x128xi32, #tpu.memory_space<vmem>>)
    %rem3A_218 = arith.constant 1 : i32
    %rem3A_219 = arith.constant 6 : i32
    %rem3A_220 = arith.remsi %rem3A_218, %rem3A_219 : i32
    %rem3A_221 = arith.constant 1 : i32
    %rem3A_222 = arith.constant 3 : i32
    %rem3A_223 = arith.remsi %rem3A_221, %rem3A_222 : i32
    %dma_start3A_224 = arith.constant 0 : i32
    %dma_start3A_225 = arith.constant 0 : i32
    %dma_start3A_226 = arith.constant 0 : i32
    %dma_start3A_227 = tpu.memref_slice %arg7[%rem3A_223, %dma_start3A_225, %dma_start3A_226] : memref<3x128x128xf32, #tpu.memory_space<vmem>> -> memref<1x128x128xf32, #tpu.memory_space<vmem>>
    %dma_start3A_228 = tpu.memref_squeeze %dma_start3A_227 : memref<1x128x128xf32, #tpu.memory_space<vmem>> -> memref<128x128xf32, #tpu.memory_space<vmem>>
    %dma_start3A_229 = arith.constant 0 : i32
    %dma_start3A_230 = tpu.memref_slice %arg6[%rem3A_220, %dma_start3A_224, %dma_start3A_229] : memref<6x2x128xi32, #tpu.memory_space<vmem>> -> memref<1x1x128xi32, #tpu.memory_space<vmem>>
    %dma_start3A_231 = tpu.memref_squeeze %dma_start3A_230 : memref<1x1x128xi32, #tpu.memory_space<vmem>> -> memref<128xi32, #tpu.memory_space<vmem>>
    %dma_start3A_232 = arith.constant 0 : i32
    %dma_start3A_233 = arith.constant 0 : i32
    %dma_start3A_234 = tpu.memref_slice %arg2[%dma_start3A_232, %dma_start3A_233] : memref<10000x128xf32, #tpu.memory_space<hbm>> -> memref<10000x128xf32, #tpu.memory_space<hbm>>
    tpu.enqueue_indirect_dma source(%dma_start3A_234 : memref<10000x128xf32, #tpu.memory_space<hbm>>) target(%dma_start3A_228 : memref<128x128xf32, #tpu.memory_space<vmem>>) offsets(%dma_start3A_231 : memref<128xi32, #tpu.memory_space<vmem>>) semaphore(%arg9 : memref<!tpu.dma_semaphore, #tpu.memory_space<semaphore_mem>>)
    %mul3A_235 = arith.constant 624 : i32
    %mul3A_236 = arith.muli %arg1, %mul3A_235 : i32
    %add3A_237 = arith.constant 0 : i32
    %add3A_238 = arith.addi %mul3A_236, %add3A_237 : i32
    %dma_wait3A_239 = arith.constant 2 : i32
    %dma_wait3A_240 = arith.constant 0 : i32
    %dma_wait3A_241 = arith.constant 0 : i32
    %dma_wait3A_242 = tpu.memref_slice %arg7[%dma_wait3A_239, %dma_wait3A_240, %dma_wait3A_241] : memref<3x128x128xf32, #tpu.memory_space<vmem>> -> memref<1x104x128xf32, #tpu.memory_space<vmem>>
    %dma_wait3A_243 = tpu.memref_squeeze %dma_wait3A_242 : memref<1x104x128xf32, #tpu.memory_space<vmem>> -> memref<104x128xf32, #tpu.memory_space<vmem>>
    %dma_wait3A_244 = arith.constant 0 : i32
    %dma_wait3A_245 = tpu.memref_slice %arg5[%add3A_238, %dma_wait3A_244] : memref<10000x128xf32, #tpu.memory_space<vmem_shared>> -> memref<104x128xf32, #tpu.memory_space<vmem_shared>>
    %dma_wait3A_246 = arith.constant 0 : i32
    %dma_wait3A_247 = tpu.memref_slice %arg5[%add3A_238, %dma_wait3A_246] : memref<10000x128xf32, #tpu.memory_space<vmem_shared>> -> memref<104x128xf32, #tpu.memory_space<vmem_shared>>
    %dma_wait3A_248 = arith.constant 0 : i32
    %dma_wait3A_249 = arith.constant 0 : i32
    %dma_wait3A_250 = tpu.memref_slice %arg7[%dma_wait3A_239, %dma_wait3A_248, %dma_wait3A_249] : memref<3x128x128xf32, #tpu.memory_space<vmem>> -> memref<1x104x128xf32, #tpu.memory_space<vmem>>
    %dma_wait3A_251 = tpu.memref_squeeze %dma_wait3A_250 : memref<1x104x128xf32, #tpu.memory_space<vmem>> -> memref<104x128xf32, #tpu.memory_space<vmem>>
    tpu.wait_dma2 semaphore(%arg11 : memref<!tpu.dma_semaphore, #tpu.memory_space<semaphore_mem>>) src(%dma_wait3A_251 : memref<104x128xf32, #tpu.memory_space<vmem>>) dst(%dma_wait3A_247 : memref<104x128xf32, #tpu.memory_space<vmem_shared>>)
    %mul3A_252 = arith.constant 624 : i32
    %mul3A_253 = arith.muli %arg1, %mul3A_252 : i32
    %add3A_254 = arith.constant 104 : i32
    %add3A_255 = arith.addi %mul3A_253, %add3A_254 : i32
    %dma_wait3A_256 = arith.constant 2 : i32
    %dma_wait3A_257 = arith.constant 0 : i32
    %dma_wait3A_258 = arith.constant 0 : i32
    %dma_wait3A_259 = tpu.memref_slice %arg7[%dma_wait3A_256, %dma_wait3A_257, %dma_wait3A_258] : memref<3x128x128xf32, #tpu.memory_space<vmem>> -> memref<1x104x128xf32, #tpu.memory_space<vmem>>
    %dma_wait3A_260 = tpu.memref_squeeze %dma_wait3A_259 : memref<1x104x128xf32, #tpu.memory_space<vmem>> -> memref<104x128xf32, #tpu.memory_space<vmem>>
    %dma_wait3A_261 = arith.constant 0 : i32
    %dma_wait3A_262 = tpu.memref_slice %arg5[%add3A_255, %dma_wait3A_261] : memref<10000x128xf32, #tpu.memory_space<vmem_shared>> -> memref<104x128xf32, #tpu.memory_space<vmem_shared>>
    %dma_wait3A_263 = arith.constant 0 : i32
    %dma_wait3A_264 = tpu.memref_slice %arg5[%add3A_255, %dma_wait3A_263] : memref<10000x128xf32, #tpu.memory_space<vmem_shared>> -> memref<104x128xf32, #tpu.memory_space<vmem_shared>>
    %dma_wait3A_265 = arith.constant 0 : i32
    %dma_wait3A_266 = arith.constant 0 : i32
    %dma_wait3A_267 = tpu.memref_slice %arg7[%dma_wait3A_256, %dma_wait3A_265, %dma_wait3A_266] : memref<3x128x128xf32, #tpu.memory_space<vmem>> -> memref<1x104x128xf32, #tpu.memory_space<vmem>>
    %dma_wait3A_268 = tpu.memref_squeeze %dma_wait3A_267 : memref<1x104x128xf32, #tpu.memory_space<vmem>> -> memref<104x128xf32, #tpu.memory_space<vmem>>
    tpu.wait_dma2 semaphore(%arg11 : memref<!tpu.dma_semaphore, #tpu.memory_space<semaphore_mem>>) src(%dma_wait3A_268 : memref<104x128xf32, #tpu.memory_space<vmem>>) dst(%dma_wait3A_264 : memref<104x128xf32, #tpu.memory_space<vmem_shared>>)
    %mul3A_269 = arith.constant 624 : i32
    %mul3A_270 = arith.muli %arg1, %mul3A_269 : i32
    %add3A_271 = arith.constant 208 : i32
    %add3A_272 = arith.addi %mul3A_270, %add3A_271 : i32
    %dma_wait3A_273 = arith.constant 2 : i32
    %dma_wait3A_274 = arith.constant 0 : i32
    %dma_wait3A_275 = arith.constant 0 : i32
    %dma_wait3A_276 = tpu.memref_slice %arg7[%dma_wait3A_273, %dma_wait3A_274, %dma_wait3A_275] : memref<3x128x128xf32, #tpu.memory_space<vmem>> -> memref<1x104x128xf32, #tpu.memory_space<vmem>>
    %dma_wait3A_277 = tpu.memref_squeeze %dma_wait3A_276 : memref<1x104x128xf32, #tpu.memory_space<vmem>> -> memref<104x128xf32, #tpu.memory_space<vmem>>
    %dma_wait3A_278 = arith.constant 0 : i32
    %dma_wait3A_279 = tpu.memref_slice %arg5[%add3A_272, %dma_wait3A_278] : memref<10000x128xf32, #tpu.memory_space<vmem_shared>> -> memref<104x128xf32, #tpu.memory_space<vmem_shared>>
    %dma_wait3A_280 = arith.constant 0 : i32
    %dma_wait3A_281 = tpu.memref_slice %arg5[%add3A_272, %dma_wait3A_280] : memref<10000x128xf32, #tpu.memory_space<vmem_shared>> -> memref<104x128xf32, #tpu.memory_space<vmem_shared>>
    %dma_wait3A_282 = arith.constant 0 : i32
    %dma_wait3A_283 = arith.constant 0 : i32
    %dma_wait3A_284 = tpu.memref_slice %arg7[%dma_wait3A_273, %dma_wait3A_282, %dma_wait3A_283] : memref<3x128x128xf32, #tpu.memory_space<vmem>> -> memref<1x104x128xf32, #tpu.memory_space<vmem>>
    %dma_wait3A_285 = tpu.memref_squeeze %dma_wait3A_284 : memref<1x104x128xf32, #tpu.memory_space<vmem>> -> memref<104x128xf32, #tpu.memory_space<vmem>>
    tpu.wait_dma2 semaphore(%arg11 : memref<!tpu.dma_semaphore, #tpu.memory_space<semaphore_mem>>) src(%dma_wait3A_285 : memref<104x128xf32, #tpu.memory_space<vmem>>) dst(%dma_wait3A_281 : memref<104x128xf32, #tpu.memory_space<vmem_shared>>)
    %mul3A_286 = arith.constant 624 : i32
    %mul3A_287 = arith.muli %arg1, %mul3A_286 : i32
    %add3A_288 = arith.constant 312 : i32
    %add3A_289 = arith.addi %mul3A_287, %add3A_288 : i32
    %dma_wait3A_290 = arith.constant 2 : i32
    %dma_wait3A_291 = arith.constant 0 : i32
    %dma_wait3A_292 = arith.constant 0 : i32
    %dma_wait3A_293 = tpu.memref_slice %arg7[%dma_wait3A_290, %dma_wait3A_291, %dma_wait3A_292] : memref<3x128x128xf32, #tpu.memory_space<vmem>> -> memref<1x104x128xf32, #tpu.memory_space<vmem>>
    %dma_wait3A_294 = tpu.memref_squeeze %dma_wait3A_293 : memref<1x104x128xf32, #tpu.memory_space<vmem>> -> memref<104x128xf32, #tpu.memory_space<vmem>>
    %dma_wait3A_295 = arith.constant 0 : i32
    %dma_wait3A_296 = tpu.memref_slice %arg5[%add3A_289, %dma_wait3A_295] : memref<10000x128xf32, #tpu.memory_space<vmem_shared>> -> memref<104x128xf32, #tpu.memory_space<vmem_shared>>
    %dma_wait3A_297 = arith.constant 0 : i32
    %dma_wait3A_298 = tpu.memref_slice %arg5[%add3A_289, %dma_wait3A_297] : memref<10000x128xf32, #tpu.memory_space<vmem_shared>> -> memref<104x128xf32, #tpu.memory_space<vmem_shared>>
    %dma_wait3A_299 = arith.constant 0 : i32
    %dma_wait3A_300 = arith.constant 0 : i32
    %dma_wait3A_301 = tpu.memref_slice %arg7[%dma_wait3A_290, %dma_wait3A_299, %dma_wait3A_300] : memref<3x128x128xf32, #tpu.memory_space<vmem>> -> memref<1x104x128xf32, #tpu.memory_space<vmem>>
    %dma_wait3A_302 = tpu.memref_squeeze %dma_wait3A_301 : memref<1x104x128xf32, #tpu.memory_space<vmem>> -> memref<104x128xf32, #tpu.memory_space<vmem>>
    tpu.wait_dma2 semaphore(%arg11 : memref<!tpu.dma_semaphore, #tpu.memory_space<semaphore_mem>>) src(%dma_wait3A_302 : memref<104x128xf32, #tpu.memory_space<vmem>>) dst(%dma_wait3A_298 : memref<104x128xf32, #tpu.memory_space<vmem_shared>>)
    %mul3A_303 = arith.constant 624 : i32
    %mul3A_304 = arith.muli %arg1, %mul3A_303 : i32
    %add3A_305 = arith.constant 416 : i32
    %add3A_306 = arith.addi %mul3A_304, %add3A_305 : i32
    %dma_wait3A_307 = arith.constant 2 : i32
    %dma_wait3A_308 = arith.constant 0 : i32
    %dma_wait3A_309 = arith.constant 0 : i32
    %dma_wait3A_310 = tpu.memref_slice %arg7[%dma_wait3A_307, %dma_wait3A_308, %dma_wait3A_309] : memref<3x128x128xf32, #tpu.memory_space<vmem>> -> memref<1x104x128xf32, #tpu.memory_space<vmem>>
    %dma_wait3A_311 = tpu.memref_squeeze %dma_wait3A_310 : memref<1x104x128xf32, #tpu.memory_space<vmem>> -> memref<104x128xf32, #tpu.memory_space<vmem>>
    %dma_wait3A_312 = arith.constant 0 : i32
    %dma_wait3A_313 = tpu.memref_slice %arg5[%add3A_306, %dma_wait3A_312] : memref<10000x128xf32, #tpu.memory_space<vmem_shared>> -> memref<104x128xf32, #tpu.memory_space<vmem_shared>>
    %dma_wait3A_314 = arith.constant 0 : i32
    %dma_wait3A_315 = tpu.memref_slice %arg5[%add3A_306, %dma_wait3A_314] : memref<10000x128xf32, #tpu.memory_space<vmem_shared>> -> memref<104x128xf32, #tpu.memory_space<vmem_shared>>
    %dma_wait3A_316 = arith.constant 0 : i32
    %dma_wait3A_317 = arith.constant 0 : i32
    %dma_wait3A_318 = tpu.memref_slice %arg7[%dma_wait3A_307, %dma_wait3A_316, %dma_wait3A_317] : memref<3x128x128xf32, #tpu.memory_space<vmem>> -> memref<1x104x128xf32, #tpu.memory_space<vmem>>
    %dma_wait3A_319 = tpu.memref_squeeze %dma_wait3A_318 : memref<1x104x128xf32, #tpu.memory_space<vmem>> -> memref<104x128xf32, #tpu.memory_space<vmem>>
    tpu.wait_dma2 semaphore(%arg11 : memref<!tpu.dma_semaphore, #tpu.memory_space<semaphore_mem>>) src(%dma_wait3A_319 : memref<104x128xf32, #tpu.memory_space<vmem>>) dst(%dma_wait3A_315 : memref<104x128xf32, #tpu.memory_space<vmem_shared>>)
    %mul3A_320 = arith.constant 624 : i32
    %mul3A_321 = arith.muli %arg1, %mul3A_320 : i32
    %add3A_322 = arith.constant 520 : i32
    %add3A_323 = arith.addi %mul3A_321, %add3A_322 : i32
    %dma_wait3A_324 = arith.constant 2 : i32
    %dma_wait3A_325 = arith.constant 0 : i32
    %dma_wait3A_326 = arith.constant 0 : i32
    %dma_wait3A_327 = tpu.memref_slice %arg7[%dma_wait3A_324, %dma_wait3A_325, %dma_wait3A_326] : memref<3x128x128xf32, #tpu.memory_space<vmem>> -> memref<1x104x128xf32, #tpu.memory_space<vmem>>
    %dma_wait3A_328 = tpu.memref_squeeze %dma_wait3A_327 : memref<1x104x128xf32, #tpu.memory_space<vmem>> -> memref<104x128xf32, #tpu.memory_space<vmem>>
    %dma_wait3A_329 = arith.constant 0 : i32
    %dma_wait3A_330 = tpu.memref_slice %arg5[%add3A_323, %dma_wait3A_329] : memref<10000x128xf32, #tpu.memory_space<vmem_shared>> -> memref<104x128xf32, #tpu.memory_space<vmem_shared>>
    %dma_wait3A_331 = arith.constant 0 : i32
    %dma_wait3A_332 = tpu.memref_slice %arg5[%add3A_323, %dma_wait3A_331] : memref<10000x128xf32, #tpu.memory_space<vmem_shared>> -> memref<104x128xf32, #tpu.memory_space<vmem_shared>>
    %dma_wait3A_333 = arith.constant 0 : i32
    %dma_wait3A_334 = arith.constant 0 : i32
    %dma_wait3A_335 = tpu.memref_slice %arg7[%dma_wait3A_324, %dma_wait3A_333, %dma_wait3A_334] : memref<3x128x128xf32, #tpu.memory_space<vmem>> -> memref<1x104x128xf32, #tpu.memory_space<vmem>>
    %dma_wait3A_336 = tpu.memref_squeeze %dma_wait3A_335 : memref<1x104x128xf32, #tpu.memory_space<vmem>> -> memref<104x128xf32, #tpu.memory_space<vmem>>
    tpu.wait_dma2 semaphore(%arg11 : memref<!tpu.dma_semaphore, #tpu.memory_space<semaphore_mem>>) src(%dma_wait3A_336 : memref<104x128xf32, #tpu.memory_space<vmem>>) dst(%dma_wait3A_332 : memref<104x128xf32, #tpu.memory_space<vmem_shared>>)
    %eq3A_337 = arith.constant 15 : i32
    %eq3A_338 = arith.cmpi eq, %arg1, %eq3A_337 : i32
    %convert_element_type3A_339 = arith.extui %eq3A_338 : i1 to i32
    %cond3A_340 = arith.constant 0 : i32
    %cond3A_341 = arith.cmpi ne, %convert_element_type3A_339, %cond3A_340 : i32
    scf.if %cond3A_341 {
      %dma_wait3A_598 = arith.constant 2 : i32
      %dma_wait3A_599 = arith.constant 0 : i32
      %dma_wait3A_600 = arith.constant 0 : i32
      %dma_wait3A_601 = tpu.memref_slice %arg7[%dma_wait3A_598, %dma_wait3A_599, %dma_wait3A_600] : memref<3x128x128xf32, #tpu.memory_space<vmem>> -> memref<1x16x128xf32, #tpu.memory_space<vmem>>
      %dma_wait3A_602 = tpu.memref_squeeze %dma_wait3A_601 : memref<1x16x128xf32, #tpu.memory_space<vmem>> -> memref<16x128xf32, #tpu.memory_space<vmem>>
      %dma_wait3A_603 = arith.constant 9984 : i32
      %dma_wait3A_604 = arith.constant 0 : i32
      %dma_wait3A_605 = tpu.memref_slice %arg5[%dma_wait3A_603, %dma_wait3A_604] : memref<10000x128xf32, #tpu.memory_space<vmem_shared>> -> memref<16x128xf32, #tpu.memory_space<vmem_shared>>
      %dma_wait3A_606 = arith.constant 9984 : i32
      %dma_wait3A_607 = arith.constant 0 : i32
      %dma_wait3A_608 = tpu.memref_slice %arg5[%dma_wait3A_606, %dma_wait3A_607] : memref<10000x128xf32, #tpu.memory_space<vmem_shared>> -> memref<16x128xf32, #tpu.memory_space<vmem_shared>>
      %dma_wait3A_609 = arith.constant 0 : i32
      %dma_wait3A_610 = arith.constant 0 : i32
      %dma_wait3A_611 = tpu.memref_slice %arg7[%dma_wait3A_598, %dma_wait3A_609, %dma_wait3A_610] : memref<3x128x128xf32, #tpu.memory_space<vmem>> -> memref<1x16x128xf32, #tpu.memory_space<vmem>>
      %dma_wait3A_612 = tpu.memref_squeeze %dma_wait3A_611 : memref<1x16x128xf32, #tpu.memory_space<vmem>> -> memref<16x128xf32, #tpu.memory_space<vmem>>
      tpu.wait_dma2 semaphore(%arg11 : memref<!tpu.dma_semaphore, #tpu.memory_space<semaphore_mem>>) src(%dma_wait3A_612 : memref<16x128xf32, #tpu.memory_space<vmem>>) dst(%dma_wait3A_608 : memref<16x128xf32, #tpu.memory_space<vmem_shared>>)
    } else {
    }
    %barrier3A = arith.constant 0 : index
    tpu.barrier barrier_id(%barrier3A)
    %scan3A_342 = arith.constant 0 : i32
    %scan3A_343 = arith.constant 79 : i32
    %scan3A_344 = arith.addi %scan3A_342, %scan3A_343 : i32
    %scan3A_345 = arith.constant 1 : i32
    scf.for %scan3A_598 = %scan3A_342 to %scan3A_344 step %scan3A_345  : i32 {
      %mul3A_599 = arith.constant 1 : i32
      %mul3A_600 = arith.muli %scan3A_598, %mul3A_599 : i32
      %add3A_601 = arith.constant 0 : i32
      %add3A_602 = arith.addi %add3A_601, %mul3A_600 : i32
      %mul3A_603 = arith.constant 32 : i32
      %mul3A_604 = arith.muli %add3A_602, %mul3A_603 : i32
      %add3A_605 = arith.addi %mul3A_604, %add3A : i32
      %lt3A_606 = arith.constant 2500 : i32
      %lt3A_607 = arith.cmpi slt, %add3A_605, %lt3A_606 : i32
      %convert_element_type3A_608 = arith.extui %lt3A_607 : i1 to i32
      %cond3A_609 = arith.constant 0 : i32
      %cond3A_610 = arith.cmpi ne, %convert_element_type3A_608, %cond3A_609 : i32
      scf.if %cond3A_610 {
        %rem3A_631 = arith.constant 6 : i32
        %rem3A_632 = arith.remsi %add3A_602, %rem3A_631 : i32
        %rem3A_633 = arith.constant 3 : i32
        %rem3A_634 = arith.remsi %add3A_602, %rem3A_633 : i32
        %dma_wait3A_635 = arith.constant 0 : i32
        %dma_wait3A_636 = arith.constant 0 : i32
        %dma_wait3A_637 = arith.constant 0 : i32
        %dma_wait3A_638 = tpu.memref_slice %arg7[%rem3A_634, %dma_wait3A_636, %dma_wait3A_637] : memref<3x128x128xf32, #tpu.memory_space<vmem>> -> memref<1x128x128xf32, #tpu.memory_space<vmem>>
        %dma_wait3A_639 = tpu.memref_squeeze %dma_wait3A_638 : memref<1x128x128xf32, #tpu.memory_space<vmem>> -> memref<128x128xf32, #tpu.memory_space<vmem>>
        %dma_wait3A_640 = arith.constant 0 : i32
        %dma_wait3A_641 = tpu.memref_slice %arg6[%rem3A_632, %dma_wait3A_635, %dma_wait3A_640] : memref<6x2x128xi32, #tpu.memory_space<vmem>> -> memref<1x1x128xi32, #tpu.memory_space<vmem>>
        %dma_wait3A_642 = tpu.memref_squeeze %dma_wait3A_641 : memref<1x1x128xi32, #tpu.memory_space<vmem>> -> memref<128xi32, #tpu.memory_space<vmem>>
        %dma_wait3A_643 = arith.constant 0 : i32
        %dma_wait3A_644 = arith.constant 0 : i32
        %dma_wait3A_645 = tpu.memref_slice %arg2[%dma_wait3A_643, %dma_wait3A_644] : memref<10000x128xf32, #tpu.memory_space<hbm>> -> memref<10000x128xf32, #tpu.memory_space<hbm>>
        tpu.wait_indirect_dma semaphore(%arg9 : memref<!tpu.dma_semaphore, #tpu.memory_space<semaphore_mem>>) src(%dma_wait3A_645 : memref<10000x128xf32, #tpu.memory_space<hbm>>) dst(%dma_wait3A_639 : memref<128x128xf32, #tpu.memory_space<vmem>>)
        %rem3A_646 = arith.constant 6 : i32
        %rem3A_647 = arith.remsi %add3A_602, %rem3A_646 : i32
        %rem3A_648 = arith.constant 3 : i32
        %rem3A_649 = arith.remsi %add3A_602, %rem3A_648 : i32
        %dma_start3A_650 = arith.constant 1 : i32
        %dma_start3A_651 = arith.constant 0 : i32
        %dma_start3A_652 = arith.constant 0 : i32
        %dma_start3A_653 = tpu.memref_slice %arg7[%rem3A_649, %dma_start3A_651, %dma_start3A_652] : memref<3x128x128xf32, #tpu.memory_space<vmem>> -> memref<1x128x128xf32, #tpu.memory_space<vmem>>
        %dma_start3A_654 = tpu.memref_squeeze %dma_start3A_653 : memref<1x128x128xf32, #tpu.memory_space<vmem>> -> memref<128x128xf32, #tpu.memory_space<vmem>>
        %dma_start3A_655 = arith.constant 0 : i32
        %dma_start3A_656 = tpu.memref_slice %arg6[%rem3A_647, %dma_start3A_650, %dma_start3A_655] : memref<6x2x128xi32, #tpu.memory_space<vmem>> -> memref<1x1x128xi32, #tpu.memory_space<vmem>>
        %dma_start3A_657 = tpu.memref_squeeze %dma_start3A_656 : memref<1x1x128xi32, #tpu.memory_space<vmem>> -> memref<128xi32, #tpu.memory_space<vmem>>
        %dma_start3A_658 = arith.constant 0 : i32
        %dma_start3A_659 = arith.constant 0 : i32
        %dma_start3A_660 = tpu.memref_slice %arg5[%dma_start3A_658, %dma_start3A_659] : memref<10000x128xf32, #tpu.memory_space<vmem_shared>> -> memref<10000x128xf32, #tpu.memory_space<vmem_shared>>
        tpu.enqueue_indirect_dma source(%dma_start3A_654 : memref<128x128xf32, #tpu.memory_space<vmem>>) target(%dma_start3A_660 : memref<10000x128xf32, #tpu.memory_space<vmem_shared>>) offsets(%dma_start3A_657 : memref<128xi32, #tpu.memory_space<vmem>>) semaphore(%arg10 : memref<!tpu.dma_semaphore, #tpu.memory_space<semaphore_mem>>) {add = true}
        %ge3A_661 = arith.constant 1 : i32
        %ge3A_662 = arith.cmpi sge, %add3A_602, %ge3A_661 : i32
        %convert_element_type3A_663 = arith.extui %ge3A_662 : i1 to i32
        %cond3A_664 = arith.constant 0 : i32
        %cond3A_665 = arith.cmpi ne, %convert_element_type3A_663, %cond3A_664 : i32
        scf.if %cond3A_665 {
          %sub3A = arith.constant 1 : i32
          %sub3A_666 = arith.subi %add3A_602, %sub3A : i32
          %rem3A_667 = arith.constant 6 : i32
          %rem3A_668 = arith.remsi %sub3A_666, %rem3A_667 : i32
          %rem3A_669 = arith.constant 3 : i32
          %rem3A_670 = arith.remsi %sub3A_666, %rem3A_669 : i32
          %dma_wait3A_671 = arith.constant 1 : i32
          %dma_wait3A_672 = arith.constant 0 : i32
          %dma_wait3A_673 = arith.constant 0 : i32
          %dma_wait3A_674 = tpu.memref_slice %arg7[%rem3A_670, %dma_wait3A_672, %dma_wait3A_673] : memref<3x128x128xf32, #tpu.memory_space<vmem>> -> memref<1x128x128xf32, #tpu.memory_space<vmem>>
          %dma_wait3A_675 = tpu.memref_squeeze %dma_wait3A_674 : memref<1x128x128xf32, #tpu.memory_space<vmem>> -> memref<128x128xf32, #tpu.memory_space<vmem>>
          %dma_wait3A_676 = arith.constant 0 : i32
          %dma_wait3A_677 = tpu.memref_slice %arg6[%rem3A_668, %dma_wait3A_671, %dma_wait3A_676] : memref<6x2x128xi32, #tpu.memory_space<vmem>> -> memref<1x1x128xi32, #tpu.memory_space<vmem>>
          %dma_wait3A_678 = tpu.memref_squeeze %dma_wait3A_677 : memref<1x1x128xi32, #tpu.memory_space<vmem>> -> memref<128xi32, #tpu.memory_space<vmem>>
          %dma_wait3A_679 = arith.constant 0 : i32
          %dma_wait3A_680 = arith.constant 0 : i32
          %dma_wait3A_681 = tpu.memref_slice %arg5[%dma_wait3A_679, %dma_wait3A_680] : memref<10000x128xf32, #tpu.memory_space<vmem_shared>> -> memref<10000x128xf32, #tpu.memory_space<vmem_shared>>
          tpu.wait_indirect_dma semaphore(%arg10 : memref<!tpu.dma_semaphore, #tpu.memory_space<semaphore_mem>>) src(%dma_wait3A_675 : memref<128x128xf32, #tpu.memory_space<vmem>>) dst(%dma_wait3A_681 : memref<10000x128xf32, #tpu.memory_space<vmem_shared>>)
        } else {
        }
      } else {
      }
      %add3A_611 = arith.constant 2 : i32
      %add3A_612 = arith.addi %add3A_602, %add3A_611 : i32
      %mul3A_613 = arith.constant 32 : i32
      %mul3A_614 = arith.muli %add3A_612, %mul3A_613 : i32
      %add3A_615 = arith.addi %mul3A_614, %add3A : i32
      %lt3A_616 = arith.constant 2500 : i32
      %lt3A_617 = arith.cmpi slt, %add3A_615, %lt3A_616 : i32
      %convert_element_type3A_618 = arith.extui %lt3A_617 : i1 to i32
      %cond3A_619 = arith.constant 0 : i32
      %cond3A_620 = arith.cmpi ne, %convert_element_type3A_618, %cond3A_619 : i32
      scf.if %cond3A_620 {
        %add3A_631 = arith.constant 2 : i32
        %add3A_632 = arith.addi %add3A_602, %add3A_631 : i32
        %mul3A_633 = arith.constant 32 : i32
        %mul3A_634 = arith.muli %add3A_632, %mul3A_633 : i32
        %add3A_635 = arith.addi %mul3A_634, %add3A : i32
        %mul3A_636 = arith.constant 128 : i32
        %mul3A_637 = arith.muli %add3A_635, %mul3A_636 : i32
        %rem3A_638 = arith.constant 6 : i32
        %rem3A_639 = arith.remsi %add3A_632, %rem3A_638 : i32
        %dma_wait3A_640 = arith.constant 0 : i32
        %dma_wait3A_641 = arith.constant 0 : i32
        %dma_wait3A_642 = tpu.memref_slice %arg6[%rem3A_639, %dma_wait3A_640, %dma_wait3A_641] : memref<6x2x128xi32, #tpu.memory_space<vmem>> -> memref<1x2x128xi32, #tpu.memory_space<vmem>>
        %dma_wait3A_643 = tpu.memref_squeeze %dma_wait3A_642 : memref<1x2x128xi32, #tpu.memory_space<vmem>> -> memref<2x128xi32, #tpu.memory_space<vmem>>
        %dma_wait3A_644 = arith.constant 0 : i32
        %dma_wait3A_645 = tpu.memref_slice %arg3[%dma_wait3A_644, %mul3A_637] : memref<2x320000xi32, #tpu.memory_space<hbm>> -> memref<2x128xi32, #tpu.memory_space<hbm>>
        %dma_wait3A_646 = arith.constant 0 : i32
        %dma_wait3A_647 = arith.constant 0 : i32
        %dma_wait3A_648 = tpu.memref_slice %arg6[%rem3A_639, %dma_wait3A_646, %dma_wait3A_647] : memref<6x2x128xi32, #tpu.memory_space<vmem>> -> memref<1x2x128xi32, #tpu.memory_space<vmem>>
        %dma_wait3A_649 = tpu.memref_squeeze %dma_wait3A_648 : memref<1x2x128xi32, #tpu.memory_space<vmem>> -> memref<2x128xi32, #tpu.memory_space<vmem>>
        %dma_wait3A_650 = arith.constant 0 : i32
        %dma_wait3A_651 = tpu.memref_slice %arg3[%dma_wait3A_650, %mul3A_637] : memref<2x320000xi32, #tpu.memory_space<hbm>> -> memref<2x128xi32, #tpu.memory_space<hbm>>
        tpu.wait_dma2 semaphore(%arg8 : memref<!tpu.dma_semaphore, #tpu.memory_space<semaphore_mem>>) src(%dma_wait3A_651 : memref<2x128xi32, #tpu.memory_space<hbm>>) dst(%dma_wait3A_649 : memref<2x128xi32, #tpu.memory_space<vmem>>)
        %add3A_652 = arith.constant 2 : i32
        %add3A_653 = arith.addi %add3A_602, %add3A_652 : i32
        %rem3A_654 = arith.constant 6 : i32
        %rem3A_655 = arith.remsi %add3A_653, %rem3A_654 : i32
        %rem3A_656 = arith.constant 3 : i32
        %rem3A_657 = arith.remsi %add3A_653, %rem3A_656 : i32
        %dma_start3A_658 = arith.constant 0 : i32
        %dma_start3A_659 = arith.constant 0 : i32
        %dma_start3A_660 = arith.constant 0 : i32
        %dma_start3A_661 = tpu.memref_slice %arg7[%rem3A_657, %dma_start3A_659, %dma_start3A_660] : memref<3x128x128xf32, #tpu.memory_space<vmem>> -> memref<1x128x128xf32, #tpu.memory_space<vmem>>
        %dma_start3A_662 = tpu.memref_squeeze %dma_start3A_661 : memref<1x128x128xf32, #tpu.memory_space<vmem>> -> memref<128x128xf32, #tpu.memory_space<vmem>>
        %dma_start3A_663 = arith.constant 0 : i32
        %dma_start3A_664 = tpu.memref_slice %arg6[%rem3A_655, %dma_start3A_658, %dma_start3A_663] : memref<6x2x128xi32, #tpu.memory_space<vmem>> -> memref<1x1x128xi32, #tpu.memory_space<vmem>>
        %dma_start3A_665 = tpu.memref_squeeze %dma_start3A_664 : memref<1x1x128xi32, #tpu.memory_space<vmem>> -> memref<128xi32, #tpu.memory_space<vmem>>
        %dma_start3A_666 = arith.constant 0 : i32
        %dma_start3A_667 = arith.constant 0 : i32
        %dma_start3A_668 = tpu.memref_slice %arg2[%dma_start3A_666, %dma_start3A_667] : memref<10000x128xf32, #tpu.memory_space<hbm>> -> memref<10000x128xf32, #tpu.memory_space<hbm>>
        tpu.enqueue_indirect_dma source(%dma_start3A_668 : memref<10000x128xf32, #tpu.memory_space<hbm>>) target(%dma_start3A_662 : memref<128x128xf32, #tpu.memory_space<vmem>>) offsets(%dma_start3A_665 : memref<128xi32, #tpu.memory_space<vmem>>) semaphore(%arg9 : memref<!tpu.dma_semaphore, #tpu.memory_space<semaphore_mem>>)
      } else {
      }
      %add3A_621 = arith.constant 3 : i32
      %add3A_622 = arith.addi %add3A_602, %add3A_621 : i32
      %mul3A_623 = arith.constant 32 : i32
      %mul3A_624 = arith.muli %add3A_622, %mul3A_623 : i32
      %add3A_625 = arith.addi %mul3A_624, %add3A : i32
      %lt3A_626 = arith.constant 2500 : i32
      %lt3A_627 = arith.cmpi slt, %add3A_625, %lt3A_626 : i32
      %convert_element_type3A_628 = arith.extui %lt3A_627 : i1 to i32
      %cond3A_629 = arith.constant 0 : i32
      %cond3A_630 = arith.cmpi ne, %convert_element_type3A_628, %cond3A_629 : i32
      scf.if %cond3A_630 {
        %add3A_631 = arith.constant 3 : i32
        %add3A_632 = arith.addi %add3A_602, %add3A_631 : i32
        %mul3A_633 = arith.constant 32 : i32
        %mul3A_634 = arith.muli %add3A_632, %mul3A_633 : i32
        %add3A_635 = arith.addi %mul3A_634, %add3A : i32
        %mul3A_636 = arith.constant 128 : i32
        %mul3A_637 = arith.muli %add3A_635, %mul3A_636 : i32
        %rem3A_638 = arith.constant 6 : i32
        %rem3A_639 = arith.remsi %add3A_632, %rem3A_638 : i32
        %dma_start3A_640 = arith.constant 0 : i32
        %dma_start3A_641 = arith.constant 0 : i32
        %dma_start3A_642 = tpu.memref_slice %arg6[%rem3A_639, %dma_start3A_640, %dma_start3A_641] : memref<6x2x128xi32, #tpu.memory_space<vmem>> -> memref<1x2x128xi32, #tpu.memory_space<vmem>>
        %dma_start3A_643 = tpu.memref_squeeze %dma_start3A_642 : memref<1x2x128xi32, #tpu.memory_space<vmem>> -> memref<2x128xi32, #tpu.memory_space<vmem>>
        %dma_start3A_644 = arith.constant 0 : i32
        %dma_start3A_645 = tpu.memref_slice %arg3[%dma_start3A_644, %mul3A_637] : memref<2x320000xi32, #tpu.memory_space<hbm>> -> memref<2x128xi32, #tpu.memory_space<hbm>>
        %dma_start3A_646 = arith.constant 0 : i32
        %dma_start3A_647 = arith.constant 0 : i32
        %dma_start3A_648 = tpu.memref_slice %arg6[%rem3A_639, %dma_start3A_646, %dma_start3A_647] : memref<6x2x128xi32, #tpu.memory_space<vmem>> -> memref<1x2x128xi32, #tpu.memory_space<vmem>>
        %dma_start3A_649 = tpu.memref_squeeze %dma_start3A_648 : memref<1x2x128xi32, #tpu.memory_space<vmem>> -> memref<2x128xi32, #tpu.memory_space<vmem>>
        %dma_start3A_650 = arith.constant 0 : i32
        %dma_start3A_651 = tpu.memref_slice %arg3[%dma_start3A_650, %mul3A_637] : memref<2x320000xi32, #tpu.memory_space<hbm>> -> memref<2x128xi32, #tpu.memory_space<hbm>>
        tpu.enqueue_dma source(%dma_start3A_651 : memref<2x128xi32, #tpu.memory_space<hbm>>) target(%dma_start3A_649 : memref<2x128xi32, #tpu.memory_space<vmem>>) target_semaphore(%arg8 : memref<!tpu.dma_semaphore, #tpu.memory_space<semaphore_mem>>)
      } else {
      }
    }
    %scan3A_346 = arith.constant 79 : i32
    %add3A_347 = arith.constant 2496 : i32
    %add3A_348 = arith.addi %add3A_347, %add3A : i32
    %lt3A = arith.constant 2500 : i32
    %lt3A_349 = arith.cmpi slt, %add3A_348, %lt3A : i32
    %convert_element_type3A_350 = arith.extui %lt3A_349 : i1 to i32
    %cond3A_351 = arith.constant 0 : i32
    %cond3A_352 = arith.cmpi ne, %convert_element_type3A_350, %cond3A_351 : i32
    scf.if %cond3A_352 {
      %rem3A_598 = arith.constant 78 : i32
      %rem3A_599 = arith.constant 6 : i32
      %rem3A_600 = arith.remsi %rem3A_598, %rem3A_599 : i32
      %rem3A_601 = arith.constant 78 : i32
      %rem3A_602 = arith.constant 3 : i32
      %rem3A_603 = arith.remsi %rem3A_601, %rem3A_602 : i32
      %dma_wait3A_604 = arith.constant 1 : i32
      %dma_wait3A_605 = arith.constant 0 : i32
      %dma_wait3A_606 = arith.constant 0 : i32
      %dma_wait3A_607 = tpu.memref_slice %arg7[%rem3A_603, %dma_wait3A_605, %dma_wait3A_606] : memref<3x128x128xf32, #tpu.memory_space<vmem>> -> memref<1x128x128xf32, #tpu.memory_space<vmem>>
      %dma_wait3A_608 = tpu.memref_squeeze %dma_wait3A_607 : memref<1x128x128xf32, #tpu.memory_space<vmem>> -> memref<128x128xf32, #tpu.memory_space<vmem>>
      %dma_wait3A_609 = arith.constant 0 : i32
      %dma_wait3A_610 = tpu.memref_slice %arg6[%rem3A_600, %dma_wait3A_604, %dma_wait3A_609] : memref<6x2x128xi32, #tpu.memory_space<vmem>> -> memref<1x1x128xi32, #tpu.memory_space<vmem>>
      %dma_wait3A_611 = tpu.memref_squeeze %dma_wait3A_610 : memref<1x1x128xi32, #tpu.memory_space<vmem>> -> memref<128xi32, #tpu.memory_space<vmem>>
      %dma_wait3A_612 = arith.constant 0 : i32
      %dma_wait3A_613 = arith.constant 0 : i32
      %dma_wait3A_614 = tpu.memref_slice %arg5[%dma_wait3A_612, %dma_wait3A_613] : memref<10000x128xf32, #tpu.memory_space<vmem_shared>> -> memref<10000x128xf32, #tpu.memory_space<vmem_shared>>
      tpu.wait_indirect_dma semaphore(%arg10 : memref<!tpu.dma_semaphore, #tpu.memory_space<semaphore_mem>>) src(%dma_wait3A_608 : memref<128x128xf32, #tpu.memory_space<vmem>>) dst(%dma_wait3A_614 : memref<10000x128xf32, #tpu.memory_space<vmem_shared>>)
    } else {
    }
    %add3A_353 = arith.constant 2496 : i32
    %add3A_354 = arith.addi %add3A_353, %add3A : i32
    %ge3A = arith.constant 2500 : i32
    %ge3A_355 = arith.cmpi sge, %add3A_354, %ge3A : i32
    %convert_element_type3A_356 = arith.extui %ge3A_355 : i1 to i32
    %cond3A_357 = arith.constant 0 : i32
    %cond3A_358 = arith.cmpi ne, %convert_element_type3A_356, %cond3A_357 : i32
    scf.if %cond3A_358 {
      %rem3A_598 = arith.constant 77 : i32
      %rem3A_599 = arith.constant 6 : i32
      %rem3A_600 = arith.remsi %rem3A_598, %rem3A_599 : i32
      %rem3A_601 = arith.constant 77 : i32
      %rem3A_602 = arith.constant 3 : i32
      %rem3A_603 = arith.remsi %rem3A_601, %rem3A_602 : i32
      %dma_wait3A_604 = arith.constant 1 : i32
      %dma_wait3A_605 = arith.constant 0 : i32
      %dma_wait3A_606 = arith.constant 0 : i32
      %dma_wait3A_607 = tpu.memref_slice %arg7[%rem3A_603, %dma_wait3A_605, %dma_wait3A_606] : memref<3x128x128xf32, #tpu.memory_space<vmem>> -> memref<1x128x128xf32, #tpu.memory_space<vmem>>
      %dma_wait3A_608 = tpu.memref_squeeze %dma_wait3A_607 : memref<1x128x128xf32, #tpu.memory_space<vmem>> -> memref<128x128xf32, #tpu.memory_space<vmem>>
      %dma_wait3A_609 = arith.constant 0 : i32
      %dma_wait3A_610 = tpu.memref_slice %arg6[%rem3A_600, %dma_wait3A_604, %dma_wait3A_609] : memref<6x2x128xi32, #tpu.memory_space<vmem>> -> memref<1x1x128xi32, #tpu.memory_space<vmem>>
      %dma_wait3A_611 = tpu.memref_squeeze %dma_wait3A_610 : memref<1x1x128xi32, #tpu.memory_space<vmem>> -> memref<128xi32, #tpu.memory_space<vmem>>
      %dma_wait3A_612 = arith.constant 0 : i32
      %dma_wait3A_613 = arith.constant 0 : i32
      %dma_wait3A_614 = tpu.memref_slice %arg5[%dma_wait3A_612, %dma_wait3A_613] : memref<10000x128xf32, #tpu.memory_space<vmem_shared>> -> memref<10000x128xf32, #tpu.memory_space<vmem_shared>>
      tpu.wait_indirect_dma semaphore(%arg10 : memref<!tpu.dma_semaphore, #tpu.memory_space<semaphore_mem>>) src(%dma_wait3A_608 : memref<128x128xf32, #tpu.memory_space<vmem>>) dst(%dma_wait3A_614 : memref<10000x128xf32, #tpu.memory_space<vmem_shared>>)
    } else {
    }
    %barrier3A_359 = arith.constant 0 : index
    tpu.barrier barrier_id(%barrier3A_359)
    %mul3A_360 = arith.constant 624 : i32
    %mul3A_361 = arith.muli %arg1, %mul3A_360 : i32
    %add3A_362 = arith.constant 0 : i32
    %add3A_363 = arith.addi %mul3A_361, %add3A_362 : i32
    %run_scoped3A = arith.constant 0 : i32
    "tpu.region"() ({
      %run_scoped3A_598 = tpu.sem_alloc : memref<!tpu.dma_semaphore, #tpu.memory_space<semaphore_mem>>
      %dma_start3A_599 = arith.constant 0 : i32
      %dma_start3A_600 = arith.constant 0 : i32
      %dma_start3A_601 = tpu.memref_slice %arg7[%run_scoped3A, %dma_start3A_599, %dma_start3A_600] : memref<3x128x128xf32, #tpu.memory_space<vmem>> -> memref<1x104x128xf32, #tpu.memory_space<vmem>>
      %dma_start3A_602 = tpu.memref_squeeze %dma_start3A_601 : memref<1x104x128xf32, #tpu.memory_space<vmem>> -> memref<104x128xf32, #tpu.memory_space<vmem>>
      %dma_start3A_603 = arith.constant 0 : i32
      %dma_start3A_604 = tpu.memref_slice %arg5[%add3A_363, %dma_start3A_603] : memref<10000x128xf32, #tpu.memory_space<vmem_shared>> -> memref<104x128xf32, #tpu.memory_space<vmem_shared>>
      %dma_start3A_605 = arith.constant 0 : i32
      %dma_start3A_606 = arith.constant 0 : i32
      %dma_start3A_607 = tpu.memref_slice %arg7[%run_scoped3A, %dma_start3A_605, %dma_start3A_606] : memref<3x128x128xf32, #tpu.memory_space<vmem>> -> memref<1x104x128xf32, #tpu.memory_space<vmem>>
      %dma_start3A_608 = tpu.memref_squeeze %dma_start3A_607 : memref<1x104x128xf32, #tpu.memory_space<vmem>> -> memref<104x128xf32, #tpu.memory_space<vmem>>
      %dma_start3A_609 = arith.constant 0 : i32
      %dma_start3A_610 = tpu.memref_slice %arg5[%add3A_363, %dma_start3A_609] : memref<10000x128xf32, #tpu.memory_space<vmem_shared>> -> memref<104x128xf32, #tpu.memory_space<vmem_shared>>
      tpu.enqueue_dma source(%dma_start3A_610 : memref<104x128xf32, #tpu.memory_space<vmem_shared>>) target(%dma_start3A_608 : memref<104x128xf32, #tpu.memory_space<vmem>>) target_semaphore(%run_scoped3A_598 : memref<!tpu.dma_semaphore, #tpu.memory_space<semaphore_mem>>)
      %dma_wait3A_611 = arith.constant 0 : i32
      %dma_wait3A_612 = arith.constant 0 : i32
      %dma_wait3A_613 = tpu.memref_slice %arg7[%run_scoped3A, %dma_wait3A_611, %dma_wait3A_612] : memref<3x128x128xf32, #tpu.memory_space<vmem>> -> memref<1x104x128xf32, #tpu.memory_space<vmem>>
      %dma_wait3A_614 = tpu.memref_squeeze %dma_wait3A_613 : memref<1x104x128xf32, #tpu.memory_space<vmem>> -> memref<104x128xf32, #tpu.memory_space<vmem>>
      %dma_wait3A_615 = arith.constant 0 : i32
      %dma_wait3A_616 = tpu.memref_slice %arg5[%add3A_363, %dma_wait3A_615] : memref<10000x128xf32, #tpu.memory_space<vmem_shared>> -> memref<104x128xf32, #tpu.memory_space<vmem_shared>>
      %dma_wait3A_617 = arith.constant 0 : i32
      %dma_wait3A_618 = arith.constant 0 : i32
      %dma_wait3A_619 = tpu.memref_slice %arg7[%run_scoped3A, %dma_wait3A_617, %dma_wait3A_618] : memref<3x128x128xf32, #tpu.memory_space<vmem>> -> memref<1x104x128xf32, #tpu.memory_space<vmem>>
      %dma_wait3A_620 = tpu.memref_squeeze %dma_wait3A_619 : memref<1x104x128xf32, #tpu.memory_space<vmem>> -> memref<104x128xf32, #tpu.memory_space<vmem>>
      %dma_wait3A_621 = arith.constant 0 : i32
      %dma_wait3A_622 = tpu.memref_slice %arg5[%add3A_363, %dma_wait3A_621] : memref<10000x128xf32, #tpu.memory_space<vmem_shared>> -> memref<104x128xf32, #tpu.memory_space<vmem_shared>>
      tpu.wait_dma2 semaphore(%run_scoped3A_598 : memref<!tpu.dma_semaphore, #tpu.memory_space<semaphore_mem>>) src(%dma_wait3A_622 : memref<104x128xf32, #tpu.memory_space<vmem_shared>>) dst(%dma_wait3A_620 : memref<104x128xf32, #tpu.memory_space<vmem>>)
      tpu.yield
    }) : () -> ()
    %dma_start3A_364 = arith.constant 0 : i32
    %dma_start3A_365 = arith.constant 0 : i32
    %dma_start3A_366 = arith.constant 0 : i32
    %dma_start3A_367 = tpu.memref_slice %arg7[%dma_start3A_364, %dma_start3A_365, %dma_start3A_366] : memref<3x128x128xf32, #tpu.memory_space<vmem>> -> memref<1x104x128xf32, #tpu.memory_space<vmem>>
    %dma_start3A_368 = tpu.memref_squeeze %dma_start3A_367 : memref<1x104x128xf32, #tpu.memory_space<vmem>> -> memref<104x128xf32, #tpu.memory_space<vmem>>
    %dma_start3A_369 = arith.constant 0 : i32
    %dma_start3A_370 = tpu.memref_slice %arg4[%arg0, %add3A_363, %dma_start3A_369] : memref<2x10000x128xf32, #tpu.memory_space<hbm>> -> memref<1x104x128xf32, #tpu.memory_space<hbm>>
    %dma_start3A_371 = tpu.memref_squeeze %dma_start3A_370 : memref<1x104x128xf32, #tpu.memory_space<hbm>> -> memref<104x128xf32, #tpu.memory_space<hbm>>
    %dma_start3A_372 = arith.constant 0 : i32
    %dma_start3A_373 = tpu.memref_slice %arg4[%arg0, %add3A_363, %dma_start3A_372] : memref<2x10000x128xf32, #tpu.memory_space<hbm>> -> memref<1x104x128xf32, #tpu.memory_space<hbm>>
    %dma_start3A_374 = tpu.memref_squeeze %dma_start3A_373 : memref<1x104x128xf32, #tpu.memory_space<hbm>> -> memref<104x128xf32, #tpu.memory_space<hbm>>
    %dma_start3A_375 = arith.constant 0 : i32
    %dma_start3A_376 = arith.constant 0 : i32
    %dma_start3A_377 = tpu.memref_slice %arg7[%dma_start3A_364, %dma_start3A_375, %dma_start3A_376] : memref<3x128x128xf32, #tpu.memory_space<vmem>> -> memref<1x104x128xf32, #tpu.memory_space<vmem>>
    %dma_start3A_378 = tpu.memref_squeeze %dma_start3A_377 : memref<1x104x128xf32, #tpu.memory_space<vmem>> -> memref<104x128xf32, #tpu.memory_space<vmem>>
    tpu.enqueue_dma source(%dma_start3A_378 : memref<104x128xf32, #tpu.memory_space<vmem>>) target(%dma_start3A_374 : memref<104x128xf32, #tpu.memory_space<hbm>>) target_semaphore(%arg11 : memref<!tpu.dma_semaphore, #tpu.memory_space<semaphore_mem>>)
    %mul3A_379 = arith.constant 624 : i32
    %mul3A_380 = arith.muli %arg1, %mul3A_379 : i32
    %add3A_381 = arith.constant 104 : i32
    %add3A_382 = arith.addi %mul3A_380, %add3A_381 : i32
    %run_scoped3A_383 = arith.constant 1 : i32
    "tpu.region"() ({
      %run_scoped3A_598 = tpu.sem_alloc : memref<!tpu.dma_semaphore, #tpu.memory_space<semaphore_mem>>
      %dma_start3A_599 = arith.constant 0 : i32
      %dma_start3A_600 = arith.constant 0 : i32
      %dma_start3A_601 = tpu.memref_slice %arg7[%run_scoped3A_383, %dma_start3A_599, %dma_start3A_600] : memref<3x128x128xf32, #tpu.memory_space<vmem>> -> memref<1x104x128xf32, #tpu.memory_space<vmem>>
      %dma_start3A_602 = tpu.memref_squeeze %dma_start3A_601 : memref<1x104x128xf32, #tpu.memory_space<vmem>> -> memref<104x128xf32, #tpu.memory_space<vmem>>
      %dma_start3A_603 = arith.constant 0 : i32
      %dma_start3A_604 = tpu.memref_slice %arg5[%add3A_382, %dma_start3A_603] : memref<10000x128xf32, #tpu.memory_space<vmem_shared>> -> memref<104x128xf32, #tpu.memory_space<vmem_shared>>
      %dma_start3A_605 = arith.constant 0 : i32
      %dma_start3A_606 = arith.constant 0 : i32
      %dma_start3A_607 = tpu.memref_slice %arg7[%run_scoped3A_383, %dma_start3A_605, %dma_start3A_606] : memref<3x128x128xf32, #tpu.memory_space<vmem>> -> memref<1x104x128xf32, #tpu.memory_space<vmem>>
      %dma_start3A_608 = tpu.memref_squeeze %dma_start3A_607 : memref<1x104x128xf32, #tpu.memory_space<vmem>> -> memref<104x128xf32, #tpu.memory_space<vmem>>
      %dma_start3A_609 = arith.constant 0 : i32
      %dma_start3A_610 = tpu.memref_slice %arg5[%add3A_382, %dma_start3A_609] : memref<10000x128xf32, #tpu.memory_space<vmem_shared>> -> memref<104x128xf32, #tpu.memory_space<vmem_shared>>
      tpu.enqueue_dma source(%dma_start3A_610 : memref<104x128xf32, #tpu.memory_space<vmem_shared>>) target(%dma_start3A_608 : memref<104x128xf32, #tpu.memory_space<vmem>>) target_semaphore(%run_scoped3A_598 : memref<!tpu.dma_semaphore, #tpu.memory_space<semaphore_mem>>)
      %dma_wait3A_611 = arith.constant 0 : i32
      %dma_wait3A_612 = arith.constant 0 : i32
      %dma_wait3A_613 = tpu.memref_slice %arg7[%run_scoped3A_383, %dma_wait3A_611, %dma_wait3A_612] : memref<3x128x128xf32, #tpu.memory_space<vmem>> -> memref<1x104x128xf32, #tpu.memory_space<vmem>>
      %dma_wait3A_614 = tpu.memref_squeeze %dma_wait3A_613 : memref<1x104x128xf32, #tpu.memory_space<vmem>> -> memref<104x128xf32, #tpu.memory_space<vmem>>
      %dma_wait3A_615 = arith.constant 0 : i32
      %dma_wait3A_616 = tpu.memref_slice %arg5[%add3A_382, %dma_wait3A_615] : memref<10000x128xf32, #tpu.memory_space<vmem_shared>> -> memref<104x128xf32, #tpu.memory_space<vmem_shared>>
      %dma_wait3A_617 = arith.constant 0 : i32
      %dma_wait3A_618 = arith.constant 0 : i32
      %dma_wait3A_619 = tpu.memref_slice %arg7[%run_scoped3A_383, %dma_wait3A_617, %dma_wait3A_618] : memref<3x128x128xf32, #tpu.memory_space<vmem>> -> memref<1x104x128xf32, #tpu.memory_space<vmem>>
      %dma_wait3A_620 = tpu.memref_squeeze %dma_wait3A_619 : memref<1x104x128xf32, #tpu.memory_space<vmem>> -> memref<104x128xf32, #tpu.memory_space<vmem>>
      %dma_wait3A_621 = arith.constant 0 : i32
      %dma_wait3A_622 = tpu.memref_slice %arg5[%add3A_382, %dma_wait3A_621] : memref<10000x128xf32, #tpu.memory_space<vmem_shared>> -> memref<104x128xf32, #tpu.memory_space<vmem_shared>>
      tpu.wait_dma2 semaphore(%run_scoped3A_598 : memref<!tpu.dma_semaphore, #tpu.memory_space<semaphore_mem>>) src(%dma_wait3A_622 : memref<104x128xf32, #tpu.memory_space<vmem_shared>>) dst(%dma_wait3A_620 : memref<104x128xf32, #tpu.memory_space<vmem>>)
      tpu.yield
    }) : () -> ()
    %dma_start3A_384 = arith.constant 1 : i32
    %dma_start3A_385 = arith.constant 0 : i32
    %dma_start3A_386 = arith.constant 0 : i32
    %dma_start3A_387 = tpu.memref_slice %arg7[%dma_start3A_384, %dma_start3A_385, %dma_start3A_386] : memref<3x128x128xf32, #tpu.memory_space<vmem>> -> memref<1x104x128xf32, #tpu.memory_space<vmem>>
    %dma_start3A_388 = tpu.memref_squeeze %dma_start3A_387 : memref<1x104x128xf32, #tpu.memory_space<vmem>> -> memref<104x128xf32, #tpu.memory_space<vmem>>
    %dma_start3A_389 = arith.constant 0 : i32
    %dma_start3A_390 = tpu.memref_slice %arg4[%arg0, %add3A_382, %dma_start3A_389] : memref<2x10000x128xf32, #tpu.memory_space<hbm>> -> memref<1x104x128xf32, #tpu.memory_space<hbm>>
    %dma_start3A_391 = tpu.memref_squeeze %dma_start3A_390 : memref<1x104x128xf32, #tpu.memory_space<hbm>> -> memref<104x128xf32, #tpu.memory_space<hbm>>
    %dma_start3A_392 = arith.constant 0 : i32
    %dma_start3A_393 = tpu.memref_slice %arg4[%arg0, %add3A_382, %dma_start3A_392] : memref<2x10000x128xf32, #tpu.memory_space<hbm>> -> memref<1x104x128xf32, #tpu.memory_space<hbm>>
    %dma_start3A_394 = tpu.memref_squeeze %dma_start3A_393 : memref<1x104x128xf32, #tpu.memory_space<hbm>> -> memref<104x128xf32, #tpu.memory_space<hbm>>
    %dma_start3A_395 = arith.constant 0 : i32
    %dma_start3A_396 = arith.constant 0 : i32
    %dma_start3A_397 = tpu.memref_slice %arg7[%dma_start3A_384, %dma_start3A_395, %dma_start3A_396] : memref<3x128x128xf32, #tpu.memory_space<vmem>> -> memref<1x104x128xf32, #tpu.memory_space<vmem>>
    %dma_start3A_398 = tpu.memref_squeeze %dma_start3A_397 : memref<1x104x128xf32, #tpu.memory_space<vmem>> -> memref<104x128xf32, #tpu.memory_space<vmem>>
    tpu.enqueue_dma source(%dma_start3A_398 : memref<104x128xf32, #tpu.memory_space<vmem>>) target(%dma_start3A_394 : memref<104x128xf32, #tpu.memory_space<hbm>>) target_semaphore(%arg11 : memref<!tpu.dma_semaphore, #tpu.memory_space<semaphore_mem>>)
    %mul3A_399 = arith.constant 624 : i32
    %mul3A_400 = arith.muli %arg1, %mul3A_399 : i32
    %add3A_401 = arith.constant 208 : i32
    %add3A_402 = arith.addi %mul3A_400, %add3A_401 : i32
    %mul3A_403 = arith.constant 624 : i32
    %mul3A_404 = arith.muli %arg1, %mul3A_403 : i32
    %add3A_405 = arith.constant 0 : i32
    %add3A_406 = arith.addi %mul3A_404, %add3A_405 : i32
    %dma_wait3A_407 = arith.constant 0 : i32
    %dma_wait3A_408 = arith.constant 0 : i32
    %dma_wait3A_409 = arith.constant 0 : i32
    %dma_wait3A_410 = tpu.memref_slice %arg7[%dma_wait3A_407, %dma_wait3A_408, %dma_wait3A_409] : memref<3x128x128xf32, #tpu.memory_space<vmem>> -> memref<1x104x128xf32, #tpu.memory_space<vmem>>
    %dma_wait3A_411 = tpu.memref_squeeze %dma_wait3A_410 : memref<1x104x128xf32, #tpu.memory_space<vmem>> -> memref<104x128xf32, #tpu.memory_space<vmem>>
    %dma_wait3A_412 = arith.constant 0 : i32
    %dma_wait3A_413 = tpu.memref_slice %arg4[%arg0, %add3A_406, %dma_wait3A_412] : memref<2x10000x128xf32, #tpu.memory_space<hbm>> -> memref<1x104x128xf32, #tpu.memory_space<hbm>>
    %dma_wait3A_414 = tpu.memref_squeeze %dma_wait3A_413 : memref<1x104x128xf32, #tpu.memory_space<hbm>> -> memref<104x128xf32, #tpu.memory_space<hbm>>
    %dma_wait3A_415 = arith.constant 0 : i32
    %dma_wait3A_416 = tpu.memref_slice %arg4[%arg0, %add3A_406, %dma_wait3A_415] : memref<2x10000x128xf32, #tpu.memory_space<hbm>> -> memref<1x104x128xf32, #tpu.memory_space<hbm>>
    %dma_wait3A_417 = tpu.memref_squeeze %dma_wait3A_416 : memref<1x104x128xf32, #tpu.memory_space<hbm>> -> memref<104x128xf32, #tpu.memory_space<hbm>>
    %dma_wait3A_418 = arith.constant 0 : i32
    %dma_wait3A_419 = arith.constant 0 : i32
    %dma_wait3A_420 = tpu.memref_slice %arg7[%dma_wait3A_407, %dma_wait3A_418, %dma_wait3A_419] : memref<3x128x128xf32, #tpu.memory_space<vmem>> -> memref<1x104x128xf32, #tpu.memory_space<vmem>>
    %dma_wait3A_421 = tpu.memref_squeeze %dma_wait3A_420 : memref<1x104x128xf32, #tpu.memory_space<vmem>> -> memref<104x128xf32, #tpu.memory_space<vmem>>
    tpu.wait_dma2 semaphore(%arg11 : memref<!tpu.dma_semaphore, #tpu.memory_space<semaphore_mem>>) src(%dma_wait3A_421 : memref<104x128xf32, #tpu.memory_space<vmem>>) dst(%dma_wait3A_417 : memref<104x128xf32, #tpu.memory_space<hbm>>)
    %run_scoped3A_422 = arith.constant 0 : i32
    "tpu.region"() ({
      %run_scoped3A_598 = tpu.sem_alloc : memref<!tpu.dma_semaphore, #tpu.memory_space<semaphore_mem>>
      %dma_start3A_599 = arith.constant 0 : i32
      %dma_start3A_600 = arith.constant 0 : i32
      %dma_start3A_601 = tpu.memref_slice %arg7[%run_scoped3A_422, %dma_start3A_599, %dma_start3A_600] : memref<3x128x128xf32, #tpu.memory_space<vmem>> -> memref<1x104x128xf32, #tpu.memory_space<vmem>>
      %dma_start3A_602 = tpu.memref_squeeze %dma_start3A_601 : memref<1x104x128xf32, #tpu.memory_space<vmem>> -> memref<104x128xf32, #tpu.memory_space<vmem>>
      %dma_start3A_603 = arith.constant 0 : i32
      %dma_start3A_604 = tpu.memref_slice %arg5[%add3A_402, %dma_start3A_603] : memref<10000x128xf32, #tpu.memory_space<vmem_shared>> -> memref<104x128xf32, #tpu.memory_space<vmem_shared>>
      %dma_start3A_605 = arith.constant 0 : i32
      %dma_start3A_606 = arith.constant 0 : i32
      %dma_start3A_607 = tpu.memref_slice %arg7[%run_scoped3A_422, %dma_start3A_605, %dma_start3A_606] : memref<3x128x128xf32, #tpu.memory_space<vmem>> -> memref<1x104x128xf32, #tpu.memory_space<vmem>>
      %dma_start3A_608 = tpu.memref_squeeze %dma_start3A_607 : memref<1x104x128xf32, #tpu.memory_space<vmem>> -> memref<104x128xf32, #tpu.memory_space<vmem>>
      %dma_start3A_609 = arith.constant 0 : i32
      %dma_start3A_610 = tpu.memref_slice %arg5[%add3A_402, %dma_start3A_609] : memref<10000x128xf32, #tpu.memory_space<vmem_shared>> -> memref<104x128xf32, #tpu.memory_space<vmem_shared>>
      tpu.enqueue_dma source(%dma_start3A_610 : memref<104x128xf32, #tpu.memory_space<vmem_shared>>) target(%dma_start3A_608 : memref<104x128xf32, #tpu.memory_space<vmem>>) target_semaphore(%run_scoped3A_598 : memref<!tpu.dma_semaphore, #tpu.memory_space<semaphore_mem>>)
      %dma_wait3A_611 = arith.constant 0 : i32
      %dma_wait3A_612 = arith.constant 0 : i32
      %dma_wait3A_613 = tpu.memref_slice %arg7[%run_scoped3A_422, %dma_wait3A_611, %dma_wait3A_612] : memref<3x128x128xf32, #tpu.memory_space<vmem>> -> memref<1x104x128xf32, #tpu.memory_space<vmem>>
      %dma_wait3A_614 = tpu.memref_squeeze %dma_wait3A_613 : memref<1x104x128xf32, #tpu.memory_space<vmem>> -> memref<104x128xf32, #tpu.memory_space<vmem>>
      %dma_wait3A_615 = arith.constant 0 : i32
      %dma_wait3A_616 = tpu.memref_slice %arg5[%add3A_402, %dma_wait3A_615] : memref<10000x128xf32, #tpu.memory_space<vmem_shared>> -> memref<104x128xf32, #tpu.memory_space<vmem_shared>>
      %dma_wait3A_617 = arith.constant 0 : i32
      %dma_wait3A_618 = arith.constant 0 : i32
      %dma_wait3A_619 = tpu.memref_slice %arg7[%run_scoped3A_422, %dma_wait3A_617, %dma_wait3A_618] : memref<3x128x128xf32, #tpu.memory_space<vmem>> -> memref<1x104x128xf32, #tpu.memory_space<vmem>>
      %dma_wait3A_620 = tpu.memref_squeeze %dma_wait3A_619 : memref<1x104x128xf32, #tpu.memory_space<vmem>> -> memref<104x128xf32, #tpu.memory_space<vmem>>
      %dma_wait3A_621 = arith.constant 0 : i32
      %dma_wait3A_622 = tpu.memref_slice %arg5[%add3A_402, %dma_wait3A_621] : memref<10000x128xf32, #tpu.memory_space<vmem_shared>> -> memref<104x128xf32, #tpu.memory_space<vmem_shared>>
      tpu.wait_dma2 semaphore(%run_scoped3A_598 : memref<!tpu.dma_semaphore, #tpu.memory_space<semaphore_mem>>) src(%dma_wait3A_622 : memref<104x128xf32, #tpu.memory_space<vmem_shared>>) dst(%dma_wait3A_620 : memref<104x128xf32, #tpu.memory_space<vmem>>)
      tpu.yield
    }) : () -> ()
    %dma_start3A_423 = arith.constant 0 : i32
    %dma_start3A_424 = arith.constant 0 : i32
    %dma_start3A_425 = arith.constant 0 : i32
    %dma_start3A_426 = tpu.memref_slice %arg7[%dma_start3A_423, %dma_start3A_424, %dma_start3A_425] : memref<3x128x128xf32, #tpu.memory_space<vmem>> -> memref<1x104x128xf32, #tpu.memory_space<vmem>>
    %dma_start3A_427 = tpu.memref_squeeze %dma_start3A_426 : memref<1x104x128xf32, #tpu.memory_space<vmem>> -> memref<104x128xf32, #tpu.memory_space<vmem>>
    %dma_start3A_428 = arith.constant 0 : i32
    %dma_start3A_429 = tpu.memref_slice %arg4[%arg0, %add3A_402, %dma_start3A_428] : memref<2x10000x128xf32, #tpu.memory_space<hbm>> -> memref<1x104x128xf32, #tpu.memory_space<hbm>>
    %dma_start3A_430 = tpu.memref_squeeze %dma_start3A_429 : memref<1x104x128xf32, #tpu.memory_space<hbm>> -> memref<104x128xf32, #tpu.memory_space<hbm>>
    %dma_start3A_431 = arith.constant 0 : i32
    %dma_start3A_432 = tpu.memref_slice %arg4[%arg0, %add3A_402, %dma_start3A_431] : memref<2x10000x128xf32, #tpu.memory_space<hbm>> -> memref<1x104x128xf32, #tpu.memory_space<hbm>>
    %dma_start3A_433 = tpu.memref_squeeze %dma_start3A_432 : memref<1x104x128xf32, #tpu.memory_space<hbm>> -> memref<104x128xf32, #tpu.memory_space<hbm>>
    %dma_start3A_434 = arith.constant 0 : i32
    %dma_start3A_435 = arith.constant 0 : i32
    %dma_start3A_436 = tpu.memref_slice %arg7[%dma_start3A_423, %dma_start3A_434, %dma_start3A_435] : memref<3x128x128xf32, #tpu.memory_space<vmem>> -> memref<1x104x128xf32, #tpu.memory_space<vmem>>
    %dma_start3A_437 = tpu.memref_squeeze %dma_start3A_436 : memref<1x104x128xf32, #tpu.memory_space<vmem>> -> memref<104x128xf32, #tpu.memory_space<vmem>>
    tpu.enqueue_dma source(%dma_start3A_437 : memref<104x128xf32, #tpu.memory_space<vmem>>) target(%dma_start3A_433 : memref<104x128xf32, #tpu.memory_space<hbm>>) target_semaphore(%arg11 : memref<!tpu.dma_semaphore, #tpu.memory_space<semaphore_mem>>)
    %mul3A_438 = arith.constant 624 : i32
    %mul3A_439 = arith.muli %arg1, %mul3A_438 : i32
    %add3A_440 = arith.constant 312 : i32
    %add3A_441 = arith.addi %mul3A_439, %add3A_440 : i32
    %mul3A_442 = arith.constant 624 : i32
    %mul3A_443 = arith.muli %arg1, %mul3A_442 : i32
    %add3A_444 = arith.constant 104 : i32
    %add3A_445 = arith.addi %mul3A_443, %add3A_444 : i32
    %dma_wait3A_446 = arith.constant 1 : i32
    %dma_wait3A_447 = arith.constant 0 : i32
    %dma_wait3A_448 = arith.constant 0 : i32
    %dma_wait3A_449 = tpu.memref_slice %arg7[%dma_wait3A_446, %dma_wait3A_447, %dma_wait3A_448] : memref<3x128x128xf32, #tpu.memory_space<vmem>> -> memref<1x104x128xf32, #tpu.memory_space<vmem>>
    %dma_wait3A_450 = tpu.memref_squeeze %dma_wait3A_449 : memref<1x104x128xf32, #tpu.memory_space<vmem>> -> memref<104x128xf32, #tpu.memory_space<vmem>>
    %dma_wait3A_451 = arith.constant 0 : i32
    %dma_wait3A_452 = tpu.memref_slice %arg4[%arg0, %add3A_445, %dma_wait3A_451] : memref<2x10000x128xf32, #tpu.memory_space<hbm>> -> memref<1x104x128xf32, #tpu.memory_space<hbm>>
    %dma_wait3A_453 = tpu.memref_squeeze %dma_wait3A_452 : memref<1x104x128xf32, #tpu.memory_space<hbm>> -> memref<104x128xf32, #tpu.memory_space<hbm>>
    %dma_wait3A_454 = arith.constant 0 : i32
    %dma_wait3A_455 = tpu.memref_slice %arg4[%arg0, %add3A_445, %dma_wait3A_454] : memref<2x10000x128xf32, #tpu.memory_space<hbm>> -> memref<1x104x128xf32, #tpu.memory_space<hbm>>
    %dma_wait3A_456 = tpu.memref_squeeze %dma_wait3A_455 : memref<1x104x128xf32, #tpu.memory_space<hbm>> -> memref<104x128xf32, #tpu.memory_space<hbm>>
    %dma_wait3A_457 = arith.constant 0 : i32
    %dma_wait3A_458 = arith.constant 0 : i32
    %dma_wait3A_459 = tpu.memref_slice %arg7[%dma_wait3A_446, %dma_wait3A_457, %dma_wait3A_458] : memref<3x128x128xf32, #tpu.memory_space<vmem>> -> memref<1x104x128xf32, #tpu.memory_space<vmem>>
    %dma_wait3A_460 = tpu.memref_squeeze %dma_wait3A_459 : memref<1x104x128xf32, #tpu.memory_space<vmem>> -> memref<104x128xf32, #tpu.memory_space<vmem>>
    tpu.wait_dma2 semaphore(%arg11 : memref<!tpu.dma_semaphore, #tpu.memory_space<semaphore_mem>>) src(%dma_wait3A_460 : memref<104x128xf32, #tpu.memory_space<vmem>>) dst(%dma_wait3A_456 : memref<104x128xf32, #tpu.memory_space<hbm>>)
    %run_scoped3A_461 = arith.constant 1 : i32
    "tpu.region"() ({
      %run_scoped3A_598 = tpu.sem_alloc : memref<!tpu.dma_semaphore, #tpu.memory_space<semaphore_mem>>
      %dma_start3A_599 = arith.constant 0 : i32
      %dma_start3A_600 = arith.constant 0 : i32
      %dma_start3A_601 = tpu.memref_slice %arg7[%run_scoped3A_461, %dma_start3A_599, %dma_start3A_600] : memref<3x128x128xf32, #tpu.memory_space<vmem>> -> memref<1x104x128xf32, #tpu.memory_space<vmem>>
      %dma_start3A_602 = tpu.memref_squeeze %dma_start3A_601 : memref<1x104x128xf32, #tpu.memory_space<vmem>> -> memref<104x128xf32, #tpu.memory_space<vmem>>
      %dma_start3A_603 = arith.constant 0 : i32
      %dma_start3A_604 = tpu.memref_slice %arg5[%add3A_441, %dma_start3A_603] : memref<10000x128xf32, #tpu.memory_space<vmem_shared>> -> memref<104x128xf32, #tpu.memory_space<vmem_shared>>
      %dma_start3A_605 = arith.constant 0 : i32
      %dma_start3A_606 = arith.constant 0 : i32
      %dma_start3A_607 = tpu.memref_slice %arg7[%run_scoped3A_461, %dma_start3A_605, %dma_start3A_606] : memref<3x128x128xf32, #tpu.memory_space<vmem>> -> memref<1x104x128xf32, #tpu.memory_space<vmem>>
      %dma_start3A_608 = tpu.memref_squeeze %dma_start3A_607 : memref<1x104x128xf32, #tpu.memory_space<vmem>> -> memref<104x128xf32, #tpu.memory_space<vmem>>
      %dma_start3A_609 = arith.constant 0 : i32
      %dma_start3A_610 = tpu.memref_slice %arg5[%add3A_441, %dma_start3A_609] : memref<10000x128xf32, #tpu.memory_space<vmem_shared>> -> memref<104x128xf32, #tpu.memory_space<vmem_shared>>
      tpu.enqueue_dma source(%dma_start3A_610 : memref<104x128xf32, #tpu.memory_space<vmem_shared>>) target(%dma_start3A_608 : memref<104x128xf32, #tpu.memory_space<vmem>>) target_semaphore(%run_scoped3A_598 : memref<!tpu.dma_semaphore, #tpu.memory_space<semaphore_mem>>)
      %dma_wait3A_611 = arith.constant 0 : i32
      %dma_wait3A_612 = arith.constant 0 : i32
      %dma_wait3A_613 = tpu.memref_slice %arg7[%run_scoped3A_461, %dma_wait3A_611, %dma_wait3A_612] : memref<3x128x128xf32, #tpu.memory_space<vmem>> -> memref<1x104x128xf32, #tpu.memory_space<vmem>>
      %dma_wait3A_614 = tpu.memref_squeeze %dma_wait3A_613 : memref<1x104x128xf32, #tpu.memory_space<vmem>> -> memref<104x128xf32, #tpu.memory_space<vmem>>
      %dma_wait3A_615 = arith.constant 0 : i32
      %dma_wait3A_616 = tpu.memref_slice %arg5[%add3A_441, %dma_wait3A_615] : memref<10000x128xf32, #tpu.memory_space<vmem_shared>> -> memref<104x128xf32, #tpu.memory_space<vmem_shared>>
      %dma_wait3A_617 = arith.constant 0 : i32
      %dma_wait3A_618 = arith.constant 0 : i32
      %dma_wait3A_619 = tpu.memref_slice %arg7[%run_scoped3A_461, %dma_wait3A_617, %dma_wait3A_618] : memref<3x128x128xf32, #tpu.memory_space<vmem>> -> memref<1x104x128xf32, #tpu.memory_space<vmem>>
      %dma_wait3A_620 = tpu.memref_squeeze %dma_wait3A_619 : memref<1x104x128xf32, #tpu.memory_space<vmem>> -> memref<104x128xf32, #tpu.memory_space<vmem>>
      %dma_wait3A_621 = arith.constant 0 : i32
      %dma_wait3A_622 = tpu.memref_slice %arg5[%add3A_441, %dma_wait3A_621] : memref<10000x128xf32, #tpu.memory_space<vmem_shared>> -> memref<104x128xf32, #tpu.memory_space<vmem_shared>>
      tpu.wait_dma2 semaphore(%run_scoped3A_598 : memref<!tpu.dma_semaphore, #tpu.memory_space<semaphore_mem>>) src(%dma_wait3A_622 : memref<104x128xf32, #tpu.memory_space<vmem_shared>>) dst(%dma_wait3A_620 : memref<104x128xf32, #tpu.memory_space<vmem>>)
      tpu.yield
    }) : () -> ()
    %dma_start3A_462 = arith.constant 1 : i32
    %dma_start3A_463 = arith.constant 0 : i32
    %dma_start3A_464 = arith.constant 0 : i32
    %dma_start3A_465 = tpu.memref_slice %arg7[%dma_start3A_462, %dma_start3A_463, %dma_start3A_464] : memref<3x128x128xf32, #tpu.memory_space<vmem>> -> memref<1x104x128xf32, #tpu.memory_space<vmem>>
    %dma_start3A_466 = tpu.memref_squeeze %dma_start3A_465 : memref<1x104x128xf32, #tpu.memory_space<vmem>> -> memref<104x128xf32, #tpu.memory_space<vmem>>
    %dma_start3A_467 = arith.constant 0 : i32
    %dma_start3A_468 = tpu.memref_slice %arg4[%arg0, %add3A_441, %dma_start3A_467] : memref<2x10000x128xf32, #tpu.memory_space<hbm>> -> memref<1x104x128xf32, #tpu.memory_space<hbm>>
    %dma_start3A_469 = tpu.memref_squeeze %dma_start3A_468 : memref<1x104x128xf32, #tpu.memory_space<hbm>> -> memref<104x128xf32, #tpu.memory_space<hbm>>
    %dma_start3A_470 = arith.constant 0 : i32
    %dma_start3A_471 = tpu.memref_slice %arg4[%arg0, %add3A_441, %dma_start3A_470] : memref<2x10000x128xf32, #tpu.memory_space<hbm>> -> memref<1x104x128xf32, #tpu.memory_space<hbm>>
    %dma_start3A_472 = tpu.memref_squeeze %dma_start3A_471 : memref<1x104x128xf32, #tpu.memory_space<hbm>> -> memref<104x128xf32, #tpu.memory_space<hbm>>
    %dma_start3A_473 = arith.constant 0 : i32
    %dma_start3A_474 = arith.constant 0 : i32
    %dma_start3A_475 = tpu.memref_slice %arg7[%dma_start3A_462, %dma_start3A_473, %dma_start3A_474] : memref<3x128x128xf32, #tpu.memory_space<vmem>> -> memref<1x104x128xf32, #tpu.memory_space<vmem>>
    %dma_start3A_476 = tpu.memref_squeeze %dma_start3A_475 : memref<1x104x128xf32, #tpu.memory_space<vmem>> -> memref<104x128xf32, #tpu.memory_space<vmem>>
    tpu.enqueue_dma source(%dma_start3A_476 : memref<104x128xf32, #tpu.memory_space<vmem>>) target(%dma_start3A_472 : memref<104x128xf32, #tpu.memory_space<hbm>>) target_semaphore(%arg11 : memref<!tpu.dma_semaphore, #tpu.memory_space<semaphore_mem>>)
    %mul3A_477 = arith.constant 624 : i32
    %mul3A_478 = arith.muli %arg1, %mul3A_477 : i32
    %add3A_479 = arith.constant 416 : i32
    %add3A_480 = arith.addi %mul3A_478, %add3A_479 : i32
    %mul3A_481 = arith.constant 624 : i32
    %mul3A_482 = arith.muli %arg1, %mul3A_481 : i32
    %add3A_483 = arith.constant 208 : i32
    %add3A_484 = arith.addi %mul3A_482, %add3A_483 : i32
    %dma_wait3A_485 = arith.constant 0 : i32
    %dma_wait3A_486 = arith.constant 0 : i32
    %dma_wait3A_487 = arith.constant 0 : i32
    %dma_wait3A_488 = tpu.memref_slice %arg7[%dma_wait3A_485, %dma_wait3A_486, %dma_wait3A_487] : memref<3x128x128xf32, #tpu.memory_space<vmem>> -> memref<1x104x128xf32, #tpu.memory_space<vmem>>
    %dma_wait3A_489 = tpu.memref_squeeze %dma_wait3A_488 : memref<1x104x128xf32, #tpu.memory_space<vmem>> -> memref<104x128xf32, #tpu.memory_space<vmem>>
    %dma_wait3A_490 = arith.constant 0 : i32
    %dma_wait3A_491 = tpu.memref_slice %arg4[%arg0, %add3A_484, %dma_wait3A_490] : memref<2x10000x128xf32, #tpu.memory_space<hbm>> -> memref<1x104x128xf32, #tpu.memory_space<hbm>>
    %dma_wait3A_492 = tpu.memref_squeeze %dma_wait3A_491 : memref<1x104x128xf32, #tpu.memory_space<hbm>> -> memref<104x128xf32, #tpu.memory_space<hbm>>
    %dma_wait3A_493 = arith.constant 0 : i32
    %dma_wait3A_494 = tpu.memref_slice %arg4[%arg0, %add3A_484, %dma_wait3A_493] : memref<2x10000x128xf32, #tpu.memory_space<hbm>> -> memref<1x104x128xf32, #tpu.memory_space<hbm>>
    %dma_wait3A_495 = tpu.memref_squeeze %dma_wait3A_494 : memref<1x104x128xf32, #tpu.memory_space<hbm>> -> memref<104x128xf32, #tpu.memory_space<hbm>>
    %dma_wait3A_496 = arith.constant 0 : i32
    %dma_wait3A_497 = arith.constant 0 : i32
    %dma_wait3A_498 = tpu.memref_slice %arg7[%dma_wait3A_485, %dma_wait3A_496, %dma_wait3A_497] : memref<3x128x128xf32, #tpu.memory_space<vmem>> -> memref<1x104x128xf32, #tpu.memory_space<vmem>>
    %dma_wait3A_499 = tpu.memref_squeeze %dma_wait3A_498 : memref<1x104x128xf32, #tpu.memory_space<vmem>> -> memref<104x128xf32, #tpu.memory_space<vmem>>
    tpu.wait_dma2 semaphore(%arg11 : memref<!tpu.dma_semaphore, #tpu.memory_space<semaphore_mem>>) src(%dma_wait3A_499 : memref<104x128xf32, #tpu.memory_space<vmem>>) dst(%dma_wait3A_495 : memref<104x128xf32, #tpu.memory_space<hbm>>)
    %run_scoped3A_500 = arith.constant 0 : i32
    "tpu.region"() ({
      %run_scoped3A_598 = tpu.sem_alloc : memref<!tpu.dma_semaphore, #tpu.memory_space<semaphore_mem>>
      %dma_start3A_599 = arith.constant 0 : i32
      %dma_start3A_600 = arith.constant 0 : i32
      %dma_start3A_601 = tpu.memref_slice %arg7[%run_scoped3A_500, %dma_start3A_599, %dma_start3A_600] : memref<3x128x128xf32, #tpu.memory_space<vmem>> -> memref<1x104x128xf32, #tpu.memory_space<vmem>>
      %dma_start3A_602 = tpu.memref_squeeze %dma_start3A_601 : memref<1x104x128xf32, #tpu.memory_space<vmem>> -> memref<104x128xf32, #tpu.memory_space<vmem>>
      %dma_start3A_603 = arith.constant 0 : i32
      %dma_start3A_604 = tpu.memref_slice %arg5[%add3A_480, %dma_start3A_603] : memref<10000x128xf32, #tpu.memory_space<vmem_shared>> -> memref<104x128xf32, #tpu.memory_space<vmem_shared>>
      %dma_start3A_605 = arith.constant 0 : i32
      %dma_start3A_606 = arith.constant 0 : i32
      %dma_start3A_607 = tpu.memref_slice %arg7[%run_scoped3A_500, %dma_start3A_605, %dma_start3A_606] : memref<3x128x128xf32, #tpu.memory_space<vmem>> -> memref<1x104x128xf32, #tpu.memory_space<vmem>>
      %dma_start3A_608 = tpu.memref_squeeze %dma_start3A_607 : memref<1x104x128xf32, #tpu.memory_space<vmem>> -> memref<104x128xf32, #tpu.memory_space<vmem>>
      %dma_start3A_609 = arith.constant 0 : i32
      %dma_start3A_610 = tpu.memref_slice %arg5[%add3A_480, %dma_start3A_609] : memref<10000x128xf32, #tpu.memory_space<vmem_shared>> -> memref<104x128xf32, #tpu.memory_space<vmem_shared>>
      tpu.enqueue_dma source(%dma_start3A_610 : memref<104x128xf32, #tpu.memory_space<vmem_shared>>) target(%dma_start3A_608 : memref<104x128xf32, #tpu.memory_space<vmem>>) target_semaphore(%run_scoped3A_598 : memref<!tpu.dma_semaphore, #tpu.memory_space<semaphore_mem>>)
      %dma_wait3A_611 = arith.constant 0 : i32
      %dma_wait3A_612 = arith.constant 0 : i32
      %dma_wait3A_613 = tpu.memref_slice %arg7[%run_scoped3A_500, %dma_wait3A_611, %dma_wait3A_612] : memref<3x128x128xf32, #tpu.memory_space<vmem>> -> memref<1x104x128xf32, #tpu.memory_space<vmem>>
      %dma_wait3A_614 = tpu.memref_squeeze %dma_wait3A_613 : memref<1x104x128xf32, #tpu.memory_space<vmem>> -> memref<104x128xf32, #tpu.memory_space<vmem>>
      %dma_wait3A_615 = arith.constant 0 : i32
      %dma_wait3A_616 = tpu.memref_slice %arg5[%add3A_480, %dma_wait3A_615] : memref<10000x128xf32, #tpu.memory_space<vmem_shared>> -> memref<104x128xf32, #tpu.memory_space<vmem_shared>>
      %dma_wait3A_617 = arith.constant 0 : i32
      %dma_wait3A_618 = arith.constant 0 : i32
      %dma_wait3A_619 = tpu.memref_slice %arg7[%run_scoped3A_500, %dma_wait3A_617, %dma_wait3A_618] : memref<3x128x128xf32, #tpu.memory_space<vmem>> -> memref<1x104x128xf32, #tpu.memory_space<vmem>>
      %dma_wait3A_620 = tpu.memref_squeeze %dma_wait3A_619 : memref<1x104x128xf32, #tpu.memory_space<vmem>> -> memref<104x128xf32, #tpu.memory_space<vmem>>
      %dma_wait3A_621 = arith.constant 0 : i32
      %dma_wait3A_622 = tpu.memref_slice %arg5[%add3A_480, %dma_wait3A_621] : memref<10000x128xf32, #tpu.memory_space<vmem_shared>> -> memref<104x128xf32, #tpu.memory_space<vmem_shared>>
      tpu.wait_dma2 semaphore(%run_scoped3A_598 : memref<!tpu.dma_semaphore, #tpu.memory_space<semaphore_mem>>) src(%dma_wait3A_622 : memref<104x128xf32, #tpu.memory_space<vmem_shared>>) dst(%dma_wait3A_620 : memref<104x128xf32, #tpu.memory_space<vmem>>)
      tpu.yield
    }) : () -> ()
    %dma_start3A_501 = arith.constant 0 : i32
    %dma_start3A_502 = arith.constant 0 : i32
    %dma_start3A_503 = arith.constant 0 : i32
    %dma_start3A_504 = tpu.memref_slice %arg7[%dma_start3A_501, %dma_start3A_502, %dma_start3A_503] : memref<3x128x128xf32, #tpu.memory_space<vmem>> -> memref<1x104x128xf32, #tpu.memory_space<vmem>>
    %dma_start3A_505 = tpu.memref_squeeze %dma_start3A_504 : memref<1x104x128xf32, #tpu.memory_space<vmem>> -> memref<104x128xf32, #tpu.memory_space<vmem>>
    %dma_start3A_506 = arith.constant 0 : i32
    %dma_start3A_507 = tpu.memref_slice %arg4[%arg0, %add3A_480, %dma_start3A_506] : memref<2x10000x128xf32, #tpu.memory_space<hbm>> -> memref<1x104x128xf32, #tpu.memory_space<hbm>>
    %dma_start3A_508 = tpu.memref_squeeze %dma_start3A_507 : memref<1x104x128xf32, #tpu.memory_space<hbm>> -> memref<104x128xf32, #tpu.memory_space<hbm>>
    %dma_start3A_509 = arith.constant 0 : i32
    %dma_start3A_510 = tpu.memref_slice %arg4[%arg0, %add3A_480, %dma_start3A_509] : memref<2x10000x128xf32, #tpu.memory_space<hbm>> -> memref<1x104x128xf32, #tpu.memory_space<hbm>>
    %dma_start3A_511 = tpu.memref_squeeze %dma_start3A_510 : memref<1x104x128xf32, #tpu.memory_space<hbm>> -> memref<104x128xf32, #tpu.memory_space<hbm>>
    %dma_start3A_512 = arith.constant 0 : i32
    %dma_start3A_513 = arith.constant 0 : i32
    %dma_start3A_514 = tpu.memref_slice %arg7[%dma_start3A_501, %dma_start3A_512, %dma_start3A_513] : memref<3x128x128xf32, #tpu.memory_space<vmem>> -> memref<1x104x128xf32, #tpu.memory_space<vmem>>
    %dma_start3A_515 = tpu.memref_squeeze %dma_start3A_514 : memref<1x104x128xf32, #tpu.memory_space<vmem>> -> memref<104x128xf32, #tpu.memory_space<vmem>>
    tpu.enqueue_dma source(%dma_start3A_515 : memref<104x128xf32, #tpu.memory_space<vmem>>) target(%dma_start3A_511 : memref<104x128xf32, #tpu.memory_space<hbm>>) target_semaphore(%arg11 : memref<!tpu.dma_semaphore, #tpu.memory_space<semaphore_mem>>)
    %mul3A_516 = arith.constant 624 : i32
    %mul3A_517 = arith.muli %arg1, %mul3A_516 : i32
    %add3A_518 = arith.constant 520 : i32
    %add3A_519 = arith.addi %mul3A_517, %add3A_518 : i32
    %mul3A_520 = arith.constant 624 : i32
    %mul3A_521 = arith.muli %arg1, %mul3A_520 : i32
    %add3A_522 = arith.constant 312 : i32
    %add3A_523 = arith.addi %mul3A_521, %add3A_522 : i32
    %dma_wait3A_524 = arith.constant 1 : i32
    %dma_wait3A_525 = arith.constant 0 : i32
    %dma_wait3A_526 = arith.constant 0 : i32
    %dma_wait3A_527 = tpu.memref_slice %arg7[%dma_wait3A_524, %dma_wait3A_525, %dma_wait3A_526] : memref<3x128x128xf32, #tpu.memory_space<vmem>> -> memref<1x104x128xf32, #tpu.memory_space<vmem>>
    %dma_wait3A_528 = tpu.memref_squeeze %dma_wait3A_527 : memref<1x104x128xf32, #tpu.memory_space<vmem>> -> memref<104x128xf32, #tpu.memory_space<vmem>>
    %dma_wait3A_529 = arith.constant 0 : i32
    %dma_wait3A_530 = tpu.memref_slice %arg4[%arg0, %add3A_523, %dma_wait3A_529] : memref<2x10000x128xf32, #tpu.memory_space<hbm>> -> memref<1x104x128xf32, #tpu.memory_space<hbm>>
    %dma_wait3A_531 = tpu.memref_squeeze %dma_wait3A_530 : memref<1x104x128xf32, #tpu.memory_space<hbm>> -> memref<104x128xf32, #tpu.memory_space<hbm>>
    %dma_wait3A_532 = arith.constant 0 : i32
    %dma_wait3A_533 = tpu.memref_slice %arg4[%arg0, %add3A_523, %dma_wait3A_532] : memref<2x10000x128xf32, #tpu.memory_space<hbm>> -> memref<1x104x128xf32, #tpu.memory_space<hbm>>
    %dma_wait3A_534 = tpu.memref_squeeze %dma_wait3A_533 : memref<1x104x128xf32, #tpu.memory_space<hbm>> -> memref<104x128xf32, #tpu.memory_space<hbm>>
    %dma_wait3A_535 = arith.constant 0 : i32
    %dma_wait3A_536 = arith.constant 0 : i32
    %dma_wait3A_537 = tpu.memref_slice %arg7[%dma_wait3A_524, %dma_wait3A_535, %dma_wait3A_536] : memref<3x128x128xf32, #tpu.memory_space<vmem>> -> memref<1x104x128xf32, #tpu.memory_space<vmem>>
    %dma_wait3A_538 = tpu.memref_squeeze %dma_wait3A_537 : memref<1x104x128xf32, #tpu.memory_space<vmem>> -> memref<104x128xf32, #tpu.memory_space<vmem>>
    tpu.wait_dma2 semaphore(%arg11 : memref<!tpu.dma_semaphore, #tpu.memory_space<semaphore_mem>>) src(%dma_wait3A_538 : memref<104x128xf32, #tpu.memory_space<vmem>>) dst(%dma_wait3A_534 : memref<104x128xf32, #tpu.memory_space<hbm>>)
    %run_scoped3A_539 = arith.constant 1 : i32
    "tpu.region"() ({
      %run_scoped3A_598 = tpu.sem_alloc : memref<!tpu.dma_semaphore, #tpu.memory_space<semaphore_mem>>
      %dma_start3A_599 = arith.constant 0 : i32
      %dma_start3A_600 = arith.constant 0 : i32
      %dma_start3A_601 = tpu.memref_slice %arg7[%run_scoped3A_539, %dma_start3A_599, %dma_start3A_600] : memref<3x128x128xf32, #tpu.memory_space<vmem>> -> memref<1x104x128xf32, #tpu.memory_space<vmem>>
      %dma_start3A_602 = tpu.memref_squeeze %dma_start3A_601 : memref<1x104x128xf32, #tpu.memory_space<vmem>> -> memref<104x128xf32, #tpu.memory_space<vmem>>
      %dma_start3A_603 = arith.constant 0 : i32
      %dma_start3A_604 = tpu.memref_slice %arg5[%add3A_519, %dma_start3A_603] : memref<10000x128xf32, #tpu.memory_space<vmem_shared>> -> memref<104x128xf32, #tpu.memory_space<vmem_shared>>
      %dma_start3A_605 = arith.constant 0 : i32
      %dma_start3A_606 = arith.constant 0 : i32
      %dma_start3A_607 = tpu.memref_slice %arg7[%run_scoped3A_539, %dma_start3A_605, %dma_start3A_606] : memref<3x128x128xf32, #tpu.memory_space<vmem>> -> memref<1x104x128xf32, #tpu.memory_space<vmem>>
      %dma_start3A_608 = tpu.memref_squeeze %dma_start3A_607 : memref<1x104x128xf32, #tpu.memory_space<vmem>> -> memref<104x128xf32, #tpu.memory_space<vmem>>
      %dma_start3A_609 = arith.constant 0 : i32
      %dma_start3A_610 = tpu.memref_slice %arg5[%add3A_519, %dma_start3A_609] : memref<10000x128xf32, #tpu.memory_space<vmem_shared>> -> memref<104x128xf32, #tpu.memory_space<vmem_shared>>
      tpu.enqueue_dma source(%dma_start3A_610 : memref<104x128xf32, #tpu.memory_space<vmem_shared>>) target(%dma_start3A_608 : memref<104x128xf32, #tpu.memory_space<vmem>>) target_semaphore(%run_scoped3A_598 : memref<!tpu.dma_semaphore, #tpu.memory_space<semaphore_mem>>)
      %dma_wait3A_611 = arith.constant 0 : i32
      %dma_wait3A_612 = arith.constant 0 : i32
      %dma_wait3A_613 = tpu.memref_slice %arg7[%run_scoped3A_539, %dma_wait3A_611, %dma_wait3A_612] : memref<3x128x128xf32, #tpu.memory_space<vmem>> -> memref<1x104x128xf32, #tpu.memory_space<vmem>>
      %dma_wait3A_614 = tpu.memref_squeeze %dma_wait3A_613 : memref<1x104x128xf32, #tpu.memory_space<vmem>> -> memref<104x128xf32, #tpu.memory_space<vmem>>
      %dma_wait3A_615 = arith.constant 0 : i32
      %dma_wait3A_616 = tpu.memref_slice %arg5[%add3A_519, %dma_wait3A_615] : memref<10000x128xf32, #tpu.memory_space<vmem_shared>> -> memref<104x128xf32, #tpu.memory_space<vmem_shared>>
      %dma_wait3A_617 = arith.constant 0 : i32
      %dma_wait3A_618 = arith.constant 0 : i32
      %dma_wait3A_619 = tpu.memref_slice %arg7[%run_scoped3A_539, %dma_wait3A_617, %dma_wait3A_618] : memref<3x128x128xf32, #tpu.memory_space<vmem>> -> memref<1x104x128xf32, #tpu.memory_space<vmem>>
      %dma_wait3A_620 = tpu.memref_squeeze %dma_wait3A_619 : memref<1x104x128xf32, #tpu.memory_space<vmem>> -> memref<104x128xf32, #tpu.memory_space<vmem>>
      %dma_wait3A_621 = arith.constant 0 : i32
      %dma_wait3A_622 = tpu.memref_slice %arg5[%add3A_519, %dma_wait3A_621] : memref<10000x128xf32, #tpu.memory_space<vmem_shared>> -> memref<104x128xf32, #tpu.memory_space<vmem_shared>>
      tpu.wait_dma2 semaphore(%run_scoped3A_598 : memref<!tpu.dma_semaphore, #tpu.memory_space<semaphore_mem>>) src(%dma_wait3A_622 : memref<104x128xf32, #tpu.memory_space<vmem_shared>>) dst(%dma_wait3A_620 : memref<104x128xf32, #tpu.memory_space<vmem>>)
      tpu.yield
    }) : () -> ()
    %dma_start3A_540 = arith.constant 1 : i32
    %dma_start3A_541 = arith.constant 0 : i32
    %dma_start3A_542 = arith.constant 0 : i32
    %dma_start3A_543 = tpu.memref_slice %arg7[%dma_start3A_540, %dma_start3A_541, %dma_start3A_542] : memref<3x128x128xf32, #tpu.memory_space<vmem>> -> memref<1x104x128xf32, #tpu.memory_space<vmem>>
    %dma_start3A_544 = tpu.memref_squeeze %dma_start3A_543 : memref<1x104x128xf32, #tpu.memory_space<vmem>> -> memref<104x128xf32, #tpu.memory_space<vmem>>
    %dma_start3A_545 = arith.constant 0 : i32
    %dma_start3A_546 = tpu.memref_slice %arg4[%arg0, %add3A_519, %dma_start3A_545] : memref<2x10000x128xf32, #tpu.memory_space<hbm>> -> memref<1x104x128xf32, #tpu.memory_space<hbm>>
    %dma_start3A_547 = tpu.memref_squeeze %dma_start3A_546 : memref<1x104x128xf32, #tpu.memory_space<hbm>> -> memref<104x128xf32, #tpu.memory_space<hbm>>
    %dma_start3A_548 = arith.constant 0 : i32
    %dma_start3A_549 = tpu.memref_slice %arg4[%arg0, %add3A_519, %dma_start3A_548] : memref<2x10000x128xf32, #tpu.memory_space<hbm>> -> memref<1x104x128xf32, #tpu.memory_space<hbm>>
    %dma_start3A_550 = tpu.memref_squeeze %dma_start3A_549 : memref<1x104x128xf32, #tpu.memory_space<hbm>> -> memref<104x128xf32, #tpu.memory_space<hbm>>
    %dma_start3A_551 = arith.constant 0 : i32
    %dma_start3A_552 = arith.constant 0 : i32
    %dma_start3A_553 = tpu.memref_slice %arg7[%dma_start3A_540, %dma_start3A_551, %dma_start3A_552] : memref<3x128x128xf32, #tpu.memory_space<vmem>> -> memref<1x104x128xf32, #tpu.memory_space<vmem>>
    %dma_start3A_554 = tpu.memref_squeeze %dma_start3A_553 : memref<1x104x128xf32, #tpu.memory_space<vmem>> -> memref<104x128xf32, #tpu.memory_space<vmem>>
    tpu.enqueue_dma source(%dma_start3A_554 : memref<104x128xf32, #tpu.memory_space<vmem>>) target(%dma_start3A_550 : memref<104x128xf32, #tpu.memory_space<hbm>>) target_semaphore(%arg11 : memref<!tpu.dma_semaphore, #tpu.memory_space<semaphore_mem>>)
    %mul3A_555 = arith.constant 624 : i32
    %mul3A_556 = arith.muli %arg1, %mul3A_555 : i32
    %add3A_557 = arith.constant 416 : i32
    %add3A_558 = arith.addi %mul3A_556, %add3A_557 : i32
    %dma_wait3A_559 = arith.constant 0 : i32
    %dma_wait3A_560 = arith.constant 0 : i32
    %dma_wait3A_561 = arith.constant 0 : i32
    %dma_wait3A_562 = tpu.memref_slice %arg7[%dma_wait3A_559, %dma_wait3A_560, %dma_wait3A_561] : memref<3x128x128xf32, #tpu.memory_space<vmem>> -> memref<1x104x128xf32, #tpu.memory_space<vmem>>
    %dma_wait3A_563 = tpu.memref_squeeze %dma_wait3A_562 : memref<1x104x128xf32, #tpu.memory_space<vmem>> -> memref<104x128xf32, #tpu.memory_space<vmem>>
    %dma_wait3A_564 = arith.constant 0 : i32
    %dma_wait3A_565 = tpu.memref_slice %arg4[%arg0, %add3A_558, %dma_wait3A_564] : memref<2x10000x128xf32, #tpu.memory_space<hbm>> -> memref<1x104x128xf32, #tpu.memory_space<hbm>>
    %dma_wait3A_566 = tpu.memref_squeeze %dma_wait3A_565 : memref<1x104x128xf32, #tpu.memory_space<hbm>> -> memref<104x128xf32, #tpu.memory_space<hbm>>
    %dma_wait3A_567 = arith.constant 0 : i32
    %dma_wait3A_568 = tpu.memref_slice %arg4[%arg0, %add3A_558, %dma_wait3A_567] : memref<2x10000x128xf32, #tpu.memory_space<hbm>> -> memref<1x104x128xf32, #tpu.memory_space<hbm>>
    %dma_wait3A_569 = tpu.memref_squeeze %dma_wait3A_568 : memref<1x104x128xf32, #tpu.memory_space<hbm>> -> memref<104x128xf32, #tpu.memory_space<hbm>>
    %dma_wait3A_570 = arith.constant 0 : i32
    %dma_wait3A_571 = arith.constant 0 : i32
    %dma_wait3A_572 = tpu.memref_slice %arg7[%dma_wait3A_559, %dma_wait3A_570, %dma_wait3A_571] : memref<3x128x128xf32, #tpu.memory_space<vmem>> -> memref<1x104x128xf32, #tpu.memory_space<vmem>>
    %dma_wait3A_573 = tpu.memref_squeeze %dma_wait3A_572 : memref<1x104x128xf32, #tpu.memory_space<vmem>> -> memref<104x128xf32, #tpu.memory_space<vmem>>
    tpu.wait_dma2 semaphore(%arg11 : memref<!tpu.dma_semaphore, #tpu.memory_space<semaphore_mem>>) src(%dma_wait3A_573 : memref<104x128xf32, #tpu.memory_space<vmem>>) dst(%dma_wait3A_569 : memref<104x128xf32, #tpu.memory_space<hbm>>)
    %mul3A_574 = arith.constant 624 : i32
    %mul3A_575 = arith.muli %arg1, %mul3A_574 : i32
    %add3A_576 = arith.constant 520 : i32
    %add3A_577 = arith.addi %mul3A_575, %add3A_576 : i32
    %dma_wait3A_578 = arith.constant 1 : i32
    %dma_wait3A_579 = arith.constant 0 : i32
    %dma_wait3A_580 = arith.constant 0 : i32
    %dma_wait3A_581 = tpu.memref_slice %arg7[%dma_wait3A_578, %dma_wait3A_579, %dma_wait3A_580] : memref<3x128x128xf32, #tpu.memory_space<vmem>> -> memref<1x104x128xf32, #tpu.memory_space<vmem>>
    %dma_wait3A_582 = tpu.memref_squeeze %dma_wait3A_581 : memref<1x104x128xf32, #tpu.memory_space<vmem>> -> memref<104x128xf32, #tpu.memory_space<vmem>>
    %dma_wait3A_583 = arith.constant 0 : i32
    %dma_wait3A_584 = tpu.memref_slice %arg4[%arg0, %add3A_577, %dma_wait3A_583] : memref<2x10000x128xf32, #tpu.memory_space<hbm>> -> memref<1x104x128xf32, #tpu.memory_space<hbm>>
    %dma_wait3A_585 = tpu.memref_squeeze %dma_wait3A_584 : memref<1x104x128xf32, #tpu.memory_space<hbm>> -> memref<104x128xf32, #tpu.memory_space<hbm>>
    %dma_wait3A_586 = arith.constant 0 : i32
    %dma_wait3A_587 = tpu.memref_slice %arg4[%arg0, %add3A_577, %dma_wait3A_586] : memref<2x10000x128xf32, #tpu.memory_space<hbm>> -> memref<1x104x128xf32, #tpu.memory_space<hbm>>
    %dma_wait3A_588 = tpu.memref_squeeze %dma_wait3A_587 : memref<1x104x128xf32, #tpu.memory_space<hbm>> -> memref<104x128xf32, #tpu.memory_space<hbm>>
    %dma_wait3A_589 = arith.constant 0 : i32
    %dma_wait3A_590 = arith.constant 0 : i32
    %dma_wait3A_591 = tpu.memref_slice %arg7[%dma_wait3A_578, %dma_wait3A_589, %dma_wait3A_590] : memref<3x128x128xf32, #tpu.memory_space<vmem>> -> memref<1x104x128xf32, #tpu.memory_space<vmem>>
    %dma_wait3A_592 = tpu.memref_squeeze %dma_wait3A_591 : memref<1x104x128xf32, #tpu.memory_space<vmem>> -> memref<104x128xf32, #tpu.memory_space<vmem>>
    tpu.wait_dma2 semaphore(%arg11 : memref<!tpu.dma_semaphore, #tpu.memory_space<semaphore_mem>>) src(%dma_wait3A_592 : memref<104x128xf32, #tpu.memory_space<vmem>>) dst(%dma_wait3A_588 : memref<104x128xf32, #tpu.memory_space<hbm>>)
    %eq3A_593 = arith.constant 15 : i32
    %eq3A_594 = arith.cmpi eq, %arg1, %eq3A_593 : i32
    %convert_element_type3A_595 = arith.extui %eq3A_594 : i1 to i32
    %cond3A_596 = arith.constant 0 : i32
    %cond3A_597 = arith.cmpi ne, %convert_element_type3A_595, %cond3A_596 : i32
    scf.if %cond3A_597 {
      %run_scoped3A_598 = arith.constant 2 : i32
      "tpu.region"() ({
        %run_scoped3A_600 = tpu.sem_alloc : memref<!tpu.dma_semaphore, #tpu.memory_space<semaphore_mem>>
        %dma_start3A_601 = arith.constant 0 : i32
        %dma_start3A_602 = arith.constant 0 : i32
        %dma_start3A_603 = tpu.memref_slice %arg7[%run_scoped3A_598, %dma_start3A_601, %dma_start3A_602] : memref<3x128x128xf32, #tpu.memory_space<vmem>> -> memref<1x16x128xf32, #tpu.memory_space<vmem>>
        %dma_start3A_604 = tpu.memref_squeeze %dma_start3A_603 : memref<1x16x128xf32, #tpu.memory_space<vmem>> -> memref<16x128xf32, #tpu.memory_space<vmem>>
        %dma_start3A_605 = arith.constant 9984 : i32
        %dma_start3A_606 = arith.constant 0 : i32
        %dma_start3A_607 = tpu.memref_slice %arg5[%dma_start3A_605, %dma_start3A_606] : memref<10000x128xf32, #tpu.memory_space<vmem_shared>> -> memref<16x128xf32, #tpu.memory_space<vmem_shared>>
        %dma_start3A_608 = arith.constant 0 : i32
        %dma_start3A_609 = arith.constant 0 : i32
        %dma_start3A_610 = tpu.memref_slice %arg7[%run_scoped3A_598, %dma_start3A_608, %dma_start3A_609] : memref<3x128x128xf32, #tpu.memory_space<vmem>> -> memref<1x16x128xf32, #tpu.memory_space<vmem>>
        %dma_start3A_611 = tpu.memref_squeeze %dma_start3A_610 : memref<1x16x128xf32, #tpu.memory_space<vmem>> -> memref<16x128xf32, #tpu.memory_space<vmem>>
        %dma_start3A_612 = arith.constant 9984 : i32
        %dma_start3A_613 = arith.constant 0 : i32
        %dma_start3A_614 = tpu.memref_slice %arg5[%dma_start3A_612, %dma_start3A_613] : memref<10000x128xf32, #tpu.memory_space<vmem_shared>> -> memref<16x128xf32, #tpu.memory_space<vmem_shared>>
        tpu.enqueue_dma source(%dma_start3A_614 : memref<16x128xf32, #tpu.memory_space<vmem_shared>>) target(%dma_start3A_611 : memref<16x128xf32, #tpu.memory_space<vmem>>) target_semaphore(%run_scoped3A_600 : memref<!tpu.dma_semaphore, #tpu.memory_space<semaphore_mem>>)
        %dma_wait3A_615 = arith.constant 0 : i32
        %dma_wait3A_616 = arith.constant 0 : i32
        %dma_wait3A_617 = tpu.memref_slice %arg7[%run_scoped3A_598, %dma_wait3A_615, %dma_wait3A_616] : memref<3x128x128xf32, #tpu.memory_space<vmem>> -> memref<1x16x128xf32, #tpu.memory_space<vmem>>
        %dma_wait3A_618 = tpu.memref_squeeze %dma_wait3A_617 : memref<1x16x128xf32, #tpu.memory_space<vmem>> -> memref<16x128xf32, #tpu.memory_space<vmem>>
        %dma_wait3A_619 = arith.constant 9984 : i32
        %dma_wait3A_620 = arith.constant 0 : i32
        %dma_wait3A_621 = tpu.memref_slice %arg5[%dma_wait3A_619, %dma_wait3A_620] : memref<10000x128xf32, #tpu.memory_space<vmem_shared>> -> memref<16x128xf32, #tpu.memory_space<vmem_shared>>
        %dma_wait3A_622 = arith.constant 0 : i32
        %dma_wait3A_623 = arith.constant 0 : i32
        %dma_wait3A_624 = tpu.memref_slice %arg7[%run_scoped3A_598, %dma_wait3A_622, %dma_wait3A_623] : memref<3x128x128xf32, #tpu.memory_space<vmem>> -> memref<1x16x128xf32, #tpu.memory_space<vmem>>
        %dma_wait3A_625 = tpu.memref_squeeze %dma_wait3A_624 : memref<1x16x128xf32, #tpu.memory_space<vmem>> -> memref<16x128xf32, #tpu.memory_space<vmem>>
        %dma_wait3A_626 = arith.constant 9984 : i32
        %dma_wait3A_627 = arith.constant 0 : i32
        %dma_wait3A_628 = tpu.memref_slice %arg5[%dma_wait3A_626, %dma_wait3A_627] : memref<10000x128xf32, #tpu.memory_space<vmem_shared>> -> memref<16x128xf32, #tpu.memory_space<vmem_shared>>
        tpu.wait_dma2 semaphore(%run_scoped3A_600 : memref<!tpu.dma_semaphore, #tpu.memory_space<semaphore_mem>>) src(%dma_wait3A_628 : memref<16x128xf32, #tpu.memory_space<vmem_shared>>) dst(%dma_wait3A_625 : memref<16x128xf32, #tpu.memory_space<vmem>>)
        tpu.yield
      }) : () -> ()
      %run_scoped3A_599 = arith.constant 2 : i32
      "tpu.region"() ({
        %run_scoped3A_600 = tpu.sem_alloc : memref<!tpu.dma_semaphore, #tpu.memory_space<semaphore_mem>>
        %dma_start3A_601 = arith.constant 0 : i32
        %dma_start3A_602 = arith.constant 0 : i32
        %dma_start3A_603 = tpu.memref_slice %arg7[%run_scoped3A_599, %dma_start3A_601, %dma_start3A_602] : memref<3x128x128xf32, #tpu.memory_space<vmem>> -> memref<1x16x128xf32, #tpu.memory_space<vmem>>
        %dma_start3A_604 = tpu.memref_squeeze %dma_start3A_603 : memref<1x16x128xf32, #tpu.memory_space<vmem>> -> memref<16x128xf32, #tpu.memory_space<vmem>>
        %dma_start3A_605 = arith.constant 9984 : i32
        %dma_start3A_606 = arith.constant 0 : i32
        %dma_start3A_607 = tpu.memref_slice %arg4[%arg0, %dma_start3A_605, %dma_start3A_606] : memref<2x10000x128xf32, #tpu.memory_space<hbm>> -> memref<1x16x128xf32, #tpu.memory_space<hbm>>
        %dma_start3A_608 = tpu.memref_squeeze %dma_start3A_607 : memref<1x16x128xf32, #tpu.memory_space<hbm>> -> memref<16x128xf32, #tpu.memory_space<hbm>>
        %dma_start3A_609 = arith.constant 9984 : i32
        %dma_start3A_610 = arith.constant 0 : i32
        %dma_start3A_611 = tpu.memref_slice %arg4[%arg0, %dma_start3A_609, %dma_start3A_610] : memref<2x10000x128xf32, #tpu.memory_space<hbm>> -> memref<1x16x128xf32, #tpu.memory_space<hbm>>
        %dma_start3A_612 = tpu.memref_squeeze %dma_start3A_611 : memref<1x16x128xf32, #tpu.memory_space<hbm>> -> memref<16x128xf32, #tpu.memory_space<hbm>>
        %dma_start3A_613 = arith.constant 0 : i32
        %dma_start3A_614 = arith.constant 0 : i32
        %dma_start3A_615 = tpu.memref_slice %arg7[%run_scoped3A_599, %dma_start3A_613, %dma_start3A_614] : memref<3x128x128xf32, #tpu.memory_space<vmem>> -> memref<1x16x128xf32, #tpu.memory_space<vmem>>
        %dma_start3A_616 = tpu.memref_squeeze %dma_start3A_615 : memref<1x16x128xf32, #tpu.memory_space<vmem>> -> memref<16x128xf32, #tpu.memory_space<vmem>>
        tpu.enqueue_dma source(%dma_start3A_616 : memref<16x128xf32, #tpu.memory_space<vmem>>) target(%dma_start3A_612 : memref<16x128xf32, #tpu.memory_space<hbm>>) target_semaphore(%run_scoped3A_600 : memref<!tpu.dma_semaphore, #tpu.memory_space<semaphore_mem>>)
        %dma_wait3A_617 = arith.constant 0 : i32
        %dma_wait3A_618 = arith.constant 0 : i32
        %dma_wait3A_619 = tpu.memref_slice %arg7[%run_scoped3A_599, %dma_wait3A_617, %dma_wait3A_618] : memref<3x128x128xf32, #tpu.memory_space<vmem>> -> memref<1x16x128xf32, #tpu.memory_space<vmem>>
        %dma_wait3A_620 = tpu.memref_squeeze %dma_wait3A_619 : memref<1x16x128xf32, #tpu.memory_space<vmem>> -> memref<16x128xf32, #tpu.memory_space<vmem>>
        %dma_wait3A_621 = arith.constant 9984 : i32
        %dma_wait3A_622 = arith.constant 0 : i32
        %dma_wait3A_623 = tpu.memref_slice %arg4[%arg0, %dma_wait3A_621, %dma_wait3A_622] : memref<2x10000x128xf32, #tpu.memory_space<hbm>> -> memref<1x16x128xf32, #tpu.memory_space<hbm>>
        %dma_wait3A_624 = tpu.memref_squeeze %dma_wait3A_623 : memref<1x16x128xf32, #tpu.memory_space<hbm>> -> memref<16x128xf32, #tpu.memory_space<hbm>>
        %dma_wait3A_625 = arith.constant 9984 : i32
        %dma_wait3A_626 = arith.constant 0 : i32
        %dma_wait3A_627 = tpu.memref_slice %arg4[%arg0, %dma_wait3A_625, %dma_wait3A_626] : memref<2x10000x128xf32, #tpu.memory_space<hbm>> -> memref<1x16x128xf32, #tpu.memory_space<hbm>>
        %dma_wait3A_628 = tpu.memref_squeeze %dma_wait3A_627 : memref<1x16x128xf32, #tpu.memory_space<hbm>> -> memref<16x128xf32, #tpu.memory_space<hbm>>
        %dma_wait3A_629 = arith.constant 0 : i32
        %dma_wait3A_630 = arith.constant 0 : i32
        %dma_wait3A_631 = tpu.memref_slice %arg7[%run_scoped3A_599, %dma_wait3A_629, %dma_wait3A_630] : memref<3x128x128xf32, #tpu.memory_space<vmem>> -> memref<1x16x128xf32, #tpu.memory_space<vmem>>
        %dma_wait3A_632 = tpu.memref_squeeze %dma_wait3A_631 : memref<1x16x128xf32, #tpu.memory_space<vmem>> -> memref<16x128xf32, #tpu.memory_space<vmem>>
        tpu.wait_dma2 semaphore(%run_scoped3A_600 : memref<!tpu.dma_semaphore, #tpu.memory_space<semaphore_mem>>) src(%dma_wait3A_632 : memref<16x128xf32, #tpu.memory_space<vmem>>) dst(%dma_wait3A_628 : memref<16x128xf32, #tpu.memory_space<hbm>>)
        tpu.yield
      }) : () -> ()
    } else {
    }
    return
  }
}

#map = affine_map<(d0, d1) -> (0, 0)>
#map1 = affine_map<(d0, d1) -> (0)>
module attributes {stable_mosaic.version = 14 : i64} {
  func.func @_deg_body(%arg0: i32, %arg1: i32, %arg2: memref<2x320000xi32, #tpu.memory_space<hbm>>, %arg3: memref<10000xf32, #tpu.memory_space<hbm>>, %arg4: memref<10000xf32, #tpu.memory_space<hbm>>, %arg5: memref<10000xf32, #tpu.memory_space<vmem_shared>>, %arg6: memref<6x2x128xi32, #tpu.memory_space<vmem>>, %arg7: memref<128xf32, #tpu.memory_space<vmem>>, %arg8: memref<2000xf32, #tpu.memory_space<vmem>>, %arg9: memref<!tpu.dma_semaphore, #tpu.memory_space<semaphore_mem>>, %arg10: memref<!tpu.dma_semaphore, #tpu.memory_space<semaphore_mem>>) attributes {dimension_semantics = [#tpu.dimension_semantics<core_parallel>, #tpu.dimension_semantics<subcore_parallel>], iteration_bounds = array<i64: 2, 16>, scalar_prefetch = 0 : i64, scratch_operands = 6 : i64, tpu.core_type = #tpu.core_type<sc_vector_subcore>, window_params = [{transform_indices = #map}, {transform_indices = #map1}, {transform_indices = #map1}]} {
    %mul3A = arith.constant 16 : i32
    %mul3A_0 = arith.muli %arg0, %mul3A : i32
    %add3A = arith.addi %mul3A_0, %arg1 : i32
    %scan3A = arith.constant 0 : i32
    %scan3A_1 = arith.constant 8 : i32
    %scan3A_2 = arith.addi %scan3A, %scan3A_1 : i32
    %scan3A_3 = arith.constant 1 : i32
    scf.for %scan3A_134 = %scan3A to %scan3A_2 step %scan3A_3  : i32 {
      %mul3A_135 = arith.constant 16 : i32
      %mul3A_136 = arith.muli %scan3A_134, %mul3A_135 : i32
      %add3A_137 = arith.constant 0 : i32
      %add3A_138 = arith.addi %add3A_137, %mul3A_136 : i32
      %broadcast_in_dim3A = arith.constant 1.000000e+00 : f32
      %broadcast_in_dim3A_139 = vector.broadcast %broadcast_in_dim3A : f32 to vector<16xf32>
      %swap3A = arith.index_cast %add3A_138 : i32 to index
      %swap3A_140 = tpu.vector_load %arg7[%swap3A] {strides = array<i32>} : memref<128xf32, #tpu.memory_space<vmem>>, vector<16xf32>,
      %swap3A_141 = vector.shape_cast %swap3A_140 : vector<16xf32> to vector<16xf32>
      %swap3A_142 = vector.shape_cast %broadcast_in_dim3A_139 : vector<16xf32> to vector<16xf32>
      tpu.vector_store %arg7[%swap3A], %swap3A_142 {strides = array<i32>} : memref<128xf32, #tpu.memory_space<vmem>>, vector<16xf32>,
    }
    %scan3A_4 = arith.constant 8 : i32
    %scan3A_5 = arith.constant 0 : i32
    %scan3A_6 = arith.constant 125 : i32
    %scan3A_7 = arith.addi %scan3A_5, %scan3A_6 : i32
    %scan3A_8 = arith.constant 1 : i32
    scf.for %scan3A_134 = %scan3A_5 to %scan3A_7 step %scan3A_8  : i32 {
      %mul3A_135 = arith.constant 16 : i32
      %mul3A_136 = arith.muli %scan3A_134, %mul3A_135 : i32
      %add3A_137 = arith.constant 0 : i32
      %add3A_138 = arith.addi %add3A_137, %mul3A_136 : i32
      %broadcast_in_dim3A = arith.constant 0.000000e+00 : f32
      %broadcast_in_dim3A_139 = vector.broadcast %broadcast_in_dim3A : f32 to vector<16xf32>
      %swap3A = arith.index_cast %add3A_138 : i32 to index
      %swap3A_140 = tpu.vector_load %arg8[%swap3A] {strides = array<i32>} : memref<2000xf32, #tpu.memory_space<vmem>>, vector<16xf32>,
      %swap3A_141 = vector.shape_cast %swap3A_140 : vector<16xf32> to vector<16xf32>
      %swap3A_142 = vector.shape_cast %broadcast_in_dim3A_139 : vector<16xf32> to vector<16xf32>
      tpu.vector_store %arg8[%swap3A], %swap3A_142 {strides = array<i32>} : memref<2000xf32, #tpu.memory_space<vmem>>, vector<16xf32>,
    }
    %scan3A_9 = arith.constant 125 : i32
    %lt3A = arith.constant 5 : i32
    %lt3A_10 = arith.cmpi slt, %arg1, %lt3A : i32
    %convert_element_type3A = arith.extui %lt3A_10 : i1 to i32
    %cond3A = arith.constant 0 : i32
    %cond3A_11 = arith.cmpi ne, %convert_element_type3A, %cond3A : i32
    scf.if %cond3A_11 {
      %mul3A_134 = arith.constant 2000 : i32
      %mul3A_135 = arith.muli %arg1, %mul3A_134 : i32
      "tpu.region"() ({
        %run_scoped3A = tpu.sem_alloc : memref<!tpu.dma_semaphore, #tpu.memory_space<semaphore_mem>>
        %dma_start3A_136 = tpu.memref_slice %arg5[%mul3A_135] : memref<10000xf32, #tpu.memory_space<vmem_shared>> -> memref<2000xf32, #tpu.memory_space<vmem_shared>>
        %dma_start3A_137 = tpu.memref_slice %arg5[%mul3A_135] : memref<10000xf32, #tpu.memory_space<vmem_shared>> -> memref<2000xf32, #tpu.memory_space<vmem_shared>>
        tpu.enqueue_dma source(%arg8 : memref<2000xf32, #tpu.memory_space<vmem>>) target(%dma_start3A_137 : memref<2000xf32, #tpu.memory_space<vmem_shared>>) target_semaphore(%run_scoped3A : memref<!tpu.dma_semaphore, #tpu.memory_space<semaphore_mem>>)
        %dma_wait3A = tpu.memref_slice %arg5[%mul3A_135] : memref<10000xf32, #tpu.memory_space<vmem_shared>> -> memref<2000xf32, #tpu.memory_space<vmem_shared>>
        %dma_wait3A_138 = tpu.memref_slice %arg5[%mul3A_135] : memref<10000xf32, #tpu.memory_space<vmem_shared>> -> memref<2000xf32, #tpu.memory_space<vmem_shared>>
        tpu.wait_dma2 semaphore(%run_scoped3A : memref<!tpu.dma_semaphore, #tpu.memory_space<semaphore_mem>>) src(%arg8 : memref<2000xf32, #tpu.memory_space<vmem>>) dst(%dma_wait3A_138 : memref<2000xf32, #tpu.memory_space<vmem_shared>>)
        tpu.yield
      }) : () -> ()
    } else {
    }
    %barrier3A = arith.constant 0 : index
    tpu.barrier barrier_id(%barrier3A)
    %add3A_12 = arith.constant 0 : i32
    %add3A_13 = arith.addi %add3A_12, %add3A : i32
    %mul3A_14 = arith.constant 128 : i32
    %mul3A_15 = arith.muli %add3A_13, %mul3A_14 : i32
    %rem3A = arith.constant 0 : i32
    %rem3A_16 = arith.constant 6 : i32
    %rem3A_17 = arith.remsi %rem3A, %rem3A_16 : i32
    %dma_start3A = arith.constant 0 : i32
    %dma_start3A_18 = arith.constant 0 : i32
    %dma_start3A_19 = tpu.memref_slice %arg6[%rem3A_17, %dma_start3A, %dma_start3A_18] : memref<6x2x128xi32, #tpu.memory_space<vmem>> -> memref<1x2x128xi32, #tpu.memory_space<vmem>>
    %dma_start3A_20 = tpu.memref_squeeze %dma_start3A_19 : memref<1x2x128xi32, #tpu.memory_space<vmem>> -> memref<2x128xi32, #tpu.memory_space<vmem>>
    %dma_start3A_21 = arith.constant 0 : i32
    %dma_start3A_22 = tpu.memref_slice %arg2[%dma_start3A_21, %mul3A_15] : memref<2x320000xi32, #tpu.memory_space<hbm>> -> memref<2x128xi32, #tpu.memory_space<hbm>>
    %dma_start3A_23 = arith.constant 0 : i32
    %dma_start3A_24 = arith.constant 0 : i32
    %dma_start3A_25 = tpu.memref_slice %arg6[%rem3A_17, %dma_start3A_23, %dma_start3A_24] : memref<6x2x128xi32, #tpu.memory_space<vmem>> -> memref<1x2x128xi32, #tpu.memory_space<vmem>>
    %dma_start3A_26 = tpu.memref_squeeze %dma_start3A_25 : memref<1x2x128xi32, #tpu.memory_space<vmem>> -> memref<2x128xi32, #tpu.memory_space<vmem>>
    %dma_start3A_27 = arith.constant 0 : i32
    %dma_start3A_28 = tpu.memref_slice %arg2[%dma_start3A_27, %mul3A_15] : memref<2x320000xi32, #tpu.memory_space<hbm>> -> memref<2x128xi32, #tpu.memory_space<hbm>>
    tpu.enqueue_dma source(%dma_start3A_28 : memref<2x128xi32, #tpu.memory_space<hbm>>) target(%dma_start3A_26 : memref<2x128xi32, #tpu.memory_space<vmem>>) target_semaphore(%arg9 : memref<!tpu.dma_semaphore, #tpu.memory_space<semaphore_mem>>)
    %add3A_29 = arith.constant 32 : i32
    %add3A_30 = arith.addi %add3A_29, %add3A : i32
    %mul3A_31 = arith.constant 128 : i32
    %mul3A_32 = arith.muli %add3A_30, %mul3A_31 : i32
    %rem3A_33 = arith.constant 1 : i32
    %rem3A_34 = arith.constant 6 : i32
    %rem3A_35 = arith.remsi %rem3A_33, %rem3A_34 : i32
    %dma_start3A_36 = arith.constant 0 : i32
    %dma_start3A_37 = arith.constant 0 : i32
    %dma_start3A_38 = tpu.memref_slice %arg6[%rem3A_35, %dma_start3A_36, %dma_start3A_37] : memref<6x2x128xi32, #tpu.memory_space<vmem>> -> memref<1x2x128xi32, #tpu.memory_space<vmem>>
    %dma_start3A_39 = tpu.memref_squeeze %dma_start3A_38 : memref<1x2x128xi32, #tpu.memory_space<vmem>> -> memref<2x128xi32, #tpu.memory_space<vmem>>
    %dma_start3A_40 = arith.constant 0 : i32
    %dma_start3A_41 = tpu.memref_slice %arg2[%dma_start3A_40, %mul3A_32] : memref<2x320000xi32, #tpu.memory_space<hbm>> -> memref<2x128xi32, #tpu.memory_space<hbm>>
    %dma_start3A_42 = arith.constant 0 : i32
    %dma_start3A_43 = arith.constant 0 : i32
    %dma_start3A_44 = tpu.memref_slice %arg6[%rem3A_35, %dma_start3A_42, %dma_start3A_43] : memref<6x2x128xi32, #tpu.memory_space<vmem>> -> memref<1x2x128xi32, #tpu.memory_space<vmem>>
    %dma_start3A_45 = tpu.memref_squeeze %dma_start3A_44 : memref<1x2x128xi32, #tpu.memory_space<vmem>> -> memref<2x128xi32, #tpu.memory_space<vmem>>
    %dma_start3A_46 = arith.constant 0 : i32
    %dma_start3A_47 = tpu.memref_slice %arg2[%dma_start3A_46, %mul3A_32] : memref<2x320000xi32, #tpu.memory_space<hbm>> -> memref<2x128xi32, #tpu.memory_space<hbm>>
    tpu.enqueue_dma source(%dma_start3A_47 : memref<2x128xi32, #tpu.memory_space<hbm>>) target(%dma_start3A_45 : memref<2x128xi32, #tpu.memory_space<vmem>>) target_semaphore(%arg9 : memref<!tpu.dma_semaphore, #tpu.memory_space<semaphore_mem>>)
    %add3A_48 = arith.constant 64 : i32
    %add3A_49 = arith.addi %add3A_48, %add3A : i32
    %mul3A_50 = arith.constant 128 : i32
    %mul3A_51 = arith.muli %add3A_49, %mul3A_50 : i32
    %rem3A_52 = arith.constant 2 : i32
    %rem3A_53 = arith.constant 6 : i32
    %rem3A_54 = arith.remsi %rem3A_52, %rem3A_53 : i32
    %dma_start3A_55 = arith.constant 0 : i32
    %dma_start3A_56 = arith.constant 0 : i32
    %dma_start3A_57 = tpu.memref_slice %arg6[%rem3A_54, %dma_start3A_55, %dma_start3A_56] : memref<6x2x128xi32, #tpu.memory_space<vmem>> -> memref<1x2x128xi32, #tpu.memory_space<vmem>>
    %dma_start3A_58 = tpu.memref_squeeze %dma_start3A_57 : memref<1x2x128xi32, #tpu.memory_space<vmem>> -> memref<2x128xi32, #tpu.memory_space<vmem>>
    %dma_start3A_59 = arith.constant 0 : i32
    %dma_start3A_60 = tpu.memref_slice %arg2[%dma_start3A_59, %mul3A_51] : memref<2x320000xi32, #tpu.memory_space<hbm>> -> memref<2x128xi32, #tpu.memory_space<hbm>>
    %dma_start3A_61 = arith.constant 0 : i32
    %dma_start3A_62 = arith.constant 0 : i32
    %dma_start3A_63 = tpu.memref_slice %arg6[%rem3A_54, %dma_start3A_61, %dma_start3A_62] : memref<6x2x128xi32, #tpu.memory_space<vmem>> -> memref<1x2x128xi32, #tpu.memory_space<vmem>>
    %dma_start3A_64 = tpu.memref_squeeze %dma_start3A_63 : memref<1x2x128xi32, #tpu.memory_space<vmem>> -> memref<2x128xi32, #tpu.memory_space<vmem>>
    %dma_start3A_65 = arith.constant 0 : i32
    %dma_start3A_66 = tpu.memref_slice %arg2[%dma_start3A_65, %mul3A_51] : memref<2x320000xi32, #tpu.memory_space<hbm>> -> memref<2x128xi32, #tpu.memory_space<hbm>>
    tpu.enqueue_dma source(%dma_start3A_66 : memref<2x128xi32, #tpu.memory_space<hbm>>) target(%dma_start3A_64 : memref<2x128xi32, #tpu.memory_space<vmem>>) target_semaphore(%arg9 : memref<!tpu.dma_semaphore, #tpu.memory_space<semaphore_mem>>)
    %scan3A_67 = arith.constant 0 : i32
    %scan3A_68 = arith.constant 79 : i32
    %scan3A_69 = arith.addi %scan3A_67, %scan3A_68 : i32
    %scan3A_70 = arith.constant 1 : i32
    scf.for %scan3A_134 = %scan3A_67 to %scan3A_69 step %scan3A_70  : i32 {
      %mul3A_135 = arith.constant 1 : i32
      %mul3A_136 = arith.muli %scan3A_134, %mul3A_135 : i32
      %add3A_137 = arith.constant 0 : i32
      %add3A_138 = arith.addi %add3A_137, %mul3A_136 : i32
      %mul3A_139 = arith.constant 32 : i32
      %mul3A_140 = arith.muli %add3A_138, %mul3A_139 : i32
      %add3A_141 = arith.addi %mul3A_140, %add3A : i32
      %lt3A_142 = arith.constant 2500 : i32
      %lt3A_143 = arith.cmpi slt, %add3A_141, %lt3A_142 : i32
      %convert_element_type3A_144 = arith.extui %lt3A_143 : i1 to i32
      %cond3A_145 = arith.constant 0 : i32
      %cond3A_146 = arith.cmpi ne, %convert_element_type3A_144, %cond3A_145 : i32
      scf.if %cond3A_146 {
        %mul3A_157 = arith.constant 32 : i32
        %mul3A_158 = arith.muli %add3A_138, %mul3A_157 : i32
        %add3A_159 = arith.addi %mul3A_158, %add3A : i32
        %mul3A_160 = arith.constant 128 : i32
        %mul3A_161 = arith.muli %add3A_159, %mul3A_160 : i32
        %rem3A_162 = arith.constant 6 : i32
        %rem3A_163 = arith.remsi %add3A_138, %rem3A_162 : i32
        %dma_wait3A = arith.constant 0 : i32
        %dma_wait3A_164 = arith.constant 0 : i32
        %dma_wait3A_165 = tpu.memref_slice %arg6[%rem3A_163, %dma_wait3A, %dma_wait3A_164] : memref<6x2x128xi32, #tpu.memory_space<vmem>> -> memref<1x2x128xi32, #tpu.memory_space<vmem>>
        %dma_wait3A_166 = tpu.memref_squeeze %dma_wait3A_165 : memref<1x2x128xi32, #tpu.memory_space<vmem>> -> memref<2x128xi32, #tpu.memory_space<vmem>>
        %dma_wait3A_167 = arith.constant 0 : i32
        %dma_wait3A_168 = tpu.memref_slice %arg2[%dma_wait3A_167, %mul3A_161] : memref<2x320000xi32, #tpu.memory_space<hbm>> -> memref<2x128xi32, #tpu.memory_space<hbm>>
        %dma_wait3A_169 = arith.constant 0 : i32
        %dma_wait3A_170 = arith.constant 0 : i32
        %dma_wait3A_171 = tpu.memref_slice %arg6[%rem3A_163, %dma_wait3A_169, %dma_wait3A_170] : memref<6x2x128xi32, #tpu.memory_space<vmem>> -> memref<1x2x128xi32, #tpu.memory_space<vmem>>
        %dma_wait3A_172 = tpu.memref_squeeze %dma_wait3A_171 : memref<1x2x128xi32, #tpu.memory_space<vmem>> -> memref<2x128xi32, #tpu.memory_space<vmem>>
        %dma_wait3A_173 = arith.constant 0 : i32
        %dma_wait3A_174 = tpu.memref_slice %arg2[%dma_wait3A_173, %mul3A_161] : memref<2x320000xi32, #tpu.memory_space<hbm>> -> memref<2x128xi32, #tpu.memory_space<hbm>>
        tpu.wait_dma2 semaphore(%arg9 : memref<!tpu.dma_semaphore, #tpu.memory_space<semaphore_mem>>) src(%dma_wait3A_174 : memref<2x128xi32, #tpu.memory_space<hbm>>) dst(%dma_wait3A_172 : memref<2x128xi32, #tpu.memory_space<vmem>>)
        %rem3A_175 = arith.constant 6 : i32
        %rem3A_176 = arith.remsi %add3A_138, %rem3A_175 : i32
        %dma_start3A_177 = arith.constant 1 : i32
        %dma_start3A_178 = arith.constant 0 : i32
        %dma_start3A_179 = tpu.memref_slice %arg6[%rem3A_176, %dma_start3A_177, %dma_start3A_178] : memref<6x2x128xi32, #tpu.memory_space<vmem>> -> memref<1x1x128xi32, #tpu.memory_space<vmem>>
        %dma_start3A_180 = tpu.memref_squeeze %dma_start3A_179 : memref<1x1x128xi32, #tpu.memory_space<vmem>> -> memref<128xi32, #tpu.memory_space<vmem>>
        %dma_start3A_181 = arith.constant 0 : i32
        %dma_start3A_182 = tpu.memref_slice %arg5[%dma_start3A_181] : memref<10000xf32, #tpu.memory_space<vmem_shared>> -> memref<10000xf32, #tpu.memory_space<vmem_shared>>
        tpu.enqueue_indirect_dma source(%arg7 : memref<128xf32, #tpu.memory_space<vmem>>) target(%dma_start3A_182 : memref<10000xf32, #tpu.memory_space<vmem_shared>>) offsets(%dma_start3A_180 : memref<128xi32, #tpu.memory_space<vmem>>) semaphore(%arg10 : memref<!tpu.dma_semaphore, #tpu.memory_space<semaphore_mem>>) {add = true}
        %ge3A_183 = arith.constant 3 : i32
        %ge3A_184 = arith.cmpi sge, %add3A_138, %ge3A_183 : i32
        %convert_element_type3A_185 = arith.extui %ge3A_184 : i1 to i32
        %cond3A_186 = arith.constant 0 : i32
        %cond3A_187 = arith.cmpi ne, %convert_element_type3A_185, %cond3A_186 : i32
        scf.if %cond3A_187 {
          %sub3A = arith.constant 3 : i32
          %sub3A_188 = arith.subi %add3A_138, %sub3A : i32
          %rem3A_189 = arith.constant 6 : i32
          %rem3A_190 = arith.remsi %sub3A_188, %rem3A_189 : i32
          %dma_wait3A_191 = arith.constant 1 : i32
          %dma_wait3A_192 = arith.constant 0 : i32
          %dma_wait3A_193 = tpu.memref_slice %arg6[%rem3A_190, %dma_wait3A_191, %dma_wait3A_192] : memref<6x2x128xi32, #tpu.memory_space<vmem>> -> memref<1x1x128xi32, #tpu.memory_space<vmem>>
          %dma_wait3A_194 = tpu.memref_squeeze %dma_wait3A_193 : memref<1x1x128xi32, #tpu.memory_space<vmem>> -> memref<128xi32, #tpu.memory_space<vmem>>
          %dma_wait3A_195 = arith.constant 0 : i32
          %dma_wait3A_196 = tpu.memref_slice %arg5[%dma_wait3A_195] : memref<10000xf32, #tpu.memory_space<vmem_shared>> -> memref<10000xf32, #tpu.memory_space<vmem_shared>>
          tpu.wait_indirect_dma semaphore(%arg10 : memref<!tpu.dma_semaphore, #tpu.memory_space<semaphore_mem>>) src(%arg7 : memref<128xf32, #tpu.memory_space<vmem>>) dst(%dma_wait3A_196 : memref<10000xf32, #tpu.memory_space<vmem_shared>>)
        } else {
        }
      } else {
      }
      %add3A_147 = arith.constant 3 : i32
      %add3A_148 = arith.addi %add3A_138, %add3A_147 : i32
      %mul3A_149 = arith.constant 32 : i32
      %mul3A_150 = arith.muli %add3A_148, %mul3A_149 : i32
      %add3A_151 = arith.addi %mul3A_150, %add3A : i32
      %lt3A_152 = arith.constant 2500 : i32
      %lt3A_153 = arith.cmpi slt, %add3A_151, %lt3A_152 : i32
      %convert_element_type3A_154 = arith.extui %lt3A_153 : i1 to i32
      %cond3A_155 = arith.constant 0 : i32
      %cond3A_156 = arith.cmpi ne, %convert_element_type3A_154, %cond3A_155 : i32
      scf.if %cond3A_156 {
        %add3A_157 = arith.constant 3 : i32
        %add3A_158 = arith.addi %add3A_138, %add3A_157 : i32
        %mul3A_159 = arith.constant 32 : i32
        %mul3A_160 = arith.muli %add3A_158, %mul3A_159 : i32
        %add3A_161 = arith.addi %mul3A_160, %add3A : i32
        %mul3A_162 = arith.constant 128 : i32
        %mul3A_163 = arith.muli %add3A_161, %mul3A_162 : i32
        %rem3A_164 = arith.constant 6 : i32
        %rem3A_165 = arith.remsi %add3A_158, %rem3A_164 : i32
        %dma_start3A_166 = arith.constant 0 : i32
        %dma_start3A_167 = arith.constant 0 : i32
        %dma_start3A_168 = tpu.memref_slice %arg6[%rem3A_165, %dma_start3A_166, %dma_start3A_167] : memref<6x2x128xi32, #tpu.memory_space<vmem>> -> memref<1x2x128xi32, #tpu.memory_space<vmem>>
        %dma_start3A_169 = tpu.memref_squeeze %dma_start3A_168 : memref<1x2x128xi32, #tpu.memory_space<vmem>> -> memref<2x128xi32, #tpu.memory_space<vmem>>
        %dma_start3A_170 = arith.constant 0 : i32
        %dma_start3A_171 = tpu.memref_slice %arg2[%dma_start3A_170, %mul3A_163] : memref<2x320000xi32, #tpu.memory_space<hbm>> -> memref<2x128xi32, #tpu.memory_space<hbm>>
        %dma_start3A_172 = arith.constant 0 : i32
        %dma_start3A_173 = arith.constant 0 : i32
        %dma_start3A_174 = tpu.memref_slice %arg6[%rem3A_165, %dma_start3A_172, %dma_start3A_173] : memref<6x2x128xi32, #tpu.memory_space<vmem>> -> memref<1x2x128xi32, #tpu.memory_space<vmem>>
        %dma_start3A_175 = tpu.memref_squeeze %dma_start3A_174 : memref<1x2x128xi32, #tpu.memory_space<vmem>> -> memref<2x128xi32, #tpu.memory_space<vmem>>
        %dma_start3A_176 = arith.constant 0 : i32
        %dma_start3A_177 = tpu.memref_slice %arg2[%dma_start3A_176, %mul3A_163] : memref<2x320000xi32, #tpu.memory_space<hbm>> -> memref<2x128xi32, #tpu.memory_space<hbm>>
        tpu.enqueue_dma source(%dma_start3A_177 : memref<2x128xi32, #tpu.memory_space<hbm>>) target(%dma_start3A_175 : memref<2x128xi32, #tpu.memory_space<vmem>>) target_semaphore(%arg9 : memref<!tpu.dma_semaphore, #tpu.memory_space<semaphore_mem>>)
      } else {
      }
    }
    %scan3A_71 = arith.constant 79 : i32
    %add3A_72 = arith.constant 2400 : i32
    %add3A_73 = arith.addi %add3A_72, %add3A : i32
    %lt3A_74 = arith.constant 2500 : i32
    %lt3A_75 = arith.cmpi slt, %add3A_73, %lt3A_74 : i32
    %add3A_76 = arith.constant 2496 : i32
    %add3A_77 = arith.addi %add3A_76, %add3A : i32
    %ge3A = arith.constant 2500 : i32
    %ge3A_78 = arith.cmpi sge, %add3A_77, %ge3A : i32
    %and3A = arith.andi %lt3A_75, %ge3A_78 : i1
    %convert_element_type3A_79 = arith.extui %and3A : i1 to i32
    %cond3A_80 = arith.constant 0 : i32
    %cond3A_81 = arith.cmpi ne, %convert_element_type3A_79, %cond3A_80 : i32
    scf.if %cond3A_81 {
      %rem3A_134 = arith.constant 75 : i32
      %rem3A_135 = arith.constant 6 : i32
      %rem3A_136 = arith.remsi %rem3A_134, %rem3A_135 : i32
      %dma_wait3A = arith.constant 1 : i32
      %dma_wait3A_137 = arith.constant 0 : i32
      %dma_wait3A_138 = tpu.memref_slice %arg6[%rem3A_136, %dma_wait3A, %dma_wait3A_137] : memref<6x2x128xi32, #tpu.memory_space<vmem>> -> memref<1x1x128xi32, #tpu.memory_space<vmem>>
      %dma_wait3A_139 = tpu.memref_squeeze %dma_wait3A_138 : memref<1x1x128xi32, #tpu.memory_space<vmem>> -> memref<128xi32, #tpu.memory_space<vmem>>
      %dma_wait3A_140 = arith.constant 0 : i32
      %dma_wait3A_141 = tpu.memref_slice %arg5[%dma_wait3A_140] : memref<10000xf32, #tpu.memory_space<vmem_shared>> -> memref<10000xf32, #tpu.memory_space<vmem_shared>>
      tpu.wait_indirect_dma semaphore(%arg10 : memref<!tpu.dma_semaphore, #tpu.memory_space<semaphore_mem>>) src(%arg7 : memref<128xf32, #tpu.memory_space<vmem>>) dst(%dma_wait3A_141 : memref<10000xf32, #tpu.memory_space<vmem_shared>>)
    } else {
    }
    %add3A_82 = arith.constant 2432 : i32
    %add3A_83 = arith.addi %add3A_82, %add3A : i32
    %lt3A_84 = arith.constant 2500 : i32
    %lt3A_85 = arith.cmpi slt, %add3A_83, %lt3A_84 : i32
    %add3A_86 = arith.constant 2528 : i32
    %add3A_87 = arith.addi %add3A_86, %add3A : i32
    %ge3A_88 = arith.constant 2500 : i32
    %ge3A_89 = arith.cmpi sge, %add3A_87, %ge3A_88 : i32
    %and3A_90 = arith.andi %lt3A_85, %ge3A_89 : i1
    %convert_element_type3A_91 = arith.extui %and3A_90 : i1 to i32
    %cond3A_92 = arith.constant 0 : i32
    %cond3A_93 = arith.cmpi ne, %convert_element_type3A_91, %cond3A_92 : i32
    scf.if %cond3A_93 {
      %rem3A_134 = arith.constant 76 : i32
      %rem3A_135 = arith.constant 6 : i32
      %rem3A_136 = arith.remsi %rem3A_134, %rem3A_135 : i32
      %dma_wait3A = arith.constant 1 : i32
      %dma_wait3A_137 = arith.constant 0 : i32
      %dma_wait3A_138 = tpu.memref_slice %arg6[%rem3A_136, %dma_wait3A, %dma_wait3A_137] : memref<6x2x128xi32, #tpu.memory_space<vmem>> -> memref<1x1x128xi32, #tpu.memory_space<vmem>>
      %dma_wait3A_139 = tpu.memref_squeeze %dma_wait3A_138 : memref<1x1x128xi32, #tpu.memory_space<vmem>> -> memref<128xi32, #tpu.memory_space<vmem>>
      %dma_wait3A_140 = arith.constant 0 : i32
      %dma_wait3A_141 = tpu.memref_slice %arg5[%dma_wait3A_140] : memref<10000xf32, #tpu.memory_space<vmem_shared>> -> memref<10000xf32, #tpu.memory_space<vmem_shared>>
      tpu.wait_indirect_dma semaphore(%arg10 : memref<!tpu.dma_semaphore, #tpu.memory_space<semaphore_mem>>) src(%arg7 : memref<128xf32, #tpu.memory_space<vmem>>) dst(%dma_wait3A_141 : memref<10000xf32, #tpu.memory_space<vmem_shared>>)
    } else {
    }
    %add3A_94 = arith.constant 2464 : i32
    %add3A_95 = arith.addi %add3A_94, %add3A : i32
    %lt3A_96 = arith.constant 2500 : i32
    %lt3A_97 = arith.cmpi slt, %add3A_95, %lt3A_96 : i32
    %add3A_98 = arith.constant 2560 : i32
    %add3A_99 = arith.addi %add3A_98, %add3A : i32
    %ge3A_100 = arith.constant 2500 : i32
    %ge3A_101 = arith.cmpi sge, %add3A_99, %ge3A_100 : i32
    %and3A_102 = arith.andi %lt3A_97, %ge3A_101 : i1
    %convert_element_type3A_103 = arith.extui %and3A_102 : i1 to i32
    %cond3A_104 = arith.constant 0 : i32
    %cond3A_105 = arith.cmpi ne, %convert_element_type3A_103, %cond3A_104 : i32
    scf.if %cond3A_105 {
      %rem3A_134 = arith.constant 77 : i32
      %rem3A_135 = arith.constant 6 : i32
      %rem3A_136 = arith.remsi %rem3A_134, %rem3A_135 : i32
      %dma_wait3A = arith.constant 1 : i32
      %dma_wait3A_137 = arith.constant 0 : i32
      %dma_wait3A_138 = tpu.memref_slice %arg6[%rem3A_136, %dma_wait3A, %dma_wait3A_137] : memref<6x2x128xi32, #tpu.memory_space<vmem>> -> memref<1x1x128xi32, #tpu.memory_space<vmem>>
      %dma_wait3A_139 = tpu.memref_squeeze %dma_wait3A_138 : memref<1x1x128xi32, #tpu.memory_space<vmem>> -> memref<128xi32, #tpu.memory_space<vmem>>
      %dma_wait3A_140 = arith.constant 0 : i32
      %dma_wait3A_141 = tpu.memref_slice %arg5[%dma_wait3A_140] : memref<10000xf32, #tpu.memory_space<vmem_shared>> -> memref<10000xf32, #tpu.memory_space<vmem_shared>>
      tpu.wait_indirect_dma semaphore(%arg10 : memref<!tpu.dma_semaphore, #tpu.memory_space<semaphore_mem>>) src(%arg7 : memref<128xf32, #tpu.memory_space<vmem>>) dst(%dma_wait3A_141 : memref<10000xf32, #tpu.memory_space<vmem_shared>>)
    } else {
    }
    %add3A_106 = arith.constant 2496 : i32
    %add3A_107 = arith.addi %add3A_106, %add3A : i32
    %lt3A_108 = arith.constant 2500 : i32
    %lt3A_109 = arith.cmpi slt, %add3A_107, %lt3A_108 : i32
    %add3A_110 = arith.constant 2592 : i32
    %add3A_111 = arith.addi %add3A_110, %add3A : i32
    %ge3A_112 = arith.constant 2500 : i32
    %ge3A_113 = arith.cmpi sge, %add3A_111, %ge3A_112 : i32
    %and3A_114 = arith.andi %lt3A_109, %ge3A_113 : i1
    %convert_element_type3A_115 = arith.extui %and3A_114 : i1 to i32
    %cond3A_116 = arith.constant 0 : i32
    %cond3A_117 = arith.cmpi ne, %convert_element_type3A_115, %cond3A_116 : i32
    scf.if %cond3A_117 {
      %rem3A_134 = arith.constant 78 : i32
      %rem3A_135 = arith.constant 6 : i32
      %rem3A_136 = arith.remsi %rem3A_134, %rem3A_135 : i32
      %dma_wait3A = arith.constant 1 : i32
      %dma_wait3A_137 = arith.constant 0 : i32
      %dma_wait3A_138 = tpu.memref_slice %arg6[%rem3A_136, %dma_wait3A, %dma_wait3A_137] : memref<6x2x128xi32, #tpu.memory_space<vmem>> -> memref<1x1x128xi32, #tpu.memory_space<vmem>>
      %dma_wait3A_139 = tpu.memref_squeeze %dma_wait3A_138 : memref<1x1x128xi32, #tpu.memory_space<vmem>> -> memref<128xi32, #tpu.memory_space<vmem>>
      %dma_wait3A_140 = arith.constant 0 : i32
      %dma_wait3A_141 = tpu.memref_slice %arg5[%dma_wait3A_140] : memref<10000xf32, #tpu.memory_space<vmem_shared>> -> memref<10000xf32, #tpu.memory_space<vmem_shared>>
      tpu.wait_indirect_dma semaphore(%arg10 : memref<!tpu.dma_semaphore, #tpu.memory_space<semaphore_mem>>) src(%arg7 : memref<128xf32, #tpu.memory_space<vmem>>) dst(%dma_wait3A_141 : memref<10000xf32, #tpu.memory_space<vmem_shared>>)
    } else {
    }
    %barrier3A_118 = arith.constant 0 : index
    tpu.barrier barrier_id(%barrier3A_118)
    %eq3A = arith.constant 0 : i32
    %eq3A_119 = arith.cmpi eq, %arg0, %eq3A : i32
    %lt3A_120 = arith.constant 10 : i32
    %lt3A_121 = arith.cmpi slt, %arg1, %lt3A_120 : i32
    %and3A_122 = arith.andi %eq3A_119, %lt3A_121 : i1
    %convert_element_type3A_123 = arith.extui %and3A_122 : i1 to i32
    %cond3A_124 = arith.constant 0 : i32
    %cond3A_125 = arith.cmpi ne, %convert_element_type3A_123, %cond3A_124 : i32
    scf.if %cond3A_125 {
      %mul3A_134 = arith.constant 1000 : i32
      %mul3A_135 = arith.muli %arg1, %mul3A_134 : i32
      "tpu.region"() ({
        %run_scoped3A = tpu.sem_alloc : memref<!tpu.dma_semaphore, #tpu.memory_space<semaphore_mem>>
        %dma_start3A_138 = arith.constant 0 : i32
        %dma_start3A_139 = tpu.memref_slice %arg8[%dma_start3A_138] : memref<2000xf32, #tpu.memory_space<vmem>> -> memref<1000xf32, #tpu.memory_space<vmem>>
        %dma_start3A_140 = tpu.memref_slice %arg5[%mul3A_135] : memref<10000xf32, #tpu.memory_space<vmem_shared>> -> memref<1000xf32, #tpu.memory_space<vmem_shared>>
        %dma_start3A_141 = arith.constant 0 : i32
        %dma_start3A_142 = tpu.memref_slice %arg8[%dma_start3A_141] : memref<2000xf32, #tpu.memory_space<vmem>> -> memref<1000xf32, #tpu.memory_space<vmem>>
        %dma_start3A_143 = tpu.memref_slice %arg5[%mul3A_135] : memref<10000xf32, #tpu.memory_space<vmem_shared>> -> memref<1000xf32, #tpu.memory_space<vmem_shared>>
        tpu.enqueue_dma source(%dma_start3A_143 : memref<1000xf32, #tpu.memory_space<vmem_shared>>) target(%dma_start3A_142 : memref<1000xf32, #tpu.memory_space<vmem>>) target_semaphore(%run_scoped3A : memref<!tpu.dma_semaphore, #tpu.memory_space<semaphore_mem>>)
        %dma_wait3A = arith.constant 0 : i32
        %dma_wait3A_144 = tpu.memref_slice %arg8[%dma_wait3A] : memref<2000xf32, #tpu.memory_space<vmem>> -> memref<1000xf32, #tpu.memory_space<vmem>>
        %dma_wait3A_145 = tpu.memref_slice %arg5[%mul3A_135] : memref<10000xf32, #tpu.memory_space<vmem_shared>> -> memref<1000xf32, #tpu.memory_space<vmem_shared>>
        %dma_wait3A_146 = arith.constant 0 : i32
        %dma_wait3A_147 = tpu.memref_slice %arg8[%dma_wait3A_146] : memref<2000xf32, #tpu.memory_space<vmem>> -> memref<1000xf32, #tpu.memory_space<vmem>>
        %dma_wait3A_148 = tpu.memref_slice %arg5[%mul3A_135] : memref<10000xf32, #tpu.memory_space<vmem_shared>> -> memref<1000xf32, #tpu.memory_space<vmem_shared>>
        tpu.wait_dma2 semaphore(%run_scoped3A : memref<!tpu.dma_semaphore, #tpu.memory_space<semaphore_mem>>) src(%dma_wait3A_148 : memref<1000xf32, #tpu.memory_space<vmem_shared>>) dst(%dma_wait3A_147 : memref<1000xf32, #tpu.memory_space<vmem>>)
        tpu.yield
      }) : () -> ()
      %mul3A_136 = arith.constant 1000 : i32
      %mul3A_137 = arith.muli %arg1, %mul3A_136 : i32
      "tpu.region"() ({
        %run_scoped3A = tpu.sem_alloc : memref<!tpu.dma_semaphore, #tpu.memory_space<semaphore_mem>>
        %dma_start3A_138 = arith.constant 0 : i32
        %dma_start3A_139 = tpu.memref_slice %arg8[%dma_start3A_138] : memref<2000xf32, #tpu.memory_space<vmem>> -> memref<1000xf32, #tpu.memory_space<vmem>>
        %dma_start3A_140 = tpu.memref_slice %arg3[%mul3A_137] : memref<10000xf32, #tpu.memory_space<hbm>> -> memref<1000xf32, #tpu.memory_space<hbm>>
        %dma_start3A_141 = tpu.memref_slice %arg3[%mul3A_137] : memref<10000xf32, #tpu.memory_space<hbm>> -> memref<1000xf32, #tpu.memory_space<hbm>>
        %dma_start3A_142 = arith.constant 0 : i32
        %dma_start3A_143 = tpu.memref_slice %arg8[%dma_start3A_142] : memref<2000xf32, #tpu.memory_space<vmem>> -> memref<1000xf32, #tpu.memory_space<vmem>>
        tpu.enqueue_dma source(%dma_start3A_143 : memref<1000xf32, #tpu.memory_space<vmem>>) target(%dma_start3A_141 : memref<1000xf32, #tpu.memory_space<hbm>>) target_semaphore(%run_scoped3A : memref<!tpu.dma_semaphore, #tpu.memory_space<semaphore_mem>>)
        %dma_wait3A = arith.constant 0 : i32
        %dma_wait3A_144 = tpu.memref_slice %arg8[%dma_wait3A] : memref<2000xf32, #tpu.memory_space<vmem>> -> memref<1000xf32, #tpu.memory_space<vmem>>
        %dma_wait3A_145 = tpu.memref_slice %arg3[%mul3A_137] : memref<10000xf32, #tpu.memory_space<hbm>> -> memref<1000xf32, #tpu.memory_space<hbm>>
        %dma_wait3A_146 = tpu.memref_slice %arg3[%mul3A_137] : memref<10000xf32, #tpu.memory_space<hbm>> -> memref<1000xf32, #tpu.memory_space<hbm>>
        %dma_wait3A_147 = arith.constant 0 : i32
        %dma_wait3A_148 = tpu.memref_slice %arg8[%dma_wait3A_147] : memref<2000xf32, #tpu.memory_space<vmem>> -> memref<1000xf32, #tpu.memory_space<vmem>>
        tpu.wait_dma2 semaphore(%run_scoped3A : memref<!tpu.dma_semaphore, #tpu.memory_space<semaphore_mem>>) src(%dma_wait3A_148 : memref<1000xf32, #tpu.memory_space<vmem>>) dst(%dma_wait3A_146 : memref<1000xf32, #tpu.memory_space<hbm>>)
        tpu.yield
      }) : () -> ()
    } else {
    }
    %eq3A_126 = arith.constant 1 : i32
    %eq3A_127 = arith.cmpi eq, %arg0, %eq3A_126 : i32
    %lt3A_128 = arith.constant 10 : i32
    %lt3A_129 = arith.cmpi slt, %arg1, %lt3A_128 : i32
    %and3A_130 = arith.andi %eq3A_127, %lt3A_129 : i1
    %convert_element_type3A_131 = arith.extui %and3A_130 : i1 to i32
    %cond3A_132 = arith.constant 0 : i32
    %cond3A_133 = arith.cmpi ne, %convert_element_type3A_131, %cond3A_132 : i32
    scf.if %cond3A_133 {
      %mul3A_134 = arith.constant 1000 : i32
      %mul3A_135 = arith.muli %arg1, %mul3A_134 : i32
      "tpu.region"() ({
        %run_scoped3A = tpu.sem_alloc : memref<!tpu.dma_semaphore, #tpu.memory_space<semaphore_mem>>
        %dma_start3A_138 = arith.constant 0 : i32
        %dma_start3A_139 = tpu.memref_slice %arg8[%dma_start3A_138] : memref<2000xf32, #tpu.memory_space<vmem>> -> memref<1000xf32, #tpu.memory_space<vmem>>
        %dma_start3A_140 = tpu.memref_slice %arg5[%mul3A_135] : memref<10000xf32, #tpu.memory_space<vmem_shared>> -> memref<1000xf32, #tpu.memory_space<vmem_shared>>
        %dma_start3A_141 = arith.constant 0 : i32
        %dma_start3A_142 = tpu.memref_slice %arg8[%dma_start3A_141] : memref<2000xf32, #tpu.memory_space<vmem>> -> memref<1000xf32, #tpu.memory_space<vmem>>
        %dma_start3A_143 = tpu.memref_slice %arg5[%mul3A_135] : memref<10000xf32, #tpu.memory_space<vmem_shared>> -> memref<1000xf32, #tpu.memory_space<vmem_shared>>
        tpu.enqueue_dma source(%dma_start3A_143 : memref<1000xf32, #tpu.memory_space<vmem_shared>>) target(%dma_start3A_142 : memref<1000xf32, #tpu.memory_space<vmem>>) target_semaphore(%run_scoped3A : memref<!tpu.dma_semaphore, #tpu.memory_space<semaphore_mem>>)
        %dma_wait3A = arith.constant 0 : i32
        %dma_wait3A_144 = tpu.memref_slice %arg8[%dma_wait3A] : memref<2000xf32, #tpu.memory_space<vmem>> -> memref<1000xf32, #tpu.memory_space<vmem>>
        %dma_wait3A_145 = tpu.memref_slice %arg5[%mul3A_135] : memref<10000xf32, #tpu.memory_space<vmem_shared>> -> memref<1000xf32, #tpu.memory_space<vmem_shared>>
        %dma_wait3A_146 = arith.constant 0 : i32
        %dma_wait3A_147 = tpu.memref_slice %arg8[%dma_wait3A_146] : memref<2000xf32, #tpu.memory_space<vmem>> -> memref<1000xf32, #tpu.memory_space<vmem>>
        %dma_wait3A_148 = tpu.memref_slice %arg5[%mul3A_135] : memref<10000xf32, #tpu.memory_space<vmem_shared>> -> memref<1000xf32, #tpu.memory_space<vmem_shared>>
        tpu.wait_dma2 semaphore(%run_scoped3A : memref<!tpu.dma_semaphore, #tpu.memory_space<semaphore_mem>>) src(%dma_wait3A_148 : memref<1000xf32, #tpu.memory_space<vmem_shared>>) dst(%dma_wait3A_147 : memref<1000xf32, #tpu.memory_space<vmem>>)
        tpu.yield
      }) : () -> ()
      %mul3A_136 = arith.constant 1000 : i32
      %mul3A_137 = arith.muli %arg1, %mul3A_136 : i32
      "tpu.region"() ({
        %run_scoped3A = tpu.sem_alloc : memref<!tpu.dma_semaphore, #tpu.memory_space<semaphore_mem>>
        %dma_start3A_138 = arith.constant 0 : i32
        %dma_start3A_139 = tpu.memref_slice %arg8[%dma_start3A_138] : memref<2000xf32, #tpu.memory_space<vmem>> -> memref<1000xf32, #tpu.memory_space<vmem>>
        %dma_start3A_140 = tpu.memref_slice %arg4[%mul3A_137] : memref<10000xf32, #tpu.memory_space<hbm>> -> memref<1000xf32, #tpu.memory_space<hbm>>
        %dma_start3A_141 = tpu.memref_slice %arg4[%mul3A_137] : memref<10000xf32, #tpu.memory_space<hbm>> -> memref<1000xf32, #tpu.memory_space<hbm>>
        %dma_start3A_142 = arith.constant 0 : i32
        %dma_start3A_143 = tpu.memref_slice %arg8[%dma_start3A_142] : memref<2000xf32, #tpu.memory_space<vmem>> -> memref<1000xf32, #tpu.memory_space<vmem>>
        tpu.enqueue_dma source(%dma_start3A_143 : memref<1000xf32, #tpu.memory_space<vmem>>) target(%dma_start3A_141 : memref<1000xf32, #tpu.memory_space<hbm>>) target_semaphore(%run_scoped3A : memref<!tpu.dma_semaphore, #tpu.memory_space<semaphore_mem>>)
        %dma_wait3A = arith.constant 0 : i32
        %dma_wait3A_144 = tpu.memref_slice %arg8[%dma_wait3A] : memref<2000xf32, #tpu.memory_space<vmem>> -> memref<1000xf32, #tpu.memory_space<vmem>>
        %dma_wait3A_145 = tpu.memref_slice %arg4[%mul3A_137] : memref<10000xf32, #tpu.memory_space<hbm>> -> memref<1000xf32, #tpu.memory_space<hbm>>
        %dma_wait3A_146 = tpu.memref_slice %arg4[%mul3A_137] : memref<10000xf32, #tpu.memory_space<hbm>> -> memref<1000xf32, #tpu.memory_space<hbm>>
        %dma_wait3A_147 = arith.constant 0 : i32
        %dma_wait3A_148 = tpu.memref_slice %arg8[%dma_wait3A_147] : memref<2000xf32, #tpu.memory_space<vmem>> -> memref<1000xf32, #tpu.memory_space<vmem>>
        tpu.wait_dma2 semaphore(%run_scoped3A : memref<!tpu.dma_semaphore, #tpu.memory_space<semaphore_mem>>) src(%dma_wait3A_148 : memref<1000xf32, #tpu.memory_space<vmem>>) dst(%dma_wait3A_146 : memref<1000xf32, #tpu.memory_space<hbm>>)
        tpu.yield
      }) : () -> ()
    } else {
    }
    return
  }
}

#map = affine_map<(d0, d1) -> (0, 0)>
#map1 = affine_map<(d0, d1) -> (0, 0, 0)>
module attributes {stable_mosaic.version = 14 : i64} {
  func.func @_agg_body(%arg0: i32, %arg1: i32, %arg2: memref<10000x128xf32, #tpu.memory_space<hbm>>, %arg3: memref<2x320000xi32, #tpu.memory_space<hbm>>, %arg4: memref<2x10000x128xf32, #tpu.memory_space<hbm>>, %arg5: memref<10000x128xf32, #tpu.memory_space<vmem_shared>>, %arg6: memref<6x2x128xi32, #tpu.memory_space<vmem>>, %arg7: memref<3x128x128xf32, #tpu.memory_space<vmem>>, %arg8: memref<!tpu.dma_semaphore, #tpu.memory_space<semaphore_mem>>, %arg9: memref<!tpu.dma_semaphore, #tpu.memory_space<semaphore_mem>>, %arg10: memref<!tpu.dma_semaphore, #tpu.memory_space<semaphore_mem>>, %arg11: memref<!tpu.dma_semaphore, #tpu.memory_space<semaphore_mem>>) attributes {dimension_semantics = [#tpu.dimension_semantics<core_parallel>, #tpu.dimension_semantics<subcore_parallel>], iteration_bounds = array<i64: 2, 16>, scalar_prefetch = 0 : i64, scratch_operands = 7 : i64, tpu.core_type = #tpu.core_type<sc_vector_subcore>, window_params = [{transform_indices = #map}, {transform_indices = #map}, {transform_indices = #map1}]} {
    %mul3A = arith.constant 16 : i32
    %mul3A_0 = arith.muli %arg0, %mul3A : i32
    %add3A = arith.addi %mul3A_0, %arg1 : i32
    %scan3A = arith.constant 0 : i32
    %scan3A_1 = arith.constant 104 : i32
    %scan3A_2 = arith.addi %scan3A, %scan3A_1 : i32
    %scan3A_3 = arith.constant 1 : i32
    scf.for %scan3A_598 = %scan3A to %scan3A_2 step %scan3A_3  : i32 {
      %mul3A_599 = arith.constant 1 : i32
      %mul3A_600 = arith.muli %scan3A_598, %mul3A_599 : i32
      %add3A_601 = arith.constant 0 : i32
      %add3A_602 = arith.addi %add3A_601, %mul3A_600 : i32
      %scan3A_603 = arith.constant 0 : i32
      %scan3A_604 = arith.constant 8 : i32
      %scan3A_605 = arith.addi %scan3A_603, %scan3A_604 : i32
      %scan3A_606 = arith.constant 1 : i32
      scf.for %scan3A_608 = %scan3A_603 to %scan3A_605 step %scan3A_606  : i32 {
        %mul3A_609 = arith.constant 16 : i32
        %mul3A_610 = arith.muli %scan3A_608, %mul3A_609 : i32
        %add3A_611 = arith.constant 0 : i32
        %add3A_612 = arith.addi %add3A_611, %mul3A_610 : i32
        %broadcast_in_dim3A = arith.constant 0.000000e+00 : f32
        %broadcast_in_dim3A_613 = vector.broadcast %broadcast_in_dim3A : f32 to vector<1x16xf32>
        %swap3A = arith.constant 2 : i32
        %swap3A_614 = arith.index_cast %swap3A : i32 to index
        %swap3A_615 = arith.index_cast %add3A_602 : i32 to index
        %swap3A_616 = arith.index_cast %add3A_612 : i32 to index
        %swap3A_617 = tpu.vector_load %arg7[%swap3A_614, %swap3A_615, %swap3A_616] {strides = array<i32>} : memref<3x128x128xf32, #tpu.memory_space<vmem>>, vector<1x1x16xf32>,
        %swap3A_618 = vector.shape_cast %swap3A_617 : vector<1x1x16xf32> to vector<1x16xf32>
        %swap3A_619 = vector.shape_cast %broadcast_in_dim3A_613 : vector<1x16xf32> to vector<1x1x16xf32>
        tpu.vector_store %arg7[%swap3A_614, %swap3A_615, %swap3A_616], %swap3A_619 {strides = array<i32>} : memref<3x128x128xf32, #tpu.memory_space<vmem>>, vector<1x1x16xf32>,
      }
      %scan3A_607 = arith.constant 8 : i32
    }
    %scan3A_4 = arith.constant 104 : i32
    %mul3A_5 = arith.constant 624 : i32
    %mul3A_6 = arith.muli %arg1, %mul3A_5 : i32
    %add3A_7 = arith.constant 0 : i32
    %add3A_8 = arith.addi %mul3A_6, %add3A_7 : i32
    %dma_start3A = arith.constant 2 : i32
    %dma_start3A_9 = arith.constant 0 : i32
    %dma_start3A_10 = arith.constant 0 : i32
    %dma_start3A_11 = tpu.memref_slice %arg7[%dma_start3A, %dma_start3A_9, %dma_start3A_10] : memref<3x128x128xf32, #tpu.memory_space<vmem>> -> memref<1x104x128xf32, #tpu.memory_space<vmem>>
    %dma_start3A_12 = tpu.memref_squeeze %dma_start3A_11 : memref<1x104x128xf32, #tpu.memory_space<vmem>> -> memref<104x128xf32, #tpu.memory_space<vmem>>
    %dma_start3A_13 = arith.constant 0 : i32
    %dma_start3A_14 = tpu.memref_slice %arg5[%add3A_8, %dma_start3A_13] : memref<10000x128xf32, #tpu.memory_space<vmem_shared>> -> memref<104x128xf32, #tpu.memory_space<vmem_shared>>
    %dma_start3A_15 = arith.constant 0 : i32
    %dma_start3A_16 = tpu.memref_slice %arg5[%add3A_8, %dma_start3A_15] : memref<10000x128xf32, #tpu.memory_space<vmem_shared>> -> memref<104x128xf32, #tpu.memory_space<vmem_shared>>
    %dma_start3A_17 = arith.constant 0 : i32
    %dma_start3A_18 = arith.constant 0 : i32
    %dma_start3A_19 = tpu.memref_slice %arg7[%dma_start3A, %dma_start3A_17, %dma_start3A_18] : memref<3x128x128xf32, #tpu.memory_space<vmem>> -> memref<1x104x128xf32, #tpu.memory_space<vmem>>
    %dma_start3A_20 = tpu.memref_squeeze %dma_start3A_19 : memref<1x104x128xf32, #tpu.memory_space<vmem>> -> memref<104x128xf32, #tpu.memory_space<vmem>>
    tpu.enqueue_dma source(%dma_start3A_20 : memref<104x128xf32, #tpu.memory_space<vmem>>) target(%dma_start3A_16 : memref<104x128xf32, #tpu.memory_space<vmem_shared>>) target_semaphore(%arg11 : memref<!tpu.dma_semaphore, #tpu.memory_space<semaphore_mem>>)
    %mul3A_21 = arith.constant 624 : i32
    %mul3A_22 = arith.muli %arg1, %mul3A_21 : i32
    %add3A_23 = arith.constant 104 : i32
    %add3A_24 = arith.addi %mul3A_22, %add3A_23 : i32
    %dma_start3A_25 = arith.constant 2 : i32
    %dma_start3A_26 = arith.constant 0 : i32
    %dma_start3A_27 = arith.constant 0 : i32
    %dma_start3A_28 = tpu.memref_slice %arg7[%dma_start3A_25, %dma_start3A_26, %dma_start3A_27] : memref<3x128x128xf32, #tpu.memory_space<vmem>> -> memref<1x104x128xf32, #tpu.memory_space<vmem>>
    %dma_start3A_29 = tpu.memref_squeeze %dma_start3A_28 : memref<1x104x128xf32, #tpu.memory_space<vmem>> -> memref<104x128xf32, #tpu.memory_space<vmem>>
    %dma_start3A_30 = arith.constant 0 : i32
    %dma_start3A_31 = tpu.memref_slice %arg5[%add3A_24, %dma_start3A_30] : memref<10000x128xf32, #tpu.memory_space<vmem_shared>> -> memref<104x128xf32, #tpu.memory_space<vmem_shared>>
    %dma_start3A_32 = arith.constant 0 : i32
    %dma_start3A_33 = tpu.memref_slice %arg5[%add3A_24, %dma_start3A_32] : memref<10000x128xf32, #tpu.memory_space<vmem_shared>> -> memref<104x128xf32, #tpu.memory_space<vmem_shared>>
    %dma_start3A_34 = arith.constant 0 : i32
    %dma_start3A_35 = arith.constant 0 : i32
    %dma_start3A_36 = tpu.memref_slice %arg7[%dma_start3A_25, %dma_start3A_34, %dma_start3A_35] : memref<3x128x128xf32, #tpu.memory_space<vmem>> -> memref<1x104x128xf32, #tpu.memory_space<vmem>>
    %dma_start3A_37 = tpu.memref_squeeze %dma_start3A_36 : memref<1x104x128xf32, #tpu.memory_space<vmem>> -> memref<104x128xf32, #tpu.memory_space<vmem>>
    tpu.enqueue_dma source(%dma_start3A_37 : memref<104x128xf32, #tpu.memory_space<vmem>>) target(%dma_start3A_33 : memref<104x128xf32, #tpu.memory_space<vmem_shared>>) target_semaphore(%arg11 : memref<!tpu.dma_semaphore, #tpu.memory_space<semaphore_mem>>)
    %mul3A_38 = arith.constant 624 : i32
    %mul3A_39 = arith.muli %arg1, %mul3A_38 : i32
    %add3A_40 = arith.constant 208 : i32
    %add3A_41 = arith.addi %mul3A_39, %add3A_40 : i32
    %dma_start3A_42 = arith.constant 2 : i32
    %dma_start3A_43 = arith.constant 0 : i32
    %dma_start3A_44 = arith.constant 0 : i32
    %dma_start3A_45 = tpu.memref_slice %arg7[%dma_start3A_42, %dma_start3A_43, %dma_start3A_44] : memref<3x128x128xf32, #tpu.memory_space<vmem>> -> memref<1x104x128xf32, #tpu.memory_space<vmem>>
    %dma_start3A_46 = tpu.memref_squeeze %dma_start3A_45 : memref<1x104x128xf32, #tpu.memory_space<vmem>> -> memref<104x128xf32, #tpu.memory_space<vmem>>
    %dma_start3A_47 = arith.constant 0 : i32
    %dma_start3A_48 = tpu.memref_slice %arg5[%add3A_41, %dma_start3A_47] : memref<10000x128xf32, #tpu.memory_space<vmem_shared>> -> memref<104x128xf32, #tpu.memory_space<vmem_shared>>
    %dma_start3A_49 = arith.constant 0 : i32
    %dma_start3A_50 = tpu.memref_slice %arg5[%add3A_41, %dma_start3A_49] : memref<10000x128xf32, #tpu.memory_space<vmem_shared>> -> memref<104x128xf32, #tpu.memory_space<vmem_shared>>
    %dma_start3A_51 = arith.constant 0 : i32
    %dma_start3A_52 = arith.constant 0 : i32
    %dma_start3A_53 = tpu.memref_slice %arg7[%dma_start3A_42, %dma_start3A_51, %dma_start3A_52] : memref<3x128x128xf32, #tpu.memory_space<vmem>> -> memref<1x104x128xf32, #tpu.memory_space<vmem>>
    %dma_start3A_54 = tpu.memref_squeeze %dma_start3A_53 : memref<1x104x128xf32, #tpu.memory_space<vmem>> -> memref<104x128xf32, #tpu.memory_space<vmem>>
    tpu.enqueue_dma source(%dma_start3A_54 : memref<104x128xf32, #tpu.memory_space<vmem>>) target(%dma_start3A_50 : memref<104x128xf32, #tpu.memory_space<vmem_shared>>) target_semaphore(%arg11 : memref<!tpu.dma_semaphore, #tpu.memory_space<semaphore_mem>>)
    %mul3A_55 = arith.constant 624 : i32
    %mul3A_56 = arith.muli %arg1, %mul3A_55 : i32
    %add3A_57 = arith.constant 312 : i32
    %add3A_58 = arith.addi %mul3A_56, %add3A_57 : i32
    %dma_start3A_59 = arith.constant 2 : i32
    %dma_start3A_60 = arith.constant 0 : i32
    %dma_start3A_61 = arith.constant 0 : i32
    %dma_start3A_62 = tpu.memref_slice %arg7[%dma_start3A_59, %dma_start3A_60, %dma_start3A_61] : memref<3x128x128xf32, #tpu.memory_space<vmem>> -> memref<1x104x128xf32, #tpu.memory_space<vmem>>
    %dma_start3A_63 = tpu.memref_squeeze %dma_start3A_62 : memref<1x104x128xf32, #tpu.memory_space<vmem>> -> memref<104x128xf32, #tpu.memory_space<vmem>>
    %dma_start3A_64 = arith.constant 0 : i32
    %dma_start3A_65 = tpu.memref_slice %arg5[%add3A_58, %dma_start3A_64] : memref<10000x128xf32, #tpu.memory_space<vmem_shared>> -> memref<104x128xf32, #tpu.memory_space<vmem_shared>>
    %dma_start3A_66 = arith.constant 0 : i32
    %dma_start3A_67 = tpu.memref_slice %arg5[%add3A_58, %dma_start3A_66] : memref<10000x128xf32, #tpu.memory_space<vmem_shared>> -> memref<104x128xf32, #tpu.memory_space<vmem_shared>>
    %dma_start3A_68 = arith.constant 0 : i32
    %dma_start3A_69 = arith.constant 0 : i32
    %dma_start3A_70 = tpu.memref_slice %arg7[%dma_start3A_59, %dma_start3A_68, %dma_start3A_69] : memref<3x128x128xf32, #tpu.memory_space<vmem>> -> memref<1x104x128xf32, #tpu.memory_space<vmem>>
    %dma_start3A_71 = tpu.memref_squeeze %dma_start3A_70 : memref<1x104x128xf32, #tpu.memory_space<vmem>> -> memref<104x128xf32, #tpu.memory_space<vmem>>
    tpu.enqueue_dma source(%dma_start3A_71 : memref<104x128xf32, #tpu.memory_space<vmem>>) target(%dma_start3A_67 : memref<104x128xf32, #tpu.memory_space<vmem_shared>>) target_semaphore(%arg11 : memref<!tpu.dma_semaphore, #tpu.memory_space<semaphore_mem>>)
    %mul3A_72 = arith.constant 624 : i32
    %mul3A_73 = arith.muli %arg1, %mul3A_72 : i32
    %add3A_74 = arith.constant 416 : i32
    %add3A_75 = arith.addi %mul3A_73, %add3A_74 : i32
    %dma_start3A_76 = arith.constant 2 : i32
    %dma_start3A_77 = arith.constant 0 : i32
    %dma_start3A_78 = arith.constant 0 : i32
    %dma_start3A_79 = tpu.memref_slice %arg7[%dma_start3A_76, %dma_start3A_77, %dma_start3A_78] : memref<3x128x128xf32, #tpu.memory_space<vmem>> -> memref<1x104x128xf32, #tpu.memory_space<vmem>>
    %dma_start3A_80 = tpu.memref_squeeze %dma_start3A_79 : memref<1x104x128xf32, #tpu.memory_space<vmem>> -> memref<104x128xf32, #tpu.memory_space<vmem>>
    %dma_start3A_81 = arith.constant 0 : i32
    %dma_start3A_82 = tpu.memref_slice %arg5[%add3A_75, %dma_start3A_81] : memref<10000x128xf32, #tpu.memory_space<vmem_shared>> -> memref<104x128xf32, #tpu.memory_space<vmem_shared>>
    %dma_start3A_83 = arith.constant 0 : i32
    %dma_start3A_84 = tpu.memref_slice %arg5[%add3A_75, %dma_start3A_83] : memref<10000x128xf32, #tpu.memory_space<vmem_shared>> -> memref<104x128xf32, #tpu.memory_space<vmem_shared>>
    %dma_start3A_85 = arith.constant 0 : i32
    %dma_start3A_86 = arith.constant 0 : i32
    %dma_start3A_87 = tpu.memref_slice %arg7[%dma_start3A_76, %dma_start3A_85, %dma_start3A_86] : memref<3x128x128xf32, #tpu.memory_space<vmem>> -> memref<1x104x128xf32, #tpu.memory_space<vmem>>
    %dma_start3A_88 = tpu.memref_squeeze %dma_start3A_87 : memref<1x104x128xf32, #tpu.memory_space<vmem>> -> memref<104x128xf32, #tpu.memory_space<vmem>>
    tpu.enqueue_dma source(%dma_start3A_88 : memref<104x128xf32, #tpu.memory_space<vmem>>) target(%dma_start3A_84 : memref<104x128xf32, #tpu.memory_space<vmem_shared>>) target_semaphore(%arg11 : memref<!tpu.dma_semaphore, #tpu.memory_space<semaphore_mem>>)
    %mul3A_89 = arith.constant 624 : i32
    %mul3A_90 = arith.muli %arg1, %mul3A_89 : i32
    %add3A_91 = arith.constant 520 : i32
    %add3A_92 = arith.addi %mul3A_90, %add3A_91 : i32
    %dma_start3A_93 = arith.constant 2 : i32
    %dma_start3A_94 = arith.constant 0 : i32
    %dma_start3A_95 = arith.constant 0 : i32
    %dma_start3A_96 = tpu.memref_slice %arg7[%dma_start3A_93, %dma_start3A_94, %dma_start3A_95] : memref<3x128x128xf32, #tpu.memory_space<vmem>> -> memref<1x104x128xf32, #tpu.memory_space<vmem>>
    %dma_start3A_97 = tpu.memref_squeeze %dma_start3A_96 : memref<1x104x128xf32, #tpu.memory_space<vmem>> -> memref<104x128xf32, #tpu.memory_space<vmem>>
    %dma_start3A_98 = arith.constant 0 : i32
    %dma_start3A_99 = tpu.memref_slice %arg5[%add3A_92, %dma_start3A_98] : memref<10000x128xf32, #tpu.memory_space<vmem_shared>> -> memref<104x128xf32, #tpu.memory_space<vmem_shared>>
    %dma_start3A_100 = arith.constant 0 : i32
    %dma_start3A_101 = tpu.memref_slice %arg5[%add3A_92, %dma_start3A_100] : memref<10000x128xf32, #tpu.memory_space<vmem_shared>> -> memref<104x128xf32, #tpu.memory_space<vmem_shared>>
    %dma_start3A_102 = arith.constant 0 : i32
    %dma_start3A_103 = arith.constant 0 : i32
    %dma_start3A_104 = tpu.memref_slice %arg7[%dma_start3A_93, %dma_start3A_102, %dma_start3A_103] : memref<3x128x128xf32, #tpu.memory_space<vmem>> -> memref<1x104x128xf32, #tpu.memory_space<vmem>>
    %dma_start3A_105 = tpu.memref_squeeze %dma_start3A_104 : memref<1x104x128xf32, #tpu.memory_space<vmem>> -> memref<104x128xf32, #tpu.memory_space<vmem>>
    tpu.enqueue_dma source(%dma_start3A_105 : memref<104x128xf32, #tpu.memory_space<vmem>>) target(%dma_start3A_101 : memref<104x128xf32, #tpu.memory_space<vmem_shared>>) target_semaphore(%arg11 : memref<!tpu.dma_semaphore, #tpu.memory_space<semaphore_mem>>)
    %eq3A = arith.constant 15 : i32
    %eq3A_106 = arith.cmpi eq, %arg1, %eq3A : i32
    %convert_element_type3A = arith.extui %eq3A_106 : i1 to i32
    %cond3A = arith.constant 0 : i32
    %cond3A_107 = arith.cmpi ne, %convert_element_type3A, %cond3A : i32
    scf.if %cond3A_107 {
      %dma_start3A_598 = arith.constant 2 : i32
      %dma_start3A_599 = arith.constant 0 : i32
      %dma_start3A_600 = arith.constant 0 : i32
      %dma_start3A_601 = tpu.memref_slice %arg7[%dma_start3A_598, %dma_start3A_599, %dma_start3A_600] : memref<3x128x128xf32, #tpu.memory_space<vmem>> -> memref<1x16x128xf32, #tpu.memory_space<vmem>>
      %dma_start3A_602 = tpu.memref_squeeze %dma_start3A_601 : memref<1x16x128xf32, #tpu.memory_space<vmem>> -> memref<16x128xf32, #tpu.memory_space<vmem>>
      %dma_start3A_603 = arith.constant 9984 : i32
      %dma_start3A_604 = arith.constant 0 : i32
      %dma_start3A_605 = tpu.memref_slice %arg5[%dma_start3A_603, %dma_start3A_604] : memref<10000x128xf32, #tpu.memory_space<vmem_shared>> -> memref<16x128xf32, #tpu.memory_space<vmem_shared>>
      %dma_start3A_606 = arith.constant 9984 : i32
      %dma_start3A_607 = arith.constant 0 : i32
      %dma_start3A_608 = tpu.memref_slice %arg5[%dma_start3A_606, %dma_start3A_607] : memref<10000x128xf32, #tpu.memory_space<vmem_shared>> -> memref<16x128xf32, #tpu.memory_space<vmem_shared>>
      %dma_start3A_609 = arith.constant 0 : i32
      %dma_start3A_610 = arith.constant 0 : i32
      %dma_start3A_611 = tpu.memref_slice %arg7[%dma_start3A_598, %dma_start3A_609, %dma_start3A_610] : memref<3x128x128xf32, #tpu.memory_space<vmem>> -> memref<1x16x128xf32, #tpu.memory_space<vmem>>
      %dma_start3A_612 = tpu.memref_squeeze %dma_start3A_611 : memref<1x16x128xf32, #tpu.memory_space<vmem>> -> memref<16x128xf32, #tpu.memory_space<vmem>>
      tpu.enqueue_dma source(%dma_start3A_612 : memref<16x128xf32, #tpu.memory_space<vmem>>) target(%dma_start3A_608 : memref<16x128xf32, #tpu.memory_space<vmem_shared>>) target_semaphore(%arg11 : memref<!tpu.dma_semaphore, #tpu.memory_space<semaphore_mem>>)
    } else {
    }
    %add3A_108 = arith.constant 0 : i32
    %add3A_109 = arith.addi %add3A_108, %add3A : i32
    %mul3A_110 = arith.constant 128 : i32
    %mul3A_111 = arith.muli %add3A_109, %mul3A_110 : i32
    %rem3A = arith.constant 0 : i32
    %rem3A_112 = arith.constant 6 : i32
    %rem3A_113 = arith.remsi %rem3A, %rem3A_112 : i32
    %dma_start3A_114 = arith.constant 0 : i32
    %dma_start3A_115 = arith.constant 0 : i32
    %dma_start3A_116 = tpu.memref_slice %arg6[%rem3A_113, %dma_start3A_114, %dma_start3A_115] : memref<6x2x128xi32, #tpu.memory_space<vmem>> -> memref<1x2x128xi32, #tpu.memory_space<vmem>>
    %dma_start3A_117 = tpu.memref_squeeze %dma_start3A_116 : memref<1x2x128xi32, #tpu.memory_space<vmem>> -> memref<2x128xi32, #tpu.memory_space<vmem>>
    %dma_start3A_118 = arith.constant 0 : i32
    %dma_start3A_119 = tpu.memref_slice %arg3[%dma_start3A_118, %mul3A_111] : memref<2x320000xi32, #tpu.memory_space<hbm>> -> memref<2x128xi32, #tpu.memory_space<hbm>>
    %dma_start3A_120 = arith.constant 0 : i32
    %dma_start3A_121 = arith.constant 0 : i32
    %dma_start3A_122 = tpu.memref_slice %arg6[%rem3A_113, %dma_start3A_120, %dma_start3A_121] : memref<6x2x128xi32, #tpu.memory_space<vmem>> -> memref<1x2x128xi32, #tpu.memory_space<vmem>>
    %dma_start3A_123 = tpu.memref_squeeze %dma_start3A_122 : memref<1x2x128xi32, #tpu.memory_space<vmem>> -> memref<2x128xi32, #tpu.memory_space<vmem>>
    %dma_start3A_124 = arith.constant 0 : i32
    %dma_start3A_125 = tpu.memref_slice %arg3[%dma_start3A_124, %mul3A_111] : memref<2x320000xi32, #tpu.memory_space<hbm>> -> memref<2x128xi32, #tpu.memory_space<hbm>>
    tpu.enqueue_dma source(%dma_start3A_125 : memref<2x128xi32, #tpu.memory_space<hbm>>) target(%dma_start3A_123 : memref<2x128xi32, #tpu.memory_space<vmem>>) target_semaphore(%arg8 : memref<!tpu.dma_semaphore, #tpu.memory_space<semaphore_mem>>)
    %add3A_126 = arith.constant 32 : i32
    %add3A_127 = arith.addi %add3A_126, %add3A : i32
    %mul3A_128 = arith.constant 128 : i32
    %mul3A_129 = arith.muli %add3A_127, %mul3A_128 : i32
    %rem3A_130 = arith.constant 1 : i32
    %rem3A_131 = arith.constant 6 : i32
    %rem3A_132 = arith.remsi %rem3A_130, %rem3A_131 : i32
    %dma_start3A_133 = arith.constant 0 : i32
    %dma_start3A_134 = arith.constant 0 : i32
    %dma_start3A_135 = tpu.memref_slice %arg6[%rem3A_132, %dma_start3A_133, %dma_start3A_134] : memref<6x2x128xi32, #tpu.memory_space<vmem>> -> memref<1x2x128xi32, #tpu.memory_space<vmem>>
    %dma_start3A_136 = tpu.memref_squeeze %dma_start3A_135 : memref<1x2x128xi32, #tpu.memory_space<vmem>> -> memref<2x128xi32, #tpu.memory_space<vmem>>
    %dma_start3A_137 = arith.constant 0 : i32
    %dma_start3A_138 = tpu.memref_slice %arg3[%dma_start3A_137, %mul3A_129] : memref<2x320000xi32, #tpu.memory_space<hbm>> -> memref<2x128xi32, #tpu.memory_space<hbm>>
    %dma_start3A_139 = arith.constant 0 : i32
    %dma_start3A_140 = arith.constant 0 : i32
    %dma_start3A_141 = tpu.memref_slice %arg6[%rem3A_132, %dma_start3A_139, %dma_start3A_140] : memref<6x2x128xi32, #tpu.memory_space<vmem>> -> memref<1x2x128xi32, #tpu.memory_space<vmem>>
    %dma_start3A_142 = tpu.memref_squeeze %dma_start3A_141 : memref<1x2x128xi32, #tpu.memory_space<vmem>> -> memref<2x128xi32, #tpu.memory_space<vmem>>
    %dma_start3A_143 = arith.constant 0 : i32
    %dma_start3A_144 = tpu.memref_slice %arg3[%dma_start3A_143, %mul3A_129] : memref<2x320000xi32, #tpu.memory_space<hbm>> -> memref<2x128xi32, #tpu.memory_space<hbm>>
    tpu.enqueue_dma source(%dma_start3A_144 : memref<2x128xi32, #tpu.memory_space<hbm>>) target(%dma_start3A_142 : memref<2x128xi32, #tpu.memory_space<vmem>>) target_semaphore(%arg8 : memref<!tpu.dma_semaphore, #tpu.memory_space<semaphore_mem>>)
    %add3A_145 = arith.constant 64 : i32
    %add3A_146 = arith.addi %add3A_145, %add3A : i32
    %mul3A_147 = arith.constant 128 : i32
    %mul3A_148 = arith.muli %add3A_146, %mul3A_147 : i32
    %rem3A_149 = arith.constant 2 : i32
    %rem3A_150 = arith.constant 6 : i32
    %rem3A_151 = arith.remsi %rem3A_149, %rem3A_150 : i32
    %dma_start3A_152 = arith.constant 0 : i32
    %dma_start3A_153 = arith.constant 0 : i32
    %dma_start3A_154 = tpu.memref_slice %arg6[%rem3A_151, %dma_start3A_152, %dma_start3A_153] : memref<6x2x128xi32, #tpu.memory_space<vmem>> -> memref<1x2x128xi32, #tpu.memory_space<vmem>>
    %dma_start3A_155 = tpu.memref_squeeze %dma_start3A_154 : memref<1x2x128xi32, #tpu.memory_space<vmem>> -> memref<2x128xi32, #tpu.memory_space<vmem>>
    %dma_start3A_156 = arith.constant 0 : i32
    %dma_start3A_157 = tpu.memref_slice %arg3[%dma_start3A_156, %mul3A_148] : memref<2x320000xi32, #tpu.memory_space<hbm>> -> memref<2x128xi32, #tpu.memory_space<hbm>>
    %dma_start3A_158 = arith.constant 0 : i32
    %dma_start3A_159 = arith.constant 0 : i32
    %dma_start3A_160 = tpu.memref_slice %arg6[%rem3A_151, %dma_start3A_158, %dma_start3A_159] : memref<6x2x128xi32, #tpu.memory_space<vmem>> -> memref<1x2x128xi32, #tpu.memory_space<vmem>>
    %dma_start3A_161 = tpu.memref_squeeze %dma_start3A_160 : memref<1x2x128xi32, #tpu.memory_space<vmem>> -> memref<2x128xi32, #tpu.memory_space<vmem>>
    %dma_start3A_162 = arith.constant 0 : i32
    %dma_start3A_163 = tpu.memref_slice %arg3[%dma_start3A_162, %mul3A_148] : memref<2x320000xi32, #tpu.memory_space<hbm>> -> memref<2x128xi32, #tpu.memory_space<hbm>>
    tpu.enqueue_dma source(%dma_start3A_163 : memref<2x128xi32, #tpu.memory_space<hbm>>) target(%dma_start3A_161 : memref<2x128xi32, #tpu.memory_space<vmem>>) target_semaphore(%arg8 : memref<!tpu.dma_semaphore, #tpu.memory_space<semaphore_mem>>)
    %add3A_164 = arith.constant 0 : i32
    %add3A_165 = arith.addi %add3A_164, %add3A : i32
    %mul3A_166 = arith.constant 128 : i32
    %mul3A_167 = arith.muli %add3A_165, %mul3A_166 : i32
    %rem3A_168 = arith.constant 0 : i32
    %rem3A_169 = arith.constant 6 : i32
    %rem3A_170 = arith.remsi %rem3A_168, %rem3A_169 : i32
    %dma_wait3A = arith.constant 0 : i32
    %dma_wait3A_171 = arith.constant 0 : i32
    %dma_wait3A_172 = tpu.memref_slice %arg6[%rem3A_170, %dma_wait3A, %dma_wait3A_171] : memref<6x2x128xi32, #tpu.memory_space<vmem>> -> memref<1x2x128xi32, #tpu.memory_space<vmem>>
    %dma_wait3A_173 = tpu.memref_squeeze %dma_wait3A_172 : memref<1x2x128xi32, #tpu.memory_space<vmem>> -> memref<2x128xi32, #tpu.memory_space<vmem>>
    %dma_wait3A_174 = arith.constant 0 : i32
    %dma_wait3A_175 = tpu.memref_slice %arg3[%dma_wait3A_174, %mul3A_167] : memref<2x320000xi32, #tpu.memory_space<hbm>> -> memref<2x128xi32, #tpu.memory_space<hbm>>
    %dma_wait3A_176 = arith.constant 0 : i32
    %dma_wait3A_177 = arith.constant 0 : i32
    %dma_wait3A_178 = tpu.memref_slice %arg6[%rem3A_170, %dma_wait3A_176, %dma_wait3A_177] : memref<6x2x128xi32, #tpu.memory_space<vmem>> -> memref<1x2x128xi32, #tpu.memory_space<vmem>>
    %dma_wait3A_179 = tpu.memref_squeeze %dma_wait3A_178 : memref<1x2x128xi32, #tpu.memory_space<vmem>> -> memref<2x128xi32, #tpu.memory_space<vmem>>
    %dma_wait3A_180 = arith.constant 0 : i32
    %dma_wait3A_181 = tpu.memref_slice %arg3[%dma_wait3A_180, %mul3A_167] : memref<2x320000xi32, #tpu.memory_space<hbm>> -> memref<2x128xi32, #tpu.memory_space<hbm>>
    tpu.wait_dma2 semaphore(%arg8 : memref<!tpu.dma_semaphore, #tpu.memory_space<semaphore_mem>>) src(%dma_wait3A_181 : memref<2x128xi32, #tpu.memory_space<hbm>>) dst(%dma_wait3A_179 : memref<2x128xi32, #tpu.memory_space<vmem>>)
    %rem3A_182 = arith.constant 0 : i32
    %rem3A_183 = arith.constant 6 : i32
    %rem3A_184 = arith.remsi %rem3A_182, %rem3A_183 : i32
    %rem3A_185 = arith.constant 0 : i32
    %rem3A_186 = arith.constant 3 : i32
    %rem3A_187 = arith.remsi %rem3A_185, %rem3A_186 : i32
    %dma_start3A_188 = arith.constant 0 : i32
    %dma_start3A_189 = arith.constant 0 : i32
    %dma_start3A_190 = arith.constant 0 : i32
    %dma_start3A_191 = tpu.memref_slice %arg7[%rem3A_187, %dma_start3A_189, %dma_start3A_190] : memref<3x128x128xf32, #tpu.memory_space<vmem>> -> memref<1x128x128xf32, #tpu.memory_space<vmem>>
    %dma_start3A_192 = tpu.memref_squeeze %dma_start3A_191 : memref<1x128x128xf32, #tpu.memory_space<vmem>> -> memref<128x128xf32, #tpu.memory_space<vmem>>
    %dma_start3A_193 = arith.constant 0 : i32
    %dma_start3A_194 = tpu.memref_slice %arg6[%rem3A_184, %dma_start3A_188, %dma_start3A_193] : memref<6x2x128xi32, #tpu.memory_space<vmem>> -> memref<1x1x128xi32, #tpu.memory_space<vmem>>
    %dma_start3A_195 = tpu.memref_squeeze %dma_start3A_194 : memref<1x1x128xi32, #tpu.memory_space<vmem>> -> memref<128xi32, #tpu.memory_space<vmem>>
    %dma_start3A_196 = arith.constant 0 : i32
    %dma_start3A_197 = arith.constant 0 : i32
    %dma_start3A_198 = tpu.memref_slice %arg2[%dma_start3A_196, %dma_start3A_197] : memref<10000x128xf32, #tpu.memory_space<hbm>> -> memref<10000x128xf32, #tpu.memory_space<hbm>>
    tpu.enqueue_indirect_dma source(%dma_start3A_198 : memref<10000x128xf32, #tpu.memory_space<hbm>>) target(%dma_start3A_192 : memref<128x128xf32, #tpu.memory_space<vmem>>) offsets(%dma_start3A_195 : memref<128xi32, #tpu.memory_space<vmem>>) semaphore(%arg9 : memref<!tpu.dma_semaphore, #tpu.memory_space<semaphore_mem>>)
    %add3A_199 = arith.constant 32 : i32
    %add3A_200 = arith.addi %add3A_199, %add3A : i32
    %mul3A_201 = arith.constant 128 : i32
    %mul3A_202 = arith.muli %add3A_200, %mul3A_201 : i32
    %rem3A_203 = arith.constant 1 : i32
    %rem3A_204 = arith.constant 6 : i32
    %rem3A_205 = arith.remsi %rem3A_203, %rem3A_204 : i32
    %dma_wait3A_206 = arith.constant 0 : i32
    %dma_wait3A_207 = arith.constant 0 : i32
    %dma_wait3A_208 = tpu.memref_slice %arg6[%rem3A_205, %dma_wait3A_206, %dma_wait3A_207] : memref<6x2x128xi32, #tpu.memory_space<vmem>> -> memref<1x2x128xi32, #tpu.memory_space<vmem>>
    %dma_wait3A_209 = tpu.memref_squeeze %dma_wait3A_208 : memref<1x2x128xi32, #tpu.memory_space<vmem>> -> memref<2x128xi32, #tpu.memory_space<vmem>>
    %dma_wait3A_210 = arith.constant 0 : i32
    %dma_wait3A_211 = tpu.memref_slice %arg3[%dma_wait3A_210, %mul3A_202] : memref<2x320000xi32, #tpu.memory_space<hbm>> -> memref<2x128xi32, #tpu.memory_space<hbm>>
    %dma_wait3A_212 = arith.constant 0 : i32
    %dma_wait3A_213 = arith.constant 0 : i32
    %dma_wait3A_214 = tpu.memref_slice %arg6[%rem3A_205, %dma_wait3A_212, %dma_wait3A_213] : memref<6x2x128xi32, #tpu.memory_space<vmem>> -> memref<1x2x128xi32, #tpu.memory_space<vmem>>
    %dma_wait3A_215 = tpu.memref_squeeze %dma_wait3A_214 : memref<1x2x128xi32, #tpu.memory_space<vmem>> -> memref<2x128xi32, #tpu.memory_space<vmem>>
    %dma_wait3A_216 = arith.constant 0 : i32
    %dma_wait3A_217 = tpu.memref_slice %arg3[%dma_wait3A_216, %mul3A_202] : memref<2x320000xi32, #tpu.memory_space<hbm>> -> memref<2x128xi32, #tpu.memory_space<hbm>>
    tpu.wait_dma2 semaphore(%arg8 : memref<!tpu.dma_semaphore, #tpu.memory_space<semaphore_mem>>) src(%dma_wait3A_217 : memref<2x128xi32, #tpu.memory_space<hbm>>) dst(%dma_wait3A_215 : memref<2x128xi32, #tpu.memory_space<vmem>>)
    %rem3A_218 = arith.constant 1 : i32
    %rem3A_219 = arith.constant 6 : i32
    %rem3A_220 = arith.remsi %rem3A_218, %rem3A_219 : i32
    %rem3A_221 = arith.constant 1 : i32
    %rem3A_222 = arith.constant 3 : i32
    %rem3A_223 = arith.remsi %rem3A_221, %rem3A_222 : i32
    %dma_start3A_224 = arith.constant 0 : i32
    %dma_start3A_225 = arith.constant 0 : i32
    %dma_start3A_226 = arith.constant 0 : i32
    %dma_start3A_227 = tpu.memref_slice %arg7[%rem3A_223, %dma_start3A_225, %dma_start3A_226] : memref<3x128x128xf32, #tpu.memory_space<vmem>> -> memref<1x128x128xf32, #tpu.memory_space<vmem>>
    %dma_start3A_228 = tpu.memref_squeeze %dma_start3A_227 : memref<1x128x128xf32, #tpu.memory_space<vmem>> -> memref<128x128xf32, #tpu.memory_space<vmem>>
    %dma_start3A_229 = arith.constant 0 : i32
    %dma_start3A_230 = tpu.memref_slice %arg6[%rem3A_220, %dma_start3A_224, %dma_start3A_229] : memref<6x2x128xi32, #tpu.memory_space<vmem>> -> memref<1x1x128xi32, #tpu.memory_space<vmem>>
    %dma_start3A_231 = tpu.memref_squeeze %dma_start3A_230 : memref<1x1x128xi32, #tpu.memory_space<vmem>> -> memref<128xi32, #tpu.memory_space<vmem>>
    %dma_start3A_232 = arith.constant 0 : i32
    %dma_start3A_233 = arith.constant 0 : i32
    %dma_start3A_234 = tpu.memref_slice %arg2[%dma_start3A_232, %dma_start3A_233] : memref<10000x128xf32, #tpu.memory_space<hbm>> -> memref<10000x128xf32, #tpu.memory_space<hbm>>
    tpu.enqueue_indirect_dma source(%dma_start3A_234 : memref<10000x128xf32, #tpu.memory_space<hbm>>) target(%dma_start3A_228 : memref<128x128xf32, #tpu.memory_space<vmem>>) offsets(%dma_start3A_231 : memref<128xi32, #tpu.memory_space<vmem>>) semaphore(%arg9 : memref<!tpu.dma_semaphore, #tpu.memory_space<semaphore_mem>>)
    %mul3A_235 = arith.constant 624 : i32
    %mul3A_236 = arith.muli %arg1, %mul3A_235 : i32
    %add3A_237 = arith.constant 0 : i32
    %add3A_238 = arith.addi %mul3A_236, %add3A_237 : i32
    %dma_wait3A_239 = arith.constant 2 : i32
    %dma_wait3A_240 = arith.constant 0 : i32
    %dma_wait3A_241 = arith.constant 0 : i32
    %dma_wait3A_242 = tpu.memref_slice %arg7[%dma_wait3A_239, %dma_wait3A_240, %dma_wait3A_241] : memref<3x128x128xf32, #tpu.memory_space<vmem>> -> memref<1x104x128xf32, #tpu.memory_space<vmem>>
    %dma_wait3A_243 = tpu.memref_squeeze %dma_wait3A_242 : memref<1x104x128xf32, #tpu.memory_space<vmem>> -> memref<104x128xf32, #tpu.memory_space<vmem>>
    %dma_wait3A_244 = arith.constant 0 : i32
    %dma_wait3A_245 = tpu.memref_slice %arg5[%add3A_238, %dma_wait3A_244] : memref<10000x128xf32, #tpu.memory_space<vmem_shared>> -> memref<104x128xf32, #tpu.memory_space<vmem_shared>>
    %dma_wait3A_246 = arith.constant 0 : i32
    %dma_wait3A_247 = tpu.memref_slice %arg5[%add3A_238, %dma_wait3A_246] : memref<10000x128xf32, #tpu.memory_space<vmem_shared>> -> memref<104x128xf32, #tpu.memory_space<vmem_shared>>
    %dma_wait3A_248 = arith.constant 0 : i32
    %dma_wait3A_249 = arith.constant 0 : i32
    %dma_wait3A_250 = tpu.memref_slice %arg7[%dma_wait3A_239, %dma_wait3A_248, %dma_wait3A_249] : memref<3x128x128xf32, #tpu.memory_space<vmem>> -> memref<1x104x128xf32, #tpu.memory_space<vmem>>
    %dma_wait3A_251 = tpu.memref_squeeze %dma_wait3A_250 : memref<1x104x128xf32, #tpu.memory_space<vmem>> -> memref<104x128xf32, #tpu.memory_space<vmem>>
    tpu.wait_dma2 semaphore(%arg11 : memref<!tpu.dma_semaphore, #tpu.memory_space<semaphore_mem>>) src(%dma_wait3A_251 : memref<104x128xf32, #tpu.memory_space<vmem>>) dst(%dma_wait3A_247 : memref<104x128xf32, #tpu.memory_space<vmem_shared>>)
    %mul3A_252 = arith.constant 624 : i32
    %mul3A_253 = arith.muli %arg1, %mul3A_252 : i32
    %add3A_254 = arith.constant 104 : i32
    %add3A_255 = arith.addi %mul3A_253, %add3A_254 : i32
    %dma_wait3A_256 = arith.constant 2 : i32
    %dma_wait3A_257 = arith.constant 0 : i32
    %dma_wait3A_258 = arith.constant 0 : i32
    %dma_wait3A_259 = tpu.memref_slice %arg7[%dma_wait3A_256, %dma_wait3A_257, %dma_wait3A_258] : memref<3x128x128xf32, #tpu.memory_space<vmem>> -> memref<1x104x128xf32, #tpu.memory_space<vmem>>
    %dma_wait3A_260 = tpu.memref_squeeze %dma_wait3A_259 : memref<1x104x128xf32, #tpu.memory_space<vmem>> -> memref<104x128xf32, #tpu.memory_space<vmem>>
    %dma_wait3A_261 = arith.constant 0 : i32
    %dma_wait3A_262 = tpu.memref_slice %arg5[%add3A_255, %dma_wait3A_261] : memref<10000x128xf32, #tpu.memory_space<vmem_shared>> -> memref<104x128xf32, #tpu.memory_space<vmem_shared>>
    %dma_wait3A_263 = arith.constant 0 : i32
    %dma_wait3A_264 = tpu.memref_slice %arg5[%add3A_255, %dma_wait3A_263] : memref<10000x128xf32, #tpu.memory_space<vmem_shared>> -> memref<104x128xf32, #tpu.memory_space<vmem_shared>>
    %dma_wait3A_265 = arith.constant 0 : i32
    %dma_wait3A_266 = arith.constant 0 : i32
    %dma_wait3A_267 = tpu.memref_slice %arg7[%dma_wait3A_256, %dma_wait3A_265, %dma_wait3A_266] : memref<3x128x128xf32, #tpu.memory_space<vmem>> -> memref<1x104x128xf32, #tpu.memory_space<vmem>>
    %dma_wait3A_268 = tpu.memref_squeeze %dma_wait3A_267 : memref<1x104x128xf32, #tpu.memory_space<vmem>> -> memref<104x128xf32, #tpu.memory_space<vmem>>
    tpu.wait_dma2 semaphore(%arg11 : memref<!tpu.dma_semaphore, #tpu.memory_space<semaphore_mem>>) src(%dma_wait3A_268 : memref<104x128xf32, #tpu.memory_space<vmem>>) dst(%dma_wait3A_264 : memref<104x128xf32, #tpu.memory_space<vmem_shared>>)
    %mul3A_269 = arith.constant 624 : i32
    %mul3A_270 = arith.muli %arg1, %mul3A_269 : i32
    %add3A_271 = arith.constant 208 : i32
    %add3A_272 = arith.addi %mul3A_270, %add3A_271 : i32
    %dma_wait3A_273 = arith.constant 2 : i32
    %dma_wait3A_274 = arith.constant 0 : i32
    %dma_wait3A_275 = arith.constant 0 : i32
    %dma_wait3A_276 = tpu.memref_slice %arg7[%dma_wait3A_273, %dma_wait3A_274, %dma_wait3A_275] : memref<3x128x128xf32, #tpu.memory_space<vmem>> -> memref<1x104x128xf32, #tpu.memory_space<vmem>>
    %dma_wait3A_277 = tpu.memref_squeeze %dma_wait3A_276 : memref<1x104x128xf32, #tpu.memory_space<vmem>> -> memref<104x128xf32, #tpu.memory_space<vmem>>
    %dma_wait3A_278 = arith.constant 0 : i32
    %dma_wait3A_279 = tpu.memref_slice %arg5[%add3A_272, %dma_wait3A_278] : memref<10000x128xf32, #tpu.memory_space<vmem_shared>> -> memref<104x128xf32, #tpu.memory_space<vmem_shared>>
    %dma_wait3A_280 = arith.constant 0 : i32
    %dma_wait3A_281 = tpu.memref_slice %arg5[%add3A_272, %dma_wait3A_280] : memref<10000x128xf32, #tpu.memory_space<vmem_shared>> -> memref<104x128xf32, #tpu.memory_space<vmem_shared>>
    %dma_wait3A_282 = arith.constant 0 : i32
    %dma_wait3A_283 = arith.constant 0 : i32
    %dma_wait3A_284 = tpu.memref_slice %arg7[%dma_wait3A_273, %dma_wait3A_282, %dma_wait3A_283] : memref<3x128x128xf32, #tpu.memory_space<vmem>> -> memref<1x104x128xf32, #tpu.memory_space<vmem>>
    %dma_wait3A_285 = tpu.memref_squeeze %dma_wait3A_284 : memref<1x104x128xf32, #tpu.memory_space<vmem>> -> memref<104x128xf32, #tpu.memory_space<vmem>>
    tpu.wait_dma2 semaphore(%arg11 : memref<!tpu.dma_semaphore, #tpu.memory_space<semaphore_mem>>) src(%dma_wait3A_285 : memref<104x128xf32, #tpu.memory_space<vmem>>) dst(%dma_wait3A_281 : memref<104x128xf32, #tpu.memory_space<vmem_shared>>)
    %mul3A_286 = arith.constant 624 : i32
    %mul3A_287 = arith.muli %arg1, %mul3A_286 : i32
    %add3A_288 = arith.constant 312 : i32
    %add3A_289 = arith.addi %mul3A_287, %add3A_288 : i32
    %dma_wait3A_290 = arith.constant 2 : i32
    %dma_wait3A_291 = arith.constant 0 : i32
    %dma_wait3A_292 = arith.constant 0 : i32
    %dma_wait3A_293 = tpu.memref_slice %arg7[%dma_wait3A_290, %dma_wait3A_291, %dma_wait3A_292] : memref<3x128x128xf32, #tpu.memory_space<vmem>> -> memref<1x104x128xf32, #tpu.memory_space<vmem>>
    %dma_wait3A_294 = tpu.memref_squeeze %dma_wait3A_293 : memref<1x104x128xf32, #tpu.memory_space<vmem>> -> memref<104x128xf32, #tpu.memory_space<vmem>>
    %dma_wait3A_295 = arith.constant 0 : i32
    %dma_wait3A_296 = tpu.memref_slice %arg5[%add3A_289, %dma_wait3A_295] : memref<10000x128xf32, #tpu.memory_space<vmem_shared>> -> memref<104x128xf32, #tpu.memory_space<vmem_shared>>
    %dma_wait3A_297 = arith.constant 0 : i32
    %dma_wait3A_298 = tpu.memref_slice %arg5[%add3A_289, %dma_wait3A_297] : memref<10000x128xf32, #tpu.memory_space<vmem_shared>> -> memref<104x128xf32, #tpu.memory_space<vmem_shared>>
    %dma_wait3A_299 = arith.constant 0 : i32
    %dma_wait3A_300 = arith.constant 0 : i32
    %dma_wait3A_301 = tpu.memref_slice %arg7[%dma_wait3A_290, %dma_wait3A_299, %dma_wait3A_300] : memref<3x128x128xf32, #tpu.memory_space<vmem>> -> memref<1x104x128xf32, #tpu.memory_space<vmem>>
    %dma_wait3A_302 = tpu.memref_squeeze %dma_wait3A_301 : memref<1x104x128xf32, #tpu.memory_space<vmem>> -> memref<104x128xf32, #tpu.memory_space<vmem>>
    tpu.wait_dma2 semaphore(%arg11 : memref<!tpu.dma_semaphore, #tpu.memory_space<semaphore_mem>>) src(%dma_wait3A_302 : memref<104x128xf32, #tpu.memory_space<vmem>>) dst(%dma_wait3A_298 : memref<104x128xf32, #tpu.memory_space<vmem_shared>>)
    %mul3A_303 = arith.constant 624 : i32
    %mul3A_304 = arith.muli %arg1, %mul3A_303 : i32
    %add3A_305 = arith.constant 416 : i32
    %add3A_306 = arith.addi %mul3A_304, %add3A_305 : i32
    %dma_wait3A_307 = arith.constant 2 : i32
    %dma_wait3A_308 = arith.constant 0 : i32
    %dma_wait3A_309 = arith.constant 0 : i32
    %dma_wait3A_310 = tpu.memref_slice %arg7[%dma_wait3A_307, %dma_wait3A_308, %dma_wait3A_309] : memref<3x128x128xf32, #tpu.memory_space<vmem>> -> memref<1x104x128xf32, #tpu.memory_space<vmem>>
    %dma_wait3A_311 = tpu.memref_squeeze %dma_wait3A_310 : memref<1x104x128xf32, #tpu.memory_space<vmem>> -> memref<104x128xf32, #tpu.memory_space<vmem>>
    %dma_wait3A_312 = arith.constant 0 : i32
    %dma_wait3A_313 = tpu.memref_slice %arg5[%add3A_306, %dma_wait3A_312] : memref<10000x128xf32, #tpu.memory_space<vmem_shared>> -> memref<104x128xf32, #tpu.memory_space<vmem_shared>>
    %dma_wait3A_314 = arith.constant 0 : i32
    %dma_wait3A_315 = tpu.memref_slice %arg5[%add3A_306, %dma_wait3A_314] : memref<10000x128xf32, #tpu.memory_space<vmem_shared>> -> memref<104x128xf32, #tpu.memory_space<vmem_shared>>
    %dma_wait3A_316 = arith.constant 0 : i32
    %dma_wait3A_317 = arith.constant 0 : i32
    %dma_wait3A_318 = tpu.memref_slice %arg7[%dma_wait3A_307, %dma_wait3A_316, %dma_wait3A_317] : memref<3x128x128xf32, #tpu.memory_space<vmem>> -> memref<1x104x128xf32, #tpu.memory_space<vmem>>
    %dma_wait3A_319 = tpu.memref_squeeze %dma_wait3A_318 : memref<1x104x128xf32, #tpu.memory_space<vmem>> -> memref<104x128xf32, #tpu.memory_space<vmem>>
    tpu.wait_dma2 semaphore(%arg11 : memref<!tpu.dma_semaphore, #tpu.memory_space<semaphore_mem>>) src(%dma_wait3A_319 : memref<104x128xf32, #tpu.memory_space<vmem>>) dst(%dma_wait3A_315 : memref<104x128xf32, #tpu.memory_space<vmem_shared>>)
    %mul3A_320 = arith.constant 624 : i32
    %mul3A_321 = arith.muli %arg1, %mul3A_320 : i32
    %add3A_322 = arith.constant 520 : i32
    %add3A_323 = arith.addi %mul3A_321, %add3A_322 : i32
    %dma_wait3A_324 = arith.constant 2 : i32
    %dma_wait3A_325 = arith.constant 0 : i32
    %dma_wait3A_326 = arith.constant 0 : i32
    %dma_wait3A_327 = tpu.memref_slice %arg7[%dma_wait3A_324, %dma_wait3A_325, %dma_wait3A_326] : memref<3x128x128xf32, #tpu.memory_space<vmem>> -> memref<1x104x128xf32, #tpu.memory_space<vmem>>
    %dma_wait3A_328 = tpu.memref_squeeze %dma_wait3A_327 : memref<1x104x128xf32, #tpu.memory_space<vmem>> -> memref<104x128xf32, #tpu.memory_space<vmem>>
    %dma_wait3A_329 = arith.constant 0 : i32
    %dma_wait3A_330 = tpu.memref_slice %arg5[%add3A_323, %dma_wait3A_329] : memref<10000x128xf32, #tpu.memory_space<vmem_shared>> -> memref<104x128xf32, #tpu.memory_space<vmem_shared>>
    %dma_wait3A_331 = arith.constant 0 : i32
    %dma_wait3A_332 = tpu.memref_slice %arg5[%add3A_323, %dma_wait3A_331] : memref<10000x128xf32, #tpu.memory_space<vmem_shared>> -> memref<104x128xf32, #tpu.memory_space<vmem_shared>>
    %dma_wait3A_333 = arith.constant 0 : i32
    %dma_wait3A_334 = arith.constant 0 : i32
    %dma_wait3A_335 = tpu.memref_slice %arg7[%dma_wait3A_324, %dma_wait3A_333, %dma_wait3A_334] : memref<3x128x128xf32, #tpu.memory_space<vmem>> -> memref<1x104x128xf32, #tpu.memory_space<vmem>>
    %dma_wait3A_336 = tpu.memref_squeeze %dma_wait3A_335 : memref<1x104x128xf32, #tpu.memory_space<vmem>> -> memref<104x128xf32, #tpu.memory_space<vmem>>
    tpu.wait_dma2 semaphore(%arg11 : memref<!tpu.dma_semaphore, #tpu.memory_space<semaphore_mem>>) src(%dma_wait3A_336 : memref<104x128xf32, #tpu.memory_space<vmem>>) dst(%dma_wait3A_332 : memref<104x128xf32, #tpu.memory_space<vmem_shared>>)
    %eq3A_337 = arith.constant 15 : i32
    %eq3A_338 = arith.cmpi eq, %arg1, %eq3A_337 : i32
    %convert_element_type3A_339 = arith.extui %eq3A_338 : i1 to i32
    %cond3A_340 = arith.constant 0 : i32
    %cond3A_341 = arith.cmpi ne, %convert_element_type3A_339, %cond3A_340 : i32
    scf.if %cond3A_341 {
      %dma_wait3A_598 = arith.constant 2 : i32
      %dma_wait3A_599 = arith.constant 0 : i32
      %dma_wait3A_600 = arith.constant 0 : i32
      %dma_wait3A_601 = tpu.memref_slice %arg7[%dma_wait3A_598, %dma_wait3A_599, %dma_wait3A_600] : memref<3x128x128xf32, #tpu.memory_space<vmem>> -> memref<1x16x128xf32, #tpu.memory_space<vmem>>
      %dma_wait3A_602 = tpu.memref_squeeze %dma_wait3A_601 : memref<1x16x128xf32, #tpu.memory_space<vmem>> -> memref<16x128xf32, #tpu.memory_space<vmem>>
      %dma_wait3A_603 = arith.constant 9984 : i32
      %dma_wait3A_604 = arith.constant 0 : i32
      %dma_wait3A_605 = tpu.memref_slice %arg5[%dma_wait3A_603, %dma_wait3A_604] : memref<10000x128xf32, #tpu.memory_space<vmem_shared>> -> memref<16x128xf32, #tpu.memory_space<vmem_shared>>
      %dma_wait3A_606 = arith.constant 9984 : i32
      %dma_wait3A_607 = arith.constant 0 : i32
      %dma_wait3A_608 = tpu.memref_slice %arg5[%dma_wait3A_606, %dma_wait3A_607] : memref<10000x128xf32, #tpu.memory_space<vmem_shared>> -> memref<16x128xf32, #tpu.memory_space<vmem_shared>>
      %dma_wait3A_609 = arith.constant 0 : i32
      %dma_wait3A_610 = arith.constant 0 : i32
      %dma_wait3A_611 = tpu.memref_slice %arg7[%dma_wait3A_598, %dma_wait3A_609, %dma_wait3A_610] : memref<3x128x128xf32, #tpu.memory_space<vmem>> -> memref<1x16x128xf32, #tpu.memory_space<vmem>>
      %dma_wait3A_612 = tpu.memref_squeeze %dma_wait3A_611 : memref<1x16x128xf32, #tpu.memory_space<vmem>> -> memref<16x128xf32, #tpu.memory_space<vmem>>
      tpu.wait_dma2 semaphore(%arg11 : memref<!tpu.dma_semaphore, #tpu.memory_space<semaphore_mem>>) src(%dma_wait3A_612 : memref<16x128xf32, #tpu.memory_space<vmem>>) dst(%dma_wait3A_608 : memref<16x128xf32, #tpu.memory_space<vmem_shared>>)
    } else {
    }
    %barrier3A = arith.constant 0 : index
    tpu.barrier barrier_id(%barrier3A)
    %scan3A_342 = arith.constant 0 : i32
    %scan3A_343 = arith.constant 79 : i32
    %scan3A_344 = arith.addi %scan3A_342, %scan3A_343 : i32
    %scan3A_345 = arith.constant 1 : i32
    scf.for %scan3A_598 = %scan3A_342 to %scan3A_344 step %scan3A_345  : i32 {
      %mul3A_599 = arith.constant 1 : i32
      %mul3A_600 = arith.muli %scan3A_598, %mul3A_599 : i32
      %add3A_601 = arith.constant 0 : i32
      %add3A_602 = arith.addi %add3A_601, %mul3A_600 : i32
      %mul3A_603 = arith.constant 32 : i32
      %mul3A_604 = arith.muli %add3A_602, %mul3A_603 : i32
      %add3A_605 = arith.addi %mul3A_604, %add3A : i32
      %lt3A_606 = arith.constant 2500 : i32
      %lt3A_607 = arith.cmpi slt, %add3A_605, %lt3A_606 : i32
      %convert_element_type3A_608 = arith.extui %lt3A_607 : i1 to i32
      %cond3A_609 = arith.constant 0 : i32
      %cond3A_610 = arith.cmpi ne, %convert_element_type3A_608, %cond3A_609 : i32
      scf.if %cond3A_610 {
        %rem3A_631 = arith.constant 6 : i32
        %rem3A_632 = arith.remsi %add3A_602, %rem3A_631 : i32
        %rem3A_633 = arith.constant 3 : i32
        %rem3A_634 = arith.remsi %add3A_602, %rem3A_633 : i32
        %dma_wait3A_635 = arith.constant 0 : i32
        %dma_wait3A_636 = arith.constant 0 : i32
        %dma_wait3A_637 = arith.constant 0 : i32
        %dma_wait3A_638 = tpu.memref_slice %arg7[%rem3A_634, %dma_wait3A_636, %dma_wait3A_637] : memref<3x128x128xf32, #tpu.memory_space<vmem>> -> memref<1x128x128xf32, #tpu.memory_space<vmem>>
        %dma_wait3A_639 = tpu.memref_squeeze %dma_wait3A_638 : memref<1x128x128xf32, #tpu.memory_space<vmem>> -> memref<128x128xf32, #tpu.memory_space<vmem>>
        %dma_wait3A_640 = arith.constant 0 : i32
        %dma_wait3A_641 = tpu.memref_slice %arg6[%rem3A_632, %dma_wait3A_635, %dma_wait3A_640] : memref<6x2x128xi32, #tpu.memory_space<vmem>> -> memref<1x1x128xi32, #tpu.memory_space<vmem>>
        %dma_wait3A_642 = tpu.memref_squeeze %dma_wait3A_641 : memref<1x1x128xi32, #tpu.memory_space<vmem>> -> memref<128xi32, #tpu.memory_space<vmem>>
        %dma_wait3A_643 = arith.constant 0 : i32
        %dma_wait3A_644 = arith.constant 0 : i32
        %dma_wait3A_645 = tpu.memref_slice %arg2[%dma_wait3A_643, %dma_wait3A_644] : memref<10000x128xf32, #tpu.memory_space<hbm>> -> memref<10000x128xf32, #tpu.memory_space<hbm>>
        tpu.wait_indirect_dma semaphore(%arg9 : memref<!tpu.dma_semaphore, #tpu.memory_space<semaphore_mem>>) src(%dma_wait3A_645 : memref<10000x128xf32, #tpu.memory_space<hbm>>) dst(%dma_wait3A_639 : memref<128x128xf32, #tpu.memory_space<vmem>>)
        %rem3A_646 = arith.constant 6 : i32
        %rem3A_647 = arith.remsi %add3A_602, %rem3A_646 : i32
        %rem3A_648 = arith.constant 3 : i32
        %rem3A_649 = arith.remsi %add3A_602, %rem3A_648 : i32
        %dma_start3A_650 = arith.constant 1 : i32
        %dma_start3A_651 = arith.constant 0 : i32
        %dma_start3A_652 = arith.constant 0 : i32
        %dma_start3A_653 = tpu.memref_slice %arg7[%rem3A_649, %dma_start3A_651, %dma_start3A_652] : memref<3x128x128xf32, #tpu.memory_space<vmem>> -> memref<1x128x128xf32, #tpu.memory_space<vmem>>
        %dma_start3A_654 = tpu.memref_squeeze %dma_start3A_653 : memref<1x128x128xf32, #tpu.memory_space<vmem>> -> memref<128x128xf32, #tpu.memory_space<vmem>>
        %dma_start3A_655 = arith.constant 0 : i32
        %dma_start3A_656 = tpu.memref_slice %arg6[%rem3A_647, %dma_start3A_650, %dma_start3A_655] : memref<6x2x128xi32, #tpu.memory_space<vmem>> -> memref<1x1x128xi32, #tpu.memory_space<vmem>>
        %dma_start3A_657 = tpu.memref_squeeze %dma_start3A_656 : memref<1x1x128xi32, #tpu.memory_space<vmem>> -> memref<128xi32, #tpu.memory_space<vmem>>
        %dma_start3A_658 = arith.constant 0 : i32
        %dma_start3A_659 = arith.constant 0 : i32
        %dma_start3A_660 = tpu.memref_slice %arg5[%dma_start3A_658, %dma_start3A_659] : memref<10000x128xf32, #tpu.memory_space<vmem_shared>> -> memref<10000x128xf32, #tpu.memory_space<vmem_shared>>
        tpu.enqueue_indirect_dma source(%dma_start3A_654 : memref<128x128xf32, #tpu.memory_space<vmem>>) target(%dma_start3A_660 : memref<10000x128xf32, #tpu.memory_space<vmem_shared>>) offsets(%dma_start3A_657 : memref<128xi32, #tpu.memory_space<vmem>>) semaphore(%arg10 : memref<!tpu.dma_semaphore, #tpu.memory_space<semaphore_mem>>) {add = true}
        %ge3A_661 = arith.constant 1 : i32
        %ge3A_662 = arith.cmpi sge, %add3A_602, %ge3A_661 : i32
        %convert_element_type3A_663 = arith.extui %ge3A_662 : i1 to i32
        %cond3A_664 = arith.constant 0 : i32
        %cond3A_665 = arith.cmpi ne, %convert_element_type3A_663, %cond3A_664 : i32
        scf.if %cond3A_665 {
          %sub3A = arith.constant 1 : i32
          %sub3A_666 = arith.subi %add3A_602, %sub3A : i32
          %rem3A_667 = arith.constant 6 : i32
          %rem3A_668 = arith.remsi %sub3A_666, %rem3A_667 : i32
          %rem3A_669 = arith.constant 3 : i32
          %rem3A_670 = arith.remsi %sub3A_666, %rem3A_669 : i32
          %dma_wait3A_671 = arith.constant 1 : i32
          %dma_wait3A_672 = arith.constant 0 : i32
          %dma_wait3A_673 = arith.constant 0 : i32
          %dma_wait3A_674 = tpu.memref_slice %arg7[%rem3A_670, %dma_wait3A_672, %dma_wait3A_673] : memref<3x128x128xf32, #tpu.memory_space<vmem>> -> memref<1x128x128xf32, #tpu.memory_space<vmem>>
          %dma_wait3A_675 = tpu.memref_squeeze %dma_wait3A_674 : memref<1x128x128xf32, #tpu.memory_space<vmem>> -> memref<128x128xf32, #tpu.memory_space<vmem>>
          %dma_wait3A_676 = arith.constant 0 : i32
          %dma_wait3A_677 = tpu.memref_slice %arg6[%rem3A_668, %dma_wait3A_671, %dma_wait3A_676] : memref<6x2x128xi32, #tpu.memory_space<vmem>> -> memref<1x1x128xi32, #tpu.memory_space<vmem>>
          %dma_wait3A_678 = tpu.memref_squeeze %dma_wait3A_677 : memref<1x1x128xi32, #tpu.memory_space<vmem>> -> memref<128xi32, #tpu.memory_space<vmem>>
          %dma_wait3A_679 = arith.constant 0 : i32
          %dma_wait3A_680 = arith.constant 0 : i32
          %dma_wait3A_681 = tpu.memref_slice %arg5[%dma_wait3A_679, %dma_wait3A_680] : memref<10000x128xf32, #tpu.memory_space<vmem_shared>> -> memref<10000x128xf32, #tpu.memory_space<vmem_shared>>
          tpu.wait_indirect_dma semaphore(%arg10 : memref<!tpu.dma_semaphore, #tpu.memory_space<semaphore_mem>>) src(%dma_wait3A_675 : memref<128x128xf32, #tpu.memory_space<vmem>>) dst(%dma_wait3A_681 : memref<10000x128xf32, #tpu.memory_space<vmem_shared>>)
        } else {
        }
      } else {
      }
      %add3A_611 = arith.constant 2 : i32
      %add3A_612 = arith.addi %add3A_602, %add3A_611 : i32
      %mul3A_613 = arith.constant 32 : i32
      %mul3A_614 = arith.muli %add3A_612, %mul3A_613 : i32
      %add3A_615 = arith.addi %mul3A_614, %add3A : i32
      %lt3A_616 = arith.constant 2500 : i32
      %lt3A_617 = arith.cmpi slt, %add3A_615, %lt3A_616 : i32
      %convert_element_type3A_618 = arith.extui %lt3A_617 : i1 to i32
      %cond3A_619 = arith.constant 0 : i32
      %cond3A_620 = arith.cmpi ne, %convert_element_type3A_618, %cond3A_619 : i32
      scf.if %cond3A_620 {
        %add3A_631 = arith.constant 2 : i32
        %add3A_632 = arith.addi %add3A_602, %add3A_631 : i32
        %mul3A_633 = arith.constant 32 : i32
        %mul3A_634 = arith.muli %add3A_632, %mul3A_633 : i32
        %add3A_635 = arith.addi %mul3A_634, %add3A : i32
        %mul3A_636 = arith.constant 128 : i32
        %mul3A_637 = arith.muli %add3A_635, %mul3A_636 : i32
        %rem3A_638 = arith.constant 6 : i32
        %rem3A_639 = arith.remsi %add3A_632, %rem3A_638 : i32
        %dma_wait3A_640 = arith.constant 0 : i32
        %dma_wait3A_641 = arith.constant 0 : i32
        %dma_wait3A_642 = tpu.memref_slice %arg6[%rem3A_639, %dma_wait3A_640, %dma_wait3A_641] : memref<6x2x128xi32, #tpu.memory_space<vmem>> -> memref<1x2x128xi32, #tpu.memory_space<vmem>>
        %dma_wait3A_643 = tpu.memref_squeeze %dma_wait3A_642 : memref<1x2x128xi32, #tpu.memory_space<vmem>> -> memref<2x128xi32, #tpu.memory_space<vmem>>
        %dma_wait3A_644 = arith.constant 0 : i32
        %dma_wait3A_645 = tpu.memref_slice %arg3[%dma_wait3A_644, %mul3A_637] : memref<2x320000xi32, #tpu.memory_space<hbm>> -> memref<2x128xi32, #tpu.memory_space<hbm>>
        %dma_wait3A_646 = arith.constant 0 : i32
        %dma_wait3A_647 = arith.constant 0 : i32
        %dma_wait3A_648 = tpu.memref_slice %arg6[%rem3A_639, %dma_wait3A_646, %dma_wait3A_647] : memref<6x2x128xi32, #tpu.memory_space<vmem>> -> memref<1x2x128xi32, #tpu.memory_space<vmem>>
        %dma_wait3A_649 = tpu.memref_squeeze %dma_wait3A_648 : memref<1x2x128xi32, #tpu.memory_space<vmem>> -> memref<2x128xi32, #tpu.memory_space<vmem>>
        %dma_wait3A_650 = arith.constant 0 : i32
        %dma_wait3A_651 = tpu.memref_slice %arg3[%dma_wait3A_650, %mul3A_637] : memref<2x320000xi32, #tpu.memory_space<hbm>> -> memref<2x128xi32, #tpu.memory_space<hbm>>
        tpu.wait_dma2 semaphore(%arg8 : memref<!tpu.dma_semaphore, #tpu.memory_space<semaphore_mem>>) src(%dma_wait3A_651 : memref<2x128xi32, #tpu.memory_space<hbm>>) dst(%dma_wait3A_649 : memref<2x128xi32, #tpu.memory_space<vmem>>)
        %add3A_652 = arith.constant 2 : i32
        %add3A_653 = arith.addi %add3A_602, %add3A_652 : i32
        %rem3A_654 = arith.constant 6 : i32
        %rem3A_655 = arith.remsi %add3A_653, %rem3A_654 : i32
        %rem3A_656 = arith.constant 3 : i32
        %rem3A_657 = arith.remsi %add3A_653, %rem3A_656 : i32
        %dma_start3A_658 = arith.constant 0 : i32
        %dma_start3A_659 = arith.constant 0 : i32
        %dma_start3A_660 = arith.constant 0 : i32
        %dma_start3A_661 = tpu.memref_slice %arg7[%rem3A_657, %dma_start3A_659, %dma_start3A_660] : memref<3x128x128xf32, #tpu.memory_space<vmem>> -> memref<1x128x128xf32, #tpu.memory_space<vmem>>
        %dma_start3A_662 = tpu.memref_squeeze %dma_start3A_661 : memref<1x128x128xf32, #tpu.memory_space<vmem>> -> memref<128x128xf32, #tpu.memory_space<vmem>>
        %dma_start3A_663 = arith.constant 0 : i32
        %dma_start3A_664 = tpu.memref_slice %arg6[%rem3A_655, %dma_start3A_658, %dma_start3A_663] : memref<6x2x128xi32, #tpu.memory_space<vmem>> -> memref<1x1x128xi32, #tpu.memory_space<vmem>>
        %dma_start3A_665 = tpu.memref_squeeze %dma_start3A_664 : memref<1x1x128xi32, #tpu.memory_space<vmem>> -> memref<128xi32, #tpu.memory_space<vmem>>
        %dma_start3A_666 = arith.constant 0 : i32
        %dma_start3A_667 = arith.constant 0 : i32
        %dma_start3A_668 = tpu.memref_slice %arg2[%dma_start3A_666, %dma_start3A_667] : memref<10000x128xf32, #tpu.memory_space<hbm>> -> memref<10000x128xf32, #tpu.memory_space<hbm>>
        tpu.enqueue_indirect_dma source(%dma_start3A_668 : memref<10000x128xf32, #tpu.memory_space<hbm>>) target(%dma_start3A_662 : memref<128x128xf32, #tpu.memory_space<vmem>>) offsets(%dma_start3A_665 : memref<128xi32, #tpu.memory_space<vmem>>) semaphore(%arg9 : memref<!tpu.dma_semaphore, #tpu.memory_space<semaphore_mem>>)
      } else {
      }
      %add3A_621 = arith.constant 3 : i32
      %add3A_622 = arith.addi %add3A_602, %add3A_621 : i32
      %mul3A_623 = arith.constant 32 : i32
      %mul3A_624 = arith.muli %add3A_622, %mul3A_623 : i32
      %add3A_625 = arith.addi %mul3A_624, %add3A : i32
      %lt3A_626 = arith.constant 2500 : i32
      %lt3A_627 = arith.cmpi slt, %add3A_625, %lt3A_626 : i32
      %convert_element_type3A_628 = arith.extui %lt3A_627 : i1 to i32
      %cond3A_629 = arith.constant 0 : i32
      %cond3A_630 = arith.cmpi ne, %convert_element_type3A_628, %cond3A_629 : i32
      scf.if %cond3A_630 {
        %add3A_631 = arith.constant 3 : i32
        %add3A_632 = arith.addi %add3A_602, %add3A_631 : i32
        %mul3A_633 = arith.constant 32 : i32
        %mul3A_634 = arith.muli %add3A_632, %mul3A_633 : i32
        %add3A_635 = arith.addi %mul3A_634, %add3A : i32
        %mul3A_636 = arith.constant 128 : i32
        %mul3A_637 = arith.muli %add3A_635, %mul3A_636 : i32
        %rem3A_638 = arith.constant 6 : i32
        %rem3A_639 = arith.remsi %add3A_632, %rem3A_638 : i32
        %dma_start3A_640 = arith.constant 0 : i32
        %dma_start3A_641 = arith.constant 0 : i32
        %dma_start3A_642 = tpu.memref_slice %arg6[%rem3A_639, %dma_start3A_640, %dma_start3A_641] : memref<6x2x128xi32, #tpu.memory_space<vmem>> -> memref<1x2x128xi32, #tpu.memory_space<vmem>>
        %dma_start3A_643 = tpu.memref_squeeze %dma_start3A_642 : memref<1x2x128xi32, #tpu.memory_space<vmem>> -> memref<2x128xi32, #tpu.memory_space<vmem>>
        %dma_start3A_644 = arith.constant 0 : i32
        %dma_start3A_645 = tpu.memref_slice %arg3[%dma_start3A_644, %mul3A_637] : memref<2x320000xi32, #tpu.memory_space<hbm>> -> memref<2x128xi32, #tpu.memory_space<hbm>>
        %dma_start3A_646 = arith.constant 0 : i32
        %dma_start3A_647 = arith.constant 0 : i32
        %dma_start3A_648 = tpu.memref_slice %arg6[%rem3A_639, %dma_start3A_646, %dma_start3A_647] : memref<6x2x128xi32, #tpu.memory_space<vmem>> -> memref<1x2x128xi32, #tpu.memory_space<vmem>>
        %dma_start3A_649 = tpu.memref_squeeze %dma_start3A_648 : memref<1x2x128xi32, #tpu.memory_space<vmem>> -> memref<2x128xi32, #tpu.memory_space<vmem>>
        %dma_start3A_650 = arith.constant 0 : i32
        %dma_start3A_651 = tpu.memref_slice %arg3[%dma_start3A_650, %mul3A_637] : memref<2x320000xi32, #tpu.memory_space<hbm>> -> memref<2x128xi32, #tpu.memory_space<hbm>>
        tpu.enqueue_dma source(%dma_start3A_651 : memref<2x128xi32, #tpu.memory_space<hbm>>) target(%dma_start3A_649 : memref<2x128xi32, #tpu.memory_space<vmem>>) target_semaphore(%arg8 : memref<!tpu.dma_semaphore, #tpu.memory_space<semaphore_mem>>)
      } else {
      }
    }
    %scan3A_346 = arith.constant 79 : i32
    %add3A_347 = arith.constant 2496 : i32
    %add3A_348 = arith.addi %add3A_347, %add3A : i32
    %lt3A = arith.constant 2500 : i32
    %lt3A_349 = arith.cmpi slt, %add3A_348, %lt3A : i32
    %convert_element_type3A_350 = arith.extui %lt3A_349 : i1 to i32
    %cond3A_351 = arith.constant 0 : i32
    %cond3A_352 = arith.cmpi ne, %convert_element_type3A_350, %cond3A_351 : i32
    scf.if %cond3A_352 {
      %rem3A_598 = arith.constant 78 : i32
      %rem3A_599 = arith.constant 6 : i32
      %rem3A_600 = arith.remsi %rem3A_598, %rem3A_599 : i32
      %rem3A_601 = arith.constant 78 : i32
      %rem3A_602 = arith.constant 3 : i32
      %rem3A_603 = arith.remsi %rem3A_601, %rem3A_602 : i32
      %dma_wait3A_604 = arith.constant 1 : i32
      %dma_wait3A_605 = arith.constant 0 : i32
      %dma_wait3A_606 = arith.constant 0 : i32
      %dma_wait3A_607 = tpu.memref_slice %arg7[%rem3A_603, %dma_wait3A_605, %dma_wait3A_606] : memref<3x128x128xf32, #tpu.memory_space<vmem>> -> memref<1x128x128xf32, #tpu.memory_space<vmem>>
      %dma_wait3A_608 = tpu.memref_squeeze %dma_wait3A_607 : memref<1x128x128xf32, #tpu.memory_space<vmem>> -> memref<128x128xf32, #tpu.memory_space<vmem>>
      %dma_wait3A_609 = arith.constant 0 : i32
      %dma_wait3A_610 = tpu.memref_slice %arg6[%rem3A_600, %dma_wait3A_604, %dma_wait3A_609] : memref<6x2x128xi32, #tpu.memory_space<vmem>> -> memref<1x1x128xi32, #tpu.memory_space<vmem>>
      %dma_wait3A_611 = tpu.memref_squeeze %dma_wait3A_610 : memref<1x1x128xi32, #tpu.memory_space<vmem>> -> memref<128xi32, #tpu.memory_space<vmem>>
      %dma_wait3A_612 = arith.constant 0 : i32
      %dma_wait3A_613 = arith.constant 0 : i32
      %dma_wait3A_614 = tpu.memref_slice %arg5[%dma_wait3A_612, %dma_wait3A_613] : memref<10000x128xf32, #tpu.memory_space<vmem_shared>> -> memref<10000x128xf32, #tpu.memory_space<vmem_shared>>
      tpu.wait_indirect_dma semaphore(%arg10 : memref<!tpu.dma_semaphore, #tpu.memory_space<semaphore_mem>>) src(%dma_wait3A_608 : memref<128x128xf32, #tpu.memory_space<vmem>>) dst(%dma_wait3A_614 : memref<10000x128xf32, #tpu.memory_space<vmem_shared>>)
    } else {
    }
    %add3A_353 = arith.constant 2496 : i32
    %add3A_354 = arith.addi %add3A_353, %add3A : i32
    %ge3A = arith.constant 2500 : i32
    %ge3A_355 = arith.cmpi sge, %add3A_354, %ge3A : i32
    %convert_element_type3A_356 = arith.extui %ge3A_355 : i1 to i32
    %cond3A_357 = arith.constant 0 : i32
    %cond3A_358 = arith.cmpi ne, %convert_element_type3A_356, %cond3A_357 : i32
    scf.if %cond3A_358 {
      %rem3A_598 = arith.constant 77 : i32
      %rem3A_599 = arith.constant 6 : i32
      %rem3A_600 = arith.remsi %rem3A_598, %rem3A_599 : i32
      %rem3A_601 = arith.constant 77 : i32
      %rem3A_602 = arith.constant 3 : i32
      %rem3A_603 = arith.remsi %rem3A_601, %rem3A_602 : i32
      %dma_wait3A_604 = arith.constant 1 : i32
      %dma_wait3A_605 = arith.constant 0 : i32
      %dma_wait3A_606 = arith.constant 0 : i32
      %dma_wait3A_607 = tpu.memref_slice %arg7[%rem3A_603, %dma_wait3A_605, %dma_wait3A_606] : memref<3x128x128xf32, #tpu.memory_space<vmem>> -> memref<1x128x128xf32, #tpu.memory_space<vmem>>
      %dma_wait3A_608 = tpu.memref_squeeze %dma_wait3A_607 : memref<1x128x128xf32, #tpu.memory_space<vmem>> -> memref<128x128xf32, #tpu.memory_space<vmem>>
      %dma_wait3A_609 = arith.constant 0 : i32
      %dma_wait3A_610 = tpu.memref_slice %arg6[%rem3A_600, %dma_wait3A_604, %dma_wait3A_609] : memref<6x2x128xi32, #tpu.memory_space<vmem>> -> memref<1x1x128xi32, #tpu.memory_space<vmem>>
      %dma_wait3A_611 = tpu.memref_squeeze %dma_wait3A_610 : memref<1x1x128xi32, #tpu.memory_space<vmem>> -> memref<128xi32, #tpu.memory_space<vmem>>
      %dma_wait3A_612 = arith.constant 0 : i32
      %dma_wait3A_613 = arith.constant 0 : i32
      %dma_wait3A_614 = tpu.memref_slice %arg5[%dma_wait3A_612, %dma_wait3A_613] : memref<10000x128xf32, #tpu.memory_space<vmem_shared>> -> memref<10000x128xf32, #tpu.memory_space<vmem_shared>>
      tpu.wait_indirect_dma semaphore(%arg10 : memref<!tpu.dma_semaphore, #tpu.memory_space<semaphore_mem>>) src(%dma_wait3A_608 : memref<128x128xf32, #tpu.memory_space<vmem>>) dst(%dma_wait3A_614 : memref<10000x128xf32, #tpu.memory_space<vmem_shared>>)
    } else {
    }
    %barrier3A_359 = arith.constant 0 : index
    tpu.barrier barrier_id(%barrier3A_359)
    %mul3A_360 = arith.constant 624 : i32
    %mul3A_361 = arith.muli %arg1, %mul3A_360 : i32
    %add3A_362 = arith.constant 0 : i32
    %add3A_363 = arith.addi %mul3A_361, %add3A_362 : i32
    %run_scoped3A = arith.constant 0 : i32
    "tpu.region"() ({
      %run_scoped3A_598 = tpu.sem_alloc : memref<!tpu.dma_semaphore, #tpu.memory_space<semaphore_mem>>
      %dma_start3A_599 = arith.constant 0 : i32
      %dma_start3A_600 = arith.constant 0 : i32
      %dma_start3A_601 = tpu.memref_slice %arg7[%run_scoped3A, %dma_start3A_599, %dma_start3A_600] : memref<3x128x128xf32, #tpu.memory_space<vmem>> -> memref<1x104x128xf32, #tpu.memory_space<vmem>>
      %dma_start3A_602 = tpu.memref_squeeze %dma_start3A_601 : memref<1x104x128xf32, #tpu.memory_space<vmem>> -> memref<104x128xf32, #tpu.memory_space<vmem>>
      %dma_start3A_603 = arith.constant 0 : i32
      %dma_start3A_604 = tpu.memref_slice %arg5[%add3A_363, %dma_start3A_603] : memref<10000x128xf32, #tpu.memory_space<vmem_shared>> -> memref<104x128xf32, #tpu.memory_space<vmem_shared>>
      %dma_start3A_605 = arith.constant 0 : i32
      %dma_start3A_606 = arith.constant 0 : i32
      %dma_start3A_607 = tpu.memref_slice %arg7[%run_scoped3A, %dma_start3A_605, %dma_start3A_606] : memref<3x128x128xf32, #tpu.memory_space<vmem>> -> memref<1x104x128xf32, #tpu.memory_space<vmem>>
      %dma_start3A_608 = tpu.memref_squeeze %dma_start3A_607 : memref<1x104x128xf32, #tpu.memory_space<vmem>> -> memref<104x128xf32, #tpu.memory_space<vmem>>
      %dma_start3A_609 = arith.constant 0 : i32
      %dma_start3A_610 = tpu.memref_slice %arg5[%add3A_363, %dma_start3A_609] : memref<10000x128xf32, #tpu.memory_space<vmem_shared>> -> memref<104x128xf32, #tpu.memory_space<vmem_shared>>
      tpu.enqueue_dma source(%dma_start3A_610 : memref<104x128xf32, #tpu.memory_space<vmem_shared>>) target(%dma_start3A_608 : memref<104x128xf32, #tpu.memory_space<vmem>>) target_semaphore(%run_scoped3A_598 : memref<!tpu.dma_semaphore, #tpu.memory_space<semaphore_mem>>)
      %dma_wait3A_611 = arith.constant 0 : i32
      %dma_wait3A_612 = arith.constant 0 : i32
      %dma_wait3A_613 = tpu.memref_slice %arg7[%run_scoped3A, %dma_wait3A_611, %dma_wait3A_612] : memref<3x128x128xf32, #tpu.memory_space<vmem>> -> memref<1x104x128xf32, #tpu.memory_space<vmem>>
      %dma_wait3A_614 = tpu.memref_squeeze %dma_wait3A_613 : memref<1x104x128xf32, #tpu.memory_space<vmem>> -> memref<104x128xf32, #tpu.memory_space<vmem>>
      %dma_wait3A_615 = arith.constant 0 : i32
      %dma_wait3A_616 = tpu.memref_slice %arg5[%add3A_363, %dma_wait3A_615] : memref<10000x128xf32, #tpu.memory_space<vmem_shared>> -> memref<104x128xf32, #tpu.memory_space<vmem_shared>>
      %dma_wait3A_617 = arith.constant 0 : i32
      %dma_wait3A_618 = arith.constant 0 : i32
      %dma_wait3A_619 = tpu.memref_slice %arg7[%run_scoped3A, %dma_wait3A_617, %dma_wait3A_618] : memref<3x128x128xf32, #tpu.memory_space<vmem>> -> memref<1x104x128xf32, #tpu.memory_space<vmem>>
      %dma_wait3A_620 = tpu.memref_squeeze %dma_wait3A_619 : memref<1x104x128xf32, #tpu.memory_space<vmem>> -> memref<104x128xf32, #tpu.memory_space<vmem>>
      %dma_wait3A_621 = arith.constant 0 : i32
      %dma_wait3A_622 = tpu.memref_slice %arg5[%add3A_363, %dma_wait3A_621] : memref<10000x128xf32, #tpu.memory_space<vmem_shared>> -> memref<104x128xf32, #tpu.memory_space<vmem_shared>>
      tpu.wait_dma2 semaphore(%run_scoped3A_598 : memref<!tpu.dma_semaphore, #tpu.memory_space<semaphore_mem>>) src(%dma_wait3A_622 : memref<104x128xf32, #tpu.memory_space<vmem_shared>>) dst(%dma_wait3A_620 : memref<104x128xf32, #tpu.memory_space<vmem>>)
      tpu.yield
    }) : () -> ()
    %dma_start3A_364 = arith.constant 0 : i32
    %dma_start3A_365 = arith.constant 0 : i32
    %dma_start3A_366 = arith.constant 0 : i32
    %dma_start3A_367 = tpu.memref_slice %arg7[%dma_start3A_364, %dma_start3A_365, %dma_start3A_366] : memref<3x128x128xf32, #tpu.memory_space<vmem>> -> memref<1x104x128xf32, #tpu.memory_space<vmem>>
    %dma_start3A_368 = tpu.memref_squeeze %dma_start3A_367 : memref<1x104x128xf32, #tpu.memory_space<vmem>> -> memref<104x128xf32, #tpu.memory_space<vmem>>
    %dma_start3A_369 = arith.constant 0 : i32
    %dma_start3A_370 = tpu.memref_slice %arg4[%arg0, %add3A_363, %dma_start3A_369] : memref<2x10000x128xf32, #tpu.memory_space<hbm>> -> memref<1x104x128xf32, #tpu.memory_space<hbm>>
    %dma_start3A_371 = tpu.memref_squeeze %dma_start3A_370 : memref<1x104x128xf32, #tpu.memory_space<hbm>> -> memref<104x128xf32, #tpu.memory_space<hbm>>
    %dma_start3A_372 = arith.constant 0 : i32
    %dma_start3A_373 = tpu.memref_slice %arg4[%arg0, %add3A_363, %dma_start3A_372] : memref<2x10000x128xf32, #tpu.memory_space<hbm>> -> memref<1x104x128xf32, #tpu.memory_space<hbm>>
    %dma_start3A_374 = tpu.memref_squeeze %dma_start3A_373 : memref<1x104x128xf32, #tpu.memory_space<hbm>> -> memref<104x128xf32, #tpu.memory_space<hbm>>
    %dma_start3A_375 = arith.constant 0 : i32
    %dma_start3A_376 = arith.constant 0 : i32
    %dma_start3A_377 = tpu.memref_slice %arg7[%dma_start3A_364, %dma_start3A_375, %dma_start3A_376] : memref<3x128x128xf32, #tpu.memory_space<vmem>> -> memref<1x104x128xf32, #tpu.memory_space<vmem>>
    %dma_start3A_378 = tpu.memref_squeeze %dma_start3A_377 : memref<1x104x128xf32, #tpu.memory_space<vmem>> -> memref<104x128xf32, #tpu.memory_space<vmem>>
    tpu.enqueue_dma source(%dma_start3A_378 : memref<104x128xf32, #tpu.memory_space<vmem>>) target(%dma_start3A_374 : memref<104x128xf32, #tpu.memory_space<hbm>>) target_semaphore(%arg11 : memref<!tpu.dma_semaphore, #tpu.memory_space<semaphore_mem>>)
    %mul3A_379 = arith.constant 624 : i32
    %mul3A_380 = arith.muli %arg1, %mul3A_379 : i32
    %add3A_381 = arith.constant 104 : i32
    %add3A_382 = arith.addi %mul3A_380, %add3A_381 : i32
    %run_scoped3A_383 = arith.constant 1 : i32
    "tpu.region"() ({
      %run_scoped3A_598 = tpu.sem_alloc : memref<!tpu.dma_semaphore, #tpu.memory_space<semaphore_mem>>
      %dma_start3A_599 = arith.constant 0 : i32
      %dma_start3A_600 = arith.constant 0 : i32
      %dma_start3A_601 = tpu.memref_slice %arg7[%run_scoped3A_383, %dma_start3A_599, %dma_start3A_600] : memref<3x128x128xf32, #tpu.memory_space<vmem>> -> memref<1x104x128xf32, #tpu.memory_space<vmem>>
      %dma_start3A_602 = tpu.memref_squeeze %dma_start3A_601 : memref<1x104x128xf32, #tpu.memory_space<vmem>> -> memref<104x128xf32, #tpu.memory_space<vmem>>
      %dma_start3A_603 = arith.constant 0 : i32
      %dma_start3A_604 = tpu.memref_slice %arg5[%add3A_382, %dma_start3A_603] : memref<10000x128xf32, #tpu.memory_space<vmem_shared>> -> memref<104x128xf32, #tpu.memory_space<vmem_shared>>
      %dma_start3A_605 = arith.constant 0 : i32
      %dma_start3A_606 = arith.constant 0 : i32
      %dma_start3A_607 = tpu.memref_slice %arg7[%run_scoped3A_383, %dma_start3A_605, %dma_start3A_606] : memref<3x128x128xf32, #tpu.memory_space<vmem>> -> memref<1x104x128xf32, #tpu.memory_space<vmem>>
      %dma_start3A_608 = tpu.memref_squeeze %dma_start3A_607 : memref<1x104x128xf32, #tpu.memory_space<vmem>> -> memref<104x128xf32, #tpu.memory_space<vmem>>
      %dma_start3A_609 = arith.constant 0 : i32
      %dma_start3A_610 = tpu.memref_slice %arg5[%add3A_382, %dma_start3A_609] : memref<10000x128xf32, #tpu.memory_space<vmem_shared>> -> memref<104x128xf32, #tpu.memory_space<vmem_shared>>
      tpu.enqueue_dma source(%dma_start3A_610 : memref<104x128xf32, #tpu.memory_space<vmem_shared>>) target(%dma_start3A_608 : memref<104x128xf32, #tpu.memory_space<vmem>>) target_semaphore(%run_scoped3A_598 : memref<!tpu.dma_semaphore, #tpu.memory_space<semaphore_mem>>)
      %dma_wait3A_611 = arith.constant 0 : i32
      %dma_wait3A_612 = arith.constant 0 : i32
      %dma_wait3A_613 = tpu.memref_slice %arg7[%run_scoped3A_383, %dma_wait3A_611, %dma_wait3A_612] : memref<3x128x128xf32, #tpu.memory_space<vmem>> -> memref<1x104x128xf32, #tpu.memory_space<vmem>>
      %dma_wait3A_614 = tpu.memref_squeeze %dma_wait3A_613 : memref<1x104x128xf32, #tpu.memory_space<vmem>> -> memref<104x128xf32, #tpu.memory_space<vmem>>
      %dma_wait3A_615 = arith.constant 0 : i32
      %dma_wait3A_616 = tpu.memref_slice %arg5[%add3A_382, %dma_wait3A_615] : memref<10000x128xf32, #tpu.memory_space<vmem_shared>> -> memref<104x128xf32, #tpu.memory_space<vmem_shared>>
      %dma_wait3A_617 = arith.constant 0 : i32
      %dma_wait3A_618 = arith.constant 0 : i32
      %dma_wait3A_619 = tpu.memref_slice %arg7[%run_scoped3A_383, %dma_wait3A_617, %dma_wait3A_618] : memref<3x128x128xf32, #tpu.memory_space<vmem>> -> memref<1x104x128xf32, #tpu.memory_space<vmem>>
      %dma_wait3A_620 = tpu.memref_squeeze %dma_wait3A_619 : memref<1x104x128xf32, #tpu.memory_space<vmem>> -> memref<104x128xf32, #tpu.memory_space<vmem>>
      %dma_wait3A_621 = arith.constant 0 : i32
      %dma_wait3A_622 = tpu.memref_slice %arg5[%add3A_382, %dma_wait3A_621] : memref<10000x128xf32, #tpu.memory_space<vmem_shared>> -> memref<104x128xf32, #tpu.memory_space<vmem_shared>>
      tpu.wait_dma2 semaphore(%run_scoped3A_598 : memref<!tpu.dma_semaphore, #tpu.memory_space<semaphore_mem>>) src(%dma_wait3A_622 : memref<104x128xf32, #tpu.memory_space<vmem_shared>>) dst(%dma_wait3A_620 : memref<104x128xf32, #tpu.memory_space<vmem>>)
      tpu.yield
    }) : () -> ()
    %dma_start3A_384 = arith.constant 1 : i32
    %dma_start3A_385 = arith.constant 0 : i32
    %dma_start3A_386 = arith.constant 0 : i32
    %dma_start3A_387 = tpu.memref_slice %arg7[%dma_start3A_384, %dma_start3A_385, %dma_start3A_386] : memref<3x128x128xf32, #tpu.memory_space<vmem>> -> memref<1x104x128xf32, #tpu.memory_space<vmem>>
    %dma_start3A_388 = tpu.memref_squeeze %dma_start3A_387 : memref<1x104x128xf32, #tpu.memory_space<vmem>> -> memref<104x128xf32, #tpu.memory_space<vmem>>
    %dma_start3A_389 = arith.constant 0 : i32
    %dma_start3A_390 = tpu.memref_slice %arg4[%arg0, %add3A_382, %dma_start3A_389] : memref<2x10000x128xf32, #tpu.memory_space<hbm>> -> memref<1x104x128xf32, #tpu.memory_space<hbm>>
    %dma_start3A_391 = tpu.memref_squeeze %dma_start3A_390 : memref<1x104x128xf32, #tpu.memory_space<hbm>> -> memref<104x128xf32, #tpu.memory_space<hbm>>
    %dma_start3A_392 = arith.constant 0 : i32
    %dma_start3A_393 = tpu.memref_slice %arg4[%arg0, %add3A_382, %dma_start3A_392] : memref<2x10000x128xf32, #tpu.memory_space<hbm>> -> memref<1x104x128xf32, #tpu.memory_space<hbm>>
    %dma_start3A_394 = tpu.memref_squeeze %dma_start3A_393 : memref<1x104x128xf32, #tpu.memory_space<hbm>> -> memref<104x128xf32, #tpu.memory_space<hbm>>
    %dma_start3A_395 = arith.constant 0 : i32
    %dma_start3A_396 = arith.constant 0 : i32
    %dma_start3A_397 = tpu.memref_slice %arg7[%dma_start3A_384, %dma_start3A_395, %dma_start3A_396] : memref<3x128x128xf32, #tpu.memory_space<vmem>> -> memref<1x104x128xf32, #tpu.memory_space<vmem>>
    %dma_start3A_398 = tpu.memref_squeeze %dma_start3A_397 : memref<1x104x128xf32, #tpu.memory_space<vmem>> -> memref<104x128xf32, #tpu.memory_space<vmem>>
    tpu.enqueue_dma source(%dma_start3A_398 : memref<104x128xf32, #tpu.memory_space<vmem>>) target(%dma_start3A_394 : memref<104x128xf32, #tpu.memory_space<hbm>>) target_semaphore(%arg11 : memref<!tpu.dma_semaphore, #tpu.memory_space<semaphore_mem>>)
    %mul3A_399 = arith.constant 624 : i32
    %mul3A_400 = arith.muli %arg1, %mul3A_399 : i32
    %add3A_401 = arith.constant 208 : i32
    %add3A_402 = arith.addi %mul3A_400, %add3A_401 : i32
    %mul3A_403 = arith.constant 624 : i32
    %mul3A_404 = arith.muli %arg1, %mul3A_403 : i32
    %add3A_405 = arith.constant 0 : i32
    %add3A_406 = arith.addi %mul3A_404, %add3A_405 : i32
    %dma_wait3A_407 = arith.constant 0 : i32
    %dma_wait3A_408 = arith.constant 0 : i32
    %dma_wait3A_409 = arith.constant 0 : i32
    %dma_wait3A_410 = tpu.memref_slice %arg7[%dma_wait3A_407, %dma_wait3A_408, %dma_wait3A_409] : memref<3x128x128xf32, #tpu.memory_space<vmem>> -> memref<1x104x128xf32, #tpu.memory_space<vmem>>
    %dma_wait3A_411 = tpu.memref_squeeze %dma_wait3A_410 : memref<1x104x128xf32, #tpu.memory_space<vmem>> -> memref<104x128xf32, #tpu.memory_space<vmem>>
    %dma_wait3A_412 = arith.constant 0 : i32
    %dma_wait3A_413 = tpu.memref_slice %arg4[%arg0, %add3A_406, %dma_wait3A_412] : memref<2x10000x128xf32, #tpu.memory_space<hbm>> -> memref<1x104x128xf32, #tpu.memory_space<hbm>>
    %dma_wait3A_414 = tpu.memref_squeeze %dma_wait3A_413 : memref<1x104x128xf32, #tpu.memory_space<hbm>> -> memref<104x128xf32, #tpu.memory_space<hbm>>
    %dma_wait3A_415 = arith.constant 0 : i32
    %dma_wait3A_416 = tpu.memref_slice %arg4[%arg0, %add3A_406, %dma_wait3A_415] : memref<2x10000x128xf32, #tpu.memory_space<hbm>> -> memref<1x104x128xf32, #tpu.memory_space<hbm>>
    %dma_wait3A_417 = tpu.memref_squeeze %dma_wait3A_416 : memref<1x104x128xf32, #tpu.memory_space<hbm>> -> memref<104x128xf32, #tpu.memory_space<hbm>>
    %dma_wait3A_418 = arith.constant 0 : i32
    %dma_wait3A_419 = arith.constant 0 : i32
    %dma_wait3A_420 = tpu.memref_slice %arg7[%dma_wait3A_407, %dma_wait3A_418, %dma_wait3A_419] : memref<3x128x128xf32, #tpu.memory_space<vmem>> -> memref<1x104x128xf32, #tpu.memory_space<vmem>>
    %dma_wait3A_421 = tpu.memref_squeeze %dma_wait3A_420 : memref<1x104x128xf32, #tpu.memory_space<vmem>> -> memref<104x128xf32, #tpu.memory_space<vmem>>
    tpu.wait_dma2 semaphore(%arg11 : memref<!tpu.dma_semaphore, #tpu.memory_space<semaphore_mem>>) src(%dma_wait3A_421 : memref<104x128xf32, #tpu.memory_space<vmem>>) dst(%dma_wait3A_417 : memref<104x128xf32, #tpu.memory_space<hbm>>)
    %run_scoped3A_422 = arith.constant 0 : i32
    "tpu.region"() ({
      %run_scoped3A_598 = tpu.sem_alloc : memref<!tpu.dma_semaphore, #tpu.memory_space<semaphore_mem>>
      %dma_start3A_599 = arith.constant 0 : i32
      %dma_start3A_600 = arith.constant 0 : i32
      %dma_start3A_601 = tpu.memref_slice %arg7[%run_scoped3A_422, %dma_start3A_599, %dma_start3A_600] : memref<3x128x128xf32, #tpu.memory_space<vmem>> -> memref<1x104x128xf32, #tpu.memory_space<vmem>>
      %dma_start3A_602 = tpu.memref_squeeze %dma_start3A_601 : memref<1x104x128xf32, #tpu.memory_space<vmem>> -> memref<104x128xf32, #tpu.memory_space<vmem>>
      %dma_start3A_603 = arith.constant 0 : i32
      %dma_start3A_604 = tpu.memref_slice %arg5[%add3A_402, %dma_start3A_603] : memref<10000x128xf32, #tpu.memory_space<vmem_shared>> -> memref<104x128xf32, #tpu.memory_space<vmem_shared>>
      %dma_start3A_605 = arith.constant 0 : i32
      %dma_start3A_606 = arith.constant 0 : i32
      %dma_start3A_607 = tpu.memref_slice %arg7[%run_scoped3A_422, %dma_start3A_605, %dma_start3A_606] : memref<3x128x128xf32, #tpu.memory_space<vmem>> -> memref<1x104x128xf32, #tpu.memory_space<vmem>>
      %dma_start3A_608 = tpu.memref_squeeze %dma_start3A_607 : memref<1x104x128xf32, #tpu.memory_space<vmem>> -> memref<104x128xf32, #tpu.memory_space<vmem>>
      %dma_start3A_609 = arith.constant 0 : i32
      %dma_start3A_610 = tpu.memref_slice %arg5[%add3A_402, %dma_start3A_609] : memref<10000x128xf32, #tpu.memory_space<vmem_shared>> -> memref<104x128xf32, #tpu.memory_space<vmem_shared>>
      tpu.enqueue_dma source(%dma_start3A_610 : memref<104x128xf32, #tpu.memory_space<vmem_shared>>) target(%dma_start3A_608 : memref<104x128xf32, #tpu.memory_space<vmem>>) target_semaphore(%run_scoped3A_598 : memref<!tpu.dma_semaphore, #tpu.memory_space<semaphore_mem>>)
      %dma_wait3A_611 = arith.constant 0 : i32
      %dma_wait3A_612 = arith.constant 0 : i32
      %dma_wait3A_613 = tpu.memref_slice %arg7[%run_scoped3A_422, %dma_wait3A_611, %dma_wait3A_612] : memref<3x128x128xf32, #tpu.memory_space<vmem>> -> memref<1x104x128xf32, #tpu.memory_space<vmem>>
      %dma_wait3A_614 = tpu.memref_squeeze %dma_wait3A_613 : memref<1x104x128xf32, #tpu.memory_space<vmem>> -> memref<104x128xf32, #tpu.memory_space<vmem>>
      %dma_wait3A_615 = arith.constant 0 : i32
      %dma_wait3A_616 = tpu.memref_slice %arg5[%add3A_402, %dma_wait3A_615] : memref<10000x128xf32, #tpu.memory_space<vmem_shared>> -> memref<104x128xf32, #tpu.memory_space<vmem_shared>>
      %dma_wait3A_617 = arith.constant 0 : i32
      %dma_wait3A_618 = arith.constant 0 : i32
      %dma_wait3A_619 = tpu.memref_slice %arg7[%run_scoped3A_422, %dma_wait3A_617, %dma_wait3A_618] : memref<3x128x128xf32, #tpu.memory_space<vmem>> -> memref<1x104x128xf32, #tpu.memory_space<vmem>>
      %dma_wait3A_620 = tpu.memref_squeeze %dma_wait3A_619 : memref<1x104x128xf32, #tpu.memory_space<vmem>> -> memref<104x128xf32, #tpu.memory_space<vmem>>
      %dma_wait3A_621 = arith.constant 0 : i32
      %dma_wait3A_622 = tpu.memref_slice %arg5[%add3A_402, %dma_wait3A_621] : memref<10000x128xf32, #tpu.memory_space<vmem_shared>> -> memref<104x128xf32, #tpu.memory_space<vmem_shared>>
      tpu.wait_dma2 semaphore(%run_scoped3A_598 : memref<!tpu.dma_semaphore, #tpu.memory_space<semaphore_mem>>) src(%dma_wait3A_622 : memref<104x128xf32, #tpu.memory_space<vmem_shared>>) dst(%dma_wait3A_620 : memref<104x128xf32, #tpu.memory_space<vmem>>)
      tpu.yield
    }) : () -> ()
    %dma_start3A_423 = arith.constant 0 : i32
    %dma_start3A_424 = arith.constant 0 : i32
    %dma_start3A_425 = arith.constant 0 : i32
    %dma_start3A_426 = tpu.memref_slice %arg7[%dma_start3A_423, %dma_start3A_424, %dma_start3A_425] : memref<3x128x128xf32, #tpu.memory_space<vmem>> -> memref<1x104x128xf32, #tpu.memory_space<vmem>>
    %dma_start3A_427 = tpu.memref_squeeze %dma_start3A_426 : memref<1x104x128xf32, #tpu.memory_space<vmem>> -> memref<104x128xf32, #tpu.memory_space<vmem>>
    %dma_start3A_428 = arith.constant 0 : i32
    %dma_start3A_429 = tpu.memref_slice %arg4[%arg0, %add3A_402, %dma_start3A_428] : memref<2x10000x128xf32, #tpu.memory_space<hbm>> -> memref<1x104x128xf32, #tpu.memory_space<hbm>>
    %dma_start3A_430 = tpu.memref_squeeze %dma_start3A_429 : memref<1x104x128xf32, #tpu.memory_space<hbm>> -> memref<104x128xf32, #tpu.memory_space<hbm>>
    %dma_start3A_431 = arith.constant 0 : i32
    %dma_start3A_432 = tpu.memref_slice %arg4[%arg0, %add3A_402, %dma_start3A_431] : memref<2x10000x128xf32, #tpu.memory_space<hbm>> -> memref<1x104x128xf32, #tpu.memory_space<hbm>>
    %dma_start3A_433 = tpu.memref_squeeze %dma_start3A_432 : memref<1x104x128xf32, #tpu.memory_space<hbm>> -> memref<104x128xf32, #tpu.memory_space<hbm>>
    %dma_start3A_434 = arith.constant 0 : i32
    %dma_start3A_435 = arith.constant 0 : i32
    %dma_start3A_436 = tpu.memref_slice %arg7[%dma_start3A_423, %dma_start3A_434, %dma_start3A_435] : memref<3x128x128xf32, #tpu.memory_space<vmem>> -> memref<1x104x128xf32, #tpu.memory_space<vmem>>
    %dma_start3A_437 = tpu.memref_squeeze %dma_start3A_436 : memref<1x104x128xf32, #tpu.memory_space<vmem>> -> memref<104x128xf32, #tpu.memory_space<vmem>>
    tpu.enqueue_dma source(%dma_start3A_437 : memref<104x128xf32, #tpu.memory_space<vmem>>) target(%dma_start3A_433 : memref<104x128xf32, #tpu.memory_space<hbm>>) target_semaphore(%arg11 : memref<!tpu.dma_semaphore, #tpu.memory_space<semaphore_mem>>)
    %mul3A_438 = arith.constant 624 : i32
    %mul3A_439 = arith.muli %arg1, %mul3A_438 : i32
    %add3A_440 = arith.constant 312 : i32
    %add3A_441 = arith.addi %mul3A_439, %add3A_440 : i32
    %mul3A_442 = arith.constant 624 : i32
    %mul3A_443 = arith.muli %arg1, %mul3A_442 : i32
    %add3A_444 = arith.constant 104 : i32
    %add3A_445 = arith.addi %mul3A_443, %add3A_444 : i32
    %dma_wait3A_446 = arith.constant 1 : i32
    %dma_wait3A_447 = arith.constant 0 : i32
    %dma_wait3A_448 = arith.constant 0 : i32
    %dma_wait3A_449 = tpu.memref_slice %arg7[%dma_wait3A_446, %dma_wait3A_447, %dma_wait3A_448] : memref<3x128x128xf32, #tpu.memory_space<vmem>> -> memref<1x104x128xf32, #tpu.memory_space<vmem>>
    %dma_wait3A_450 = tpu.memref_squeeze %dma_wait3A_449 : memref<1x104x128xf32, #tpu.memory_space<vmem>> -> memref<104x128xf32, #tpu.memory_space<vmem>>
    %dma_wait3A_451 = arith.constant 0 : i32
    %dma_wait3A_452 = tpu.memref_slice %arg4[%arg0, %add3A_445, %dma_wait3A_451] : memref<2x10000x128xf32, #tpu.memory_space<hbm>> -> memref<1x104x128xf32, #tpu.memory_space<hbm>>
    %dma_wait3A_453 = tpu.memref_squeeze %dma_wait3A_452 : memref<1x104x128xf32, #tpu.memory_space<hbm>> -> memref<104x128xf32, #tpu.memory_space<hbm>>
    %dma_wait3A_454 = arith.constant 0 : i32
    %dma_wait3A_455 = tpu.memref_slice %arg4[%arg0, %add3A_445, %dma_wait3A_454] : memref<2x10000x128xf32, #tpu.memory_space<hbm>> -> memref<1x104x128xf32, #tpu.memory_space<hbm>>
    %dma_wait3A_456 = tpu.memref_squeeze %dma_wait3A_455 : memref<1x104x128xf32, #tpu.memory_space<hbm>> -> memref<104x128xf32, #tpu.memory_space<hbm>>
    %dma_wait3A_457 = arith.constant 0 : i32
    %dma_wait3A_458 = arith.constant 0 : i32
    %dma_wait3A_459 = tpu.memref_slice %arg7[%dma_wait3A_446, %dma_wait3A_457, %dma_wait3A_458] : memref<3x128x128xf32, #tpu.memory_space<vmem>> -> memref<1x104x128xf32, #tpu.memory_space<vmem>>
    %dma_wait3A_460 = tpu.memref_squeeze %dma_wait3A_459 : memref<1x104x128xf32, #tpu.memory_space<vmem>> -> memref<104x128xf32, #tpu.memory_space<vmem>>
    tpu.wait_dma2 semaphore(%arg11 : memref<!tpu.dma_semaphore, #tpu.memory_space<semaphore_mem>>) src(%dma_wait3A_460 : memref<104x128xf32, #tpu.memory_space<vmem>>) dst(%dma_wait3A_456 : memref<104x128xf32, #tpu.memory_space<hbm>>)
    %run_scoped3A_461 = arith.constant 1 : i32
    "tpu.region"() ({
      %run_scoped3A_598 = tpu.sem_alloc : memref<!tpu.dma_semaphore, #tpu.memory_space<semaphore_mem>>
      %dma_start3A_599 = arith.constant 0 : i32
      %dma_start3A_600 = arith.constant 0 : i32
      %dma_start3A_601 = tpu.memref_slice %arg7[%run_scoped3A_461, %dma_start3A_599, %dma_start3A_600] : memref<3x128x128xf32, #tpu.memory_space<vmem>> -> memref<1x104x128xf32, #tpu.memory_space<vmem>>
      %dma_start3A_602 = tpu.memref_squeeze %dma_start3A_601 : memref<1x104x128xf32, #tpu.memory_space<vmem>> -> memref<104x128xf32, #tpu.memory_space<vmem>>
      %dma_start3A_603 = arith.constant 0 : i32
      %dma_start3A_604 = tpu.memref_slice %arg5[%add3A_441, %dma_start3A_603] : memref<10000x128xf32, #tpu.memory_space<vmem_shared>> -> memref<104x128xf32, #tpu.memory_space<vmem_shared>>
      %dma_start3A_605 = arith.constant 0 : i32
      %dma_start3A_606 = arith.constant 0 : i32
      %dma_start3A_607 = tpu.memref_slice %arg7[%run_scoped3A_461, %dma_start3A_605, %dma_start3A_606] : memref<3x128x128xf32, #tpu.memory_space<vmem>> -> memref<1x104x128xf32, #tpu.memory_space<vmem>>
      %dma_start3A_608 = tpu.memref_squeeze %dma_start3A_607 : memref<1x104x128xf32, #tpu.memory_space<vmem>> -> memref<104x128xf32, #tpu.memory_space<vmem>>
      %dma_start3A_609 = arith.constant 0 : i32
      %dma_start3A_610 = tpu.memref_slice %arg5[%add3A_441, %dma_start3A_609] : memref<10000x128xf32, #tpu.memory_space<vmem_shared>> -> memref<104x128xf32, #tpu.memory_space<vmem_shared>>
      tpu.enqueue_dma source(%dma_start3A_610 : memref<104x128xf32, #tpu.memory_space<vmem_shared>>) target(%dma_start3A_608 : memref<104x128xf32, #tpu.memory_space<vmem>>) target_semaphore(%run_scoped3A_598 : memref<!tpu.dma_semaphore, #tpu.memory_space<semaphore_mem>>)
      %dma_wait3A_611 = arith.constant 0 : i32
      %dma_wait3A_612 = arith.constant 0 : i32
      %dma_wait3A_613 = tpu.memref_slice %arg7[%run_scoped3A_461, %dma_wait3A_611, %dma_wait3A_612] : memref<3x128x128xf32, #tpu.memory_space<vmem>> -> memref<1x104x128xf32, #tpu.memory_space<vmem>>
      %dma_wait3A_614 = tpu.memref_squeeze %dma_wait3A_613 : memref<1x104x128xf32, #tpu.memory_space<vmem>> -> memref<104x128xf32, #tpu.memory_space<vmem>>
      %dma_wait3A_615 = arith.constant 0 : i32
      %dma_wait3A_616 = tpu.memref_slice %arg5[%add3A_441, %dma_wait3A_615] : memref<10000x128xf32, #tpu.memory_space<vmem_shared>> -> memref<104x128xf32, #tpu.memory_space<vmem_shared>>
      %dma_wait3A_617 = arith.constant 0 : i32
      %dma_wait3A_618 = arith.constant 0 : i32
      %dma_wait3A_619 = tpu.memref_slice %arg7[%run_scoped3A_461, %dma_wait3A_617, %dma_wait3A_618] : memref<3x128x128xf32, #tpu.memory_space<vmem>> -> memref<1x104x128xf32, #tpu.memory_space<vmem>>
      %dma_wait3A_620 = tpu.memref_squeeze %dma_wait3A_619 : memref<1x104x128xf32, #tpu.memory_space<vmem>> -> memref<104x128xf32, #tpu.memory_space<vmem>>
      %dma_wait3A_621 = arith.constant 0 : i32
      %dma_wait3A_622 = tpu.memref_slice %arg5[%add3A_441, %dma_wait3A_621] : memref<10000x128xf32, #tpu.memory_space<vmem_shared>> -> memref<104x128xf32, #tpu.memory_space<vmem_shared>>
      tpu.wait_dma2 semaphore(%run_scoped3A_598 : memref<!tpu.dma_semaphore, #tpu.memory_space<semaphore_mem>>) src(%dma_wait3A_622 : memref<104x128xf32, #tpu.memory_space<vmem_shared>>) dst(%dma_wait3A_620 : memref<104x128xf32, #tpu.memory_space<vmem>>)
      tpu.yield
    }) : () -> ()
    %dma_start3A_462 = arith.constant 1 : i32
    %dma_start3A_463 = arith.constant 0 : i32
    %dma_start3A_464 = arith.constant 0 : i32
    %dma_start3A_465 = tpu.memref_slice %arg7[%dma_start3A_462, %dma_start3A_463, %dma_start3A_464] : memref<3x128x128xf32, #tpu.memory_space<vmem>> -> memref<1x104x128xf32, #tpu.memory_space<vmem>>
    %dma_start3A_466 = tpu.memref_squeeze %dma_start3A_465 : memref<1x104x128xf32, #tpu.memory_space<vmem>> -> memref<104x128xf32, #tpu.memory_space<vmem>>
    %dma_start3A_467 = arith.constant 0 : i32
    %dma_start3A_468 = tpu.memref_slice %arg4[%arg0, %add3A_441, %dma_start3A_467] : memref<2x10000x128xf32, #tpu.memory_space<hbm>> -> memref<1x104x128xf32, #tpu.memory_space<hbm>>
    %dma_start3A_469 = tpu.memref_squeeze %dma_start3A_468 : memref<1x104x128xf32, #tpu.memory_space<hbm>> -> memref<104x128xf32, #tpu.memory_space<hbm>>
    %dma_start3A_470 = arith.constant 0 : i32
    %dma_start3A_471 = tpu.memref_slice %arg4[%arg0, %add3A_441, %dma_start3A_470] : memref<2x10000x128xf32, #tpu.memory_space<hbm>> -> memref<1x104x128xf32, #tpu.memory_space<hbm>>
    %dma_start3A_472 = tpu.memref_squeeze %dma_start3A_471 : memref<1x104x128xf32, #tpu.memory_space<hbm>> -> memref<104x128xf32, #tpu.memory_space<hbm>>
    %dma_start3A_473 = arith.constant 0 : i32
    %dma_start3A_474 = arith.constant 0 : i32
    %dma_start3A_475 = tpu.memref_slice %arg7[%dma_start3A_462, %dma_start3A_473, %dma_start3A_474] : memref<3x128x128xf32, #tpu.memory_space<vmem>> -> memref<1x104x128xf32, #tpu.memory_space<vmem>>
    %dma_start3A_476 = tpu.memref_squeeze %dma_start3A_475 : memref<1x104x128xf32, #tpu.memory_space<vmem>> -> memref<104x128xf32, #tpu.memory_space<vmem>>
    tpu.enqueue_dma source(%dma_start3A_476 : memref<104x128xf32, #tpu.memory_space<vmem>>) target(%dma_start3A_472 : memref<104x128xf32, #tpu.memory_space<hbm>>) target_semaphore(%arg11 : memref<!tpu.dma_semaphore, #tpu.memory_space<semaphore_mem>>)
    %mul3A_477 = arith.constant 624 : i32
    %mul3A_478 = arith.muli %arg1, %mul3A_477 : i32
    %add3A_479 = arith.constant 416 : i32
    %add3A_480 = arith.addi %mul3A_478, %add3A_479 : i32
    %mul3A_481 = arith.constant 624 : i32
    %mul3A_482 = arith.muli %arg1, %mul3A_481 : i32
    %add3A_483 = arith.constant 208 : i32
    %add3A_484 = arith.addi %mul3A_482, %add3A_483 : i32
    %dma_wait3A_485 = arith.constant 0 : i32
    %dma_wait3A_486 = arith.constant 0 : i32
    %dma_wait3A_487 = arith.constant 0 : i32
    %dma_wait3A_488 = tpu.memref_slice %arg7[%dma_wait3A_485, %dma_wait3A_486, %dma_wait3A_487] : memref<3x128x128xf32, #tpu.memory_space<vmem>> -> memref<1x104x128xf32, #tpu.memory_space<vmem>>
    %dma_wait3A_489 = tpu.memref_squeeze %dma_wait3A_488 : memref<1x104x128xf32, #tpu.memory_space<vmem>> -> memref<104x128xf32, #tpu.memory_space<vmem>>
    %dma_wait3A_490 = arith.constant 0 : i32
    %dma_wait3A_491 = tpu.memref_slice %arg4[%arg0, %add3A_484, %dma_wait3A_490] : memref<2x10000x128xf32, #tpu.memory_space<hbm>> -> memref<1x104x128xf32, #tpu.memory_space<hbm>>
    %dma_wait3A_492 = tpu.memref_squeeze %dma_wait3A_491 : memref<1x104x128xf32, #tpu.memory_space<hbm>> -> memref<104x128xf32, #tpu.memory_space<hbm>>
    %dma_wait3A_493 = arith.constant 0 : i32
    %dma_wait3A_494 = tpu.memref_slice %arg4[%arg0, %add3A_484, %dma_wait3A_493] : memref<2x10000x128xf32, #tpu.memory_space<hbm>> -> memref<1x104x128xf32, #tpu.memory_space<hbm>>
    %dma_wait3A_495 = tpu.memref_squeeze %dma_wait3A_494 : memref<1x104x128xf32, #tpu.memory_space<hbm>> -> memref<104x128xf32, #tpu.memory_space<hbm>>
    %dma_wait3A_496 = arith.constant 0 : i32
    %dma_wait3A_497 = arith.constant 0 : i32
    %dma_wait3A_498 = tpu.memref_slice %arg7[%dma_wait3A_485, %dma_wait3A_496, %dma_wait3A_497] : memref<3x128x128xf32, #tpu.memory_space<vmem>> -> memref<1x104x128xf32, #tpu.memory_space<vmem>>
    %dma_wait3A_499 = tpu.memref_squeeze %dma_wait3A_498 : memref<1x104x128xf32, #tpu.memory_space<vmem>> -> memref<104x128xf32, #tpu.memory_space<vmem>>
    tpu.wait_dma2 semaphore(%arg11 : memref<!tpu.dma_semaphore, #tpu.memory_space<semaphore_mem>>) src(%dma_wait3A_499 : memref<104x128xf32, #tpu.memory_space<vmem>>) dst(%dma_wait3A_495 : memref<104x128xf32, #tpu.memory_space<hbm>>)
    %run_scoped3A_500 = arith.constant 0 : i32
    "tpu.region"() ({
      %run_scoped3A_598 = tpu.sem_alloc : memref<!tpu.dma_semaphore, #tpu.memory_space<semaphore_mem>>
      %dma_start3A_599 = arith.constant 0 : i32
      %dma_start3A_600 = arith.constant 0 : i32
      %dma_start3A_601 = tpu.memref_slice %arg7[%run_scoped3A_500, %dma_start3A_599, %dma_start3A_600] : memref<3x128x128xf32, #tpu.memory_space<vmem>> -> memref<1x104x128xf32, #tpu.memory_space<vmem>>
      %dma_start3A_602 = tpu.memref_squeeze %dma_start3A_601 : memref<1x104x128xf32, #tpu.memory_space<vmem>> -> memref<104x128xf32, #tpu.memory_space<vmem>>
      %dma_start3A_603 = arith.constant 0 : i32
      %dma_start3A_604 = tpu.memref_slice %arg5[%add3A_480, %dma_start3A_603] : memref<10000x128xf32, #tpu.memory_space<vmem_shared>> -> memref<104x128xf32, #tpu.memory_space<vmem_shared>>
      %dma_start3A_605 = arith.constant 0 : i32
      %dma_start3A_606 = arith.constant 0 : i32
      %dma_start3A_607 = tpu.memref_slice %arg7[%run_scoped3A_500, %dma_start3A_605, %dma_start3A_606] : memref<3x128x128xf32, #tpu.memory_space<vmem>> -> memref<1x104x128xf32, #tpu.memory_space<vmem>>
      %dma_start3A_608 = tpu.memref_squeeze %dma_start3A_607 : memref<1x104x128xf32, #tpu.memory_space<vmem>> -> memref<104x128xf32, #tpu.memory_space<vmem>>
      %dma_start3A_609 = arith.constant 0 : i32
      %dma_start3A_610 = tpu.memref_slice %arg5[%add3A_480, %dma_start3A_609] : memref<10000x128xf32, #tpu.memory_space<vmem_shared>> -> memref<104x128xf32, #tpu.memory_space<vmem_shared>>
      tpu.enqueue_dma source(%dma_start3A_610 : memref<104x128xf32, #tpu.memory_space<vmem_shared>>) target(%dma_start3A_608 : memref<104x128xf32, #tpu.memory_space<vmem>>) target_semaphore(%run_scoped3A_598 : memref<!tpu.dma_semaphore, #tpu.memory_space<semaphore_mem>>)
      %dma_wait3A_611 = arith.constant 0 : i32
      %dma_wait3A_612 = arith.constant 0 : i32
      %dma_wait3A_613 = tpu.memref_slice %arg7[%run_scoped3A_500, %dma_wait3A_611, %dma_wait3A_612] : memref<3x128x128xf32, #tpu.memory_space<vmem>> -> memref<1x104x128xf32, #tpu.memory_space<vmem>>
      %dma_wait3A_614 = tpu.memref_squeeze %dma_wait3A_613 : memref<1x104x128xf32, #tpu.memory_space<vmem>> -> memref<104x128xf32, #tpu.memory_space<vmem>>
      %dma_wait3A_615 = arith.constant 0 : i32
      %dma_wait3A_616 = tpu.memref_slice %arg5[%add3A_480, %dma_wait3A_615] : memref<10000x128xf32, #tpu.memory_space<vmem_shared>> -> memref<104x128xf32, #tpu.memory_space<vmem_shared>>
      %dma_wait3A_617 = arith.constant 0 : i32
      %dma_wait3A_618 = arith.constant 0 : i32
      %dma_wait3A_619 = tpu.memref_slice %arg7[%run_scoped3A_500, %dma_wait3A_617, %dma_wait3A_618] : memref<3x128x128xf32, #tpu.memory_space<vmem>> -> memref<1x104x128xf32, #tpu.memory_space<vmem>>
      %dma_wait3A_620 = tpu.memref_squeeze %dma_wait3A_619 : memref<1x104x128xf32, #tpu.memory_space<vmem>> -> memref<104x128xf32, #tpu.memory_space<vmem>>
      %dma_wait3A_621 = arith.constant 0 : i32
      %dma_wait3A_622 = tpu.memref_slice %arg5[%add3A_480, %dma_wait3A_621] : memref<10000x128xf32, #tpu.memory_space<vmem_shared>> -> memref<104x128xf32, #tpu.memory_space<vmem_shared>>
      tpu.wait_dma2 semaphore(%run_scoped3A_598 : memref<!tpu.dma_semaphore, #tpu.memory_space<semaphore_mem>>) src(%dma_wait3A_622 : memref<104x128xf32, #tpu.memory_space<vmem_shared>>) dst(%dma_wait3A_620 : memref<104x128xf32, #tpu.memory_space<vmem>>)
      tpu.yield
    }) : () -> ()
    %dma_start3A_501 = arith.constant 0 : i32
    %dma_start3A_502 = arith.constant 0 : i32
    %dma_start3A_503 = arith.constant 0 : i32
    %dma_start3A_504 = tpu.memref_slice %arg7[%dma_start3A_501, %dma_start3A_502, %dma_start3A_503] : memref<3x128x128xf32, #tpu.memory_space<vmem>> -> memref<1x104x128xf32, #tpu.memory_space<vmem>>
    %dma_start3A_505 = tpu.memref_squeeze %dma_start3A_504 : memref<1x104x128xf32, #tpu.memory_space<vmem>> -> memref<104x128xf32, #tpu.memory_space<vmem>>
    %dma_start3A_506 = arith.constant 0 : i32
    %dma_start3A_507 = tpu.memref_slice %arg4[%arg0, %add3A_480, %dma_start3A_506] : memref<2x10000x128xf32, #tpu.memory_space<hbm>> -> memref<1x104x128xf32, #tpu.memory_space<hbm>>
    %dma_start3A_508 = tpu.memref_squeeze %dma_start3A_507 : memref<1x104x128xf32, #tpu.memory_space<hbm>> -> memref<104x128xf32, #tpu.memory_space<hbm>>
    %dma_start3A_509 = arith.constant 0 : i32
    %dma_start3A_510 = tpu.memref_slice %arg4[%arg0, %add3A_480, %dma_start3A_509] : memref<2x10000x128xf32, #tpu.memory_space<hbm>> -> memref<1x104x128xf32, #tpu.memory_space<hbm>>
    %dma_start3A_511 = tpu.memref_squeeze %dma_start3A_510 : memref<1x104x128xf32, #tpu.memory_space<hbm>> -> memref<104x128xf32, #tpu.memory_space<hbm>>
    %dma_start3A_512 = arith.constant 0 : i32
    %dma_start3A_513 = arith.constant 0 : i32
    %dma_start3A_514 = tpu.memref_slice %arg7[%dma_start3A_501, %dma_start3A_512, %dma_start3A_513] : memref<3x128x128xf32, #tpu.memory_space<vmem>> -> memref<1x104x128xf32, #tpu.memory_space<vmem>>
    %dma_start3A_515 = tpu.memref_squeeze %dma_start3A_514 : memref<1x104x128xf32, #tpu.memory_space<vmem>> -> memref<104x128xf32, #tpu.memory_space<vmem>>
    tpu.enqueue_dma source(%dma_start3A_515 : memref<104x128xf32, #tpu.memory_space<vmem>>) target(%dma_start3A_511 : memref<104x128xf32, #tpu.memory_space<hbm>>) target_semaphore(%arg11 : memref<!tpu.dma_semaphore, #tpu.memory_space<semaphore_mem>>)
    %mul3A_516 = arith.constant 624 : i32
    %mul3A_517 = arith.muli %arg1, %mul3A_516 : i32
    %add3A_518 = arith.constant 520 : i32
    %add3A_519 = arith.addi %mul3A_517, %add3A_518 : i32
    %mul3A_520 = arith.constant 624 : i32
    %mul3A_521 = arith.muli %arg1, %mul3A_520 : i32
    %add3A_522 = arith.constant 312 : i32
    %add3A_523 = arith.addi %mul3A_521, %add3A_522 : i32
    %dma_wait3A_524 = arith.constant 1 : i32
    %dma_wait3A_525 = arith.constant 0 : i32
    %dma_wait3A_526 = arith.constant 0 : i32
    %dma_wait3A_527 = tpu.memref_slice %arg7[%dma_wait3A_524, %dma_wait3A_525, %dma_wait3A_526] : memref<3x128x128xf32, #tpu.memory_space<vmem>> -> memref<1x104x128xf32, #tpu.memory_space<vmem>>
    %dma_wait3A_528 = tpu.memref_squeeze %dma_wait3A_527 : memref<1x104x128xf32, #tpu.memory_space<vmem>> -> memref<104x128xf32, #tpu.memory_space<vmem>>
    %dma_wait3A_529 = arith.constant 0 : i32
    %dma_wait3A_530 = tpu.memref_slice %arg4[%arg0, %add3A_523, %dma_wait3A_529] : memref<2x10000x128xf32, #tpu.memory_space<hbm>> -> memref<1x104x128xf32, #tpu.memory_space<hbm>>
    %dma_wait3A_531 = tpu.memref_squeeze %dma_wait3A_530 : memref<1x104x128xf32, #tpu.memory_space<hbm>> -> memref<104x128xf32, #tpu.memory_space<hbm>>
    %dma_wait3A_532 = arith.constant 0 : i32
    %dma_wait3A_533 = tpu.memref_slice %arg4[%arg0, %add3A_523, %dma_wait3A_532] : memref<2x10000x128xf32, #tpu.memory_space<hbm>> -> memref<1x104x128xf32, #tpu.memory_space<hbm>>
    %dma_wait3A_534 = tpu.memref_squeeze %dma_wait3A_533 : memref<1x104x128xf32, #tpu.memory_space<hbm>> -> memref<104x128xf32, #tpu.memory_space<hbm>>
    %dma_wait3A_535 = arith.constant 0 : i32
    %dma_wait3A_536 = arith.constant 0 : i32
    %dma_wait3A_537 = tpu.memref_slice %arg7[%dma_wait3A_524, %dma_wait3A_535, %dma_wait3A_536] : memref<3x128x128xf32, #tpu.memory_space<vmem>> -> memref<1x104x128xf32, #tpu.memory_space<vmem>>
    %dma_wait3A_538 = tpu.memref_squeeze %dma_wait3A_537 : memref<1x104x128xf32, #tpu.memory_space<vmem>> -> memref<104x128xf32, #tpu.memory_space<vmem>>
    tpu.wait_dma2 semaphore(%arg11 : memref<!tpu.dma_semaphore, #tpu.memory_space<semaphore_mem>>) src(%dma_wait3A_538 : memref<104x128xf32, #tpu.memory_space<vmem>>) dst(%dma_wait3A_534 : memref<104x128xf32, #tpu.memory_space<hbm>>)
    %run_scoped3A_539 = arith.constant 1 : i32
    "tpu.region"() ({
      %run_scoped3A_598 = tpu.sem_alloc : memref<!tpu.dma_semaphore, #tpu.memory_space<semaphore_mem>>
      %dma_start3A_599 = arith.constant 0 : i32
      %dma_start3A_600 = arith.constant 0 : i32
      %dma_start3A_601 = tpu.memref_slice %arg7[%run_scoped3A_539, %dma_start3A_599, %dma_start3A_600] : memref<3x128x128xf32, #tpu.memory_space<vmem>> -> memref<1x104x128xf32, #tpu.memory_space<vmem>>
      %dma_start3A_602 = tpu.memref_squeeze %dma_start3A_601 : memref<1x104x128xf32, #tpu.memory_space<vmem>> -> memref<104x128xf32, #tpu.memory_space<vmem>>
      %dma_start3A_603 = arith.constant 0 : i32
      %dma_start3A_604 = tpu.memref_slice %arg5[%add3A_519, %dma_start3A_603] : memref<10000x128xf32, #tpu.memory_space<vmem_shared>> -> memref<104x128xf32, #tpu.memory_space<vmem_shared>>
      %dma_start3A_605 = arith.constant 0 : i32
      %dma_start3A_606 = arith.constant 0 : i32
      %dma_start3A_607 = tpu.memref_slice %arg7[%run_scoped3A_539, %dma_start3A_605, %dma_start3A_606] : memref<3x128x128xf32, #tpu.memory_space<vmem>> -> memref<1x104x128xf32, #tpu.memory_space<vmem>>
      %dma_start3A_608 = tpu.memref_squeeze %dma_start3A_607 : memref<1x104x128xf32, #tpu.memory_space<vmem>> -> memref<104x128xf32, #tpu.memory_space<vmem>>
      %dma_start3A_609 = arith.constant 0 : i32
      %dma_start3A_610 = tpu.memref_slice %arg5[%add3A_519, %dma_start3A_609] : memref<10000x128xf32, #tpu.memory_space<vmem_shared>> -> memref<104x128xf32, #tpu.memory_space<vmem_shared>>
      tpu.enqueue_dma source(%dma_start3A_610 : memref<104x128xf32, #tpu.memory_space<vmem_shared>>) target(%dma_start3A_608 : memref<104x128xf32, #tpu.memory_space<vmem>>) target_semaphore(%run_scoped3A_598 : memref<!tpu.dma_semaphore, #tpu.memory_space<semaphore_mem>>)
      %dma_wait3A_611 = arith.constant 0 : i32
      %dma_wait3A_612 = arith.constant 0 : i32
      %dma_wait3A_613 = tpu.memref_slice %arg7[%run_scoped3A_539, %dma_wait3A_611, %dma_wait3A_612] : memref<3x128x128xf32, #tpu.memory_space<vmem>> -> memref<1x104x128xf32, #tpu.memory_space<vmem>>
      %dma_wait3A_614 = tpu.memref_squeeze %dma_wait3A_613 : memref<1x104x128xf32, #tpu.memory_space<vmem>> -> memref<104x128xf32, #tpu.memory_space<vmem>>
      %dma_wait3A_615 = arith.constant 0 : i32
      %dma_wait3A_616 = tpu.memref_slice %arg5[%add3A_519, %dma_wait3A_615] : memref<10000x128xf32, #tpu.memory_space<vmem_shared>> -> memref<104x128xf32, #tpu.memory_space<vmem_shared>>
      %dma_wait3A_617 = arith.constant 0 : i32
      %dma_wait3A_618 = arith.constant 0 : i32
      %dma_wait3A_619 = tpu.memref_slice %arg7[%run_scoped3A_539, %dma_wait3A_617, %dma_wait3A_618] : memref<3x128x128xf32, #tpu.memory_space<vmem>> -> memref<1x104x128xf32, #tpu.memory_space<vmem>>
      %dma_wait3A_620 = tpu.memref_squeeze %dma_wait3A_619 : memref<1x104x128xf32, #tpu.memory_space<vmem>> -> memref<104x128xf32, #tpu.memory_space<vmem>>
      %dma_wait3A_621 = arith.constant 0 : i32
      %dma_wait3A_622 = tpu.memref_slice %arg5[%add3A_519, %dma_wait3A_621] : memref<10000x128xf32, #tpu.memory_space<vmem_shared>> -> memref<104x128xf32, #tpu.memory_space<vmem_shared>>
      tpu.wait_dma2 semaphore(%run_scoped3A_598 : memref<!tpu.dma_semaphore, #tpu.memory_space<semaphore_mem>>) src(%dma_wait3A_622 : memref<104x128xf32, #tpu.memory_space<vmem_shared>>) dst(%dma_wait3A_620 : memref<104x128xf32, #tpu.memory_space<vmem>>)
      tpu.yield
    }) : () -> ()
    %dma_start3A_540 = arith.constant 1 : i32
    %dma_start3A_541 = arith.constant 0 : i32
    %dma_start3A_542 = arith.constant 0 : i32
    %dma_start3A_543 = tpu.memref_slice %arg7[%dma_start3A_540, %dma_start3A_541, %dma_start3A_542] : memref<3x128x128xf32, #tpu.memory_space<vmem>> -> memref<1x104x128xf32, #tpu.memory_space<vmem>>
    %dma_start3A_544 = tpu.memref_squeeze %dma_start3A_543 : memref<1x104x128xf32, #tpu.memory_space<vmem>> -> memref<104x128xf32, #tpu.memory_space<vmem>>
    %dma_start3A_545 = arith.constant 0 : i32
    %dma_start3A_546 = tpu.memref_slice %arg4[%arg0, %add3A_519, %dma_start3A_545] : memref<2x10000x128xf32, #tpu.memory_space<hbm>> -> memref<1x104x128xf32, #tpu.memory_space<hbm>>
    %dma_start3A_547 = tpu.memref_squeeze %dma_start3A_546 : memref<1x104x128xf32, #tpu.memory_space<hbm>> -> memref<104x128xf32, #tpu.memory_space<hbm>>
    %dma_start3A_548 = arith.constant 0 : i32
    %dma_start3A_549 = tpu.memref_slice %arg4[%arg0, %add3A_519, %dma_start3A_548] : memref<2x10000x128xf32, #tpu.memory_space<hbm>> -> memref<1x104x128xf32, #tpu.memory_space<hbm>>
    %dma_start3A_550 = tpu.memref_squeeze %dma_start3A_549 : memref<1x104x128xf32, #tpu.memory_space<hbm>> -> memref<104x128xf32, #tpu.memory_space<hbm>>
    %dma_start3A_551 = arith.constant 0 : i32
    %dma_start3A_552 = arith.constant 0 : i32
    %dma_start3A_553 = tpu.memref_slice %arg7[%dma_start3A_540, %dma_start3A_551, %dma_start3A_552] : memref<3x128x128xf32, #tpu.memory_space<vmem>> -> memref<1x104x128xf32, #tpu.memory_space<vmem>>
    %dma_start3A_554 = tpu.memref_squeeze %dma_start3A_553 : memref<1x104x128xf32, #tpu.memory_space<vmem>> -> memref<104x128xf32, #tpu.memory_space<vmem>>
    tpu.enqueue_dma source(%dma_start3A_554 : memref<104x128xf32, #tpu.memory_space<vmem>>) target(%dma_start3A_550 : memref<104x128xf32, #tpu.memory_space<hbm>>) target_semaphore(%arg11 : memref<!tpu.dma_semaphore, #tpu.memory_space<semaphore_mem>>)
    %mul3A_555 = arith.constant 624 : i32
    %mul3A_556 = arith.muli %arg1, %mul3A_555 : i32
    %add3A_557 = arith.constant 416 : i32
    %add3A_558 = arith.addi %mul3A_556, %add3A_557 : i32
    %dma_wait3A_559 = arith.constant 0 : i32
    %dma_wait3A_560 = arith.constant 0 : i32
    %dma_wait3A_561 = arith.constant 0 : i32
    %dma_wait3A_562 = tpu.memref_slice %arg7[%dma_wait3A_559, %dma_wait3A_560, %dma_wait3A_561] : memref<3x128x128xf32, #tpu.memory_space<vmem>> -> memref<1x104x128xf32, #tpu.memory_space<vmem>>
    %dma_wait3A_563 = tpu.memref_squeeze %dma_wait3A_562 : memref<1x104x128xf32, #tpu.memory_space<vmem>> -> memref<104x128xf32, #tpu.memory_space<vmem>>
    %dma_wait3A_564 = arith.constant 0 : i32
    %dma_wait3A_565 = tpu.memref_slice %arg4[%arg0, %add3A_558, %dma_wait3A_564] : memref<2x10000x128xf32, #tpu.memory_space<hbm>> -> memref<1x104x128xf32, #tpu.memory_space<hbm>>
    %dma_wait3A_566 = tpu.memref_squeeze %dma_wait3A_565 : memref<1x104x128xf32, #tpu.memory_space<hbm>> -> memref<104x128xf32, #tpu.memory_space<hbm>>
    %dma_wait3A_567 = arith.constant 0 : i32
    %dma_wait3A_568 = tpu.memref_slice %arg4[%arg0, %add3A_558, %dma_wait3A_567] : memref<2x10000x128xf32, #tpu.memory_space<hbm>> -> memref<1x104x128xf32, #tpu.memory_space<hbm>>
    %dma_wait3A_569 = tpu.memref_squeeze %dma_wait3A_568 : memref<1x104x128xf32, #tpu.memory_space<hbm>> -> memref<104x128xf32, #tpu.memory_space<hbm>>
    %dma_wait3A_570 = arith.constant 0 : i32
    %dma_wait3A_571 = arith.constant 0 : i32
    %dma_wait3A_572 = tpu.memref_slice %arg7[%dma_wait3A_559, %dma_wait3A_570, %dma_wait3A_571] : memref<3x128x128xf32, #tpu.memory_space<vmem>> -> memref<1x104x128xf32, #tpu.memory_space<vmem>>
    %dma_wait3A_573 = tpu.memref_squeeze %dma_wait3A_572 : memref<1x104x128xf32, #tpu.memory_space<vmem>> -> memref<104x128xf32, #tpu.memory_space<vmem>>
    tpu.wait_dma2 semaphore(%arg11 : memref<!tpu.dma_semaphore, #tpu.memory_space<semaphore_mem>>) src(%dma_wait3A_573 : memref<104x128xf32, #tpu.memory_space<vmem>>) dst(%dma_wait3A_569 : memref<104x128xf32, #tpu.memory_space<hbm>>)
    %mul3A_574 = arith.constant 624 : i32
    %mul3A_575 = arith.muli %arg1, %mul3A_574 : i32
    %add3A_576 = arith.constant 520 : i32
    %add3A_577 = arith.addi %mul3A_575, %add3A_576 : i32
    %dma_wait3A_578 = arith.constant 1 : i32
    %dma_wait3A_579 = arith.constant 0 : i32
    %dma_wait3A_580 = arith.constant 0 : i32
    %dma_wait3A_581 = tpu.memref_slice %arg7[%dma_wait3A_578, %dma_wait3A_579, %dma_wait3A_580] : memref<3x128x128xf32, #tpu.memory_space<vmem>> -> memref<1x104x128xf32, #tpu.memory_space<vmem>>
    %dma_wait3A_582 = tpu.memref_squeeze %dma_wait3A_581 : memref<1x104x128xf32, #tpu.memory_space<vmem>> -> memref<104x128xf32, #tpu.memory_space<vmem>>
    %dma_wait3A_583 = arith.constant 0 : i32
    %dma_wait3A_584 = tpu.memref_slice %arg4[%arg0, %add3A_577, %dma_wait3A_583] : memref<2x10000x128xf32, #tpu.memory_space<hbm>> -> memref<1x104x128xf32, #tpu.memory_space<hbm>>
    %dma_wait3A_585 = tpu.memref_squeeze %dma_wait3A_584 : memref<1x104x128xf32, #tpu.memory_space<hbm>> -> memref<104x128xf32, #tpu.memory_space<hbm>>
    %dma_wait3A_586 = arith.constant 0 : i32
    %dma_wait3A_587 = tpu.memref_slice %arg4[%arg0, %add3A_577, %dma_wait3A_586] : memref<2x10000x128xf32, #tpu.memory_space<hbm>> -> memref<1x104x128xf32, #tpu.memory_space<hbm>>
    %dma_wait3A_588 = tpu.memref_squeeze %dma_wait3A_587 : memref<1x104x128xf32, #tpu.memory_space<hbm>> -> memref<104x128xf32, #tpu.memory_space<hbm>>
    %dma_wait3A_589 = arith.constant 0 : i32
    %dma_wait3A_590 = arith.constant 0 : i32
    %dma_wait3A_591 = tpu.memref_slice %arg7[%dma_wait3A_578, %dma_wait3A_589, %dma_wait3A_590] : memref<3x128x128xf32, #tpu.memory_space<vmem>> -> memref<1x104x128xf32, #tpu.memory_space<vmem>>
    %dma_wait3A_592 = tpu.memref_squeeze %dma_wait3A_591 : memref<1x104x128xf32, #tpu.memory_space<vmem>> -> memref<104x128xf32, #tpu.memory_space<vmem>>
    tpu.wait_dma2 semaphore(%arg11 : memref<!tpu.dma_semaphore, #tpu.memory_space<semaphore_mem>>) src(%dma_wait3A_592 : memref<104x128xf32, #tpu.memory_space<vmem>>) dst(%dma_wait3A_588 : memref<104x128xf32, #tpu.memory_space<hbm>>)
    %eq3A_593 = arith.constant 15 : i32
    %eq3A_594 = arith.cmpi eq, %arg1, %eq3A_593 : i32
    %convert_element_type3A_595 = arith.extui %eq3A_594 : i1 to i32
    %cond3A_596 = arith.constant 0 : i32
    %cond3A_597 = arith.cmpi ne, %convert_element_type3A_595, %cond3A_596 : i32
    scf.if %cond3A_597 {
      %run_scoped3A_598 = arith.constant 2 : i32
      "tpu.region"() ({
        %run_scoped3A_600 = tpu.sem_alloc : memref<!tpu.dma_semaphore, #tpu.memory_space<semaphore_mem>>
        %dma_start3A_601 = arith.constant 0 : i32
        %dma_start3A_602 = arith.constant 0 : i32
        %dma_start3A_603 = tpu.memref_slice %arg7[%run_scoped3A_598, %dma_start3A_601, %dma_start3A_602] : memref<3x128x128xf32, #tpu.memory_space<vmem>> -> memref<1x16x128xf32, #tpu.memory_space<vmem>>
        %dma_start3A_604 = tpu.memref_squeeze %dma_start3A_603 : memref<1x16x128xf32, #tpu.memory_space<vmem>> -> memref<16x128xf32, #tpu.memory_space<vmem>>
        %dma_start3A_605 = arith.constant 9984 : i32
        %dma_start3A_606 = arith.constant 0 : i32
        %dma_start3A_607 = tpu.memref_slice %arg5[%dma_start3A_605, %dma_start3A_606] : memref<10000x128xf32, #tpu.memory_space<vmem_shared>> -> memref<16x128xf32, #tpu.memory_space<vmem_shared>>
        %dma_start3A_608 = arith.constant 0 : i32
        %dma_start3A_609 = arith.constant 0 : i32
        %dma_start3A_610 = tpu.memref_slice %arg7[%run_scoped3A_598, %dma_start3A_608, %dma_start3A_609] : memref<3x128x128xf32, #tpu.memory_space<vmem>> -> memref<1x16x128xf32, #tpu.memory_space<vmem>>
        %dma_start3A_611 = tpu.memref_squeeze %dma_start3A_610 : memref<1x16x128xf32, #tpu.memory_space<vmem>> -> memref<16x128xf32, #tpu.memory_space<vmem>>
        %dma_start3A_612 = arith.constant 9984 : i32
        %dma_start3A_613 = arith.constant 0 : i32
        %dma_start3A_614 = tpu.memref_slice %arg5[%dma_start3A_612, %dma_start3A_613] : memref<10000x128xf32, #tpu.memory_space<vmem_shared>> -> memref<16x128xf32, #tpu.memory_space<vmem_shared>>
        tpu.enqueue_dma source(%dma_start3A_614 : memref<16x128xf32, #tpu.memory_space<vmem_shared>>) target(%dma_start3A_611 : memref<16x128xf32, #tpu.memory_space<vmem>>) target_semaphore(%run_scoped3A_600 : memref<!tpu.dma_semaphore, #tpu.memory_space<semaphore_mem>>)
        %dma_wait3A_615 = arith.constant 0 : i32
        %dma_wait3A_616 = arith.constant 0 : i32
        %dma_wait3A_617 = tpu.memref_slice %arg7[%run_scoped3A_598, %dma_wait3A_615, %dma_wait3A_616] : memref<3x128x128xf32, #tpu.memory_space<vmem>> -> memref<1x16x128xf32, #tpu.memory_space<vmem>>
        %dma_wait3A_618 = tpu.memref_squeeze %dma_wait3A_617 : memref<1x16x128xf32, #tpu.memory_space<vmem>> -> memref<16x128xf32, #tpu.memory_space<vmem>>
        %dma_wait3A_619 = arith.constant 9984 : i32
        %dma_wait3A_620 = arith.constant 0 : i32
        %dma_wait3A_621 = tpu.memref_slice %arg5[%dma_wait3A_619, %dma_wait3A_620] : memref<10000x128xf32, #tpu.memory_space<vmem_shared>> -> memref<16x128xf32, #tpu.memory_space<vmem_shared>>
        %dma_wait3A_622 = arith.constant 0 : i32
        %dma_wait3A_623 = arith.constant 0 : i32
        %dma_wait3A_624 = tpu.memref_slice %arg7[%run_scoped3A_598, %dma_wait3A_622, %dma_wait3A_623] : memref<3x128x128xf32, #tpu.memory_space<vmem>> -> memref<1x16x128xf32, #tpu.memory_space<vmem>>
        %dma_wait3A_625 = tpu.memref_squeeze %dma_wait3A_624 : memref<1x16x128xf32, #tpu.memory_space<vmem>> -> memref<16x128xf32, #tpu.memory_space<vmem>>
        %dma_wait3A_626 = arith.constant 9984 : i32
        %dma_wait3A_627 = arith.constant 0 : i32
        %dma_wait3A_628 = tpu.memref_slice %arg5[%dma_wait3A_626, %dma_wait3A_627] : memref<10000x128xf32, #tpu.memory_space<vmem_shared>> -> memref<16x128xf32, #tpu.memory_space<vmem_shared>>
        tpu.wait_dma2 semaphore(%run_scoped3A_600 : memref<!tpu.dma_semaphore, #tpu.memory_space<semaphore_mem>>) src(%dma_wait3A_628 : memref<16x128xf32, #tpu.memory_space<vmem_shared>>) dst(%dma_wait3A_625 : memref<16x128xf32, #tpu.memory_space<vmem>>)
        tpu.yield
      }) : () -> ()
      %run_scoped3A_599 = arith.constant 2 : i32
      "tpu.region"() ({
        %run_scoped3A_600 = tpu.sem_alloc : memref<!tpu.dma_semaphore, #tpu.memory_space<semaphore_mem>>
        %dma_start3A_601 = arith.constant 0 : i32
        %dma_start3A_602 = arith.constant 0 : i32
        %dma_start3A_603 = tpu.memref_slice %arg7[%run_scoped3A_599, %dma_start3A_601, %dma_start3A_602] : memref<3x128x128xf32, #tpu.memory_space<vmem>> -> memref<1x16x128xf32, #tpu.memory_space<vmem>>
        %dma_start3A_604 = tpu.memref_squeeze %dma_start3A_603 : memref<1x16x128xf32, #tpu.memory_space<vmem>> -> memref<16x128xf32, #tpu.memory_space<vmem>>
        %dma_start3A_605 = arith.constant 9984 : i32
        %dma_start3A_606 = arith.constant 0 : i32
        %dma_start3A_607 = tpu.memref_slice %arg4[%arg0, %dma_start3A_605, %dma_start3A_606] : memref<2x10000x128xf32, #tpu.memory_space<hbm>> -> memref<1x16x128xf32, #tpu.memory_space<hbm>>
        %dma_start3A_608 = tpu.memref_squeeze %dma_start3A_607 : memref<1x16x128xf32, #tpu.memory_space<hbm>> -> memref<16x128xf32, #tpu.memory_space<hbm>>
        %dma_start3A_609 = arith.constant 9984 : i32
        %dma_start3A_610 = arith.constant 0 : i32
        %dma_start3A_611 = tpu.memref_slice %arg4[%arg0, %dma_start3A_609, %dma_start3A_610] : memref<2x10000x128xf32, #tpu.memory_space<hbm>> -> memref<1x16x128xf32, #tpu.memory_space<hbm>>
        %dma_start3A_612 = tpu.memref_squeeze %dma_start3A_611 : memref<1x16x128xf32, #tpu.memory_space<hbm>> -> memref<16x128xf32, #tpu.memory_space<hbm>>
        %dma_start3A_613 = arith.constant 0 : i32
        %dma_start3A_614 = arith.constant 0 : i32
        %dma_start3A_615 = tpu.memref_slice %arg7[%run_scoped3A_599, %dma_start3A_613, %dma_start3A_614] : memref<3x128x128xf32, #tpu.memory_space<vmem>> -> memref<1x16x128xf32, #tpu.memory_space<vmem>>
        %dma_start3A_616 = tpu.memref_squeeze %dma_start3A_615 : memref<1x16x128xf32, #tpu.memory_space<vmem>> -> memref<16x128xf32, #tpu.memory_space<vmem>>
        tpu.enqueue_dma source(%dma_start3A_616 : memref<16x128xf32, #tpu.memory_space<vmem>>) target(%dma_start3A_612 : memref<16x128xf32, #tpu.memory_space<hbm>>) target_semaphore(%run_scoped3A_600 : memref<!tpu.dma_semaphore, #tpu.memory_space<semaphore_mem>>)
        %dma_wait3A_617 = arith.constant 0 : i32
        %dma_wait3A_618 = arith.constant 0 : i32
        %dma_wait3A_619 = tpu.memref_slice %arg7[%run_scoped3A_599, %dma_wait3A_617, %dma_wait3A_618] : memref<3x128x128xf32, #tpu.memory_space<vmem>> -> memref<1x16x128xf32, #tpu.memory_space<vmem>>
        %dma_wait3A_620 = tpu.memref_squeeze %dma_wait3A_619 : memref<1x16x128xf32, #tpu.memory_space<vmem>> -> memref<16x128xf32, #tpu.memory_space<vmem>>
        %dma_wait3A_621 = arith.constant 9984 : i32
        %dma_wait3A_622 = arith.constant 0 : i32
        %dma_wait3A_623 = tpu.memref_slice %arg4[%arg0, %dma_wait3A_621, %dma_wait3A_622] : memref<2x10000x128xf32, #tpu.memory_space<hbm>> -> memref<1x16x128xf32, #tpu.memory_space<hbm>>
        %dma_wait3A_624 = tpu.memref_squeeze %dma_wait3A_623 : memref<1x16x128xf32, #tpu.memory_space<hbm>> -> memref<16x128xf32, #tpu.memory_space<hbm>>
        %dma_wait3A_625 = arith.constant 9984 : i32
        %dma_wait3A_626 = arith.constant 0 : i32
        %dma_wait3A_627 = tpu.memref_slice %arg4[%arg0, %dma_wait3A_625, %dma_wait3A_626] : memref<2x10000x128xf32, #tpu.memory_space<hbm>> -> memref<1x16x128xf32, #tpu.memory_space<hbm>>
        %dma_wait3A_628 = tpu.memref_squeeze %dma_wait3A_627 : memref<1x16x128xf32, #tpu.memory_space<hbm>> -> memref<16x128xf32, #tpu.memory_space<hbm>>
        %dma_wait3A_629 = arith.constant 0 : i32
        %dma_wait3A_630 = arith.constant 0 : i32
        %dma_wait3A_631 = tpu.memref_slice %arg7[%run_scoped3A_599, %dma_wait3A_629, %dma_wait3A_630] : memref<3x128x128xf32, #tpu.memory_space<vmem>> -> memref<1x16x128xf32, #tpu.memory_space<vmem>>
        %dma_wait3A_632 = tpu.memref_squeeze %dma_wait3A_631 : memref<1x16x128xf32, #tpu.memory_space<vmem>> -> memref<16x128xf32, #tpu.memory_space<vmem>>
        tpu.wait_dma2 semaphore(%run_scoped3A_600 : memref<!tpu.dma_semaphore, #tpu.memory_space<semaphore_mem>>) src(%dma_wait3A_632 : memref<16x128xf32, #tpu.memory_space<vmem>>) dst(%dma_wait3A_628 : memref<16x128xf32, #tpu.memory_space<hbm>>)
        tpu.yield
      }) : () -> ()
    } else {
    }
    return
  }
}

module attributes {stable_mosaic.version = 14 : i64} {
  func.func @_tc2_body(%arg0: memref<2x10000x128xf32, #tpu.memory_space<vmem>>, %arg1: memref<10000x128xf32, #tpu.memory_space<vmem>>, %arg2: memref<1x10000xf32, #tpu.memory_space<vmem>>, %arg3: memref<1x1xf32, #tpu.memory_space<vmem>>, %arg4: memref<1x128xf32, #tpu.memory_space<vmem>>, %arg5: memref<128x128xf32, #tpu.memory_space<vmem>>, %arg6: memref<10000x128xf32, #tpu.memory_space<vmem>>) attributes {dimension_semantics = [], scalar_prefetch = 0 : i64, scratch_operands = 0 : i64, tpu.core_type = #tpu.core_type<tc>} {
    %get3A = arith.constant 0 : index
    %get3A_0 = arith.constant 0 : index
    %get3A_1 = vector.load %arg2[%get3A, %get3A_0] : memref<1x10000xf32, #tpu.memory_space<vmem>>, vector<1x10000xf32>
    %transpose3A = tpu.transpose %get3A_1, [1, 0] : vector<1x10000xf32> -> vector<10000x1xf32>
    %get3A_2 = arith.constant 0 : index
    %get3A_3 = arith.constant 0 : index
    %get3A_4 = arith.constant 0 : index
    %get3A_5 = vector.load %arg0[%get3A_2, %get3A_3, %get3A_4] : memref<2x10000x128xf32, #tpu.memory_space<vmem>>, vector<1x10000x128xf32>
    %get3A_6 = vector.shape_cast %get3A_5 : vector<1x10000x128xf32> to vector<10000x128xf32>
    %get3A_7 = arith.constant 1 : index
    %get3A_8 = arith.constant 0 : index
    %get3A_9 = arith.constant 0 : index
    %get3A_10 = vector.load %arg0[%get3A_7, %get3A_8, %get3A_9] : memref<2x10000x128xf32, #tpu.memory_space<vmem>>, vector<1x10000x128xf32>
    %get3A_11 = vector.shape_cast %get3A_10 : vector<1x10000x128xf32> to vector<10000x128xf32>
    %add3A = arith.addf %get3A_6, %get3A_11 : vector<10000x128xf32>
    %get3A_12 = arith.constant 0 : index
    %get3A_13 = arith.constant 0 : index
    %get3A_14 = vector.load %arg1[%get3A_12, %get3A_13] : memref<10000x128xf32, #tpu.memory_space<vmem>>, vector<10000x128xf32>
    %add3A_15 = arith.addf %add3A, %get3A_14 : vector<10000x128xf32>
    %mul3A = vector.broadcast %transpose3A : vector<10000x1xf32> to vector<10000x128xf32>
    %mul3A_16 = arith.mulf %add3A_15, %mul3A : vector<10000x128xf32>
    %get3A_17 = arith.constant 0 : index
    %get3A_18 = arith.constant 0 : index
    %get3A_19 = vector.load %arg4[%get3A_17, %get3A_18] : memref<1x128xf32, #tpu.memory_space<vmem>>, vector<1x128xf32>
    %add3A_20 = vector.broadcast %get3A_19 : vector<1x128xf32> to vector<10000x128xf32>
    %add3A_21 = arith.addf %mul3A_16, %add3A_20 : vector<10000x128xf32>
    %ge3A = arith.constant 0.000000e+00 : f32
    %ge3A_22 = vector.broadcast %ge3A : f32 to vector<10000x128xf32>
    %ge3A_23 = arith.cmpf oge, %add3A_21, %ge3A_22 : vector<10000x128xf32>
    %get3A_24 = arith.constant 0 : index
    %get3A_25 = arith.constant 0 : index
    %get3A_26 = vector.load %arg3[%get3A_24, %get3A_25] : memref<1x1xf32, #tpu.memory_space<vmem>>, vector<1x1xf32>
    %mul3A_27 = vector.broadcast %get3A_26 : vector<1x1xf32> to vector<10000x128xf32>
    %mul3A_28 = arith.mulf %mul3A_27, %add3A_21 : vector<10000x128xf32>
    %select_n3A = arith.select %ge3A_23, %add3A_21, %mul3A_28 : vector<10000x128xi1>, vector<10000x128xf32>
    %get3A_29 = arith.constant 0 : index
    %get3A_30 = arith.constant 0 : index
    %get3A_31 = vector.load %arg5[%get3A_29, %get3A_30] : memref<128x128xf32, #tpu.memory_space<vmem>>, vector<128x128xf32>
    %dot_general3A = arith.constant dense<0.000000e+00> : vector<10000x128xf32>
    %dot_general3A_32 = tpu.matmul %select_n3A, %get3A_31, %dot_general3A {dimension_numbers = #tpu.dot_dimension_numbers<[1], [0], [0], [1], [0, 0, 1, 1], [], []>, transpose_lhs_hint = false} : vector<10000x128xf32>, vector<128x128xf32>, vector<10000x128xf32> -> vector<10000x128xf32>
    %mul3A_33 = vector.broadcast %transpose3A : vector<10000x1xf32> to vector<10000x128xf32>
    %mul3A_34 = arith.mulf %dot_general3A_32, %mul3A_33 : vector<10000x128xf32>
    %swap3A = arith.constant 0 : index
    %swap3A_35 = arith.constant 0 : index
    %swap3A_36 = vector.load %arg6[%swap3A, %swap3A_35] : memref<10000x128xf32, #tpu.memory_space<vmem>>, vector<10000x128xf32>
    tpu.vector_store %arg6[%swap3A, %swap3A_35], %mul3A_34 {strides = array<i32>} : memref<10000x128xf32, #tpu.memory_space<vmem>>, vector<10000x128xf32>,
    return
  }
}

module attributes {stable_mosaic.version = 14 : i64} {
  func.func @_tc1a_body(%arg0: memref<10000x128xf32, #tpu.memory_space<vmem>>, %arg1: memref<1x1xf32, #tpu.memory_space<vmem>>, %arg2: memref<1x128xf32, #tpu.memory_space<vmem>>, %arg3: memref<1x128xf32, #tpu.memory_space<vmem>>, %arg4: memref<128x128xf32, #tpu.memory_space<vmem>>, %arg5: memref<10000x128xf32, #tpu.memory_space<vmem>>) attributes {dimension_semantics = [], scalar_prefetch = 0 : i64, scratch_operands = 0 : i64, tpu.core_type = #tpu.core_type<tc>} {
    %get3A = arith.constant 0 : index
    %get3A_0 = arith.constant 0 : index
    %get3A_1 = vector.load %arg0[%get3A, %get3A_0] : memref<10000x128xf32, #tpu.memory_space<vmem>>, vector<10000x128xf32>
    %ge3A = arith.constant 0.000000e+00 : f32
    %ge3A_2 = vector.broadcast %ge3A : f32 to vector<10000x128xf32>
    %ge3A_3 = arith.cmpf oge, %get3A_1, %ge3A_2 : vector<10000x128xf32>
    %get3A_4 = arith.constant 0 : index
    %get3A_5 = arith.constant 0 : index
    %get3A_6 = vector.load %arg1[%get3A_4, %get3A_5] : memref<1x1xf32, #tpu.memory_space<vmem>>, vector<1x1xf32>
    %mul3A = vector.broadcast %get3A_6 : vector<1x1xf32> to vector<10000x128xf32>
    %mul3A_7 = arith.mulf %mul3A, %get3A_1 : vector<10000x128xf32>
    %select_n3A = arith.select %ge3A_3, %get3A_1, %mul3A_7 : vector<10000x128xi1>, vector<10000x128xf32>
    %reduce_sum3A = arith.constant dense<0.000000e+00> : vector<128xf32>
    %reduce_sum3A_8 = vector.multi_reduction <add>, %select_n3A, %reduce_sum3A [0] : vector<10000x128xf32> to vector<128xf32>
    %broadcast_in_dim3A = vector.shape_cast %reduce_sum3A_8 : vector<128xf32> to vector<1x128xf32>
    %div3A = arith.constant 1.000000e+04 : f32
    %div3A_9 = vector.broadcast %div3A : f32 to vector<1x128xf32>
    %div3A_10 = arith.divf %broadcast_in_dim3A, %div3A_9 : vector<1x128xf32>
    %sub3A = vector.broadcast %div3A_10 : vector<1x128xf32> to vector<10000x128xf32>
    %sub3A_11 = arith.subf %select_n3A, %sub3A : vector<10000x128xf32>
    %square3A = arith.mulf %sub3A_11, %sub3A_11 : vector<10000x128xf32>
    %reduce_sum3A_12 = arith.constant dense<0.000000e+00> : vector<128xf32>
    %reduce_sum3A_13 = vector.multi_reduction <add>, %square3A, %reduce_sum3A_12 [0] : vector<10000x128xf32> to vector<128xf32>
    %broadcast_in_dim3A_14 = vector.shape_cast %reduce_sum3A_13 : vector<128xf32> to vector<1x128xf32>
    %div3A_15 = arith.constant 1.000000e+04 : f32
    %div3A_16 = vector.broadcast %div3A_15 : f32 to vector<1x128xf32>
    %div3A_17 = arith.divf %broadcast_in_dim3A_14, %div3A_16 : vector<1x128xf32>
    %sub3A_18 = vector.broadcast %div3A_10 : vector<1x128xf32> to vector<10000x128xf32>
    %sub3A_19 = arith.subf %select_n3A, %sub3A_18 : vector<10000x128xf32>
    %add3A = arith.constant 9.99999974E-6 : f32
    %add3A_20 = vector.broadcast %add3A : f32 to vector<1x128xf32>
    %add3A_21 = arith.addf %div3A_17, %add3A_20 : vector<1x128xf32>
    %rsqrt3A = math.rsqrt %add3A_21 : vector<1x128xf32>
    %mul3A_22 = vector.broadcast %rsqrt3A : vector<1x128xf32> to vector<10000x128xf32>
    %mul3A_23 = arith.mulf %sub3A_19, %mul3A_22 : vector<10000x128xf32>
    %get3A_24 = arith.constant 0 : index
    %get3A_25 = arith.constant 0 : index
    %get3A_26 = vector.load %arg2[%get3A_24, %get3A_25] : memref<1x128xf32, #tpu.memory_space<vmem>>, vector<1x128xf32>
    %mul3A_27 = vector.broadcast %get3A_26 : vector<1x128xf32> to vector<10000x128xf32>
    %mul3A_28 = arith.mulf %mul3A_23, %mul3A_27 : vector<10000x128xf32>
    %get3A_29 = arith.constant 0 : index
    %get3A_30 = arith.constant 0 : index
    %get3A_31 = vector.load %arg3[%get3A_29, %get3A_30] : memref<1x128xf32, #tpu.memory_space<vmem>>, vector<1x128xf32>
    %add3A_32 = vector.broadcast %get3A_31 : vector<1x128xf32> to vector<10000x128xf32>
    %add3A_33 = arith.addf %mul3A_28, %add3A_32 : vector<10000x128xf32>
    %get3A_34 = arith.constant 0 : index
    %get3A_35 = arith.constant 0 : index
    %get3A_36 = vector.load %arg4[%get3A_34, %get3A_35] : memref<128x128xf32, #tpu.memory_space<vmem>>, vector<128x128xf32>
    %dot_general3A = arith.constant dense<0.000000e+00> : vector<10000x128xf32>
    %dot_general3A_37 = tpu.matmul %add3A_33, %get3A_36, %dot_general3A {dimension_numbers = #tpu.dot_dimension_numbers<[1], [0], [0], [1], [0, 0, 1, 1], [], []>, transpose_lhs_hint = false} : vector<10000x128xf32>, vector<128x128xf32>, vector<10000x128xf32> -> vector<10000x128xf32>
    %swap3A = arith.constant 0 : index
    %swap3A_38 = arith.constant 0 : index
    %swap3A_39 = vector.load %arg5[%swap3A, %swap3A_38] : memref<10000x128xf32, #tpu.memory_space<vmem>>, vector<10000x128xf32>
    tpu.vector_store %arg5[%swap3A, %swap3A_38], %dot_general3A_37 {strides = array<i32>} : memref<10000x128xf32, #tpu.memory_space<vmem>>, vector<10000x128xf32>,
    return
  }
}

module attributes {stable_mosaic.version = 14 : i64} {
  func.func @_tc3_body(%arg0: memref<2x10000x128xf32, #tpu.memory_space<vmem>>, %arg1: memref<10000x128xf32, #tpu.memory_space<vmem>>, %arg2: memref<1x10000xf32, #tpu.memory_space<vmem>>, %arg3: memref<1x128xf32, #tpu.memory_space<vmem>>, %arg4: memref<10000x128xf32, #tpu.memory_space<vmem>>) attributes {dimension_semantics = [], scalar_prefetch = 0 : i64, scratch_operands = 0 : i64, tpu.core_type = #tpu.core_type<tc>} {
    %get3A = arith.constant 0 : index
    %get3A_0 = arith.constant 0 : index
    %get3A_1 = vector.load %arg2[%get3A, %get3A_0] : memref<1x10000xf32, #tpu.memory_space<vmem>>, vector<1x10000xf32>
    %transpose3A = tpu.transpose %get3A_1, [1, 0] : vector<1x10000xf32> -> vector<10000x1xf32>
    %get3A_2 = arith.constant 0 : index
    %get3A_3 = arith.constant 0 : index
    %get3A_4 = arith.constant 0 : index
    %get3A_5 = vector.load %arg0[%get3A_2, %get3A_3, %get3A_4] : memref<2x10000x128xf32, #tpu.memory_space<vmem>>, vector<1x10000x128xf32>
    %get3A_6 = vector.shape_cast %get3A_5 : vector<1x10000x128xf32> to vector<10000x128xf32>
    %get3A_7 = arith.constant 1 : index
    %get3A_8 = arith.constant 0 : index
    %get3A_9 = arith.constant 0 : index
    %get3A_10 = vector.load %arg0[%get3A_7, %get3A_8, %get3A_9] : memref<2x10000x128xf32, #tpu.memory_space<vmem>>, vector<1x10000x128xf32>
    %get3A_11 = vector.shape_cast %get3A_10 : vector<1x10000x128xf32> to vector<10000x128xf32>
    %add3A = arith.addf %get3A_6, %get3A_11 : vector<10000x128xf32>
    %get3A_12 = arith.constant 0 : index
    %get3A_13 = arith.constant 0 : index
    %get3A_14 = vector.load %arg1[%get3A_12, %get3A_13] : memref<10000x128xf32, #tpu.memory_space<vmem>>, vector<10000x128xf32>
    %add3A_15 = arith.addf %add3A, %get3A_14 : vector<10000x128xf32>
    %mul3A = vector.broadcast %transpose3A : vector<10000x1xf32> to vector<10000x128xf32>
    %mul3A_16 = arith.mulf %add3A_15, %mul3A : vector<10000x128xf32>
    %get3A_17 = arith.constant 0 : index
    %get3A_18 = arith.constant 0 : index
    %get3A_19 = vector.load %arg3[%get3A_17, %get3A_18] : memref<1x128xf32, #tpu.memory_space<vmem>>, vector<1x128xf32>
    %add3A_20 = vector.broadcast %get3A_19 : vector<1x128xf32> to vector<10000x128xf32>
    %add3A_21 = arith.addf %mul3A_16, %add3A_20 : vector<10000x128xf32>
    %swap3A = arith.constant 0 : index
    %swap3A_22 = arith.constant 0 : index
    %swap3A_23 = vector.load %arg4[%swap3A, %swap3A_22] : memref<10000x128xf32, #tpu.memory_space<vmem>>, vector<10000x128xf32>
    tpu.vector_store %arg4[%swap3A, %swap3A_22], %add3A_21 {strides = array<i32>} : memref<10000x128xf32, #tpu.memory_space<vmem>>, vector<10000x128xf32>,
    return
  }
}

module attributes {stable_mosaic.version = 14 : i64} {
  func.func @_tc1b_body(%arg0: memref<10000x128xf32, #tpu.memory_space<vmem>>, %arg1: memref<10000xf32, #tpu.memory_space<vmem>>, %arg2: memref<10000xf32, #tpu.memory_space<vmem>>, %arg3: memref<10000x128xf32, #tpu.memory_space<vmem>>, %arg4: memref<1x10000xf32, #tpu.memory_space<vmem>>) attributes {dimension_semantics = [], scalar_prefetch = 0 : i64, scratch_operands = 0 : i64, tpu.core_type = #tpu.core_type<tc>} {
    %get3A = arith.constant 0 : index
    %get3A_0 = vector.load %arg1[%get3A] : memref<10000xf32, #tpu.memory_space<vmem>>, vector<10000xf32>
    %get3A_1 = arith.constant 0 : index
    %get3A_2 = vector.load %arg2[%get3A_1] : memref<10000xf32, #tpu.memory_space<vmem>>, vector<10000xf32>
    %add3A = arith.addf %get3A_0, %get3A_2 : vector<10000xf32>
    %add3A_3 = arith.constant 1.000000e+00 : f32
    %add3A_4 = vector.broadcast %add3A_3 : f32 to vector<10000xf32>
    %add3A_5 = arith.addf %add3A, %add3A_4 : vector<10000xf32>
    %rsqrt3A = math.rsqrt %add3A_5 : vector<10000xf32>
    %reshape3A = vector.shape_cast %rsqrt3A : vector<10000xf32> to vector<1x10000xf32>
    %transpose3A = tpu.transpose %reshape3A, [1, 0] : vector<1x10000xf32> -> vector<10000x1xf32>
    %get3A_6 = arith.constant 0 : index
    %get3A_7 = arith.constant 0 : index
    %get3A_8 = vector.load %arg0[%get3A_6, %get3A_7] : memref<10000x128xf32, #tpu.memory_space<vmem>>, vector<10000x128xf32>
    %mul3A = vector.broadcast %transpose3A : vector<10000x1xf32> to vector<10000x128xf32>
    %mul3A_9 = arith.mulf %get3A_8, %mul3A : vector<10000x128xf32>
    %swap3A = arith.constant 0 : index
    %swap3A_10 = arith.constant 0 : index
    %swap3A_11 = vector.load %arg3[%swap3A, %swap3A_10] : memref<10000x128xf32, #tpu.memory_space<vmem>>, vector<10000x128xf32>
    tpu.vector_store %arg3[%swap3A, %swap3A_10], %mul3A_9 {strides = array<i32>} : memref<10000x128xf32, #tpu.memory_space<vmem>>, vector<10000x128xf32>,
    %swap3A_12 = arith.constant 0 : index
    %swap3A_13 = arith.constant 0 : index
    %swap3A_14 = vector.load %arg4[%swap3A_12, %swap3A_13] : memref<1x10000xf32, #tpu.memory_space<vmem>>, vector<1x10000xf32>
    tpu.vector_store %arg4[%swap3A_12, %swap3A_13], %reshape3A {strides = array<i32>} : memref<1x10000xf32, #tpu.memory_space<vmem>>, vector<1x10000xf32>,
    return
  }
}

</mosaic_0001>

<sc_bundles>
// kernel: kernel.12.cloned.1.call-start
scs
__scs_entry_jumppad:
0x0: {  	(pc) =	sbr.rel $0x88, $3  }
0x1: {  	(tag) =	ssettag $0x0;
	lr =	simm.s32 $0x1  }
0x2: {  	[smem:$0x3F97] =	sst lr;
	_ =	strace $0xD0000000  }
0x3: {  	_ = 	snop  }
0x4: {  	_ = 	snop  }
0x5: {  	_ = 	snop  }
0x6: {  	_ = 	snop  }
0x7: {  	_ = 	snop  }
__scs_overlays_trampoline_lowered:
0x8: {  	[smem:$0x3FA6] =	sst s0  }
0x9: {  	[smem:$0x3FA7] =	sst s1  }
0xa: {  	[smem:$0x3FA8] =	sst s2  }
0xb: {  	[smem:$0x3FA9] =	sst s3  }
0xc: {  	[smem:$0x3FAA] =	sst s4  }
0xd: {  	[smem:$0x3FAB] =	sst s5  }
0xe: {  	[smem:$0x3FAC] =	sst s6  }
0xf: {  	[smem:$0x3FAD] =	sst s7  }
0x10: {  	[smem:$0x3FAE] =	sst s8  }
0x11: {  	[smem:$0x3FAF] =	sst s9;
	s0 =	simm.s32 @!p0 $0x0  }
0x12: {  	s1 =	sld [smem:$0x3F95];
	s0 =	simm.s32 @p0 $0x1  }
0x13: {  	[smem:$0x3FB0] =	sst s0;
	s0 =	simm.s32 @!p1 $0x0  }
0x14: {  	s2 =	sld [smem:$0x3F94];
	s0 =	simm.s32 @p1 $0x1  }
0x15: {  	[smem:$0x3FB1] =	sst s0;
	s0 =	simm.s32 @!p2 $0x0  }
0x16: {  	s3 =	sld [smem:$0x3FDB];
	s0 =	simm.s32 @p2 $0x1  }
0x17: {  	s4 =	simm.s32 $0x1BF5;
	[smem:$0x3FB3] =	sst s0  }
0x18: {  	s0 =	sld [smem:$0x3F96];
	_ =	swait.ge [sflag:s4], $0x0  }
0x19: {  	s7 =	sld [smem:$0x3F97]  }
0x1a: {  	s8 =	sadd.s32 $0xFFFFE003, lr  }
0x1b: {  	s9 =	sadd.s32 $0xFFFFFEF7, lr;
	s5 =	simm.s32 $0xFFFFFFFF;
	p2 =	slt.u32 s8, $0xFFFFF086  }
0x1c: {  	p1 =	slt.u32 s9, $0xF7A;
	s5 =	simm.s32 @!p2 $0x0  }
0x1d: {  	s5 =	simm.s32 @p1 $0x1;
	p0 =	seq.s32 s7, s2  }
0x1e: {  	s7 =	smul.u32 @!p0 $0xF7A, s2;
	p2 =	seq.s32 @!p0 s5, $0x0  }
0x1f: {  	s9 =	smul.u32 $0xF7A, s1;
	s8 =	simm.s32 @!p0 $0x1BF5;
	p2 =	por !p2, p0  }
0x20: {  	[sflag:s8] =	ssyncset.s32 @!p0 $0xFFFFF086;
	s6 =	sadd.s32 @!p0 s3, s7;
	s7 =	simm.s32 @!p0 $0x108  }
0x21: {  	s3 =	sadd.s32 s3, s9;
	s6 =	sadd.s32 @!p0 $0x88, s6;
	s7 =	simm.s32 @p2 $0x1082  }
0x22: {  	[simem:s7], [sflag:s8] =	dma.local @!p0 [hbm:s6], $0xF7A  }
0x23: {  	s9 =	sor.u32 $0xD0000000, s2;
	s6 =	simm.s32 $0x108;
	_ =	swait.ge @!p0 [sflag:s8], $0x0  }
0x24: {  	s3 =	sadd.s32 $0x88, s3;
	s6 =	simm.s32 @!p1 $0x1082;
	[sflag:s4] =	ssyncset.s32 $0xFFFFF086  }
0x25: {  	[simem:s6], [sflag:s4] =	dma.local [hbm:s3], $0xF7A  }
0x26: {  	[smem:$0x3F97] =	sst s1;
	(tag) =	ssettag s2;
	_ =	strace s9  }
0x27: {  	s1 =	sld [smem:$0x3FA7]  }
0x28: {  	s2 =	sld [smem:$0x3FA8]  }
0x29: {  	s4 =	sld [smem:$0x3FAA]  }
0x2a: {  	p0 =	seq.s32 s5, $0x0;
	s5 =	sld [smem:$0x3FAB]  }
0x2b: {  	s6 =	sld [smem:$0x3FAC]  }
0x2c: {  	s7 =	sld [smem:$0x3FAD]  }
0x2d: {  	s3 =	simm.s32 $0x108;
	s8 =	sld [smem:$0x3FAE]  }
0x2e: {  	s3 =	simm.s32 @!p0 $0x1082;
	s9 =	sld [smem:$0x3FAF]  }
0x2f: {  	lr =	sadd.s32 s0, s3;
	s0 =	sld [smem:$0x3FA6]  }
0x30: {  	s3 =	sld [smem:$0x3FA9]  }
0x31: {  	[smem:$0x3FB2] =	sst s10  }
0x32: {  	s10 =	sld [smem:$0x3FB0];
	_ =	sdelay $0x3  }
0x33: {  	p0 =	seq.s32 s10, $0x1;
	s10 =	sld [smem:$0x3FB2];
	_ =	sdelay $0x3  }
0x34: {  	[smem:$0x3FB2] =	sst s10  }
0x35: {  	s10 =	sld [smem:$0x3FB1];
	_ =	sdelay $0x3  }
0x36: {  	p1 =	seq.s32 s10, $0x1;
	s10 =	sld [smem:$0x3FB2];
	_ =	sdelay $0x3  }
0x37: {  	[smem:$0x3FB2] =	sst s10  }
0x38: {  	s10 =	sld [smem:$0x3FB3]  }
0x39: {  	_ = 	snop;
	(pc) =	sbr.ind lr, $3  }
0x3a: {  	_ = 	snop  }
0x3b: {  	_ = 	snop  }
0x3c: {  	p2 =	seq.s32 s10, $0x1;
	s10 =	sld [smem:$0x3FB2]  }
0x3d: {  	_ =	shalt  }
0x3e: {  	_ =	shalt  }
0x3f: {  	_ =	shalt  }
0x40: {  	_ =	shalt  }
0x41: {  	_ =	shalt  }
0x42: {  	_ =	shalt  }
0x43: {  	_ =	shalt  }
0x44: {  	_ =	shalt  }
0x45: {  	_ =	shalt  }
0x46: {  	_ =	shalt  }
0x47: {  	_ =	shalt  }
0x48: {  	_ =	shalt  }
0x49: {  	_ =	shalt  }
0x4a: {  	_ =	shalt  }
0x4b: {  	_ =	shalt  }
0x4c: {  	_ =	shalt  }
0x4d: {  	_ =	shalt  }
0x4e: {  	_ =	shalt  }
0x4f: {  	_ =	shalt  }
0x50: {  	_ =	shalt  }
0x51: {  	_ =	shalt  }
0x52: {  	_ =	shalt  }
0x53: {  	_ =	shalt  }
0x54: {  	_ =	shalt  }
0x55: {  	_ =	shalt  }
0x56: {  	_ =	shalt  }
0x57: {  	_ =	shalt  }
0x58: {  	_ =	shalt  }
0x59: {  	_ =	shalt  }
0x5a: {  	_ =	shalt  }
0x5b: {  	_ =	shalt  }
0x5c: {  	_ =	shalt  }
0x5d: {  	_ =	shalt  }
0x5e: {  	_ =	shalt  }
0x5f: {  	_ =	shalt  }
0x60: {  	_ =	shalt  }
0x61: {  	_ =	shalt  }
0x62: {  	_ =	shalt  }
0x63: {  	_ =	shalt  }
0x64: {  	_ =	shalt  }
0x65: {  	_ =	shalt  }
0x66: {  	_ =	shalt  }
0x67: {  	_ =	shalt  }
0x68: {  	_ =	shalt  }
0x69: {  	_ =	shalt  }
0x6a: {  	_ =	shalt  }
0x6b: {  	_ =	shalt  }
0x6c: {  	_ =	shalt  }
0x6d: {  	_ =	shalt  }
0x6e: {  	_ =	shalt  }
0x6f: {  	_ =	shalt  }
0x70: {  	_ =	shalt  }
0x71: {  	_ =	shalt  }
0x72: {  	_ =	shalt  }
0x73: {  	_ =	shalt  }
0x74: {  	_ =	shalt  }
0x75: {  	_ =	shalt  }
0x76: {  	_ =	shalt  }
0x77: {  	_ =	shalt  }
0x78: {  	_ =	shalt  }
0x79: {  	_ =	shalt  }
0x7a: {  	_ =	shalt  }
0x7b: {  	_ =	shalt  }
0x7c: {  	_ =	shalt  }
0x7d: {  	_ =	shalt  }
0x7e: {  	_ =	shalt  }
0x7f: {  	_ =	shalt  }
0x80: {  	_ =	shalt  }
0x81: {  	_ =	shalt  }
0x82: {  	_ =	shalt  }
0x83: {  	_ =	shalt  }
0x84: {  	_ =	shalt  }
0x85: {  	_ =	shalt  }
0x86: {  	_ =	shalt  }
0x87: {  	_ =	shalt  }
.Lfunc_end0:
.L_simem_size_0:
called_computation.1_lowered:
.L_overlay_start_0:
0x88: {  	s2 =	sld [smem:$0x3FD9]  }
0x89: {  	s3 =	sld [smem:$0x3FFE];
	_ =	sdelay $0x1  }
0x8a: {  	s1 =	srdreg.scid  }
0x8b: {  	s0 =	sand.u32 $0x1, s1  }
0x8c: {  	s17 =	sshll.u32 s0, $0xA;
	s2 =	sadd.s32 s3, s2  }
0x8d: {  	s2 =	sadd.s32 s2, s17  }
0x8e: {  	[smem:$0x3FBE] =	sst s2  }
0x8f: {  	_ = 	snop  }
0x90: {  	s2 =	sld [smem:$0x3FC8]  }
0x91: {  	s18 =	sld [smem:$0x3FD0];
	(tm) =	ssettm $0x1  }
0x92: {  	s4 =	sld [smem:$0x3FFB];
	_ =	sdelay $0x3  }
0x93: {  	_ =	strace s4  }
0x94: {  	s4 =	sld [smem:$0x3FFC];
	_ =	sdelay $0x3  }
0x95: {  	_ =	strace s4  }
0x96: {  	s4 =	sld [smem:$0x3FFD];
	_ =	sdelay $0x3  }
0x97: {  	_ =	strace s4  }
0x98: {  	_ =	strace $0x8FFFFFFF  }
0x99: {  	s19 =	sld [smem:$0x3FDB];
	_ =	sdelay $0x1  }
0x9a: {  	s5 =	simm.s32 $_scs_section_size  }
0x9b: {  	s6 =	simm.s32 $_size__tile_overlayer_lowered;
	s7 =	simm.s32 $_tile_overlayer_lowered  }
0x9c: {  	s22 =	simm.s32 $0x1BFF;
	s21 =	sshll.u32 s7, $0x1;
	s4 =	sadd.s32 s5, s19  }
0x9d: {  	s8 =	simm.s32 $0x0;
	s20 =	sshll.u32 s6, $0x1;
	s6 =	sadd.s32 s21, s4  }
0x9e: {  	[timem:s8], [sflag:s22] =	dma.local [hbm:s6], s20  }
0x9f: {  	_ =	swait.ge [sflag:s22], s20  }
0xa0: {  	s5 =	ssub.s32 $0x0, s20;
	[sflag:s22] =	ssyncset.done $0x0  }
0xa1: {  	[sflag:s22] =	ssyncadd.s32 s5;
	_ =	sdelay $0x1  }
0xa2: {  	s23 =	simm.s32 $0x1B8B  }
0xa3: {  	_ =	swait.ge [sflag:s23], $0x1  }
0xa4: {  	[sflag:s23] =	ssyncset.done $0x0  }
0xa5: {  	s25 =	simm.s32 $0x1B8E;
	s24 =	sld [smem:$0x3FFE];
	[sflag:s23] =	ssyncadd.s32 $0xFFFFFFFF  }
0xa6: {  	s26 =	simm.s32 $execute0_lowered;
	[smem:$0x3FD2] =	sst s25  }
0xa7: {  	s6 =	sshll.u32 s26, $0x1;
	_ =	strace $0x80000049;
	[dreg:$0x1] =	wrdreg $0xFFFFFFFF  }
0xa8: {  	s28 =	simm.s32 $_size_execute0_lowered;
	s4 =	sadd.s32 s4, s6;
	[dreg:$0x0] =	wrdreg $0x0  }
0xa9: {  	s6 =	sshll.u32 s28, $0x1;
	[dreg:$0x2] =	wrdreg s4  }
0xaa: {  	[dreg:$0x3] =	wrdreg s6  }
0xab: {  	[dreg:$0x4] =	wrdreg $0xC0  }
0xac: {  	_ =	task [dreg:s8], $0x5FFFF  }
0xad: {  	[dreg:$0x1] =	wrdreg $0xFFFFFFFF  }
0xae: {  	[dreg:$0x0] =	wrdreg $0x60  }
0xaf: {  	[dreg:$0x2] =	wrdreg s18  }
0xb0: {  	[dreg:$0x3] =	wrdreg s2  }
0xb1: {  	[dreg:$0x4] =	wrdreg s24  }
0xb2: {  	[dreg:$0x5] =	wrdreg $0x0  }
0xb3: {  	[dreg:$0x6] =	wrdreg $0x9  }
0xb4: {  	_ =	task.clear_ibuf [dreg:s8], $0x7FFFF;
	_ =	strace $0x90000049  }
0xb5: {  	s29 =	simm.s32 $0x9;
	_ =	strace $0x8000004B  }
0xb6: {  	_ =	swait.ge [sflag:s29], $0x1  }
0xb7: {  	[sflag:s29] =	ssyncadd.s32 $0xFFFFFFFF  }
0xb8: {  	_ =	strace $0x9000004B  }
0xb9: {  	_ =	sfence  }
0xba: {  	s30 =	sld [smem:$0x0];
	_ =	sdelay $0x2  }
0xbb: {  	s31 =	sshll.u32 s1, $0xD;
	s1 =	sshrl.u32 s1, $0x2  }
0xbc: {  	s3 =	sand.u32 $0x4000, s31;
	s1 =	sadd.s32 s1, s30  }
0xbd: {  	s0 =	sor.u32 s3, s0;
	s1 =	sshll.u32 s1, $0x11  }
0xbe: {  	s0 =	sor.u32 s1, s0  }
0xbf: {  	s0 =	sadd.s32 $0x8F2B, s0  }
0xc0: {  	[sflag:s0] =	ssyncadd.remote.s32 $0x1  }
0xc1: {  	_ =	sfence.sel $0xFFFF  }
0xc2: {  	[dreg:$0x0] =	wrdreg $0xFFFFFFFF;
	(pc) =	sbr.abs _section_cstart, $3  }
0xc3: {  	[dreg:$0x1] =	wrdreg $0xFFFFFFFF  }
0xc4: {  	_ =	task.clear_ibuf [dreg:s8], $0x2FFFF;
	_ =	strace $0x9FFFFFFF  }
0xc5: {  	(tm) =	ssettm $0x7FFFFFFF  }
tec
execute0_lowered:
.L_overlay_start_1:
0x0: {  	(tag) =	ssettag $0x1  }
0x1: {  	s1 =	rddreg [dreg:$0x0]  }
0x2: {  	s0 =	rddreg [dreg:$0x1]  }
0x3: {  	s2 =	rddreg [dreg:$0x2]  }
0x4: {  	s3 =	rddreg [dreg:$0x3]  }
0x5: {  	s4 =	srdreg.scid;
	s23 =	stileid.u32  }
0x6: {  	s30 =	simm.s32 $0x1;
	s29 =	simm.s32 $0x4;
	s6 =	smul.u32 $0x4E000, s23  }
0x7: {  	s12 =	sand.u32 $0x1, s4;
	s4 =	simm.s32 $0x0;
	s13 =	smul.u32 $0x13800, s23  }
0x8: {  	s2 =	sadd.s32 $0x3000, s2;
	s11 =	sadd.s32 $0x138000, s3;
	p0 =	sne.s32 s23, $0xF  }
0x9: {  	s5 =	ssub.s32 $0x2, s12;
	[smem:$0x7FF] =	sst s4;
	s26 =	sshll.u32 s12, $0x4  }
0xa: {  	s22 =	smul.u32 $0x138800, s12;
	s12 =	sshll.u32 s12, $0x9;
	s7 =	sshrl.u32 s5, $0x1  }
0xb: {  	_ =	strace $0x8000004A;
	s6 =	sshrl.u32 s6, $0x2;
	s15 =	sadd.s32 $0x3400, s13  }
0xc: {  	s16 =	sor.u32 s23, s26;
	s17 =	sadd.s32 $0x6800, s13;
	s18 =	sadd.s32 $0x9C00, s13  }
0xd: {  	s19 =	sadd.s32 $0xD000, s13;
	s20 =	sadd.s32 $0x10400, s13;
	s14 =	ssub.s32 s5, s7  }
0xe: {  	s24 =	sadd.s32 s6, s3;
	s28 =	sadd.s32 s15, s3;
	s31 =	sadd.s32 s17, s3  }
0xf: {  	s7 =	sadd.s32 s18, s3;
	s8 =	sadd.s32 s19, s3;
	s21 =	sshll.u32 s16, $0x5  }
0x10: {  	s10 =	sadd.s32 s20, s3;
	s13 =	sadd.s32 s13, s22;
	[dreg:$0x6] =	wrdreg s7  }
0x11: {  	s15 =	sadd.s32 s22, s15;
	s17 =	sadd.s32 s22, s17;
	[dreg:$0x7] =	wrdreg s8  }
0x12: {  	s5 =	sadd.s32 s0, s21;
	s13 =	sshrl.u32 s13, $0x3;
	s15 =	sshrl.u32 s15, $0x3  }
0x13: {  	s25 =	sshrl.u32 s17, $0x3;
	s7 =	sadd.s32 s22, s18;
	s8 =	sadd.s32 s22, s19  }
0x14: {  	s0 =	sadd.s32 s12, s0;
	s9 =	sadd.s32 $0x400, s5;
	[dreg:$0x8] =	wrdreg s5  }
0x15: {  	s13 =	sadd.s32 s2, s13;
	s21 =	sadd.s32 s2, s15;
	[dreg:$0x9] =	wrdreg s9  }
0x16: {  	s26 =	sadd.s32 s2, s25;
	s15 =	sshrl.u32 s8, $0x3;
	[dreg:$0xa] =	wrdreg s13  }
0x17: {  	s5 =	sadd.s32 $0x800, s5;
	s25 =	sor.u32 $0x60, s16;
	[dreg:$0xb] =	wrdreg s21  }
0x18: {  	[dreg:$0xc] =	wrdreg s26;
	s13 =	sshrl.u32 s7, $0x3;
	s9 =	sadd.s32 s22, s20  }
0x19: {  	s15 =	sadd.s32 s2, s15;
	s20 =	sshrl.u32 s22, $0x3;
	[dreg:$0x10] =	wrdreg s5  }
0x1a: {  	s21 =	sshll.u32 s23, $0x5;
	s22 =	smax.u32 s14, $0x1;
	[dreg:$0x5] =	wrdreg s25  }
0x1b: {  	s25 =	simm.s32 $0x1BE80;
	s14 =	simm.s32 $0x5;
	s13 =	sadd.s32 s2, s13  }
0x1c: {  	[dreg:$0xe] =	wrdreg s15;
	s18 =	sshrl.u32 s9, $0x3;
	s0 =	sadd.s32 s21, s0  }
0x1d: {  	s21 =	ssub.s32 $0x9C4, s16;
	[dreg:$0x12] =	wrdreg s22;
	s15 =	simm.s32 $0x0  }
0x1e: {  	[dreg:$0xd] =	wrdreg s13;
	s19 =	sadd.s32 s2, s18;
	s2 =	sadd.s32 s2, s20  }
0x1f: {  	s26 =	sadd.s32 $0xC00, s0;
	[dreg:$0xf] =	wrdreg s19;
	s2 =	sadd.s32 $0x27000, s2  }
0x20: {  	v0 =	vimm.f32 $0.0e+00;
	s0 =	simm.s32 $0x13E80;
	[dreg:$0x11] =	wrdreg s2;
	s2 =	simm.s32 $0x17E80  }
.LBB2_1:
0x21: {  	s12 =	simm.s32 $0x0;
	s16 =	simm.s32 $0x200  }
.LBB2_2:
0x22: {  	p1 =	sne.s32 s16, $0xCE00;
	[tilespmem:s12+$0x1BEF0] =	vst v0  }
0x23: {  	[tilespmem:s12+$0x1BE80] =	vst v0  }
0x24: {  	[tilespmem:s12+$0x1BE90] =	vst v0  }
.Ltmp0:
0x25: {  	[tilespmem:s12+$0x1BEA0] =	vst v0;
	(pc) =	sbr.rel @p1 .LBB2_2-.Ltmp0, $4  }
0x26: {  	[tilespmem:s12+$0x1BEB0] =	vst v0  }
0x27: {  	[tilespmem:s12+$0x1BEC0] =	vst v0  }
0x28: {  	[tilespmem:s12+$0x1BED0] =	vst v0  }
0x29: {  	[tilespmem:s12+$0x1BEE0] =	vst v0;
	s12 =	sshra.s32 s16, $0x2;
	s16 =	sadd.s32 $0x200, s16  }
0x2a: {  	[tilespmem:s12+$0x1BEF0] =	vst v0  }
0x2b: {  	[tilespmem:s12+$0x1BE80] =	vst v0  }
0x2c: {  	[tilespmem:s12+$0x1BE90] =	vst v0  }
0x2d: {  	[tilespmem:s12+$0x1BEA0] =	vst v0  }
0x2e: {  	[tilespmem:s12+$0x1BEB0] =	vst v0  }
0x2f: {  	[tilespmem:s12+$0x1BEC0] =	vst v0  }
0x30: {  	[tilespmem:s12+$0x1BED0] =	vst v0  }
0x31: {  	[tilespmem:s12+$0x1BEE0] =	vst v0  }
0x32: {  	[spmem:s24] =	stream.linear.scatter [tilespmem:s25], [sflag:$0x4], $0x3400, $0x38;
	[tilespmem:$0x1FE80] =	vst v63  }
0x33: {  	_ = 	snop  }
0x34: {  	[spmem:s28] =	stream.linear.scatter [tilespmem:s25], [sflag:$0x4], $0x3400, $0x38;
	[tilespmem:$0x1FE80] =	vst v63  }
0x35: {  	_ = 	snop  }
0x36: {  	[spmem:s31] =	stream.linear.scatter [tilespmem:s25], [sflag:$0x4], $0x3400, $0x38;
	[tilespmem:$0x1FE80] =	vst v63  }
0x37: {  	s5 =	rddreg [dreg:$0x6]  }
0x38: {  	[spmem:s5] =	stream.linear.scatter [tilespmem:s25], [sflag:$0x4], $0x3400, $0x38;
	[tilespmem:$0x1FE80] =	vst v63  }
0x39: {  	s17 =	rddreg [dreg:$0x7]  }
0x3a: {  	[spmem:s17] =	stream.linear.scatter [tilespmem:s25], [sflag:$0x4], $0x3400, $0x38;
	[tilespmem:$0x1FE80] =	vst v63  }
0x3b: {  	_ = 	snop  }
0x3c: {  	[spmem:s10] =	stream.linear.scatter [tilespmem:s25], [sflag:$0x4], $0x3400, $0x38;
	[tilespmem:$0x1FE80] =	vst v63  }
0x3d: {  	s12 =	simm.s32 @!p0 $0x1BE80  }
0x3e: {  	[spmem:s11] =	stream.linear.scatter @!p0 [tilespmem:s12], [sflag:$0x4], $0x800, $0x38;
	[tilespmem:$0x1FE80] =	vst v63  }
0x3f: {  	s18 =	rddreg [dreg:$0x8];
	s6 =	simm.s32 $0x13880  }
0x40: {  	[tilespmem:s6], [sflag:$0x1] =	stream.linear.gather [hbm4b:s18+s4], $0x100, $0x38;
	[tilespmem:$0x1FE80] =	vst v63  }
0x41: {  	s19 =	rddreg [dreg:$0x9];
	s20 =	simm.s32 $0x13980  }
0x42: {  	[tilespmem:s20], [sflag:$0x1] =	stream.linear.gather [hbm4b:s19+s4], $0x100, $0x38;
	[tilespmem:$0x1FE80] =	vst v63  }
0x43: {  	s22 =	rddreg [dreg:$0x10];
	s13 =	simm.s32 $0x13A80  }
0x44: {  	[tilespmem:s13], [sflag:$0x1] =	stream.linear.gather [hbm4b:s22+s4], $0x100, $0x38;
	[tilespmem:$0x1FE80] =	vst v63  }
0x45: {  	_ =	swait.ge [sflag:s30], $0x100  }
0x46: {  	[sflag:s30] =	ssyncset.done $0x0  }
0x47: {  	s23 =	simm.s32 $0x80;
	[sflag:s30] =	ssyncadd.s32 $0xFFFFFF00  }
0x48: {  	[tilespmem:s0], [sflag:$0x2] =	stream.indirect.gather [hbm4b:s1+s23], $0x80, s6, s23, $0xb8;
	[tilespmem:$0x1FE80] =	vst v63  }
0x49: {  	_ =	swait.ge [sflag:s30], $0x100  }
0x4a: {  	[sflag:s30] =	ssyncset.done $0x0  }
0x4b: {  	[sflag:s30] =	ssyncadd.s32 $0xFFFFFF00  }
0x4c: {  	[tilespmem:s2], [sflag:$0x2] =	stream.indirect.gather [hbm4b:s1+s23], $0x80, s20, s23, $0xb8;
	[tilespmem:$0x1FE80] =	vst v63  }
0x4d: {  	_ =	swait.ge [sflag:s29], $0x3400  }
0x4e: {  	[sflag:s29] =	ssyncset.done $0x0  }
0x4f: {  	[sflag:s29] =	ssyncadd.s32 $0xFFFFCC00  }
0x50: {  	_ =	swait.ge [sflag:s29], $0x3400  }
0x51: {  	[sflag:s29] =	ssyncset.done $0x0  }
0x52: {  	[sflag:s29] =	ssyncadd.s32 $0xFFFFCC00  }
0x53: {  	_ =	swait.ge [sflag:s29], $0x3400  }
0x54: {  	[sflag:s29] =	ssyncset.done $0x0  }
0x55: {  	[sflag:s29] =	ssyncadd.s32 $0xFFFFCC00  }
0x56: {  	_ =	swait.ge [sflag:s29], $0x3400  }
0x57: {  	[sflag:s29] =	ssyncset.done $0x0  }
0x58: {  	[sflag:s29] =	ssyncadd.s32 $0xFFFFCC00  }
0x59: {  	s7 =	smov.u32 s24;
	_ =	swait.ge [sflag:s29], $0x3400  }
0x5a: {  	p1 =	sle.u32 s21, $0x0;
	s12 =	simm.s32 $0x0;
	[sflag:s29] =	ssyncset.done $0x0  }
0x5b: {  	s9 =	smov.u32 s31;
	s12 =	smul.u32 @!p1 $0xAB, s12;
	[sflag:s29] =	ssyncadd.s32 $0xFFFFCC00  }
0x5c: {  	s16 =	simm.s32 @!p0 $0x4;
	p2 =	por @!p1 $0x1, $0x1;
	_ =	swait.ge [sflag:s29], $0x3400  }
0x5d: {  	s17 =	sshrl.u32 @!p1 s12, $0xA;
	s12 =	sshrl.u32 @!p1 s12, $0x9;
	[sflag:s29] =	ssyncset.done $0x0  }
0x5e: {  	p3 =	por p2, p1;
	s12 =	sand.u32 @!p1 $0x7F, s12;
	[sflag:s29] =	ssyncadd.s32 $0xFFFFCC00  }
0x5f: {  	p2 =	sle.u32 s21, $0x40;
	s12 =	smul.u32 @!p1 $0x3, s12;
	_ =	swait.ge @!p0 [sflag:s16], $0x800  }
0x60: {  	s18 =	simm.s32 @!p1 $0x2;
	s19 =	simm.s32 @!p1 $0x80;
	[sflag:s16] =	ssyncset.done @!p0 $0x0  }
0x61: {  	s12 =	ssub.s32 @!p1 $0x0, s12;
	[sflag:s16] =	ssyncadd.s32 @!p0 $0xFFFFF800;
	s16 =	sand.u32 @!p1 $0x3F, s17  }
0x62: {  	s12 =	sand.u32 @!p1 $0xFB, s12;
	s17 =	simm.s32 $0x2;
	s16 =	smul.u32 @!p1 $0x6, s16  }
0x63: {  	s12 =	sshll.u32 @!p1 s12, $0xE;
	[bflag:$0x0] =	sbarrier.arrive $0xFFFF;
	s17 =	smul.u32 @!p2 $0xAB, s17  }
0x64: {  	s12 =	sor.u32 @!p1 $0x13E80, s12;
	_ =	swait.ge @!p1 [sflag:s18], $0x4000;
	s16 =	ssub.s32 @!p1 $0x0, s16  }
0x65: {  	s20 =	sshrl.u32 @!p2 s17, $0xA;
	s17 =	sshrl.u32 @!p2 s17, $0x9;
	[sflag:s18] =	ssyncset.done @!p1 $0x0  }
0x66: {  	s16 =	sand.u32 @!p1 $0xFF, s16;
	s20 =	sand.u32 @!p2 $0x3F, s20;
	s17 =	sand.u32 @!p2 $0x7F, s17  }
0x67: {  	[sflag:s18] =	ssyncadd.s32 @!p1 $0xFFFFC000;
	s16 =	sshll.u32 @!p1 s16, $0x8;
	s20 =	smul.u32 @!p2 $0x6, s20  }
0x68: {  	s18 =	simm.s32 @!p3 $0x3;
	s17 =	smul.u32 @!p2 $0x3, s17;
	s16 =	sadd.s32 @!p1 $0x13900, s16  }
0x69: {  	[spmem:s3] =	stream.indirect.scatter.add.f32 @!p1 [tilespmem:s12], [sflag:$0x3], $0x80, s16, s19, $0xb8;
	[tilespmem:$0x1FE80] =	vst v63  }
0x6a: {  	s12 =	ssub.s32 @!p2 $0x2, s20;
	s16 =	simm.s32 @!p2 $0x1;
	_ =	swait.ge @!p3 [sflag:s18], $0x4000  }
0x6b: {  	s17 =	ssub.s32 @!p2 $0x2, s17;
	s12 =	sand.u32 @!p2 $0xC7, s12;
	[sflag:s18] =	ssyncset.done @!p3 $0x0  }
0x6c: {  	s17 =	sand.u32 @!p2 $0xFB, s17;
	s12 =	sshll.u32 @!p2 s12, $0x8;
	[sflag:s18] =	ssyncadd.s32 @!p3 $0xFFFFC000  }
0x6d: {  	s17 =	sshll.u32 @!p2 s17, $0xE;
	s12 =	sor.u32 @!p2 $0x13880, s12;
	_ =	swait.ge @!p2 [sflag:s16], $0x100  }
0x6e: {  	s17 =	sor.u32 @!p2 $0x13E80, s17;
	[sflag:s16] =	ssyncset.done @!p2 $0x0;
	s24 =	rddreg [dreg:$0x5]  }
0x6f: {  	[sflag:s16] =	ssyncadd.s32 @!p2 $0xFFFFFF00;
	s16 =	simm.s32 @!p2 $0x80;
	s31 =	sadd.s32 $0x0, s24  }
0x70: {  	[tilespmem:s17], [sflag:$0x2] =	stream.indirect.gather @!p2 [hbm4b:s1+s16], $0x80, s12, s16, $0xb8;
	[tilespmem:$0x1FE80] =	vst v63  }
0x71: {  	s22 =	simm.s32 $0x3;
	p2 =	sgt.u32 s31, $0x9C3  }
0x72: {  	p1 =	sle.u32 s21, $0x20;
	s12 =	simm.s32 $0x1;
	s17 =	smul.u32 @!p2 $0xAB, s22  }
0x73: {  	s8 =	smov.u32 s28;
	s19 =	simm.s32 $0x5;
	s23 =	smul.u32 @!p1 $0xAB, s12  }
0x74: {  	s18 =	simm.s32 $0x20;
	p3 =	por @!p1 $0x0, $0x0;
	s16 =	simm.s32 $0x4  }
0x75: {  	s24 =	sshrl.u32 @!p2 s17, $0xA;
	s17 =	sadd.s32 $0x400, s26;
	s20 =	sshrl.u32 @!p1 s23, $0x9  }
0x76: {  	s23 =	sshrl.u32 @!p1 s23, $0xA;
	s28 =	sand.u32 @!p2 $0x3F, s24;
	s24 =	smov.u32 s26  }
.LBB2_4:
0x77: {  	s31 =	sand.u32 @!p1 $0x7F, s20  }
0x78: {  	s23 =	sand.u32 @!p1 $0x3F, s23;
	s28 =	smul.u32 @!p2 $0x6, s28;
	s20 =	smov.u32 s19  }
0x79: {  	p4 =	por p3, p1;
	s13 =	sadd.s32 $0xFFFFFFFF, s16;
	s23 =	smul.u32 @!p1 $0x6, s23  }
0x7a: {  	s5 =	simm.s32 @!p1 $0x2;
	s6 =	sadd.s32 $0x40, s18;
	s19 =	sadd.s32 $0x1, s19  }
0x7b: {  	s22 =	ssub.s32 @!p2 s22, s28;
	s28 =	smul.u32 @!p1 $0x3, s31;
	s23 =	ssub.s32 @!p1 s12, s23  }
0x7c: {  	p3 =	sge.u32 s6, s21;
	s22 =	sand.u32 @!p2 $0xC7, s22;
	s23 =	sand.u32 @!p1 $0xFF, s23  }
0x7d: {  	s6 =	sshll.u32 @!p2 s22, $0x8;
	s12 =	ssub.s32 @!p1 s12, s28;
	s28 =	simm.s32 @!p2 $0x0  }
0x7e: {  	s22 =	sshll.u32 @!p1 s23, $0x8;
	s6 =	sor.u32 @!p2 $0x13880, s6;
	s23 =	smul.u32 @!p3 $0xAB, s13  }
0x7f: {  	[tilespmem:s6], [sflag:$0x1] =	stream.linear.gather @!p2 [hbm4b:s24+s28], $0x100, $0x38;
	[tilespmem:$0x1FE80] =	vst v63  }
0x80: {  	s22 =	sadd.s32 @!p1 $0x13900, s22;
	s6 =	sand.u32 @!p1 $0xFB, s12;
	s12 =	simm.s32 @!p1 $0x80  }
0x81: {  	s24 =	sshrl.u32 @!p3 s23, $0xA;
	s6 =	sshll.u32 @!p1 s6, $0xE;
	_ =	swait.ge @!p1 [sflag:s5], $0x4000  }
0x82: {  	s23 =	sshrl.u32 @!p3 s23, $0x9;
	[sflag:s5] =	ssyncset.done @!p1 $0x0;
	s24 =	sand.u32 @!p3 $0x3F, s24  }
0x83: {  	s23 =	sand.u32 @!p3 $0x7F, s23;
	[sflag:s5] =	ssyncadd.s32 @!p1 $0xFFFFC000;
	s5 =	smul.u32 @!p3 $0x6, s24  }
0x84: {  	s6 =	sor.u32 @!p1 $0x13E80, s6;
	s24 =	simm.s32 @!p4 $0x3;
	s23 =	smul.u32 @!p3 $0x3, s23  }
0x85: {  	[spmem:s3] =	stream.indirect.scatter.add.f32 @!p1 [tilespmem:s6], [sflag:$0x3], $0x80, s22, s12, $0xb8;
	[tilespmem:$0x1FE80] =	vst v63  }
0x86: {  	s6 =	simm.s32 @!p3 $0x1;
	s22 =	smov.u32 s16;
	s16 =	smov.u32 s20  }
0x87: {  	_ =	swait.ge @!p4 [sflag:s24], $0x4000;
	s5 =	ssub.s32 @!p3 s13, s5;
	s12 =	ssub.s32 @!p3 s13, s23  }
0x88: {  	[sflag:s24] =	ssyncset.done @!p4 $0x0;
	s5 =	sand.u32 @!p3 $0xC7, s5;
	s12 =	sand.u32 @!p3 $0xFB, s12  }
0x89: {  	[sflag:s24] =	ssyncadd.s32 @!p4 $0xFFFFC000;
	s5 =	sshll.u32 @!p3 s5, $0x8;
	s12 =	sshll.u32 @!p3 s12, $0xE  }
0x8a: {  	p4 =	sne.s32 s19, $0x52;
	_ =	swait.ge @!p3 [sflag:s6], $0x100;
	s5 =	sor.u32 @!p3 $0x13880, s5  }
0x8b: {  	s12 =	sor.u32 @!p3 $0x13E80, s12;
	[sflag:s6] =	ssyncset.done @!p3 $0x0;
	s24 =	rddreg [dreg:$0x5]  }
0x8c: {  	[sflag:s6] =	ssyncadd.s32 @!p3 $0xFFFFFF00;
	s6 =	simm.s32 @!p3 $0x80;
	s31 =	sadd.s32 s18, s24  }
0x8d: {  	[tilespmem:s12], [sflag:$0x2] =	stream.indirect.gather @!p3 [hbm4b:s1+s6], $0x80, s5, s6, $0xb8;
	[tilespmem:$0x1FE80] =	vst v63  }
.Ltmp1:
0x8e: {  	s18 =	sadd.s32 $0x20, s18;
	p2 =	sgt.u32 s31, $0x9C3;
	(pc) =	sbr.rel @p4 .LBB2_4-.Ltmp1, $4  }
0x8f: {  	s12 =	sadd.s32 $0xFFFFFFFD, s16;
	p1 =	sge.u32 s18, s21;
	s5 =	smul.u32 @!p2 $0xAB, s22  }
0x90: {  	s24 =	smov.u32 s17;
	s6 =	smul.u32 @!p1 $0xAB, s12  }
0x91: {  	s17 =	sadd.s32 $0x400, s17;
	p3 =	seq.s32 @!p1 s16, $0x3;
	s5 =	sshrl.u32 @!p2 s5, $0xA  }
0x92: {  	s20 =	sshrl.u32 @!p1 s6, $0x9;
	s23 =	sshrl.u32 @!p1 s6, $0xA;
	s28 =	sand.u32 @!p2 $0x3F, s5  }
0x93: {  	s5 =	smul.u32 @!p2 $0x6, s28;
	_ =	sdelay $0x1  }
0x94: {  	s5 =	ssub.s32 @!p2 s22, s5  }
0x95: {  	s5 =	sand.u32 @!p2 $0xC7, s5  }
0x96: {  	s5 =	sshll.u32 @!p2 s5, $0x8  }
0x97: {  	s6 =	simm.s32 @!p2 $0x0;
	s5 =	sor.u32 @!p2 $0x13880, s5  }
0x98: {  	[tilespmem:s5], [sflag:$0x1] =	stream.linear.gather @!p2 [hbm4b:s24+s6], $0x100, $0x38;
	[tilespmem:$0x1FE80] =	vst v63  }
0x99: {  	s5 =	sand.u32 @!p1 $0x3F, s23  }
0x9a: {  	s6 =	sand.u32 @!p1 $0x7F, s20;
	s5 =	smul.u32 @!p1 $0x6, s5  }
0x9b: {  	s6 =	smul.u32 @!p1 $0x3, s6  }
0x9c: {  	s13 =	simm.s32 @!p1 $0x2;
	p2 =	por p3, p1;
	s23 =	sadd.s32 $0x40, s18  }
0x9d: {  	_ =	swait.ge @!p1 [sflag:s13], $0x4000;
	s5 =	ssub.s32 @!p1 s12, s5;
	s6 =	ssub.s32 @!p1 s12, s6  }
0x9e: {  	[sflag:s13] =	ssyncset.done @!p1 $0x0;
	s5 =	sand.u32 @!p1 $0xFF, s5;
	s6 =	sand.u32 @!p1 $0xFB, s6  }
0x9f: {  	s12 =	simm.s32 @!p1 $0x80;
	s5 =	sshll.u32 @!p1 s5, $0x8;
	s6 =	sshll.u32 @!p1 s6, $0xE  }
0xa0: {  	[sflag:s13] =	ssyncadd.s32 @!p1 $0xFFFFC000;
	s5 =	sadd.s32 @!p1 $0x13900, s5;
	s6 =	sor.u32 @!p1 $0x13E80, s6  }
0xa1: {  	[spmem:s3] =	stream.indirect.scatter.add.f32 @!p1 [tilespmem:s6], [sflag:$0x3], $0x80, s5, s12, $0xb8;
	[tilespmem:$0x1FE80] =	vst v63  }
0xa2: {  	s13 =	simm.s32 @!p2 $0x3;
	s6 =	sadd.s32 $0xFFFFFFFF, s16;
	p1 =	sge.u32 s23, s21  }
0xa3: {  	_ =	swait.ge @!p2 [sflag:s13], $0x4000;
	s5 =	smul.u32 @!p1 $0xAB, s6  }
0xa4: {  	[sflag:s13] =	ssyncset.done @!p2 $0x0  }
0xa5: {  	s12 =	simm.s32 @!p1 $0x1;
	[sflag:s13] =	ssyncadd.s32 @!p2 $0xFFFFC000;
	s13 =	sshrl.u32 @!p1 s5, $0xA  }
0xa6: {  	s5 =	sshrl.u32 @!p1 s5, $0x9;
	_ =	swait.ge @!p1 [sflag:s12], $0x100;
	s13 =	sand.u32 @!p1 $0x3F, s13  }
0xa7: {  	s5 =	sand.u32 @!p1 $0x7F, s5;
	s19 =	rddreg [dreg:$0x5];
	s13 =	smul.u32 @!p1 $0x6, s13  }
0xa8: {  	s5 =	smul.u32 @!p1 $0x3, s5;
	s24 =	sadd.s32 s18, s19  }
0xa9: {  	[sflag:s12] =	ssyncset.done @!p1 $0x0;
	p2 =	sgt.u32 s24, $0x9C3  }
0xaa: {  	s13 =	ssub.s32 @!p1 s6, s13;
	s5 =	ssub.s32 @!p1 s6, s5;
	s6 =	smul.u32 @!p2 $0xAB, s16  }
0xab: {  	[sflag:s12] =	ssyncadd.s32 @!p1 $0xFFFFFF00;
	s12 =	simm.s32 @!p1 $0x80  }
0xac: {  	s13 =	sand.u32 @!p1 $0xC7, s13;
	s5 =	sand.u32 @!p1 $0xFB, s5;
	s6 =	sshrl.u32 @!p2 s6, $0xA  }
0xad: {  	s13 =	sshll.u32 @!p1 s13, $0x8;
	s5 =	sshll.u32 @!p1 s5, $0xE;
	s6 =	sand.u32 @!p2 $0x3F, s6  }
0xae: {  	s13 =	sor.u32 @!p1 $0x13880, s13;
	s5 =	sor.u32 @!p1 $0x13E80, s5;
	s6 =	smul.u32 @!p2 $0x6, s6  }
0xaf: {  	[tilespmem:s5], [sflag:$0x2] =	stream.indirect.gather @!p1 [hbm4b:s1+s12], $0x80, s13, s12, $0xb8;
	[tilespmem:$0x1FE80] =	vst v63  }
0xb0: {  	s5 =	ssub.s32 @!p2 s16, s6  }
0xb1: {  	s5 =	sand.u32 @!p2 $0xC7, s5  }
0xb2: {  	s5 =	sshll.u32 @!p2 s5, $0x8  }
0xb3: {  	s6 =	simm.s32 @!p2 $0x0;
	s5 =	sor.u32 @!p2 $0x13880, s5  }
0xb4: {  	[tilespmem:s5], [sflag:$0x1] =	stream.linear.gather @!p2 [hbm4b:s17+s6], $0x100, $0x38;
	[tilespmem:$0x1FE80] =	vst v63  }
0xb5: {  	s6 =	simm.s32 $0x3  }
0xb6: {  	_ =	swait.ge [sflag:s6], $0x4000  }
0xb7: {  	[sflag:s6] =	ssyncset.done $0x0  }
0xb8: {  	[sflag:s6] =	ssyncadd.s32 $0xFFFFC000  }
0xb9: {  	[bflag:$0x0] =	sbarrier.arrive $0xFFFF  }
0xba: {  	[tilespmem:s0], [sflag:$0x5] =	stream.linear.gather [spmem:s7], $0x3400, $0x38;
	[tilespmem:$0x1FE80] =	vst v63  }
0xbb: {  	_ =	swait.ge [sflag:s14], $0x3400  }
0xbc: {  	[sflag:s14] =	ssyncset.done $0x0  }
0xbd: {  	s12 =	rddreg [dreg:$0xa];
	[sflag:s14] =	ssyncadd.s32 $0xFFFFCC00  }
0xbe: {  	[hbm4b:s12+s4] =	stream.linear.scatter [tilespmem:s0], [sflag:$0x4], $0x3400, $0x38;
	[tilespmem:$0x1FE80] =	vst v63  }
0xbf: {  	_ = 	snop  }
0xc0: {  	[tilespmem:s2], [sflag:$0x5] =	stream.linear.gather [spmem:s8], $0x3400, $0x38;
	[tilespmem:$0x1FE80] =	vst v63  }
0xc1: {  	_ =	swait.ge [sflag:s14], $0x3400  }
0xc2: {  	[sflag:s14] =	ssyncset.done $0x0  }
0xc3: {  	s13 =	rddreg [dreg:$0xb];
	[sflag:s14] =	ssyncadd.s32 $0xFFFFCC00  }
0xc4: {  	[hbm4b:s13+s4] =	stream.linear.scatter [tilespmem:s2], [sflag:$0x4], $0x3400, $0x38;
	[tilespmem:$0x1FE80] =	vst v63  }
0xc5: {  	_ =	swait.ge [sflag:s29], $0x3400  }
0xc6: {  	[sflag:s29] =	ssyncset.done $0x0  }
0xc7: {  	[sflag:s29] =	ssyncadd.s32 $0xFFFFCC00  }
0xc8: {  	[tilespmem:s0], [sflag:$0x5] =	stream.linear.gather [spmem:s9], $0x3400, $0x38;
	[tilespmem:$0x1FE80] =	vst v63  }
0xc9: {  	_ =	swait.ge [sflag:s14], $0x3400  }
0xca: {  	[sflag:s14] =	ssyncset.done $0x0  }
0xcb: {  	s16 =	rddreg [dreg:$0xc];
	[sflag:s14] =	ssyncadd.s32 $0xFFFFCC00  }
0xcc: {  	[hbm4b:s16+s4] =	stream.linear.scatter [tilespmem:s0], [sflag:$0x4], $0x3400, $0x38;
	[tilespmem:$0x1FE80] =	vst v63  }
0xcd: {  	_ =	swait.ge [sflag:s29], $0x3400  }
0xce: {  	[sflag:s29] =	ssyncset.done $0x0  }
0xcf: {  	s17 =	rddreg [dreg:$0x6];
	[sflag:s29] =	ssyncadd.s32 $0xFFFFCC00  }
0xd0: {  	[tilespmem:s2], [sflag:$0x5] =	stream.linear.gather [spmem:s17], $0x3400, $0x38;
	[tilespmem:$0x1FE80] =	vst v63  }
0xd1: {  	_ =	swait.ge [sflag:s14], $0x3400  }
0xd2: {  	[sflag:s14] =	ssyncset.done $0x0  }
0xd3: {  	s18 =	rddreg [dreg:$0xd];
	[sflag:s14] =	ssyncadd.s32 $0xFFFFCC00  }
0xd4: {  	[hbm4b:s18+s4] =	stream.linear.scatter [tilespmem:s2], [sflag:$0x4], $0x3400, $0x38;
	[tilespmem:$0x1FE80] =	vst v63  }
0xd5: {  	_ =	swait.ge [sflag:s29], $0x3400  }
0xd6: {  	[sflag:s29] =	ssyncset.done $0x0  }
0xd7: {  	s19 =	rddreg [dreg:$0x7];
	[sflag:s29] =	ssyncadd.s32 $0xFFFFCC00  }
0xd8: {  	[tilespmem:s0], [sflag:$0x5] =	stream.linear.gather [spmem:s19], $0x3400, $0x38;
	[tilespmem:$0x1FE80] =	vst v63  }
0xd9: {  	_ =	swait.ge [sflag:s14], $0x3400  }
0xda: {  	[sflag:s14] =	ssyncset.done $0x0  }
0xdb: {  	s20 =	rddreg [dreg:$0xe];
	[sflag:s14] =	ssyncadd.s32 $0xFFFFCC00  }
0xdc: {  	[hbm4b:s20+s4] =	stream.linear.scatter [tilespmem:s0], [sflag:$0x4], $0x3400, $0x38;
	[tilespmem:$0x1FE80] =	vst v63  }
0xdd: {  	_ =	swait.ge [sflag:s29], $0x3400  }
0xde: {  	[sflag:s29] =	ssyncset.done $0x0  }
0xdf: {  	[sflag:s29] =	ssyncadd.s32 $0xFFFFCC00  }
0xe0: {  	[tilespmem:s2], [sflag:$0x5] =	stream.linear.gather [spmem:s10], $0x3400, $0x38;
	[tilespmem:$0x1FE80] =	vst v63  }
0xe1: {  	_ =	swait.ge [sflag:s14], $0x3400  }
0xe2: {  	[sflag:s14] =	ssyncset.done $0x0  }
0xe3: {  	s22 =	rddreg [dreg:$0xf];
	[sflag:s14] =	ssyncadd.s32 $0xFFFFCC00  }
0xe4: {  	[hbm4b:s22+s4] =	stream.linear.scatter [tilespmem:s2], [sflag:$0x4], $0x3400, $0x38;
	[tilespmem:$0x1FE80] =	vst v63  }
0xe5: {  	_ =	swait.ge [sflag:s29], $0x3400  }
0xe6: {  	[sflag:s29] =	ssyncset.done $0x0  }
0xe7: {  	[sflag:s29] =	ssyncadd.s32 $0xFFFFCC00  }
0xe8: {  	_ =	swait.ge [sflag:s29], $0x3400  }
0xe9: {  	[sflag:s29] =	ssyncset.done $0x0  }
0xea: {  	s5 =	simm.s32 @!p0 $0x1BE80;
	s6 =	simm.s32 @!p0 $0x5;
	[sflag:s29] =	ssyncadd.s32 $0xFFFFCC00  }
0xeb: {  	[tilespmem:s5], [sflag:$0x5] =	stream.linear.gather @!p0 [spmem:s11], $0x800, $0x38;
	[tilespmem:$0x1FE80] =	vst v63  }
0xec: {  	_ =	swait.ge @!p0 [sflag:s6], $0x800  }
0xed: {  	s24 =	smov.u32 s7;
	[sflag:s6] =	ssyncset.done @!p0 $0x0  }
0xee: {  	s12 =	simm.s32 @!p0 $0x0;
	s7 =	rddreg [dreg:$0x11];
	[sflag:s6] =	ssyncadd.s32 @!p0 $0xFFFFF800  }
0xef: {  	[hbm4b:s7+s12] =	stream.linear.scatter @!p0 [tilespmem:s5], [sflag:$0x5], $0x800, $0x38;
	[tilespmem:$0x1FE80] =	vst v63  }
0xf0: {  	_ =	swait.ge @!p0 [sflag:s6], $0x800  }
0xf1: {  	s15 =	sadd.s32 $0x1, s15;
	s23 =	rddreg [dreg:$0x12]  }
0xf2: {  	p1 =	sne.s32 s15, s23  }
.Ltmp2:
0xf3: {  	_ = 	snop;
	(pc) =	sbr.rel @p1 .LBB2_1-.Ltmp2, $3  }
0xf4: {  	_ =	sdelay $0x1  }
0xf5: {  	[sflag:s6] =	ssyncset.done @!p0 $0x0  }
0xf6: {  	s28 =	smov.u32 s8;
	s31 =	smov.u32 s9;
	[sflag:s6] =	ssyncadd.s32 @!p0 $0xFFFFF800  }
0xf7: {  	_ =	sfence.sel $0x180000  }
0xf8: {  	[bflag:$0x0] =	sbarrier.arrive $0xFFFF  }
0xf9: {  	_ =	strace $0x9000004A  }
0xfa: {  	s0 =	stileid.u32;
	[bflag:$0x2] =	sbarrier.arrive $0xFFFF  }
0xfb: {  	p0 =	sne.s32 s0, $0x0;
	s0 =	rddreg [dreg:$0x4]  }
0xfc: {  	s0 =	sadd.s32 @!p0 $0x100000, s0  }
0xfd: {  	[sflag:s0] =	ssyncadd.tile.s32 @!p0 $0x1;
	_ =	shalt  }
.Lfunc_end2:
_tile_overlayer_lowered:
.L_overlay_start_2:
0xfe: {  	(tag) =	ssettag $0x2  }
0xff: {  	s0 =	rddreg [dreg:$0x0];
	s2 =	stileid.u32  }
0x100: {  	s1 =	rddreg [dreg:$0x1];
	p0 =	sne.s32 s2, $0x0  }
0x101: {  	s3 =	rddreg [dreg:$0x2];
	[bflag:$0x3] =	sbarrier.arrive $0xFFFF;
	s2 =	simm.s32 @!p0 $0x1C05  }
0x102: {  	[timem:s3], [sflag:s2] =	dma.local @!p0 [hbm:s0], s1  }
0x103: {  	s0 =	simm.s32 @!p0 $0x5  }
0x104: {  	_ =	swait.ge @!p0 [sflag:s0], s1  }
0x105: {  	s1 =	ssub.s32 @!p0 $0x0, s1;
	[sflag:s0] =	ssyncset.done @!p0 $0x0  }
0x106: {  	[sflag:s0] =	ssyncadd.s32 @!p0 s1  }
0x107: {  	[bflag:$0x3] =	sbarrier.arrive $0xFFFF  }
0x108: {  	_ =	shalt  }

// kernel: kernel.15.cloned.1.call-start
scs
__scs_entry_jumppad:
0x0: {  	(pc) =	sbr.rel $0x88, $3  }
0x1: {  	(tag) =	ssettag $0x0;
	lr =	simm.s32 $0x1  }
0x2: {  	[smem:$0x3F97] =	sst lr;
	_ =	strace $0xD0000000  }
0x3: {  	_ = 	snop  }
0x4: {  	_ = 	snop  }
0x5: {  	_ = 	snop  }
0x6: {  	_ = 	snop  }
0x7: {  	_ = 	snop  }
__scs_overlays_trampoline_lowered:
0x8: {  	[smem:$0x3FA6] =	sst s0  }
0x9: {  	[smem:$0x3FA7] =	sst s1  }
0xa: {  	[smem:$0x3FA8] =	sst s2  }
0xb: {  	[smem:$0x3FA9] =	sst s3  }
0xc: {  	[smem:$0x3FAA] =	sst s4  }
0xd: {  	[smem:$0x3FAB] =	sst s5  }
0xe: {  	[smem:$0x3FAC] =	sst s6  }
0xf: {  	[smem:$0x3FAD] =	sst s7  }
0x10: {  	[smem:$0x3FAE] =	sst s8  }
0x11: {  	[smem:$0x3FAF] =	sst s9;
	s0 =	simm.s32 @!p0 $0x0  }
0x12: {  	s1 =	sld [smem:$0x3F95];
	s0 =	simm.s32 @p0 $0x1  }
0x13: {  	[smem:$0x3FB0] =	sst s0;
	s0 =	simm.s32 @!p1 $0x0  }
0x14: {  	s2 =	sld [smem:$0x3F94];
	s0 =	simm.s32 @p1 $0x1  }
0x15: {  	[smem:$0x3FB1] =	sst s0;
	s0 =	simm.s32 @!p2 $0x0  }
0x16: {  	s3 =	sld [smem:$0x3FDB];
	s0 =	simm.s32 @p2 $0x1  }
0x17: {  	s4 =	simm.s32 $0x1BF5;
	[smem:$0x3FB3] =	sst s0  }
0x18: {  	s0 =	sld [smem:$0x3F96];
	_ =	swait.ge [sflag:s4], $0x0  }
0x19: {  	s7 =	sld [smem:$0x3F97]  }
0x1a: {  	s8 =	sadd.s32 $0xFFFFE003, lr  }
0x1b: {  	s9 =	sadd.s32 $0xFFFFFEF7, lr;
	s5 =	simm.s32 $0xFFFFFFFF;
	p2 =	slt.u32 s8, $0xFFFFF086  }
0x1c: {  	p1 =	slt.u32 s9, $0xF7A;
	s5 =	simm.s32 @!p2 $0x0  }
0x1d: {  	s5 =	simm.s32 @p1 $0x1;
	p0 =	seq.s32 s7, s2  }
0x1e: {  	s7 =	smul.u32 @!p0 $0xF7A, s2;
	p2 =	seq.s32 @!p0 s5, $0x0  }
0x1f: {  	s9 =	smul.u32 $0xF7A, s1;
	s8 =	simm.s32 @!p0 $0x1BF5;
	p2 =	por !p2, p0  }
0x20: {  	[sflag:s8] =	ssyncset.s32 @!p0 $0xFFFFF086;
	s6 =	sadd.s32 @!p0 s3, s7;
	s7 =	simm.s32 @!p0 $0x108  }
0x21: {  	s3 =	sadd.s32 s3, s9;
	s6 =	sadd.s32 @!p0 $0x88, s6;
	s7 =	simm.s32 @p2 $0x1082  }
0x22: {  	[simem:s7], [sflag:s8] =	dma.local @!p0 [hbm:s6], $0xF7A  }
0x23: {  	s9 =	sor.u32 $0xD0000000, s2;
	s6 =	simm.s32 $0x108;
	_ =	swait.ge @!p0 [sflag:s8], $0x0  }
0x24: {  	s3 =	sadd.s32 $0x88, s3;
	s6 =	simm.s32 @!p1 $0x1082;
	[sflag:s4] =	ssyncset.s32 $0xFFFFF086  }
0x25: {  	[simem:s6], [sflag:s4] =	dma.local [hbm:s3], $0xF7A  }
0x26: {  	[smem:$0x3F97] =	sst s1;
	(tag) =	ssettag s2;
	_ =	strace s9  }
0x27: {  	s1 =	sld [smem:$0x3FA7]  }
0x28: {  	s2 =	sld [smem:$0x3FA8]  }
0x29: {  	s4 =	sld [smem:$0x3FAA]  }
0x2a: {  	p0 =	seq.s32 s5, $0x0;
	s5 =	sld [smem:$0x3FAB]  }
0x2b: {  	s6 =	sld [smem:$0x3FAC]  }
0x2c: {  	s7 =	sld [smem:$0x3FAD]  }
0x2d: {  	s3 =	simm.s32 $0x108;
	s8 =	sld [smem:$0x3FAE]  }
0x2e: {  	s3 =	simm.s32 @!p0 $0x1082;
	s9 =	sld [smem:$0x3FAF]  }
0x2f: {  	lr =	sadd.s32 s0, s3;
	s0 =	sld [smem:$0x3FA6]  }
0x30: {  	s3 =	sld [smem:$0x3FA9]  }
0x31: {  	[smem:$0x3FB2] =	sst s10  }
0x32: {  	s10 =	sld [smem:$0x3FB0];
	_ =	sdelay $0x3  }
0x33: {  	p0 =	seq.s32 s10, $0x1;
	s10 =	sld [smem:$0x3FB2];
	_ =	sdelay $0x3  }
0x34: {  	[smem:$0x3FB2] =	sst s10  }
0x35: {  	s10 =	sld [smem:$0x3FB1];
	_ =	sdelay $0x3  }
0x36: {  	p1 =	seq.s32 s10, $0x1;
	s10 =	sld [smem:$0x3FB2];
	_ =	sdelay $0x3  }
0x37: {  	[smem:$0x3FB2] =	sst s10  }
0x38: {  	s10 =	sld [smem:$0x3FB3]  }
0x39: {  	_ = 	snop;
	(pc) =	sbr.ind lr, $3  }
0x3a: {  	_ = 	snop  }
0x3b: {  	_ = 	snop  }
0x3c: {  	p2 =	seq.s32 s10, $0x1;
	s10 =	sld [smem:$0x3FB2]  }
0x3d: {  	_ =	shalt  }
0x3e: {  	_ =	shalt  }
0x3f: {  	_ =	shalt  }
0x40: {  	_ =	shalt  }
0x41: {  	_ =	shalt  }
0x42: {  	_ =	shalt  }
0x43: {  	_ =	shalt  }
0x44: {  	_ =	shalt  }
0x45: {  	_ =	shalt  }
0x46: {  	_ =	shalt  }
0x47: {  	_ =	shalt  }
0x48: {  	_ =	shalt  }
0x49: {  	_ =	shalt  }
0x4a: {  	_ =	shalt  }
0x4b: {  	_ =	shalt  }
0x4c: {  	_ =	shalt  }
0x4d: {  	_ =	shalt  }
0x4e: {  	_ =	shalt  }
0x4f: {  	_ =	shalt  }
0x50: {  	_ =	shalt  }
0x51: {  	_ =	shalt  }
0x52: {  	_ =	shalt  }
0x53: {  	_ =	shalt  }
0x54: {  	_ =	shalt  }
0x55: {  	_ =	shalt  }
0x56: {  	_ =	shalt  }
0x57: {  	_ =	shalt  }
0x58: {  	_ =	shalt  }
0x59: {  	_ =	shalt  }
0x5a: {  	_ =	shalt  }
0x5b: {  	_ =	shalt  }
0x5c: {  	_ =	shalt  }
0x5d: {  	_ =	shalt  }
0x5e: {  	_ =	shalt  }
0x5f: {  	_ =	shalt  }
0x60: {  	_ =	shalt  }
0x61: {  	_ =	shalt  }
0x62: {  	_ =	shalt  }
0x63: {  	_ =	shalt  }
0x64: {  	_ =	shalt  }
0x65: {  	_ =	shalt  }
0x66: {  	_ =	shalt  }
0x67: {  	_ =	shalt  }
0x68: {  	_ =	shalt  }
0x69: {  	_ =	shalt  }
0x6a: {  	_ =	shalt  }
0x6b: {  	_ =	shalt  }
0x6c: {  	_ =	shalt  }
0x6d: {  	_ =	shalt  }
0x6e: {  	_ =	shalt  }
0x6f: {  	_ =	shalt  }
0x70: {  	_ =	shalt  }
0x71: {  	_ =	shalt  }
0x72: {  	_ =	shalt  }
0x73: {  	_ =	shalt  }
0x74: {  	_ =	shalt  }
0x75: {  	_ =	shalt  }
0x76: {  	_ =	shalt  }
0x77: {  	_ =	shalt  }
0x78: {  	_ =	shalt  }
0x79: {  	_ =	shalt  }
0x7a: {  	_ =	shalt  }
0x7b: {  	_ =	shalt  }
0x7c: {  	_ =	shalt  }
0x7d: {  	_ =	shalt  }
0x7e: {  	_ =	shalt  }
0x7f: {  	_ =	shalt  }
0x80: {  	_ =	shalt  }
0x81: {  	_ =	shalt  }
0x82: {  	_ =	shalt  }
0x83: {  	_ =	shalt  }
0x84: {  	_ =	shalt  }
0x85: {  	_ =	shalt  }
0x86: {  	_ =	shalt  }
0x87: {  	_ =	shalt  }
.Lfunc_end0:
.L_simem_size_0:
called_computation.2_lowered:
.L_overlay_start_0:
0x88: {  	s2 =	sld [smem:$0x3FD9]  }
0x89: {  	s3 =	sld [smem:$0x3FFE];
	_ =	sdelay $0x1  }
0x8a: {  	s1 =	srdreg.scid  }
0x8b: {  	s0 =	sand.u32 $0x1, s1  }
0x8c: {  	s17 =	sshll.u32 s0, $0xA;
	s2 =	sadd.s32 s3, s2  }
0x8d: {  	s2 =	sadd.s32 s2, s17  }
0x8e: {  	[smem:$0x3FBE] =	sst s2  }
0x8f: {  	_ = 	snop  }
0x90: {  	s2 =	sld [smem:$0x3FC8]  }
0x91: {  	s18 =	sld [smem:$0x3FD0];
	(tm) =	ssettm $0x1  }
0x92: {  	s4 =	sld [smem:$0x3FFB];
	_ =	sdelay $0x3  }
0x93: {  	_ =	strace s4  }
0x94: {  	s4 =	sld [smem:$0x3FFC];
	_ =	sdelay $0x3  }
0x95: {  	_ =	strace s4  }
0x96: {  	s4 =	sld [smem:$0x3FFD];
	_ =	sdelay $0x3  }
0x97: {  	_ =	strace s4  }
0x98: {  	_ =	strace $0x8FFFFFFF  }
0x99: {  	s19 =	sld [smem:$0x3FDB];
	_ =	sdelay $0x1  }
0x9a: {  	s5 =	simm.s32 $_scs_section_size  }
0x9b: {  	s6 =	simm.s32 $_size__tile_overlayer_lowered;
	s7 =	simm.s32 $_tile_overlayer_lowered  }
0x9c: {  	s22 =	simm.s32 $0x1BFF;
	s21 =	sshll.u32 s7, $0x1;
	s4 =	sadd.s32 s5, s19  }
0x9d: {  	s8 =	simm.s32 $0x0;
	s20 =	sshll.u32 s6, $0x1;
	s6 =	sadd.s32 s21, s4  }
0x9e: {  	[timem:s8], [sflag:s22] =	dma.local [hbm:s6], s20  }
0x9f: {  	_ =	swait.ge [sflag:s22], s20  }
0xa0: {  	s5 =	ssub.s32 $0x0, s20;
	[sflag:s22] =	ssyncset.done $0x0  }
0xa1: {  	[sflag:s22] =	ssyncadd.s32 s5;
	_ =	sdelay $0x1  }
0xa2: {  	s23 =	simm.s32 $0x1B8B  }
0xa3: {  	_ =	swait.ge [sflag:s23], $0x1  }
0xa4: {  	[sflag:s23] =	ssyncset.done $0x0  }
0xa5: {  	s25 =	simm.s32 $0x1B8E;
	s24 =	sld [smem:$0x3FFE];
	[sflag:s23] =	ssyncadd.s32 $0xFFFFFFFF  }
0xa6: {  	s26 =	simm.s32 $execute0_lowered;
	[smem:$0x3FD2] =	sst s25  }
0xa7: {  	s6 =	sshll.u32 s26, $0x1;
	_ =	strace $0x8000004C;
	[dreg:$0x1] =	wrdreg $0xFFFFFFFF  }
0xa8: {  	s28 =	simm.s32 $_size_execute0_lowered;
	s4 =	sadd.s32 s4, s6;
	[dreg:$0x0] =	wrdreg $0x0  }
0xa9: {  	s6 =	sshll.u32 s28, $0x1;
	[dreg:$0x2] =	wrdreg s4  }
0xaa: {  	[dreg:$0x3] =	wrdreg s6  }
0xab: {  	[dreg:$0x4] =	wrdreg $0xC0  }
0xac: {  	_ =	task [dreg:s8], $0x5FFFF  }
0xad: {  	[dreg:$0x1] =	wrdreg $0xFFFFFFFF  }
0xae: {  	[dreg:$0x0] =	wrdreg $0x60  }
0xaf: {  	[dreg:$0x2] =	wrdreg s18  }
0xb0: {  	[dreg:$0x3] =	wrdreg s2  }
0xb1: {  	[dreg:$0x4] =	wrdreg s24  }
0xb2: {  	[dreg:$0x5] =	wrdreg $0x0  }
0xb3: {  	[dreg:$0x6] =	wrdreg $0x9  }
0xb4: {  	_ =	task.clear_ibuf [dreg:s8], $0x7FFFF;
	_ =	strace $0x9000004C  }
0xb5: {  	s29 =	simm.s32 $0x9;
	_ =	strace $0x8000004E  }
0xb6: {  	_ =	swait.ge [sflag:s29], $0x1  }
0xb7: {  	[sflag:s29] =	ssyncadd.s32 $0xFFFFFFFF  }
0xb8: {  	_ =	strace $0x9000004E  }
0xb9: {  	_ =	sfence  }
0xba: {  	s30 =	sld [smem:$0x0];
	_ =	sdelay $0x2  }
0xbb: {  	s31 =	sshll.u32 s1, $0xD;
	s1 =	sshrl.u32 s1, $0x2  }
0xbc: {  	s3 =	sand.u32 $0x4000, s31;
	s1 =	sadd.s32 s1, s30  }
0xbd: {  	s0 =	sor.u32 s3, s0;
	s1 =	sshll.u32 s1, $0x11  }
0xbe: {  	s0 =	sor.u32 s1, s0  }
0xbf: {  	s0 =	sadd.s32 $0x8F2B, s0  }
0xc0: {  	[sflag:s0] =	ssyncadd.remote.s32 $0x1  }
0xc1: {  	_ =	sfence.sel $0xFFFF  }
0xc2: {  	[dreg:$0x0] =	wrdreg $0xFFFFFFFF;
	(pc) =	sbr.abs _section_cstart, $3  }
0xc3: {  	[dreg:$0x1] =	wrdreg $0xFFFFFFFF  }
0xc4: {  	_ =	task.clear_ibuf [dreg:s8], $0x2FFFF;
	_ =	strace $0x9FFFFFFF  }
0xc5: {  	(tm) =	ssettm $0x7FFFFFFF  }
tec
execute0_lowered:
.L_overlay_start_1:
0x0: {  	(tag) =	ssettag $0x1  }
0x1: {  	s1 =	rddreg [dreg:$0x0]  }
0x2: {  	s0 =	rddreg [dreg:$0x1]  }
0x3: {  	s2 =	rddreg [dreg:$0x2]  }
0x4: {  	s3 =	rddreg [dreg:$0x3]  }
0x5: {  	s4 =	srdreg.scid;
	s23 =	stileid.u32  }
0x6: {  	s30 =	simm.s32 $0x1;
	s29 =	simm.s32 $0x4;
	s6 =	smul.u32 $0x4E000, s23  }
0x7: {  	s12 =	sand.u32 $0x1, s4;
	s4 =	simm.s32 $0x0;
	s13 =	smul.u32 $0x13800, s23  }
0x8: {  	s2 =	sadd.s32 $0x3000, s2;
	s11 =	sadd.s32 $0x138000, s3;
	p0 =	sne.s32 s23, $0xF  }
0x9: {  	s5 =	ssub.s32 $0x2, s12;
	[smem:$0x7FF] =	sst s4;
	s26 =	sshll.u32 s12, $0x4  }
0xa: {  	s22 =	smul.u32 $0x138800, s12;
	s12 =	sshll.u32 s12, $0x9;
	s7 =	sshrl.u32 s5, $0x1  }
0xb: {  	_ =	strace $0x8000004D;
	s6 =	sshrl.u32 s6, $0x2;
	s15 =	sadd.s32 $0x3400, s13  }
0xc: {  	s16 =	sor.u32 s23, s26;
	s17 =	sadd.s32 $0x6800, s13;
	s18 =	sadd.s32 $0x9C00, s13  }
0xd: {  	s19 =	sadd.s32 $0xD000, s13;
	s20 =	sadd.s32 $0x10400, s13;
	s14 =	ssub.s32 s5, s7  }
0xe: {  	s24 =	sadd.s32 s6, s3;
	s28 =	sadd.s32 s15, s3;
	s31 =	sadd.s32 s17, s3  }
0xf: {  	s7 =	sadd.s32 s18, s3;
	s8 =	sadd.s32 s19, s3;
	s21 =	sshll.u32 s16, $0x5  }
0x10: {  	s10 =	sadd.s32 s20, s3;
	s13 =	sadd.s32 s13, s22;
	[dreg:$0x6] =	wrdreg s7  }
0x11: {  	s15 =	sadd.s32 s22, s15;
	s17 =	sadd.s32 s22, s17;
	[dreg:$0x7] =	wrdreg s8  }
0x12: {  	s5 =	sadd.s32 s0, s21;
	s13 =	sshrl.u32 s13, $0x3;
	s15 =	sshrl.u32 s15, $0x3  }
0x13: {  	s25 =	sshrl.u32 s17, $0x3;
	s7 =	sadd.s32 s22, s18;
	s8 =	sadd.s32 s22, s19  }
0x14: {  	s0 =	sadd.s32 s12, s0;
	s9 =	sadd.s32 $0x400, s5;
	[dreg:$0x8] =	wrdreg s5  }
0x15: {  	s13 =	sadd.s32 s2, s13;
	s21 =	sadd.s32 s2, s15;
	[dreg:$0x9] =	wrdreg s9  }
0x16: {  	s26 =	sadd.s32 s2, s25;
	s15 =	sshrl.u32 s8, $0x3;
	[dreg:$0xa] =	wrdreg s13  }
0x17: {  	s5 =	sadd.s32 $0x800, s5;
	s25 =	sor.u32 $0x60, s16;
	[dreg:$0xb] =	wrdreg s21  }
0x18: {  	[dreg:$0xc] =	wrdreg s26;
	s13 =	sshrl.u32 s7, $0x3;
	s9 =	sadd.s32 s22, s20  }
0x19: {  	s15 =	sadd.s32 s2, s15;
	s20 =	sshrl.u32 s22, $0x3;
	[dreg:$0x10] =	wrdreg s5  }
0x1a: {  	s21 =	sshll.u32 s23, $0x5;
	s22 =	smax.u32 s14, $0x1;
	[dreg:$0x5] =	wrdreg s25  }
0x1b: {  	s25 =	simm.s32 $0x1BE80;
	s14 =	simm.s32 $0x5;
	s13 =	sadd.s32 s2, s13  }
0x1c: {  	[dreg:$0xe] =	wrdreg s15;
	s18 =	sshrl.u32 s9, $0x3;
	s0 =	sadd.s32 s21, s0  }
0x1d: {  	s21 =	ssub.s32 $0x9C4, s16;
	[dreg:$0x12] =	wrdreg s22;
	s15 =	simm.s32 $0x0  }
0x1e: {  	[dreg:$0xd] =	wrdreg s13;
	s19 =	sadd.s32 s2, s18;
	s2 =	sadd.s32 s2, s20  }
0x1f: {  	s26 =	sadd.s32 $0xC00, s0;
	[dreg:$0xf] =	wrdreg s19;
	s2 =	sadd.s32 $0x27000, s2  }
0x20: {  	v0 =	vimm.f32 $0.0e+00;
	s0 =	simm.s32 $0x13E80;
	[dreg:$0x11] =	wrdreg s2;
	s2 =	simm.s32 $0x17E80  }
.LBB2_1:
0x21: {  	s12 =	simm.s32 $0x0;
	s16 =	simm.s32 $0x200  }
.LBB2_2:
0x22: {  	p1 =	sne.s32 s16, $0xCE00;
	[tilespmem:s12+$0x1BEF0] =	vst v0  }
0x23: {  	[tilespmem:s12+$0x1BE80] =	vst v0  }
0x24: {  	[tilespmem:s12+$0x1BE90] =	vst v0  }
.Ltmp0:
0x25: {  	[tilespmem:s12+$0x1BEA0] =	vst v0;
	(pc) =	sbr.rel @p1 .LBB2_2-.Ltmp0, $4  }
0x26: {  	[tilespmem:s12+$0x1BEB0] =	vst v0  }
0x27: {  	[tilespmem:s12+$0x1BEC0] =	vst v0  }
0x28: {  	[tilespmem:s12+$0x1BED0] =	vst v0  }
0x29: {  	[tilespmem:s12+$0x1BEE0] =	vst v0;
	s12 =	sshra.s32 s16, $0x2;
	s16 =	sadd.s32 $0x200, s16  }
0x2a: {  	[tilespmem:s12+$0x1BEF0] =	vst v0  }
0x2b: {  	[tilespmem:s12+$0x1BE80] =	vst v0  }
0x2c: {  	[tilespmem:s12+$0x1BE90] =	vst v0  }
0x2d: {  	[tilespmem:s12+$0x1BEA0] =	vst v0  }
0x2e: {  	[tilespmem:s12+$0x1BEB0] =	vst v0  }
0x2f: {  	[tilespmem:s12+$0x1BEC0] =	vst v0  }
0x30: {  	[tilespmem:s12+$0x1BED0] =	vst v0  }
0x31: {  	[tilespmem:s12+$0x1BEE0] =	vst v0  }
0x32: {  	[spmem:s24] =	stream.linear.scatter [tilespmem:s25], [sflag:$0x4], $0x3400, $0x38;
	[tilespmem:$0x1FE80] =	vst v63  }
0x33: {  	_ = 	snop  }
0x34: {  	[spmem:s28] =	stream.linear.scatter [tilespmem:s25], [sflag:$0x4], $0x3400, $0x38;
	[tilespmem:$0x1FE80] =	vst v63  }
0x35: {  	_ = 	snop  }
0x36: {  	[spmem:s31] =	stream.linear.scatter [tilespmem:s25], [sflag:$0x4], $0x3400, $0x38;
	[tilespmem:$0x1FE80] =	vst v63  }
0x37: {  	s5 =	rddreg [dreg:$0x6]  }
0x38: {  	[spmem:s5] =	stream.linear.scatter [tilespmem:s25], [sflag:$0x4], $0x3400, $0x38;
	[tilespmem:$0x1FE80] =	vst v63  }
0x39: {  	s17 =	rddreg [dreg:$0x7]  }
0x3a: {  	[spmem:s17] =	stream.linear.scatter [tilespmem:s25], [sflag:$0x4], $0x3400, $0x38;
	[tilespmem:$0x1FE80] =	vst v63  }
0x3b: {  	_ = 	snop  }
0x3c: {  	[spmem:s10] =	stream.linear.scatter [tilespmem:s25], [sflag:$0x4], $0x3400, $0x38;
	[tilespmem:$0x1FE80] =	vst v63  }
0x3d: {  	s12 =	simm.s32 @!p0 $0x1BE80  }
0x3e: {  	[spmem:s11] =	stream.linear.scatter @!p0 [tilespmem:s12], [sflag:$0x4], $0x800, $0x38;
	[tilespmem:$0x1FE80] =	vst v63  }
0x3f: {  	s18 =	rddreg [dreg:$0x8];
	s6 =	simm.s32 $0x13880  }
0x40: {  	[tilespmem:s6], [sflag:$0x1] =	stream.linear.gather [hbm4b:s18+s4], $0x100, $0x38;
	[tilespmem:$0x1FE80] =	vst v63  }
0x41: {  	s19 =	rddreg [dreg:$0x9];
	s20 =	simm.s32 $0x13980  }
0x42: {  	[tilespmem:s20], [sflag:$0x1] =	stream.linear.gather [hbm4b:s19+s4], $0x100, $0x38;
	[tilespmem:$0x1FE80] =	vst v63  }
0x43: {  	s22 =	rddreg [dreg:$0x10];
	s13 =	simm.s32 $0x13A80  }
0x44: {  	[tilespmem:s13], [sflag:$0x1] =	stream.linear.gather [hbm4b:s22+s4], $0x100, $0x38;
	[tilespmem:$0x1FE80] =	vst v63  }
0x45: {  	_ =	swait.ge [sflag:s30], $0x100  }
0x46: {  	[sflag:s30] =	ssyncset.done $0x0  }
0x47: {  	s23 =	simm.s32 $0x80;
	[sflag:s30] =	ssyncadd.s32 $0xFFFFFF00  }
0x48: {  	[tilespmem:s0], [sflag:$0x2] =	stream.indirect.gather [hbm4b:s1+s23], $0x80, s6, s23, $0xb8;
	[tilespmem:$0x1FE80] =	vst v63  }
0x49: {  	_ =	swait.ge [sflag:s30], $0x100  }
0x4a: {  	[sflag:s30] =	ssyncset.done $0x0  }
0x4b: {  	[sflag:s30] =	ssyncadd.s32 $0xFFFFFF00  }
0x4c: {  	[tilespmem:s2], [sflag:$0x2] =	stream.indirect.gather [hbm4b:s1+s23], $0x80, s20, s23, $0xb8;
	[tilespmem:$0x1FE80] =	vst v63  }
0x4d: {  	_ =	swait.ge [sflag:s29], $0x3400  }
0x4e: {  	[sflag:s29] =	ssyncset.done $0x0  }
0x4f: {  	[sflag:s29] =	ssyncadd.s32 $0xFFFFCC00  }
0x50: {  	_ =	swait.ge [sflag:s29], $0x3400  }
0x51: {  	[sflag:s29] =	ssyncset.done $0x0  }
0x52: {  	[sflag:s29] =	ssyncadd.s32 $0xFFFFCC00  }
0x53: {  	_ =	swait.ge [sflag:s29], $0x3400  }
0x54: {  	[sflag:s29] =	ssyncset.done $0x0  }
0x55: {  	[sflag:s29] =	ssyncadd.s32 $0xFFFFCC00  }
0x56: {  	_ =	swait.ge [sflag:s29], $0x3400  }
0x57: {  	[sflag:s29] =	ssyncset.done $0x0  }
0x58: {  	[sflag:s29] =	ssyncadd.s32 $0xFFFFCC00  }
0x59: {  	s7 =	smov.u32 s24;
	_ =	swait.ge [sflag:s29], $0x3400  }
0x5a: {  	p1 =	sle.u32 s21, $0x0;
	s12 =	simm.s32 $0x0;
	[sflag:s29] =	ssyncset.done $0x0  }
0x5b: {  	s9 =	smov.u32 s31;
	s12 =	smul.u32 @!p1 $0xAB, s12;
	[sflag:s29] =	ssyncadd.s32 $0xFFFFCC00  }
0x5c: {  	s16 =	simm.s32 @!p0 $0x4;
	p2 =	por @!p1 $0x1, $0x1;
	_ =	swait.ge [sflag:s29], $0x3400  }
0x5d: {  	s17 =	sshrl.u32 @!p1 s12, $0xA;
	s12 =	sshrl.u32 @!p1 s12, $0x9;
	[sflag:s29] =	ssyncset.done $0x0  }
0x5e: {  	p3 =	por p2, p1;
	s12 =	sand.u32 @!p1 $0x7F, s12;
	[sflag:s29] =	ssyncadd.s32 $0xFFFFCC00  }
0x5f: {  	p2 =	sle.u32 s21, $0x40;
	s12 =	smul.u32 @!p1 $0x3, s12;
	_ =	swait.ge @!p0 [sflag:s16], $0x800  }
0x60: {  	s18 =	simm.s32 @!p1 $0x2;
	s19 =	simm.s32 @!p1 $0x80;
	[sflag:s16] =	ssyncset.done @!p0 $0x0  }
0x61: {  	s12 =	ssub.s32 @!p1 $0x0, s12;
	[sflag:s16] =	ssyncadd.s32 @!p0 $0xFFFFF800;
	s16 =	sand.u32 @!p1 $0x3F, s17  }
0x62: {  	s12 =	sand.u32 @!p1 $0xFB, s12;
	s17 =	simm.s32 $0x2;
	s16 =	smul.u32 @!p1 $0x6, s16  }
0x63: {  	s12 =	sshll.u32 @!p1 s12, $0xE;
	[bflag:$0x0] =	sbarrier.arrive $0xFFFF;
	s17 =	smul.u32 @!p2 $0xAB, s17  }
0x64: {  	s12 =	sor.u32 @!p1 $0x13E80, s12;
	_ =	swait.ge @!p1 [sflag:s18], $0x4000;
	s16 =	ssub.s32 @!p1 $0x0, s16  }
0x65: {  	s20 =	sshrl.u32 @!p2 s17, $0xA;
	s17 =	sshrl.u32 @!p2 s17, $0x9;
	[sflag:s18] =	ssyncset.done @!p1 $0x0  }
0x66: {  	s16 =	sand.u32 @!p1 $0xFF, s16;
	s20 =	sand.u32 @!p2 $0x3F, s20;
	s17 =	sand.u32 @!p2 $0x7F, s17  }
0x67: {  	[sflag:s18] =	ssyncadd.s32 @!p1 $0xFFFFC000;
	s16 =	sshll.u32 @!p1 s16, $0x8;
	s20 =	smul.u32 @!p2 $0x6, s20  }
0x68: {  	s18 =	simm.s32 @!p3 $0x3;
	s17 =	smul.u32 @!p2 $0x3, s17;
	s16 =	sadd.s32 @!p1 $0x13900, s16  }
0x69: {  	[spmem:s3] =	stream.indirect.scatter.add.f32 @!p1 [tilespmem:s12], [sflag:$0x3], $0x80, s16, s19, $0xb8;
	[tilespmem:$0x1FE80] =	vst v63  }
0x6a: {  	s12 =	ssub.s32 @!p2 $0x2, s20;
	s16 =	simm.s32 @!p2 $0x1;
	_ =	swait.ge @!p3 [sflag:s18], $0x4000  }
0x6b: {  	s17 =	ssub.s32 @!p2 $0x2, s17;
	s12 =	sand.u32 @!p2 $0xC7, s12;
	[sflag:s18] =	ssyncset.done @!p3 $0x0  }
0x6c: {  	s17 =	sand.u32 @!p2 $0xFB, s17;
	s12 =	sshll.u32 @!p2 s12, $0x8;
	[sflag:s18] =	ssyncadd.s32 @!p3 $0xFFFFC000  }
0x6d: {  	s17 =	sshll.u32 @!p2 s17, $0xE;
	s12 =	sor.u32 @!p2 $0x13880, s12;
	_ =	swait.ge @!p2 [sflag:s16], $0x100  }
0x6e: {  	s17 =	sor.u32 @!p2 $0x13E80, s17;
	[sflag:s16] =	ssyncset.done @!p2 $0x0;
	s24 =	rddreg [dreg:$0x5]  }
0x6f: {  	[sflag:s16] =	ssyncadd.s32 @!p2 $0xFFFFFF00;
	s16 =	simm.s32 @!p2 $0x80;
	s31 =	sadd.s32 $0x0, s24  }
0x70: {  	[tilespmem:s17], [sflag:$0x2] =	stream.indirect.gather @!p2 [hbm4b:s1+s16], $0x80, s12, s16, $0xb8;
	[tilespmem:$0x1FE80] =	vst v63  }
0x71: {  	s22 =	simm.s32 $0x3;
	p2 =	sgt.u32 s31, $0x9C3  }
0x72: {  	p1 =	sle.u32 s21, $0x20;
	s12 =	simm.s32 $0x1;
	s17 =	smul.u32 @!p2 $0xAB, s22  }
0x73: {  	s8 =	smov.u32 s28;
	s19 =	simm.s32 $0x5;
	s23 =	smul.u32 @!p1 $0xAB, s12  }
0x74: {  	s18 =	simm.s32 $0x20;
	p3 =	por @!p1 $0x0, $0x0;
	s16 =	simm.s32 $0x4  }
0x75: {  	s24 =	sshrl.u32 @!p2 s17, $0xA;
	s17 =	sadd.s32 $0x400, s26;
	s20 =	sshrl.u32 @!p1 s23, $0x9  }
0x76: {  	s23 =	sshrl.u32 @!p1 s23, $0xA;
	s28 =	sand.u32 @!p2 $0x3F, s24;
	s24 =	smov.u32 s26  }
.LBB2_4:
0x77: {  	s31 =	sand.u32 @!p1 $0x7F, s20  }
0x78: {  	s23 =	sand.u32 @!p1 $0x3F, s23;
	s28 =	smul.u32 @!p2 $0x6, s28;
	s20 =	smov.u32 s19  }
0x79: {  	p4 =	por p3, p1;
	s13 =	sadd.s32 $0xFFFFFFFF, s16;
	s23 =	smul.u32 @!p1 $0x6, s23  }
0x7a: {  	s5 =	simm.s32 @!p1 $0x2;
	s6 =	sadd.s32 $0x40, s18;
	s19 =	sadd.s32 $0x1, s19  }
0x7b: {  	s22 =	ssub.s32 @!p2 s22, s28;
	s28 =	smul.u32 @!p1 $0x3, s31;
	s23 =	ssub.s32 @!p1 s12, s23  }
0x7c: {  	p3 =	sge.u32 s6, s21;
	s22 =	sand.u32 @!p2 $0xC7, s22;
	s23 =	sand.u32 @!p1 $0xFF, s23  }
0x7d: {  	s6 =	sshll.u32 @!p2 s22, $0x8;
	s12 =	ssub.s32 @!p1 s12, s28;
	s28 =	simm.s32 @!p2 $0x0  }
0x7e: {  	s22 =	sshll.u32 @!p1 s23, $0x8;
	s6 =	sor.u32 @!p2 $0x13880, s6;
	s23 =	smul.u32 @!p3 $0xAB, s13  }
0x7f: {  	[tilespmem:s6], [sflag:$0x1] =	stream.linear.gather @!p2 [hbm4b:s24+s28], $0x100, $0x38;
	[tilespmem:$0x1FE80] =	vst v63  }
0x80: {  	s22 =	sadd.s32 @!p1 $0x13900, s22;
	s6 =	sand.u32 @!p1 $0xFB, s12;
	s12 =	simm.s32 @!p1 $0x80  }
0x81: {  	s24 =	sshrl.u32 @!p3 s23, $0xA;
	s6 =	sshll.u32 @!p1 s6, $0xE;
	_ =	swait.ge @!p1 [sflag:s5], $0x4000  }
0x82: {  	s23 =	sshrl.u32 @!p3 s23, $0x9;
	[sflag:s5] =	ssyncset.done @!p1 $0x0;
	s24 =	sand.u32 @!p3 $0x3F, s24  }
0x83: {  	s23 =	sand.u32 @!p3 $0x7F, s23;
	[sflag:s5] =	ssyncadd.s32 @!p1 $0xFFFFC000;
	s5 =	smul.u32 @!p3 $0x6, s24  }
0x84: {  	s6 =	sor.u32 @!p1 $0x13E80, s6;
	s24 =	simm.s32 @!p4 $0x3;
	s23 =	smul.u32 @!p3 $0x3, s23  }
0x85: {  	[spmem:s3] =	stream.indirect.scatter.add.f32 @!p1 [tilespmem:s6], [sflag:$0x3], $0x80, s22, s12, $0xb8;
	[tilespmem:$0x1FE80] =	vst v63  }
0x86: {  	s6 =	simm.s32 @!p3 $0x1;
	s22 =	smov.u32 s16;
	s16 =	smov.u32 s20  }
0x87: {  	_ =	swait.ge @!p4 [sflag:s24], $0x4000;
	s5 =	ssub.s32 @!p3 s13, s5;
	s12 =	ssub.s32 @!p3 s13, s23  }
0x88: {  	[sflag:s24] =	ssyncset.done @!p4 $0x0;
	s5 =	sand.u32 @!p3 $0xC7, s5;
	s12 =	sand.u32 @!p3 $0xFB, s12  }
0x89: {  	[sflag:s24] =	ssyncadd.s32 @!p4 $0xFFFFC000;
	s5 =	sshll.u32 @!p3 s5, $0x8;
	s12 =	sshll.u32 @!p3 s12, $0xE  }
0x8a: {  	p4 =	sne.s32 s19, $0x52;
	_ =	swait.ge @!p3 [sflag:s6], $0x100;
	s5 =	sor.u32 @!p3 $0x13880, s5  }
0x8b: {  	s12 =	sor.u32 @!p3 $0x13E80, s12;
	[sflag:s6] =	ssyncset.done @!p3 $0x0;
	s24 =	rddreg [dreg:$0x5]  }
0x8c: {  	[sflag:s6] =	ssyncadd.s32 @!p3 $0xFFFFFF00;
	s6 =	simm.s32 @!p3 $0x80;
	s31 =	sadd.s32 s18, s24  }
0x8d: {  	[tilespmem:s12], [sflag:$0x2] =	stream.indirect.gather @!p3 [hbm4b:s1+s6], $0x80, s5, s6, $0xb8;
	[tilespmem:$0x1FE80] =	vst v63  }
.Ltmp1:
0x8e: {  	s18 =	sadd.s32 $0x20, s18;
	p2 =	sgt.u32 s31, $0x9C3;
	(pc) =	sbr.rel @p4 .LBB2_4-.Ltmp1, $4  }
0x8f: {  	s12 =	sadd.s32 $0xFFFFFFFD, s16;
	p1 =	sge.u32 s18, s21;
	s5 =	smul.u32 @!p2 $0xAB, s22  }
0x90: {  	s24 =	smov.u32 s17;
	s6 =	smul.u32 @!p1 $0xAB, s12  }
0x91: {  	s17 =	sadd.s32 $0x400, s17;
	p3 =	seq.s32 @!p1 s16, $0x3;
	s5 =	sshrl.u32 @!p2 s5, $0xA  }
0x92: {  	s20 =	sshrl.u32 @!p1 s6, $0x9;
	s23 =	sshrl.u32 @!p1 s6, $0xA;
	s28 =	sand.u32 @!p2 $0x3F, s5  }
0x93: {  	s5 =	smul.u32 @!p2 $0x6, s28;
	_ =	sdelay $0x1  }
0x94: {  	s5 =	ssub.s32 @!p2 s22, s5  }
0x95: {  	s5 =	sand.u32 @!p2 $0xC7, s5  }
0x96: {  	s5 =	sshll.u32 @!p2 s5, $0x8  }
0x97: {  	s6 =	simm.s32 @!p2 $0x0;
	s5 =	sor.u32 @!p2 $0x13880, s5  }
0x98: {  	[tilespmem:s5], [sflag:$0x1] =	stream.linear.gather @!p2 [hbm4b:s24+s6], $0x100, $0x38;
	[tilespmem:$0x1FE80] =	vst v63  }
0x99: {  	s5 =	sand.u32 @!p1 $0x3F, s23  }
0x9a: {  	s6 =	sand.u32 @!p1 $0x7F, s20;
	s5 =	smul.u32 @!p1 $0x6, s5  }
0x9b: {  	s6 =	smul.u32 @!p1 $0x3, s6  }
0x9c: {  	s13 =	simm.s32 @!p1 $0x2;
	p2 =	por p3, p1;
	s23 =	sadd.s32 $0x40, s18  }
0x9d: {  	_ =	swait.ge @!p1 [sflag:s13], $0x4000;
	s5 =	ssub.s32 @!p1 s12, s5;
	s6 =	ssub.s32 @!p1 s12, s6  }
0x9e: {  	[sflag:s13] =	ssyncset.done @!p1 $0x0;
	s5 =	sand.u32 @!p1 $0xFF, s5;
	s6 =	sand.u32 @!p1 $0xFB, s6  }
0x9f: {  	s12 =	simm.s32 @!p1 $0x80;
	s5 =	sshll.u32 @!p1 s5, $0x8;
	s6 =	sshll.u32 @!p1 s6, $0xE  }
0xa0: {  	[sflag:s13] =	ssyncadd.s32 @!p1 $0xFFFFC000;
	s5 =	sadd.s32 @!p1 $0x13900, s5;
	s6 =	sor.u32 @!p1 $0x13E80, s6  }
0xa1: {  	[spmem:s3] =	stream.indirect.scatter.add.f32 @!p1 [tilespmem:s6], [sflag:$0x3], $0x80, s5, s12, $0xb8;
	[tilespmem:$0x1FE80] =	vst v63  }
0xa2: {  	s13 =	simm.s32 @!p2 $0x3;
	s6 =	sadd.s32 $0xFFFFFFFF, s16;
	p1 =	sge.u32 s23, s21  }
0xa3: {  	_ =	swait.ge @!p2 [sflag:s13], $0x4000;
	s5 =	smul.u32 @!p1 $0xAB, s6  }
0xa4: {  	[sflag:s13] =	ssyncset.done @!p2 $0x0  }
0xa5: {  	s12 =	simm.s32 @!p1 $0x1;
	[sflag:s13] =	ssyncadd.s32 @!p2 $0xFFFFC000;
	s13 =	sshrl.u32 @!p1 s5, $0xA  }
0xa6: {  	s5 =	sshrl.u32 @!p1 s5, $0x9;
	_ =	swait.ge @!p1 [sflag:s12], $0x100;
	s13 =	sand.u32 @!p1 $0x3F, s13  }
0xa7: {  	s5 =	sand.u32 @!p1 $0x7F, s5;
	s19 =	rddreg [dreg:$0x5];
	s13 =	smul.u32 @!p1 $0x6, s13  }
0xa8: {  	s5 =	smul.u32 @!p1 $0x3, s5;
	s24 =	sadd.s32 s18, s19  }
0xa9: {  	[sflag:s12] =	ssyncset.done @!p1 $0x0;
	p2 =	sgt.u32 s24, $0x9C3  }
0xaa: {  	s13 =	ssub.s32 @!p1 s6, s13;
	s5 =	ssub.s32 @!p1 s6, s5;
	s6 =	smul.u32 @!p2 $0xAB, s16  }
0xab: {  	[sflag:s12] =	ssyncadd.s32 @!p1 $0xFFFFFF00;
	s12 =	simm.s32 @!p1 $0x80  }
0xac: {  	s13 =	sand.u32 @!p1 $0xC7, s13;
	s5 =	sand.u32 @!p1 $0xFB, s5;
	s6 =	sshrl.u32 @!p2 s6, $0xA  }
0xad: {  	s13 =	sshll.u32 @!p1 s13, $0x8;
	s5 =	sshll.u32 @!p1 s5, $0xE;
	s6 =	sand.u32 @!p2 $0x3F, s6  }
0xae: {  	s13 =	sor.u32 @!p1 $0x13880, s13;
	s5 =	sor.u32 @!p1 $0x13E80, s5;
	s6 =	smul.u32 @!p2 $0x6, s6  }
0xaf: {  	[tilespmem:s5], [sflag:$0x2] =	stream.indirect.gather @!p1 [hbm4b:s1+s12], $0x80, s13, s12, $0xb8;
	[tilespmem:$0x1FE80] =	vst v63  }
0xb0: {  	s5 =	ssub.s32 @!p2 s16, s6  }
0xb1: {  	s5 =	sand.u32 @!p2 $0xC7, s5  }
0xb2: {  	s5 =	sshll.u32 @!p2 s5, $0x8  }
0xb3: {  	s6 =	simm.s32 @!p2 $0x0;
	s5 =	sor.u32 @!p2 $0x13880, s5  }
0xb4: {  	[tilespmem:s5], [sflag:$0x1] =	stream.linear.gather @!p2 [hbm4b:s17+s6], $0x100, $0x38;
	[tilespmem:$0x1FE80] =	vst v63  }
0xb5: {  	s6 =	simm.s32 $0x3  }
0xb6: {  	_ =	swait.ge [sflag:s6], $0x4000  }
0xb7: {  	[sflag:s6] =	ssyncset.done $0x0  }
0xb8: {  	[sflag:s6] =	ssyncadd.s32 $0xFFFFC000  }
0xb9: {  	[bflag:$0x0] =	sbarrier.arrive $0xFFFF  }
0xba: {  	[tilespmem:s0], [sflag:$0x5] =	stream.linear.gather [spmem:s7], $0x3400, $0x38;
	[tilespmem:$0x1FE80] =	vst v63  }
0xbb: {  	_ =	swait.ge [sflag:s14], $0x3400  }
0xbc: {  	[sflag:s14] =	ssyncset.done $0x0  }
0xbd: {  	s12 =	rddreg [dreg:$0xa];
	[sflag:s14] =	ssyncadd.s32 $0xFFFFCC00  }
0xbe: {  	[hbm4b:s12+s4] =	stream.linear.scatter [tilespmem:s0], [sflag:$0x4], $0x3400, $0x38;
	[tilespmem:$0x1FE80] =	vst v63  }
0xbf: {  	_ = 	snop  }
0xc0: {  	[tilespmem:s2], [sflag:$0x5] =	stream.linear.gather [spmem:s8], $0x3400, $0x38;
	[tilespmem:$0x1FE80] =	vst v63  }
0xc1: {  	_ =	swait.ge [sflag:s14], $0x3400  }
0xc2: {  	[sflag:s14] =	ssyncset.done $0x0  }
0xc3: {  	s13 =	rddreg [dreg:$0xb];
	[sflag:s14] =	ssyncadd.s32 $0xFFFFCC00  }
0xc4: {  	[hbm4b:s13+s4] =	stream.linear.scatter [tilespmem:s2], [sflag:$0x4], $0x3400, $0x38;
	[tilespmem:$0x1FE80] =	vst v63  }
0xc5: {  	_ =	swait.ge [sflag:s29], $0x3400  }
0xc6: {  	[sflag:s29] =	ssyncset.done $0x0  }
0xc7: {  	[sflag:s29] =	ssyncadd.s32 $0xFFFFCC00  }
0xc8: {  	[tilespmem:s0], [sflag:$0x5] =	stream.linear.gather [spmem:s9], $0x3400, $0x38;
	[tilespmem:$0x1FE80] =	vst v63  }
0xc9: {  	_ =	swait.ge [sflag:s14], $0x3400  }
0xca: {  	[sflag:s14] =	ssyncset.done $0x0  }
0xcb: {  	s16 =	rddreg [dreg:$0xc];
	[sflag:s14] =	ssyncadd.s32 $0xFFFFCC00  }
0xcc: {  	[hbm4b:s16+s4] =	stream.linear.scatter [tilespmem:s0], [sflag:$0x4], $0x3400, $0x38;
	[tilespmem:$0x1FE80] =	vst v63  }
0xcd: {  	_ =	swait.ge [sflag:s29], $0x3400  }
0xce: {  	[sflag:s29] =	ssyncset.done $0x0  }
0xcf: {  	s17 =	rddreg [dreg:$0x6];
	[sflag:s29] =	ssyncadd.s32 $0xFFFFCC00  }
0xd0: {  	[tilespmem:s2], [sflag:$0x5] =	stream.linear.gather [spmem:s17], $0x3400, $0x38;
	[tilespmem:$0x1FE80] =	vst v63  }
0xd1: {  	_ =	swait.ge [sflag:s14], $0x3400  }
0xd2: {  	[sflag:s14] =	ssyncset.done $0x0  }
0xd3: {  	s18 =	rddreg [dreg:$0xd];
	[sflag:s14] =	ssyncadd.s32 $0xFFFFCC00  }
0xd4: {  	[hbm4b:s18+s4] =	stream.linear.scatter [tilespmem:s2], [sflag:$0x4], $0x3400, $0x38;
	[tilespmem:$0x1FE80] =	vst v63  }
0xd5: {  	_ =	swait.ge [sflag:s29], $0x3400  }
0xd6: {  	[sflag:s29] =	ssyncset.done $0x0  }
0xd7: {  	s19 =	rddreg [dreg:$0x7];
	[sflag:s29] =	ssyncadd.s32 $0xFFFFCC00  }
0xd8: {  	[tilespmem:s0], [sflag:$0x5] =	stream.linear.gather [spmem:s19], $0x3400, $0x38;
	[tilespmem:$0x1FE80] =	vst v63  }
0xd9: {  	_ =	swait.ge [sflag:s14], $0x3400  }
0xda: {  	[sflag:s14] =	ssyncset.done $0x0  }
0xdb: {  	s20 =	rddreg [dreg:$0xe];
	[sflag:s14] =	ssyncadd.s32 $0xFFFFCC00  }
0xdc: {  	[hbm4b:s20+s4] =	stream.linear.scatter [tilespmem:s0], [sflag:$0x4], $0x3400, $0x38;
	[tilespmem:$0x1FE80] =	vst v63  }
0xdd: {  	_ =	swait.ge [sflag:s29], $0x3400  }
0xde: {  	[sflag:s29] =	ssyncset.done $0x0  }
0xdf: {  	[sflag:s29] =	ssyncadd.s32 $0xFFFFCC00  }
0xe0: {  	[tilespmem:s2], [sflag:$0x5] =	stream.linear.gather [spmem:s10], $0x3400, $0x38;
	[tilespmem:$0x1FE80] =	vst v63  }
0xe1: {  	_ =	swait.ge [sflag:s14], $0x3400  }
0xe2: {  	[sflag:s14] =	ssyncset.done $0x0  }
0xe3: {  	s22 =	rddreg [dreg:$0xf];
	[sflag:s14] =	ssyncadd.s32 $0xFFFFCC00  }
0xe4: {  	[hbm4b:s22+s4] =	stream.linear.scatter [tilespmem:s2], [sflag:$0x4], $0x3400, $0x38;
	[tilespmem:$0x1FE80] =	vst v63  }
0xe5: {  	_ =	swait.ge [sflag:s29], $0x3400  }
0xe6: {  	[sflag:s29] =	ssyncset.done $0x0  }
0xe7: {  	[sflag:s29] =	ssyncadd.s32 $0xFFFFCC00  }
0xe8: {  	_ =	swait.ge [sflag:s29], $0x3400  }
0xe9: {  	[sflag:s29] =	ssyncset.done $0x0  }
0xea: {  	s5 =	simm.s32 @!p0 $0x1BE80;
	s6 =	simm.s32 @!p0 $0x5;
	[sflag:s29] =	ssyncadd.s32 $0xFFFFCC00  }
0xeb: {  	[tilespmem:s5], [sflag:$0x5] =	stream.linear.gather @!p0 [spmem:s11], $0x800, $0x38;
	[tilespmem:$0x1FE80] =	vst v63  }
0xec: {  	_ =	swait.ge @!p0 [sflag:s6], $0x800  }
0xed: {  	s24 =	smov.u32 s7;
	[sflag:s6] =	ssyncset.done @!p0 $0x0  }
0xee: {  	s12 =	simm.s32 @!p0 $0x0;
	s7 =	rddreg [dreg:$0x11];
	[sflag:s6] =	ssyncadd.s32 @!p0 $0xFFFFF800  }
0xef: {  	[hbm4b:s7+s12] =	stream.linear.scatter @!p0 [tilespmem:s5], [sflag:$0x5], $0x800, $0x38;
	[tilespmem:$0x1FE80] =	vst v63  }
0xf0: {  	_ =	swait.ge @!p0 [sflag:s6], $0x800  }
0xf1: {  	s15 =	sadd.s32 $0x1, s15;
	s23 =	rddreg [dreg:$0x12]  }
0xf2: {  	p1 =	sne.s32 s15, s23  }
.Ltmp2:
0xf3: {  	_ = 	snop;
	(pc) =	sbr.rel @p1 .LBB2_1-.Ltmp2, $3  }
0xf4: {  	_ =	sdelay $0x1  }
0xf5: {  	[sflag:s6] =	ssyncset.done @!p0 $0x0  }
0xf6: {  	s28 =	smov.u32 s8;
	s31 =	smov.u32 s9;
	[sflag:s6] =	ssyncadd.s32 @!p0 $0xFFFFF800  }
0xf7: {  	_ =	sfence.sel $0x180000  }
0xf8: {  	[bflag:$0x0] =	sbarrier.arrive $0xFFFF  }
0xf9: {  	_ =	strace $0x9000004D  }
0xfa: {  	s0 =	stileid.u32;
	[bflag:$0x2] =	sbarrier.arrive $0xFFFF  }
0xfb: {  	p0 =	sne.s32 s0, $0x0;
	s0 =	rddreg [dreg:$0x4]  }
0xfc: {  	s0 =	sadd.s32 @!p0 $0x100000, s0  }
0xfd: {  	[sflag:s0] =	ssyncadd.tile.s32 @!p0 $0x1;
	_ =	shalt  }
.Lfunc_end2:
_tile_overlayer_lowered:
.L_overlay_start_2:
0xfe: {  	(tag) =	ssettag $0x2  }
0xff: {  	s0 =	rddreg [dreg:$0x0];
	s2 =	stileid.u32  }
0x100: {  	s1 =	rddreg [dreg:$0x1];
	p0 =	sne.s32 s2, $0x0  }
0x101: {  	s3 =	rddreg [dreg:$0x2];
	[bflag:$0x3] =	sbarrier.arrive $0xFFFF;
	s2 =	simm.s32 @!p0 $0x1C05  }
0x102: {  	[timem:s3], [sflag:s2] =	dma.local @!p0 [hbm:s0], s1  }
0x103: {  	s0 =	simm.s32 @!p0 $0x5  }
0x104: {  	_ =	swait.ge @!p0 [sflag:s0], s1  }
0x105: {  	s1 =	ssub.s32 @!p0 $0x0, s1;
	[sflag:s0] =	ssyncset.done @!p0 $0x0  }
0x106: {  	[sflag:s0] =	ssyncadd.s32 @!p0 s1  }
0x107: {  	[bflag:$0x3] =	sbarrier.arrive $0xFFFF  }
0x108: {  	_ =	shalt  }

// kernel: kernel.9.cloned.1.call-start
scs
__scs_entry_jumppad:
0x0: {  	(pc) =	sbr.rel $0x88, $3  }
0x1: {  	(tag) =	ssettag $0x0;
	lr =	simm.s32 $0x1  }
0x2: {  	[smem:$0x3F97] =	sst lr;
	_ =	strace $0xD0000000  }
0x3: {  	_ = 	snop  }
0x4: {  	_ = 	snop  }
0x5: {  	_ = 	snop  }
0x6: {  	_ = 	snop  }
0x7: {  	_ = 	snop  }
__scs_overlays_trampoline_lowered:
0x8: {  	[smem:$0x3FA6] =	sst s0  }
0x9: {  	[smem:$0x3FA7] =	sst s1  }
0xa: {  	[smem:$0x3FA8] =	sst s2  }
0xb: {  	[smem:$0x3FA9] =	sst s3  }
0xc: {  	[smem:$0x3FAA] =	sst s4  }
0xd: {  	[smem:$0x3FAB] =	sst s5  }
0xe: {  	[smem:$0x3FAC] =	sst s6  }
0xf: {  	[smem:$0x3FAD] =	sst s7  }
0x10: {  	[smem:$0x3FAE] =	sst s8  }
0x11: {  	[smem:$0x3FAF] =	sst s9;
	s0 =	simm.s32 @!p0 $0x0  }
0x12: {  	s1 =	sld [smem:$0x3F95];
	s0 =	simm.s32 @p0 $0x1  }
0x13: {  	[smem:$0x3FB0] =	sst s0;
	s0 =	simm.s32 @!p1 $0x0  }
0x14: {  	s2 =	sld [smem:$0x3F94];
	s0 =	simm.s32 @p1 $0x1  }
0x15: {  	[smem:$0x3FB1] =	sst s0;
	s0 =	simm.s32 @!p2 $0x0  }
0x16: {  	s3 =	sld [smem:$0x3FDB];
	s0 =	simm.s32 @p2 $0x1  }
0x17: {  	s4 =	simm.s32 $0x1BF5;
	[smem:$0x3FB3] =	sst s0  }
0x18: {  	s0 =	sld [smem:$0x3F96];
	_ =	swait.ge [sflag:s4], $0x0  }
0x19: {  	s7 =	sld [smem:$0x3F97]  }
0x1a: {  	s8 =	sadd.s32 $0xFFFFE003, lr  }
0x1b: {  	s9 =	sadd.s32 $0xFFFFFEF7, lr;
	s5 =	simm.s32 $0xFFFFFFFF;
	p2 =	slt.u32 s8, $0xFFFFF086  }
0x1c: {  	p1 =	slt.u32 s9, $0xF7A;
	s5 =	simm.s32 @!p2 $0x0  }
0x1d: {  	s5 =	simm.s32 @p1 $0x1;
	p0 =	seq.s32 s7, s2  }
0x1e: {  	s7 =	smul.u32 @!p0 $0xF7A, s2;
	p2 =	seq.s32 @!p0 s5, $0x0  }
0x1f: {  	s9 =	smul.u32 $0xF7A, s1;
	s8 =	simm.s32 @!p0 $0x1BF5;
	p2 =	por !p2, p0  }
0x20: {  	[sflag:s8] =	ssyncset.s32 @!p0 $0xFFFFF086;
	s6 =	sadd.s32 @!p0 s3, s7;
	s7 =	simm.s32 @!p0 $0x108  }
0x21: {  	s3 =	sadd.s32 s3, s9;
	s6 =	sadd.s32 @!p0 $0x88, s6;
	s7 =	simm.s32 @p2 $0x1082  }
0x22: {  	[simem:s7], [sflag:s8] =	dma.local @!p0 [hbm:s6], $0xF7A  }
0x23: {  	s9 =	sor.u32 $0xD0000000, s2;
	s6 =	simm.s32 $0x108;
	_ =	swait.ge @!p0 [sflag:s8], $0x0  }
0x24: {  	s3 =	sadd.s32 $0x88, s3;
	s6 =	simm.s32 @!p1 $0x1082;
	[sflag:s4] =	ssyncset.s32 $0xFFFFF086  }
0x25: {  	[simem:s6], [sflag:s4] =	dma.local [hbm:s3], $0xF7A  }
0x26: {  	[smem:$0x3F97] =	sst s1;
	(tag) =	ssettag s2;
	_ =	strace s9  }
0x27: {  	s1 =	sld [smem:$0x3FA7]  }
0x28: {  	s2 =	sld [smem:$0x3FA8]  }
0x29: {  	s4 =	sld [smem:$0x3FAA]  }
0x2a: {  	p0 =	seq.s32 s5, $0x0;
	s5 =	sld [smem:$0x3FAB]  }
0x2b: {  	s6 =	sld [smem:$0x3FAC]  }
0x2c: {  	s7 =	sld [smem:$0x3FAD]  }
0x2d: {  	s3 =	simm.s32 $0x108;
	s8 =	sld [smem:$0x3FAE]  }
0x2e: {  	s3 =	simm.s32 @!p0 $0x1082;
	s9 =	sld [smem:$0x3FAF]  }
0x2f: {  	lr =	sadd.s32 s0, s3;
	s0 =	sld [smem:$0x3FA6]  }
0x30: {  	s3 =	sld [smem:$0x3FA9]  }
0x31: {  	[smem:$0x3FB2] =	sst s10  }
0x32: {  	s10 =	sld [smem:$0x3FB0];
	_ =	sdelay $0x3  }
0x33: {  	p0 =	seq.s32 s10, $0x1;
	s10 =	sld [smem:$0x3FB2];
	_ =	sdelay $0x3  }
0x34: {  	[smem:$0x3FB2] =	sst s10  }
0x35: {  	s10 =	sld [smem:$0x3FB1];
	_ =	sdelay $0x3  }
0x36: {  	p1 =	seq.s32 s10, $0x1;
	s10 =	sld [smem:$0x3FB2];
	_ =	sdelay $0x3  }
0x37: {  	[smem:$0x3FB2] =	sst s10  }
0x38: {  	s10 =	sld [smem:$0x3FB3]  }
0x39: {  	_ = 	snop;
	(pc) =	sbr.ind lr, $3  }
0x3a: {  	_ = 	snop  }
0x3b: {  	_ = 	snop  }
0x3c: {  	p2 =	seq.s32 s10, $0x1;
	s10 =	sld [smem:$0x3FB2]  }
0x3d: {  	_ =	shalt  }
0x3e: {  	_ =	shalt  }
0x3f: {  	_ =	shalt  }
0x40: {  	_ =	shalt  }
0x41: {  	_ =	shalt  }
0x42: {  	_ =	shalt  }
0x43: {  	_ =	shalt  }
0x44: {  	_ =	shalt  }
0x45: {  	_ =	shalt  }
0x46: {  	_ =	shalt  }
0x47: {  	_ =	shalt  }
0x48: {  	_ =	shalt  }
0x49: {  	_ =	shalt  }
0x4a: {  	_ =	shalt  }
0x4b: {  	_ =	shalt  }
0x4c: {  	_ =	shalt  }
0x4d: {  	_ =	shalt  }
0x4e: {  	_ =	shalt  }
0x4f: {  	_ =	shalt  }
0x50: {  	_ =	shalt  }
0x51: {  	_ =	shalt  }
0x52: {  	_ =	shalt  }
0x53: {  	_ =	shalt  }
0x54: {  	_ =	shalt  }
0x55: {  	_ =	shalt  }
0x56: {  	_ =	shalt  }
0x57: {  	_ =	shalt  }
0x58: {  	_ =	shalt  }
0x59: {  	_ =	shalt  }
0x5a: {  	_ =	shalt  }
0x5b: {  	_ =	shalt  }
0x5c: {  	_ =	shalt  }
0x5d: {  	_ =	shalt  }
0x5e: {  	_ =	shalt  }
0x5f: {  	_ =	shalt  }
0x60: {  	_ =	shalt  }
0x61: {  	_ =	shalt  }
0x62: {  	_ =	shalt  }
0x63: {  	_ =	shalt  }
0x64: {  	_ =	shalt  }
0x65: {  	_ =	shalt  }
0x66: {  	_ =	shalt  }
0x67: {  	_ =	shalt  }
0x68: {  	_ =	shalt  }
0x69: {  	_ =	shalt  }
0x6a: {  	_ =	shalt  }
0x6b: {  	_ =	shalt  }
0x6c: {  	_ =	shalt  }
0x6d: {  	_ =	shalt  }
0x6e: {  	_ =	shalt  }
0x6f: {  	_ =	shalt  }
0x70: {  	_ =	shalt  }
0x71: {  	_ =	shalt  }
0x72: {  	_ =	shalt  }
0x73: {  	_ =	shalt  }
0x74: {  	_ =	shalt  }
0x75: {  	_ =	shalt  }
0x76: {  	_ =	shalt  }
0x77: {  	_ =	shalt  }
0x78: {  	_ =	shalt  }
0x79: {  	_ =	shalt  }
0x7a: {  	_ =	shalt  }
0x7b: {  	_ =	shalt  }
0x7c: {  	_ =	shalt  }
0x7d: {  	_ =	shalt  }
0x7e: {  	_ =	shalt  }
0x7f: {  	_ =	shalt  }
0x80: {  	_ =	shalt  }
0x81: {  	_ =	shalt  }
0x82: {  	_ =	shalt  }
0x83: {  	_ =	shalt  }
0x84: {  	_ =	shalt  }
0x85: {  	_ =	shalt  }
0x86: {  	_ =	shalt  }
0x87: {  	_ =	shalt  }
.Lfunc_end0:
.L_simem_size_0:
called_computation_lowered:
.L_overlay_start_0:
0x88: {  	s2 =	sld [smem:$0x3FD9]  }
0x89: {  	s3 =	sld [smem:$0x3FFE];
	_ =	sdelay $0x1  }
0x8a: {  	s1 =	srdreg.scid  }
0x8b: {  	s0 =	sand.u32 $0x1, s1  }
0x8c: {  	s17 =	sshll.u32 s0, $0xA;
	s2 =	sadd.s32 s3, s2  }
0x8d: {  	s2 =	sadd.s32 s2, s17  }
0x8e: {  	[smem:$0x3FBE] =	sst s2  }
0x8f: {  	_ = 	snop  }
0x90: {  	s2 =	sld [smem:$0x3FC8]  }
0x91: {  	s18 =	sld [smem:$0x3FD0];
	(tm) =	ssettm $0x1  }
0x92: {  	s4 =	sld [smem:$0x3FFB];
	_ =	sdelay $0x3  }
0x93: {  	_ =	strace s4  }
0x94: {  	s4 =	sld [smem:$0x3FFC];
	_ =	sdelay $0x3  }
0x95: {  	_ =	strace s4  }
0x96: {  	s4 =	sld [smem:$0x3FFD];
	_ =	sdelay $0x3  }
0x97: {  	_ =	strace s4  }
0x98: {  	_ =	strace $0x8FFFFFFF  }
0x99: {  	s19 =	sld [smem:$0x3FDB];
	_ =	sdelay $0x1  }
0x9a: {  	s5 =	simm.s32 $_scs_section_size  }
0x9b: {  	s6 =	simm.s32 $_size__tile_overlayer_lowered;
	s7 =	simm.s32 $_tile_overlayer_lowered  }
0x9c: {  	s22 =	simm.s32 $0x1BFF;
	s21 =	sshll.u32 s7, $0x1;
	s4 =	sadd.s32 s5, s19  }
0x9d: {  	s8 =	simm.s32 $0x0;
	s20 =	sshll.u32 s6, $0x1;
	s6 =	sadd.s32 s21, s4  }
0x9e: {  	[timem:s8], [sflag:s22] =	dma.local [hbm:s6], s20  }
0x9f: {  	_ =	swait.ge [sflag:s22], s20  }
0xa0: {  	s5 =	ssub.s32 $0x0, s20;
	[sflag:s22] =	ssyncset.done $0x0  }
0xa1: {  	[sflag:s22] =	ssyncadd.s32 s5;
	_ =	sdelay $0x1  }
0xa2: {  	s23 =	simm.s32 $0x1B8B  }
0xa3: {  	_ =	swait.ge [sflag:s23], $0x1  }
0xa4: {  	[sflag:s23] =	ssyncset.done $0x0  }
0xa5: {  	s25 =	simm.s32 $0x1B8E;
	s24 =	sld [smem:$0x3FFE];
	[sflag:s23] =	ssyncadd.s32 $0xFFFFFFFF  }
0xa6: {  	s26 =	simm.s32 $execute0_lowered;
	[smem:$0x3FD2] =	sst s25  }
0xa7: {  	s6 =	sshll.u32 s26, $0x1;
	_ =	strace $0x80000046;
	[dreg:$0x1] =	wrdreg $0xFFFFFFFF  }
0xa8: {  	s28 =	simm.s32 $_size_execute0_lowered;
	s4 =	sadd.s32 s4, s6;
	[dreg:$0x0] =	wrdreg $0x0  }
0xa9: {  	s6 =	sshll.u32 s28, $0x1;
	[dreg:$0x2] =	wrdreg s4  }
0xaa: {  	[dreg:$0x3] =	wrdreg s6  }
0xab: {  	[dreg:$0x4] =	wrdreg $0xC0  }
0xac: {  	_ =	task [dreg:s8], $0x5FFFF  }
0xad: {  	[dreg:$0x1] =	wrdreg $0xFFFFFFFF  }
0xae: {  	[dreg:$0x0] =	wrdreg $0x60  }
0xaf: {  	[dreg:$0x2] =	wrdreg s2  }
0xb0: {  	[dreg:$0x3] =	wrdreg s18  }
0xb1: {  	[dreg:$0x4] =	wrdreg s24  }
0xb2: {  	[dreg:$0x5] =	wrdreg $0x0  }
0xb3: {  	[dreg:$0x6] =	wrdreg $0x9  }
0xb4: {  	_ =	task.clear_ibuf [dreg:s8], $0x7FFFF;
	_ =	strace $0x90000046  }
0xb5: {  	s29 =	simm.s32 $0x9;
	_ =	strace $0x80000048  }
0xb6: {  	_ =	swait.ge [sflag:s29], $0x1  }
0xb7: {  	[sflag:s29] =	ssyncadd.s32 $0xFFFFFFFF  }
0xb8: {  	_ =	strace $0x90000048  }
0xb9: {  	_ =	sfence  }
0xba: {  	s30 =	sld [smem:$0x0];
	_ =	sdelay $0x2  }
0xbb: {  	s31 =	sshll.u32 s1, $0xD;
	s1 =	sshrl.u32 s1, $0x2  }
0xbc: {  	s3 =	sand.u32 $0x4000, s31;
	s1 =	sadd.s32 s1, s30  }
0xbd: {  	s0 =	sor.u32 s3, s0;
	s1 =	sshll.u32 s1, $0x11  }
0xbe: {  	s0 =	sor.u32 s1, s0  }
0xbf: {  	s0 =	sadd.s32 $0x8F2B, s0  }
0xc0: {  	[sflag:s0] =	ssyncadd.remote.s32 $0x1  }
0xc1: {  	_ =	sfence.sel $0xFFFF  }
0xc2: {  	[dreg:$0x0] =	wrdreg $0xFFFFFFFF;
	(pc) =	sbr.abs _section_cstart, $3  }
0xc3: {  	[dreg:$0x1] =	wrdreg $0xFFFFFFFF  }
0xc4: {  	_ =	task.clear_ibuf [dreg:s8], $0x2FFFF;
	_ =	strace $0x9FFFFFFF  }
0xc5: {  	(tm) =	ssettm $0x7FFFFFFF  }
tec
execute0_lowered:
.L_overlay_start_1:
0x0: {  	(tag) =	ssettag $0x1  }
0x1: {  	s11 =	rddreg [dreg:$0x0]  }
0x2: {  	s10 =	rddreg [dreg:$0x1]  }
0x3: {  	s4 =	rddreg [dreg:$0x2]  }
0x4: {  	s2 =	rddreg [dreg:$0x3]  }
0x5: {  	s0 =	rddreg [dreg:$0x4];
	s3 =	simm.s32 $0x0  }
0x6: {  	s1 =	stileid.u32;
	s5 =	srdreg.scid;
	s17 =	simm.s32 $0x478  }
0x7: {  	[smem:$0x7FF] =	sst s3;
	s9 =	smul.u32 $0x3E8, s1;
	s12 =	sand.u32 $0x1, s5  }
0x8: {  	s6 =	smul.u32 $0x1F40, s1;
	p1 =	slt.u32 s1, $0xA;
	s16 =	sshll.u32 s1, $0x5  }
0x9: {  	_ =	strace $0x80000047;
	s5 =	sshll.u32 s12, $0x4;
	s29 =	ssub.s32 $0x2, s12  }
0xa: {  	p0 =	seq.s32 s12, $0x0;
	p2 =	seq.s32 s12, $0x1;
	s12 =	sshll.u32 s12, $0x9  }
0xb: {  	s13 =	sshrl.u32 s9, $0x3;
	s18 =	sor.u32 s1, s5;
	s30 =	sshrl.u32 s29, $0x1  }
0xc: {  	s6 =	sshrl.u32 s6, $0x2;
	p0 =	por !p0, !p1;
	s9 =	sadd.s32 s9, s2  }
0xd: {  	p1 =	por !p1, !p2;
	s31 =	sadd.s32 s12, s11;
	p2 =	sgt.u32 s1, $0x4  }
0xe: {  	s14 =	sadd.s32 s13, s4;
	s7 =	sshll.u32 s18, $0x5;
	s15 =	ssub.s32 s29, s30  }
0xf: {  	s4 =	sadd.s32 s6, s2;
	s8 =	ssub.s32 $0x9C4, s18;
	p0 =	por !p0, !p0  }
0x10: {  	s10 =	sadd.s32 s10, s13;
	p1 =	por !p1, !p1;
	s13 =	sadd.s32 s16, s31  }
0x11: {  	s16 =	simm.s32 $0x378;
	p3 =	slt.u32 s18, $0x4;
	s5 =	sadd.s32 s11, s7  }
0x12: {  	s11 =	sadd.s32 $0x3000, s14;
	s12 =	smax.u32 s15, $0x1;
	s19 =	simm.s32 @!p3 $0x0  }
0x13: {  	s13 =	sadd.s32 $0xC00, s13;
	s19 =	simm.s32 @p3 $0x1;
	p3 =	sgt.u32 s18, $0x3  }
0x14: {  	s14 =	sor.u32 $0x60, s18;
	s15 =	simm.s32 $0x278;
	s18 =	simm.s32 @!p3 $0x0  }
0x15: {  	s6 =	sadd.s32 $0x400, s5;
	[smem:$0x7FC] =	sst s19;
	s18 =	simm.s32 @p3 $0x1  }
0x16: {  	v0 =	vimm.f32 $1.000000000e+00;
	v1 =	vimm.f32 $0.0e+00;
	s7 =	sadd.s32 $0x800, s5;
	[smem:$0x7FD] =	sst s18;
	s18 =	simm.s32 $0x2  }
.LBB2_1:
0x17: {  	[tilespmem:$0x878] =	vst v0  }
0x18: {  	[tilespmem:$0x888] =	vst v0  }
0x19: {  	[tilespmem:$0x898] =	vst v0  }
0x1a: {  	[tilespmem:$0x8A8] =	vst v0  }
0x1b: {  	[tilespmem:$0x8B8] =	vst v0  }
0x1c: {  	[tilespmem:$0x8C8] =	vst v0  }
0x1d: {  	[tilespmem:$0x8D8] =	vst v0  }
0x1e: {  	[tilespmem:$0x8E8] =	vst v0;
	s19 =	simm.s32 $0x40;
	s20 =	simm.s32 $0x0  }
.LBB2_2:
0x1f: {  	p3 =	sne.s32 s19, $0x1F00;
	[tilespmem:s20+$0x8F8] =	vst v1;
	s20 =	smov.u32 s19;
	s19 =	sadd.s32 $0x40, s19  }
.Ltmp0:
0x20: {  	(pc) =	sbr.rel @p3 .LBB2_2-.Ltmp0, $2  }
0x21: {  	_ =	sdelay $0x2  }
0x22: {  	s20 =	sshra.s32 s20, $0x2  }
0x23: {  	[tilespmem:s20+$0x8F8] =	vst v1;
	s19 =	simm.s32 @!p2 $0x8F8  }
0x24: {  	[spmem:s4] =	stream.linear.scatter @!p2 [tilespmem:s19], [sflag:$0x3], $0x7D0, $0x38;
	[tilespmem:$0x10F8] =	vst v63  }
0x25: {  	s31 =	simm.s32 $0x0;
	s20 =	simm.s32 $0x0;
	s19 =	simm.s32 @!p2 $0x3  }
0x26: {  	p3 =	sle.u32 s8, $0x0;
	s21 =	simm.s32 $0x3;
	_ =	swait.ge @!p2 [sflag:s19], $0x7D0  }
0x27: {  	s22 =	sadd.s32 $0x0, s14;
	s20 =	smul.u32 @!p3 $0xAB, s20;
	[sflag:s19] =	ssyncset.done @!p2 $0x0  }
0x28: {  	p4 =	por @!p3 $0x1, $0x1;
	p5 =	sgt.u32 s22, $0x9C3;
	[sflag:s19] =	ssyncadd.s32 @!p2 $0xFFFFF830  }
0x29: {  	s23 =	simm.s32 @!p3 $0x878;
	s19 =	sshrl.u32 @!p3 s20, $0xA;
	[bflag:$0x0] =	sbarrier.arrive $0xFFFF  }
0x2a: {  	[tilespmem:s15], [sflag:$0x1] =	stream.linear.gather [hbm4b:s5+s31], $0x100, $0x38;
	[tilespmem:$0x10F8] =	vst v63  }
0x2b: {  	s24 =	simm.s32 @!p3 $0x80;
	s21 =	smul.u32 @!p5 $0xAB, s21;
	s19 =	sand.u32 @!p3 $0x3F, s19  }
0x2c: {  	[tilespmem:s16], [sflag:$0x1] =	stream.linear.gather [hbm4b:s6+s31], $0x100, $0x38;
	[tilespmem:$0x10F8] =	vst v63  }
0x2d: {  	p4 =	por p4, p3;
	s20 =	simm.s32 @!p3 $0x1;
	s22 =	smul.u32 @!p3 $0x6, s19  }
0x2e: {  	[tilespmem:s17], [sflag:$0x1] =	stream.linear.gather [hbm4b:s7+s31], $0x100, $0x38;
	[tilespmem:$0x10F8] =	vst v63  }
0x2f: {  	s21 =	sshrl.u32 @!p5 s21, $0xA;
	s22 =	ssub.s32 @!p3 $0x0, s22;
	_ =	swait.ge @!p3 [sflag:s20], $0x100  }
0x30: {  	s21 =	sand.u32 @!p5 $0x3F, s21;
	s22 =	sand.u32 @!p3 $0xFF, s22;
	[sflag:s20] =	ssyncset.done @!p3 $0x0  }
0x31: {  	s19 =	simm.s32 $0x4;
	[sflag:s20] =	ssyncadd.s32 @!p3 $0xFFFFFF00;
	s20 =	sshll.u32 @!p3 s22, $0x8  }
0x32: {  	s21 =	smul.u32 @!p5 $0x6, s21;
	s22 =	simm.s32 @!p5 $0x0;
	s20 =	sadd.s32 @!p3 $0x2F8, s20  }
0x33: {  	[spmem:s2] =	stream.indirect.scatter.add.f32 @!p3 [tilespmem:s23], [sflag:$0x2], $0x1, s20, s24, $0xb8;
	[tilespmem:$0x10F8] =	vst v63  }
0x34: {  	s24 =	simm.s32 @!p4 $0x2;
	s20 =	ssub.s32 @!p5 $0x3, s21;
	s23 =	smov.u32 s13  }
0x35: {  	_ =	swait.ge @!p4 [sflag:s24], $0x80;
	s21 =	sand.u32 @!p5 $0xFF, s20;
	s20 =	sadd.s32 $0x400, s13  }
0x36: {  	[sflag:s24] =	ssyncset.done @!p4 $0x0;
	s25 =	sshll.u32 @!p5 s21, $0x8;
	s21 =	simm.s32 $0x20  }
.LBB2_4:
0x37: {  	s26 =	sadd.s32 $0xFFFFFFFD, s19;
	p6 =	sge.u32 s21, s8;
	s25 =	sadd.s32 @!p5 $0x278, s25  }
0x38: {  	s28 =	smul.u32 @!p6 $0xAB, s26;
	s29 =	simm.s32 @!p6 $0x1;
	[sflag:s24] =	ssyncadd.s32 @!p4 $0xFFFFFF80  }
0x39: {  	[tilespmem:s25], [sflag:$0x1] =	stream.linear.gather @!p5 [hbm4b:s23+s22], $0x100, $0x38;
	[tilespmem:$0x10F8] =	vst v63  }
0x3a: {  	p4 =	slt.u32 @!p6 s26, $0x3;
	s25 =	smov.u32 s19;
	s19 =	sadd.s32 $0x1, s19  }
0x3b: {  	s23 =	sadd.s32 s21, s14;
	s22 =	sshrl.u32 @!p6 s28, $0xA;
	p3 =	sne.s32 s19, $0x52  }
0x3c: {  	p5 =	sgt.u32 s23, $0x9C3;
	s23 =	smov.u32 s20;
	s22 =	sand.u32 @!p6 $0x3F, s22  }
0x3d: {  	s24 =	smul.u32 @!p6 $0x6, s22;
	s22 =	simm.s32 @!p5 $0x0  }
0x3e: {  	s28 =	simm.s32 @!p6 $0x878;
	s30 =	smul.u32 @!p5 $0xAB, s25  }
0x3f: {  	s24 =	ssub.s32 @!p6 s26, s24;
	s26 =	simm.s32 @!p6 $0x80;
	_ =	swait.ge @!p6 [sflag:s29], $0x100  }
0x40: {  	s30 =	sshrl.u32 @!p5 s30, $0xA;
	s24 =	sand.u32 @!p6 $0xFF, s24;
	[sflag:s29] =	ssyncset.done @!p6 $0x0  }
0x41: {  	[sflag:s29] =	ssyncadd.s32 @!p6 $0xFFFFFF00;
	s29 =	sand.u32 @!p5 $0x3F, s30  }
0x42: {  	s24 =	sshll.u32 @!p6 s24, $0x8;
	s29 =	smul.u32 @!p5 $0x6, s29  }
.Ltmp1:
0x43: {  	p4 =	por p4, p6;
	s24 =	sadd.s32 @!p6 $0x2F8, s24;
	(pc) =	sbr.rel @p3 .LBB2_4-.Ltmp1, $4  }
0x44: {  	[spmem:s2] =	stream.indirect.scatter.add.f32 @!p6 [tilespmem:s28], [sflag:$0x2], $0x1, s24, s26, $0xb8;
	[tilespmem:$0x10F8] =	vst v63  }
0x45: {  	s24 =	simm.s32 @!p4 $0x2;
	s25 =	ssub.s32 @!p5 s25, s29  }
0x46: {  	s20 =	sadd.s32 $0x400, s20;
	_ =	swait.ge @!p4 [sflag:s24], $0x80;
	s25 =	sand.u32 @!p5 $0xFF, s25  }
0x47: {  	s21 =	sadd.s32 $0x20, s21;
	[sflag:s24] =	ssyncset.done @!p4 $0x0;
	s25 =	sshll.u32 @!p5 s25, $0x8  }
0x48: {  	s30 =	sld [smem:$0x7FC]  }
0x49: {  	s19 =	sadd.s32 @!p5 $0x278, s25;
	[sflag:s24] =	ssyncadd.s32 @!p4 $0xFFFFFF80  }
0x4a: {  	[tilespmem:s19], [sflag:$0x1] =	stream.linear.gather @!p5 [hbm4b:s23+s22], $0x100, $0x38;
	[tilespmem:$0x10F8] =	vst v63  }
0x4b: {  	p3 =	seq.s32 s30, $0x1  }
0x4c: {  	s19 =	simm.s32 @!p3 $0x2  }
0x4d: {  	_ =	swait.ge @!p3 [sflag:s19], $0x80  }
0x4e: {  	[sflag:s19] =	ssyncset.done @!p3 $0x0  }
0x4f: {  	[sflag:s19] =	ssyncadd.s32 @!p3 $0xFFFFFF80  }
0x50: {  	_ =	swait.ge [sflag:s18], $0x80  }
0x51: {  	[sflag:s18] =	ssyncset.done $0x0  }
0x52: {  	[sflag:s18] =	ssyncadd.s32 $0xFFFFFF80  }
0x53: {  	_ =	swait.ge [sflag:s18], $0x80  }
0x54: {  	s31 =	sld [smem:$0x7FD];
	_ =	sdelay $0x2  }
0x55: {  	[sflag:s18] =	ssyncset.done $0x0;
	p3 =	seq.s32 s31, $0x1  }
0x56: {  	[sflag:s18] =	ssyncadd.s32 $0xFFFFFF80;
	s19 =	simm.s32 @!p3 $0x2  }
0x57: {  	_ =	swait.ge @!p3 [sflag:s19], $0x80  }
0x58: {  	[sflag:s19] =	ssyncset.done @!p3 $0x0  }
0x59: {  	[sflag:s19] =	ssyncadd.s32 @!p3 $0xFFFFFF80  }
0x5a: {  	s20 =	simm.s32 @p0 $0x3;
	s19 =	simm.s32 @p0 $0x8F8;
	[bflag:$0x0] =	sbarrier.arrive $0xFFFF  }
0x5b: {  	[tilespmem:s19], [sflag:$0x3] =	stream.linear.gather @p0 [spmem:s9], $0x3E8, $0x38;
	[tilespmem:$0x10F8] =	vst v63  }
0x5c: {  	_ =	swait.ge @p0 [sflag:s20], $0x3E8  }
0x5d: {  	[sflag:s20] =	ssyncset.done @p0 $0x0  }
0x5e: {  	s21 =	simm.s32 @p0 $0x0;
	[sflag:s20] =	ssyncadd.s32 @p0 $0xFFFFFC18  }
0x5f: {  	[hbm4b:s10+s21] =	stream.linear.scatter @p0 [tilespmem:s19], [sflag:$0x3], $0x3E8, $0x38;
	[tilespmem:$0x10F8] =	vst v63  }
0x60: {  	_ =	swait.ge @p0 [sflag:s20], $0x3E8  }
0x61: {  	[sflag:s20] =	ssyncset.done @p0 $0x0  }
0x62: {  	s19 =	simm.s32 @p1 $0x8F8;
	[sflag:s20] =	ssyncadd.s32 @p0 $0xFFFFFC18;
	s20 =	simm.s32 @p1 $0x3  }
0x63: {  	[tilespmem:s19], [sflag:$0x3] =	stream.linear.gather @p1 [spmem:s9], $0x3E8, $0x38;
	[tilespmem:$0x10F8] =	vst v63  }
0x64: {  	s3 =	sadd.s32 $0x1, s3;
	_ =	swait.ge @p1 [sflag:s20], $0x3E8  }
0x65: {  	p3 =	sne.s32 s3, s12;
	[sflag:s20] =	ssyncset.done @p1 $0x0  }
.Ltmp2:
0x66: {  	s21 =	simm.s32 @p1 $0x0;
	[sflag:s20] =	ssyncadd.s32 @p1 $0xFFFFFC18;
	(pc) =	sbr.rel @p3 .LBB2_1-.Ltmp2, $4  }
0x67: {  	[hbm4b:s11+s21] =	stream.linear.scatter @p1 [tilespmem:s19], [sflag:$0x3], $0x3E8, $0x38;
	[tilespmem:$0x10F8] =	vst v63  }
0x68: {  	_ =	swait.ge @p1 [sflag:s20], $0x3E8  }
0x69: {  	[sflag:s20] =	ssyncset.done @p1 $0x0  }
0x6a: {  	[sflag:s20] =	ssyncadd.s32 @p1 $0xFFFFFC18  }
0x6b: {  	_ =	sfence.sel $0x180000  }
0x6c: {  	[bflag:$0x0] =	sbarrier.arrive $0xFFFF  }
0x6d: {  	p0 =	sne.s32 s1, $0x0;
	_ =	strace $0x90000047  }
0x6e: {  	s0 =	sadd.s32 @!p0 $0x100000, s0;
	[bflag:$0x2] =	sbarrier.arrive $0xFFFF  }
0x6f: {  	[sflag:s0] =	ssyncadd.tile.s32 @!p0 $0x1;
	_ =	shalt  }
.Lfunc_end2:
_tile_overlayer_lowered:
.L_overlay_start_2:
0x70: {  	(tag) =	ssettag $0x2  }
0x71: {  	s0 =	rddreg [dreg:$0x0];
	s2 =	stileid.u32  }
0x72: {  	s1 =	rddreg [dreg:$0x1];
	p0 =	sne.s32 s2, $0x0  }
0x73: {  	s3 =	rddreg [dreg:$0x2];
	[bflag:$0x3] =	sbarrier.arrive $0xFFFF;
	s2 =	simm.s32 @!p0 $0x1C03  }
0x74: {  	[timem:s3], [sflag:s2] =	dma.local @!p0 [hbm:s0], s1  }
0x75: {  	s0 =	simm.s32 @!p0 $0x3  }
0x76: {  	_ =	swait.ge @!p0 [sflag:s0], s1  }
0x77: {  	s1 =	ssub.s32 @!p0 $0x0, s1;
	[sflag:s0] =	ssyncset.done @!p0 $0x0  }
0x78: {  	[sflag:s0] =	ssyncadd.s32 @!p0 s1  }
0x79: {  	[bflag:$0x3] =	sbarrier.arrive $0xFFFF  }
0x7a: {  	_ =	shalt  }

</sc_bundles>
